<compile_context>
chip_gen: v7x
topology: tpu7x:2x2x1
jax: 0.10.2.dev20260603
libtpu: 0.0.44.dev20260713+nightly
codegen_flags: <defaults>
</compile_context>

<pallas_src>
import functools

import jax
import jax.numpy as jnp
from jax import lax
from jax.experimental import pallas as pl
from jax.experimental.pallas import tpu as pltpu
from jax.experimental.pallas import tpu_sc as plsc

NC = 2
NS = 16
LANES = 16

H = 8
C = 32
KA = 40
KB = 80


def _maybe_when(cond, fn):
    if isinstance(cond, bool):
        if cond:
            fn()
    else:
        pl.when(cond)(fn)


def _ge(a, b):
    return a >= b


def _lt(a, b):
    return a < b


def _bcast_lane(v, lane):
    return lax.gather(
        v, jnp.full((LANES, 1), lane, jnp.int32),
        lax.GatherDimensionNumbers(offset_dims=(),
                                   collapsed_slice_dims=(0,),
                                   start_index_map=(0,)),
        slice_sizes=(1,),
        mode=lax.GatherScatterMode.PROMISE_IN_BOUNDS)


def _zero_rows(ref, nrows, width):
    @pl.loop(0, nrows)
    def _z(i):
        z = jnp.zeros((LANES,), jnp.float32)
        for j in range(width // LANES):
            ref[i, pl.ds(j * LANES, LANES)] = z


def _stage1_body(x_ref, w_ref, as_ref, ad_ref,
                 hlo_ref, hhi_ref, asrc_ref, adst_ref):
    h = jnp.dot(x_ref[...], w_ref[...], preferred_element_type=jnp.float32)
    hlo_ref[...] = h[:, :128]
    hhi_ref[...] = h[:, 128:]
    asrc_ref[...] = jnp.dot(h, as_ref[...], preferred_element_type=jnp.float32)
    adst_ref[...] = jnp.dot(h, ad_ref[...], preferred_element_type=jnp.float32)


def _stage1(x, W, As128, Ad128, bn):
    n, d_in = x.shape
    d_out = W.shape[1]
    grid = (n // bn,)
    return pl.pallas_call(
        _stage1_body,
        grid=grid,
        in_specs=[
            pl.BlockSpec((bn, d_in), lambda i: (i, 0)),
            pl.BlockSpec((d_in, d_out), lambda i: (0, 0)),
            pl.BlockSpec((d_out, 128), lambda i: (0, 0)),
            pl.BlockSpec((d_out, 128), lambda i: (0, 0)),
        ],
        out_specs=[
            pl.BlockSpec((bn, 128), lambda i: (i, 0)),
            pl.BlockSpec((bn, 128), lambda i: (i, 0)),
            pl.BlockSpec((bn, 128), lambda i: (i, 0)),
            pl.BlockSpec((bn, 128), lambda i: (i, 0)),
        ],
        out_shape=[
            jax.ShapeDtypeStruct((n, 128), jnp.float32),
            jax.ShapeDtypeStruct((n, 128), jnp.float32),
            jax.ShapeDtypeStruct((n, 128), jnp.float32),
            jax.ShapeDtypeStruct((n, 128), jnp.float32),
        ],
    )(x, W, As128, Ad128)


def _logit_body(n, e, ch, rows_main,
                asrc, adst, src, dst,
                eal, dnm0, dnm1,
                sidx0, sidx1, didx0, didx1, didx2, didx3, sa0, sa1, da0, da1,
                ebuf0, ebuf1, pbuf0, pbuf1, dnm,
                isem0, isem1, gsem0, gsem1, wsem0, wsem1, ssem0, ssem1):
    c = lax.axis_index("c")
    s = lax.axis_index("s")
    w = c * NS + s
    rows_last = n - rows_main * (NS - 1)
    sidx = (sidx0, sidx1)
    didx = (didx0, didx1, didx2, didx3)
    sa = (sa0, sa1)
    da = (da0, da1)
    ebuf = (ebuf0, ebuf1)
    pbuf = (pbuf0, pbuf1)
    isem = (isem0, isem1)
    gsem = (gsem0, gsem1)
    wsem = (wsem0, wsem1)
    ssem = (ssem0, ssem1)

    _zero_rows(pbuf0, KA, 128)
    _zero_rows(pbuf1, KA, 128)
    row0 = s * rows_main

    def _zero_spmem(nrows):
        off = 0
        while off < nrows:
            step = min(KA, nrows - off)
            pltpu.sync_copy(pbuf0.at[pl.ds(0, step)],
                            dnm.at[pl.ds(row0 + off, step)])
            off += step

    @pl.when(s < NS - 1)
    def _():
        _zero_spmem(rows_main)

    @pl.when(s == NS - 1)
    def _():
        _zero_spmem(rows_last)

    plsc.subcore_barrier()

    ep = e // (NC * NS)

    def _idx_copies(i, p, r):
        base = w * ep + i * KA
        return (pltpu.make_async_copy(src.at[pl.ds(base, KA)], sidx[p],
                                      isem[p]),
                pltpu.make_async_copy(dst.at[pl.ds(base, KA)], didx[r],
                                      isem[p]))

    def _issue_idx(i, p, r):
        for d in _idx_copies(i, p, r):
            d.start()

    def _wait_idx(i, p, r):
        for d in _idx_copies(i, p, r):
            d.wait()

    def _gather_copies(p, r):
        return (pltpu.make_async_copy(asrc.at[sidx[p]], sa[p], gsem[p]),
                pltpu.make_async_copy(adst.at[didx[r]], da[p], gsem[p]))

    def _issue_gather(p, r):
        for d in _gather_copies(p, r):
            d.start()

    def _wait_gather(p, r):
        for d in _gather_copies(p, r):
            d.wait()

    def _eal_write(i, p):
        base = w * ep + i * KA
        return pltpu.make_async_copy(ebuf[p], eal.at[pl.ds(base, KA)],
                                     wsem[p])

    def _wait_scatter(p, r):
        pltpu.make_async_copy(pbuf[p], dnm.at[didx[r]], ssem[p]).wait()

    def _body(i, k):
        p = k % 2
        q = 1 - p
        def _pre():
            _wait_idx(i + 1, q, (k + 1) % 4)
            _maybe_when(_ge(i, 1), lambda: _wait_scatter(q, (k - 1) % 4))
            _issue_gather(q, (k + 1) % 4)

        _maybe_when(_lt(i + 1, ch), _pre)
        _wait_gather(p, k)
        _maybe_when(_ge(i, 2), lambda: _eal_write(i - 2, p).wait())

        @plsc.parallel_loop(0, KA, unroll=2)
        def _edge(j):
            al = sa[p][j, pl.ds(0, LANES)] + da[p][j, pl.ds(0, LANES)]
            ea = jnp.exp(jnp.maximum(al, 0.2 * al))
            ebuf[p][j, :] = ea
            pbuf[p][j, pl.ds(0, LANES)] = ea

        _eal_write(i, p).start()
        pltpu.async_copy(pbuf[p], dnm.at[didx[k]], ssem[p], add=True)
        _maybe_when(_lt(i + 2, ch), lambda: _issue_idx(i + 2, p, (k + 2) % 4))

    _issue_idx(0, 0, 0)
    _issue_idx(1, 1, 1)
    _wait_idx(0, 0, 0)
    _issue_gather(0, 0)

    @pl.loop(0, ch // 4)
    def _grp(g):
        i0 = g * 4
        for k in range(4):
            _body(i0 + k, k)

    for rem in range(ch - ch % 4, ch):
        _body(rem, rem % 4)

    for last in (ch - 2, ch - 1):
        if last >= 0:
            _eal_write(last, last % 2).wait()
            _wait_scatter(last % 2, last % 4)

    plsc.subcore_barrier()

    def _writeout(nrows):
        @pl.when(c == 0)
        def _():
            pltpu.sync_copy(dnm.at[pl.ds(row0, nrows)],
                            dnm0.at[pl.ds(row0, nrows)])

        @pl.when(c == 1)
        def _():
            pltpu.sync_copy(dnm.at[pl.ds(row0, nrows)],
                            dnm1.at[pl.ds(row0, nrows)])

    @pl.when(s < NS - 1)
    def _():
        _writeout(rows_main)

    @pl.when(s == NS - 1)
    def _():
        _writeout(rows_last)


def _stage2a(asrc_p, adst_p, src, dst):
    n = asrc_p.shape[0]
    e = src.shape[0]
    ep = e // (NC * NS)
    ch = ep // KA
    rows_main = ((n // NS) // 8) * 8
    mesh = plsc.VectorSubcoreMesh(core_axis_name="c", subcore_axis_name="s",
                                  num_cores=NC, num_subcores=NS)
    body = functools.partial(_logit_body, n, e, ch, rows_main)
    return pl.kernel(
        body,
        out_type=[
            jax.ShapeDtypeStruct((e, 16), jnp.float32),
            jax.ShapeDtypeStruct((n, 128), jnp.float32),
            jax.ShapeDtypeStruct((n, 128), jnp.float32),
        ],
        mesh=mesh,
        scratch_types=[
            pltpu.VMEM((KA,), jnp.int32),
            pltpu.VMEM((KA,), jnp.int32),
            pltpu.VMEM((KA,), jnp.int32),
            pltpu.VMEM((KA,), jnp.int32),
            pltpu.VMEM((KA,), jnp.int32),
            pltpu.VMEM((KA,), jnp.int32),
            pltpu.VMEM((KA, 128), jnp.float32),
            pltpu.VMEM((KA, 128), jnp.float32),
            pltpu.VMEM((KA, 128), jnp.float32),
            pltpu.VMEM((KA, 128), jnp.float32),
            pltpu.VMEM((KA, 16), jnp.float32),
            pltpu.VMEM((KA, 16), jnp.float32),
            pltpu.VMEM((KA, 128), jnp.float32),
            pltpu.VMEM((KA, 128), jnp.float32),
            pltpu.VMEM_SHARED((n, 128), jnp.float32),
            pltpu.SemaphoreType.DMA,
            pltpu.SemaphoreType.DMA,
            pltpu.SemaphoreType.DMA,
            pltpu.SemaphoreType.DMA,
            pltpu.SemaphoreType.DMA,
            pltpu.SemaphoreType.DMA,
            pltpu.SemaphoreType.DMA,
            pltpu.SemaphoreType.DMA,
        ],
    )(asrc_p, adst_p, src, dst)


def _msg_body(n, e, ch, rows_main,
              hlo, hhi, eal, src, dst,
              out0, out1,
              sidx0, sidx1, didx0, didx1, didx2, didx3,
              hrow0, hrow1, ebuf0, ebuf1, acc,
              isem0, isem1, gsem0, gsem1, ssem0, ssem1):
    c = lax.axis_index("c")
    s = lax.axis_index("s")
    rows_last = n - rows_main * (NS - 1)
    sidx = (sidx0, sidx1)
    didx = (didx0, didx1, didx2, didx3)
    hrow = (hrow0, hrow1)
    ebuf = (ebuf0, ebuf1)
    isem = (isem0, isem1)
    gsem = (gsem0, gsem1)
    ssem = (ssem0, ssem1)

    _zero_rows(hrow0, KB, 128)
    row0 = s * rows_main

    def _zero_spmem(nrows):
        off = 0
        while off < nrows:
            step = min(KB, nrows - off)
            pltpu.sync_copy(hrow0.at[pl.ds(0, step)],
                            acc.at[pl.ds(row0 + off, step)])
            off += step

    @pl.when(s < NS - 1)
    def _():
        _zero_spmem(rows_main)

    @pl.when(s == NS - 1)
    def _():
        _zero_spmem(rows_last)

    plsc.subcore_barrier()

    ep = e // NS

    def _idx_copies(i, p, r):
        base = s * ep + i * KB
        return (pltpu.make_async_copy(src.at[pl.ds(base, KB)], sidx[p],
                                      isem[p]),
                pltpu.make_async_copy(dst.at[pl.ds(base, KB)], didx[r],
                                      isem[p]),
                pltpu.make_async_copy(eal.at[pl.ds(base, KB)], ebuf[p],
                                      isem[p]))

    def _issue_idx(i, p, r):
        for d in _idx_copies(i, p, r):
            d.start()

    def _wait_idx(i, p, r):
        for d in _idx_copies(i, p, r):
            d.wait()

    def _gather_copies(p):
        return (pltpu.make_async_copy(hlo.at[sidx[p]], hrow[p], gsem[p]),
                pltpu.make_async_copy(hhi.at[sidx[p]], hrow[p], gsem[p]))

    def _issue_gather(p):
        lo, hi = _gather_copies(p)

        @pl.when(c == 0)
        def _():
            lo.start()

        @pl.when(c == 1)
        def _():
            hi.start()

    def _wait_gather(p):
        _gather_copies(p)[0].wait()

    def _wait_scatter(p, r):
        pltpu.make_async_copy(hrow[p], acc.at[didx[r]], ssem[p]).wait()

    def _body(i, k):
        p = k % 2
        q = 1 - p
        def _pre():
            _wait_idx(i + 1, q, (k + 1) % 4)
            _maybe_when(_ge(i, 1), lambda: _wait_scatter(q, (k - 1) % 4))
            _issue_gather(q)

        _maybe_when(_lt(i + 1, ch), _pre)
        _wait_gather(p)

        @plsc.parallel_loop(0, KB, unroll=2)
        def _edge(j):
            ea = ebuf[p][j, :]
            for hd in range(4):
                wv = _bcast_lane(ea, 4 * c + hd)
                col = hd * C
                hrow[p][j, pl.ds(col, LANES)] = (
                    hrow[p][j, pl.ds(col, LANES)] * wv)
                hrow[p][j, pl.ds(col + LANES, LANES)] = (
                    hrow[p][j, pl.ds(col + LANES, LANES)] * wv)

        pltpu.async_copy(hrow[p], acc.at[didx[k]], ssem[p], add=True)
        _maybe_when(_lt(i + 2, ch), lambda: _issue_idx(i + 2, p, (k + 2) % 4))

    _issue_idx(0, 0, 0)
    _issue_idx(1, 1, 1)
    _wait_idx(0, 0, 0)
    _issue_gather(0)

    @pl.loop(0, ch // 4)
    def _grp(g):
        i0 = g * 4
        for k in range(4):
            _body(i0 + k, k)

    for rem in range(ch - ch % 4, ch):
        _body(rem, rem % 4)

    for last in (ch - 2, ch - 1):
        if last >= 0:
            _wait_scatter(last % 2, last % 4)

    plsc.subcore_barrier()

    def _writeout(nrows):
        @pl.when(c == 0)
        def _():
            pltpu.sync_copy(acc.at[pl.ds(row0, nrows)],
                            out0.at[pl.ds(row0, nrows)])

        @pl.when(c == 1)
        def _():
            pltpu.sync_copy(acc.at[pl.ds(row0, nrows)],
                            out1.at[pl.ds(row0, nrows)])

    @pl.when(s < NS - 1)
    def _():
        _writeout(rows_main)

    @pl.when(s == NS - 1)
    def _():
        _writeout(rows_last)


def _stage2b(hlo, hhi, eal, src, dst):
    n = hlo.shape[0]
    e = src.shape[0]
    ep = e // NS
    ch = ep // KB
    rows_main = ((n // NS) // 8) * 8
    mesh = plsc.VectorSubcoreMesh(core_axis_name="c", subcore_axis_name="s",
                                  num_cores=NC, num_subcores=NS)
    body = functools.partial(_msg_body, n, e, ch, rows_main)
    return pl.kernel(
        body,
        out_type=[
            jax.ShapeDtypeStruct((n, 128), jnp.float32),
            jax.ShapeDtypeStruct((n, 128), jnp.float32),
        ],
        mesh=mesh,
        scratch_types=[
            pltpu.VMEM((KB,), jnp.int32),
            pltpu.VMEM((KB,), jnp.int32),
            pltpu.VMEM((KB,), jnp.int32),
            pltpu.VMEM((KB,), jnp.int32),
            pltpu.VMEM((KB,), jnp.int32),
            pltpu.VMEM((KB,), jnp.int32),
            pltpu.VMEM((KB, 128), jnp.float32),
            pltpu.VMEM((KB, 128), jnp.float32),
            pltpu.VMEM((KB, 16), jnp.float32),
            pltpu.VMEM((KB, 16), jnp.float32),
            pltpu.VMEM_SHARED((n, 128), jnp.float32),
            pltpu.SemaphoreType.DMA,
            pltpu.SemaphoreType.DMA,
            pltpu.SemaphoreType.DMA,
            pltpu.SemaphoreType.DMA,
            pltpu.SemaphoreType.DMA,
            pltpu.SemaphoreType.DMA,
        ],
    )(hlo, hhi, eal, src, dst)


def _stage3_body(x_ref, hlo_ref, hhi_ref, asrc_ref, adst_ref, sc0_ref, sc1_ref,
                 dnm0_ref, dnm1_ref, exp_ref, bias_ref, lnw_ref, lnb_ref,
                 out_ref):
    al = asrc_ref[:, :16] + adst_ref[:, :16]
    el = jnp.exp(jnp.maximum(al, 0.2 * al))
    exp_mat = exp_ref[...]
    el_exp = jnp.dot(el, exp_mat, preferred_element_type=jnp.float32)
    dn = dnm0_ref[:, :16] + dnm1_ref[:, :16] + el
    dn_exp = jnp.dot(dn, exp_mat, preferred_element_type=jnp.float32)
    h = jnp.concatenate([hlo_ref[...], hhi_ref[...]], axis=-1)
    acc = jnp.concatenate([sc0_ref[...], sc1_ref[...]], axis=-1)
    out = (acc + el_exp * h) / (dn_exp + 1e-16)
    out = out + bias_ref[...] + x_ref[...]
    mu = jnp.mean(out, axis=-1, keepdims=True)
    var = jnp.mean((out - mu) ** 2, axis=-1, keepdims=True)
    out = (out - mu) * jax.lax.rsqrt(var + 1e-5)
    out_ref[...] = out * lnw_ref[...] + lnb_ref[...]


def _stage3(x, hlo, hhi, asrc_p, adst_p, sc0, sc1, dnm0, dnm1, exp_mat,
            bias, ln_w, ln_b, bn):
    n, d = x.shape
    grid = (n // bn,)
    vec = lambda i: (0,)
    return pl.pallas_call(
        _stage3_body,
        grid=grid,
        in_specs=[
            pl.BlockSpec((bn, d), lambda i: (i, 0)),
            pl.BlockSpec((bn, 128), lambda i: (i, 0)),
            pl.BlockSpec((bn, 128), lambda i: (i, 0)),
            pl.BlockSpec((bn, 128), lambda i: (i, 0)),
            pl.BlockSpec((bn, 128), lambda i: (i, 0)),
            pl.BlockSpec((bn, 128), lambda i: (i, 0)),
            pl.BlockSpec((bn, 128), lambda i: (i, 0)),
            pl.BlockSpec((bn, 128), lambda i: (i, 0)),
            pl.BlockSpec((bn, 128), lambda i: (i, 0)),
            pl.BlockSpec((16, d), lambda i: (0, 0)),
            pl.BlockSpec((d,), vec),
            pl.BlockSpec((d,), vec),
            pl.BlockSpec((d,), vec),
        ],
        out_specs=pl.BlockSpec((bn, d), lambda i: (i, 0)),
        out_shape=jax.ShapeDtypeStruct((n, d), jnp.float32),
    )(x, hlo, hhi, asrc_p, adst_p, sc0, sc1, dnm0, dnm1, exp_mat,
      bias, ln_w, ln_b)


def kernel(x, edge_index, W, att_src, att_dst, bias, ln_w, ln_b):
    n, d_in = x.shape
    d_out = W.shape[1]

    eye_h = jnp.eye(H, dtype=jnp.float32)
    As = (att_src[:, :, None] * eye_h[:, None, :]).reshape(d_out, H)
    Ad = (att_dst[:, :, None] * eye_h[:, None, :]).reshape(d_out, H)
    pad = jnp.zeros((d_out, 128 - H), jnp.float32)
    As128 = jnp.concatenate([As, pad], axis=1)
    Ad128 = jnp.concatenate([Ad, pad], axis=1)
    head_of_col = (jnp.arange(d_out, dtype=jnp.int32) // C)[None, :]
    exp_mat = (jnp.arange(16, dtype=jnp.int32)[:, None] == head_of_col
               ).astype(jnp.float32)

    src = edge_index[0]
    dst = edge_index[1]

    bn = 1000
    hlo, hhi, asrc_p, adst_p = _stage1(x, W, As128, Ad128, bn)
    eal, dnm0, dnm1 = _stage2a(asrc_p, adst_p, src, dst)
    sc0, sc1 = _stage2b(hlo, hhi, eal, src, dst)
    return _stage3(x, hlo, hhi, asrc_p, adst_p, sc0, sc1, dnm0, dnm1, exp_mat,
                   bias, ln_w, ln_b, bn)

# --- scband reference (transcript-rebuilt; emitter-appended) ---
"""Pipeline reference for scband-graph-attention-layer-21698174779629 (READ-ONLY COPY).

The authoritative reference and input builder live on the scoring server;
editing this copy changes nothing except your own understanding.
"""

import jax, jax.numpy as jnp
import numpy as np

N = 10000
E = 160000
IN_DIM = 256
OUT_DIM = 256
H = 8
C = OUT_DIM // H  # 32


def setup_inputs(seed: int = 0) -> dict:
    key = jax.random.key(seed)
    ks = jax.random.split(key, 8)
    x = jax.random.normal(ks[0], (N, IN_DIM), dtype=jnp.float32)
    edge_index = jax.random.randint(ks[1], (2, E), 0, N, dtype=jnp.int32)
    W = jax.random.normal(ks[2], (IN_DIM, H * C), dtype=jnp.float32) * (1.0 / np.sqrt(IN_DIM))
    att_src = jax.random.normal(ks[3], (H, C), dtype=jnp.float32) * 0.1
    att_dst = jax.random.normal(ks[4], (H, C), dtype=jnp.float32) * 0.1
    bias = jnp.zeros((H * C,), dtype=jnp.float32)
    ln_w = jnp.ones((OUT_DIM,), dtype=jnp.float32)
    ln_b = jnp.zeros((OUT_DIM,), dtype=jnp.float32)
    return {"x": x, "edge_index": edge_index, "W": W, "att_src": att_src,
            "att_dst": att_dst, "bias": bias, "ln_w": ln_w, "ln_b": ln_b}


def reference(x, edge_index, W, att_src, att_dst, bias, ln_w, ln_b):
    n = x.shape[0]
    # --- GATConv (PyG semantics, concat=True, add_self_loops=True, dropout=0.0) ---
    loops = jnp.arange(n, dtype=edge_index.dtype)
    src = jnp.concatenate([edge_index[0], loops])
    dst = jnp.concatenate([edge_index[1], loops])
    h = (x @ W).reshape(n, H, C)                       # [N, H, C]
    a_src = (h * att_src[None]).sum(-1)                # [N, H]
    a_dst = (h * att_dst[None]).sum(-1)                # [N, H]
    alpha = a_src[src] + a_dst[dst]                    # [E', H]
    alpha = jax.nn.leaky_relu(alpha, negative_slope=0.2)
    # softmax over incoming edges per destination node
    amax = jax.ops.segment_max(alpha, dst, num_segments=n)
    amax = jnp.where(jnp.isfinite(amax), amax, 0.0)
    ealpha = jnp.exp(alpha - amax[dst])
    denom = jax.ops.segment_sum(ealpha, dst, num_segments=n)
    attn = ealpha / (denom[dst] + 1e-16)               # [E', H]
    msg = h[src] * attn[..., None]                     # [E', H, C]
    out = jax.ops.segment_sum(msg, dst, num_segments=n).reshape(n, H * C)
    out = out + bias
    # --- residual (in_dim == out_dim -> Identity) ---
    out = out + x
    # --- dropout p=0.0 (identity) ---
    # --- LayerNorm ---
    mu = out.mean(axis=-1, keepdims=True)
    var = ((out - mu) ** 2).mean(axis=-1, keepdims=True)
    out = (out - mu) / jnp.sqrt(var + 1e-5) * ln_w + ln_b
    return out

if __name__ == "__main__":
    import jax
    _d = setup_inputs()
    print(jax.jit(kernel)(*tuple(_d.values())))

</pallas_src>

<mosaic_0001>
#map = affine_map<(d0, d1) -> (0, 0)>
#map1 = affine_map<(d0, d1) -> (0)>
module attributes {stable_mosaic.version = 14 : i64} {
  func.func @_logit_body(%arg0: i32, %arg1: i32, %arg2: memref<10000x128xf32, #tpu.memory_space<hbm>>, %arg3: memref<10000x128xf32, #tpu.memory_space<hbm>>, %arg4: memref<160000xi32, #tpu.memory_space<hbm>>, %arg5: memref<160000xi32, #tpu.memory_space<hbm>>, %arg6: memref<160000x16xf32, #tpu.memory_space<hbm>>, %arg7: memref<10000x128xf32, #tpu.memory_space<hbm>>, %arg8: memref<10000x128xf32, #tpu.memory_space<hbm>>, %arg9: memref<40xi32, #tpu.memory_space<vmem>>, %arg10: memref<40xi32, #tpu.memory_space<vmem>>, %arg11: memref<40xi32, #tpu.memory_space<vmem>>, %arg12: memref<40xi32, #tpu.memory_space<vmem>>, %arg13: memref<40xi32, #tpu.memory_space<vmem>>, %arg14: memref<40xi32, #tpu.memory_space<vmem>>, %arg15: memref<40x128xf32, #tpu.memory_space<vmem>>, %arg16: memref<40x128xf32, #tpu.memory_space<vmem>>, %arg17: memref<40x128xf32, #tpu.memory_space<vmem>>, %arg18: memref<40x128xf32, #tpu.memory_space<vmem>>, %arg19: memref<40x16xf32, #tpu.memory_space<vmem>>, %arg20: memref<40x16xf32, #tpu.memory_space<vmem>>, %arg21: memref<40x128xf32, #tpu.memory_space<vmem>>, %arg22: memref<40x128xf32, #tpu.memory_space<vmem>>, %arg23: memref<10000x128xf32, #tpu.memory_space<vmem_shared>>, %arg24: memref<!tpu.dma_semaphore, #tpu.memory_space<semaphore_mem>>, %arg25: memref<!tpu.dma_semaphore, #tpu.memory_space<semaphore_mem>>, %arg26: memref<!tpu.dma_semaphore, #tpu.memory_space<semaphore_mem>>, %arg27: memref<!tpu.dma_semaphore, #tpu.memory_space<semaphore_mem>>, %arg28: memref<!tpu.dma_semaphore, #tpu.memory_space<semaphore_mem>>, %arg29: memref<!tpu.dma_semaphore, #tpu.memory_space<semaphore_mem>>, %arg30: memref<!tpu.dma_semaphore, #tpu.memory_space<semaphore_mem>>, %arg31: memref<!tpu.dma_semaphore, #tpu.memory_space<semaphore_mem>>) attributes {dimension_semantics = [#tpu.dimension_semantics<core_parallel>, #tpu.dimension_semantics<subcore_parallel>], iteration_bounds = array<i64: 2, 16>, scalar_prefetch = 0 : i64, scratch_operands = 23 : i64, tpu.core_type = #tpu.core_type<sc_vector_subcore>, window_params = [{transform_indices = #map}, {transform_indices = #map}, {transform_indices = #map1}, {transform_indices = #map1}, {transform_indices = #map}, {transform_indices = #map}, {transform_indices = #map}]} {
    %mul3A = arith.constant 16 : i32
    %mul3A_0 = arith.muli %arg0, %mul3A : i32
    %add3A = arith.addi %mul3A_0, %arg1 : i32
    %scan3A = arith.constant 0 : i32
    %scan3A_1 = arith.constant 40 : i32
    %scan3A_2 = arith.addi %scan3A, %scan3A_1 : i32
    %scan3A_3 = arith.constant 1 : i32
    scf.for %scan3A_111 = %scan3A to %scan3A_2 step %scan3A_3  : i32 {
      %mul3A_112 = arith.constant 1 : i32
      %mul3A_113 = arith.muli %scan3A_111, %mul3A_112 : i32
      %add3A_114 = arith.constant 0 : i32
      %add3A_115 = arith.addi %add3A_114, %mul3A_113 : i32
      %broadcast_in_dim3A = arith.constant 0.000000e+00 : f32
      %broadcast_in_dim3A_116 = vector.broadcast %broadcast_in_dim3A : f32 to vector<16xf32>
      %swap3A = arith.index_cast %add3A_115 : i32 to index
      %swap3A_117 = arith.constant 0 : index
      %swap3A_118 = tpu.vector_load %arg21[%swap3A, %swap3A_117] {strides = array<i32>} : memref<40x128xf32, #tpu.memory_space<vmem>>, vector<1x16xf32>,
      %swap3A_119 = vector.shape_cast %swap3A_118 : vector<1x16xf32> to vector<16xf32>
      %swap3A_120 = vector.shape_cast %broadcast_in_dim3A_116 : vector<16xf32> to vector<1x16xf32>
      tpu.vector_store %arg21[%swap3A, %swap3A_117], %swap3A_120 {strides = array<i32>} : memref<40x128xf32, #tpu.memory_space<vmem>>, vector<1x16xf32>,
      %swap3A_121 = arith.index_cast %add3A_115 : i32 to index
      %swap3A_122 = arith.constant 16 : index
      %swap3A_123 = tpu.vector_load %arg21[%swap3A_121, %swap3A_122] {strides = array<i32>} : memref<40x128xf32, #tpu.memory_space<vmem>>, vector<1x16xf32>,
      %swap3A_124 = vector.shape_cast %swap3A_123 : vector<1x16xf32> to vector<16xf32>
      %swap3A_125 = vector.shape_cast %broadcast_in_dim3A_116 : vector<16xf32> to vector<1x16xf32>
      tpu.vector_store %arg21[%swap3A_121, %swap3A_122], %swap3A_125 {strides = array<i32>} : memref<40x128xf32, #tpu.memory_space<vmem>>, vector<1x16xf32>,
      %swap3A_126 = arith.index_cast %add3A_115 : i32 to index
      %swap3A_127 = arith.constant 32 : index
      %swap3A_128 = tpu.vector_load %arg21[%swap3A_126, %swap3A_127] {strides = array<i32>} : memref<40x128xf32, #tpu.memory_space<vmem>>, vector<1x16xf32>,
      %swap3A_129 = vector.shape_cast %swap3A_128 : vector<1x16xf32> to vector<16xf32>
      %swap3A_130 = vector.shape_cast %broadcast_in_dim3A_116 : vector<16xf32> to vector<1x16xf32>
      tpu.vector_store %arg21[%swap3A_126, %swap3A_127], %swap3A_130 {strides = array<i32>} : memref<40x128xf32, #tpu.memory_space<vmem>>, vector<1x16xf32>,
      %swap3A_131 = arith.index_cast %add3A_115 : i32 to index
      %swap3A_132 = arith.constant 48 : index
      %swap3A_133 = tpu.vector_load %arg21[%swap3A_131, %swap3A_132] {strides = array<i32>} : memref<40x128xf32, #tpu.memory_space<vmem>>, vector<1x16xf32>,
      %swap3A_134 = vector.shape_cast %swap3A_133 : vector<1x16xf32> to vector<16xf32>
      %swap3A_135 = vector.shape_cast %broadcast_in_dim3A_116 : vector<16xf32> to vector<1x16xf32>
      tpu.vector_store %arg21[%swap3A_131, %swap3A_132], %swap3A_135 {strides = array<i32>} : memref<40x128xf32, #tpu.memory_space<vmem>>, vector<1x16xf32>,
      %swap3A_136 = arith.index_cast %add3A_115 : i32 to index
      %swap3A_137 = arith.constant 64 : index
      %swap3A_138 = tpu.vector_load %arg21[%swap3A_136, %swap3A_137] {strides = array<i32>} : memref<40x128xf32, #tpu.memory_space<vmem>>, vector<1x16xf32>,
      %swap3A_139 = vector.shape_cast %swap3A_138 : vector<1x16xf32> to vector<16xf32>
      %swap3A_140 = vector.shape_cast %broadcast_in_dim3A_116 : vector<16xf32> to vector<1x16xf32>
      tpu.vector_store %arg21[%swap3A_136, %swap3A_137], %swap3A_140 {strides = array<i32>} : memref<40x128xf32, #tpu.memory_space<vmem>>, vector<1x16xf32>,
      %swap3A_141 = arith.index_cast %add3A_115 : i32 to index
      %swap3A_142 = arith.constant 80 : index
      %swap3A_143 = tpu.vector_load %arg21[%swap3A_141, %swap3A_142] {strides = array<i32>} : memref<40x128xf32, #tpu.memory_space<vmem>>, vector<1x16xf32>,
      %swap3A_144 = vector.shape_cast %swap3A_143 : vector<1x16xf32> to vector<16xf32>
      %swap3A_145 = vector.shape_cast %broadcast_in_dim3A_116 : vector<16xf32> to vector<1x16xf32>
      tpu.vector_store %arg21[%swap3A_141, %swap3A_142], %swap3A_145 {strides = array<i32>} : memref<40x128xf32, #tpu.memory_space<vmem>>, vector<1x16xf32>,
      %swap3A_146 = arith.index_cast %add3A_115 : i32 to index
      %swap3A_147 = arith.constant 96 : index
      %swap3A_148 = tpu.vector_load %arg21[%swap3A_146, %swap3A_147] {strides = array<i32>} : memref<40x128xf32, #tpu.memory_space<vmem>>, vector<1x16xf32>,
      %swap3A_149 = vector.shape_cast %swap3A_148 : vector<1x16xf32> to vector<16xf32>
      %swap3A_150 = vector.shape_cast %broadcast_in_dim3A_116 : vector<16xf32> to vector<1x16xf32>
      tpu.vector_store %arg21[%swap3A_146, %swap3A_147], %swap3A_150 {strides = array<i32>} : memref<40x128xf32, #tpu.memory_space<vmem>>, vector<1x16xf32>,
      %swap3A_151 = arith.index_cast %add3A_115 : i32 to index
      %swap3A_152 = arith.constant 112 : index
      %swap3A_153 = tpu.vector_load %arg21[%swap3A_151, %swap3A_152] {strides = array<i32>} : memref<40x128xf32, #tpu.memory_space<vmem>>, vector<1x16xf32>,
      %swap3A_154 = vector.shape_cast %swap3A_153 : vector<1x16xf32> to vector<16xf32>
      %swap3A_155 = vector.shape_cast %broadcast_in_dim3A_116 : vector<16xf32> to vector<1x16xf32>
      tpu.vector_store %arg21[%swap3A_151, %swap3A_152], %swap3A_155 {strides = array<i32>} : memref<40x128xf32, #tpu.memory_space<vmem>>, vector<1x16xf32>,
    }
    %scan3A_4 = arith.constant 40 : i32
    %scan3A_5 = arith.constant 0 : i32
    %scan3A_6 = arith.constant 40 : i32
    %scan3A_7 = arith.addi %scan3A_5, %scan3A_6 : i32
    %scan3A_8 = arith.constant 1 : i32
    scf.for %scan3A_111 = %scan3A_5 to %scan3A_7 step %scan3A_8  : i32 {
      %mul3A_112 = arith.constant 1 : i32
      %mul3A_113 = arith.muli %scan3A_111, %mul3A_112 : i32
      %add3A_114 = arith.constant 0 : i32
      %add3A_115 = arith.addi %add3A_114, %mul3A_113 : i32
      %broadcast_in_dim3A = arith.constant 0.000000e+00 : f32
      %broadcast_in_dim3A_116 = vector.broadcast %broadcast_in_dim3A : f32 to vector<16xf32>
      %swap3A = arith.index_cast %add3A_115 : i32 to index
      %swap3A_117 = arith.constant 0 : index
      %swap3A_118 = tpu.vector_load %arg22[%swap3A, %swap3A_117] {strides = array<i32>} : memref<40x128xf32, #tpu.memory_space<vmem>>, vector<1x16xf32>,
      %swap3A_119 = vector.shape_cast %swap3A_118 : vector<1x16xf32> to vector<16xf32>
      %swap3A_120 = vector.shape_cast %broadcast_in_dim3A_116 : vector<16xf32> to vector<1x16xf32>
      tpu.vector_store %arg22[%swap3A, %swap3A_117], %swap3A_120 {strides = array<i32>} : memref<40x128xf32, #tpu.memory_space<vmem>>, vector<1x16xf32>,
      %swap3A_121 = arith.index_cast %add3A_115 : i32 to index
      %swap3A_122 = arith.constant 16 : index
      %swap3A_123 = tpu.vector_load %arg22[%swap3A_121, %swap3A_122] {strides = array<i32>} : memref<40x128xf32, #tpu.memory_space<vmem>>, vector<1x16xf32>,
      %swap3A_124 = vector.shape_cast %swap3A_123 : vector<1x16xf32> to vector<16xf32>
      %swap3A_125 = vector.shape_cast %broadcast_in_dim3A_116 : vector<16xf32> to vector<1x16xf32>
      tpu.vector_store %arg22[%swap3A_121, %swap3A_122], %swap3A_125 {strides = array<i32>} : memref<40x128xf32, #tpu.memory_space<vmem>>, vector<1x16xf32>,
      %swap3A_126 = arith.index_cast %add3A_115 : i32 to index
      %swap3A_127 = arith.constant 32 : index
      %swap3A_128 = tpu.vector_load %arg22[%swap3A_126, %swap3A_127] {strides = array<i32>} : memref<40x128xf32, #tpu.memory_space<vmem>>, vector<1x16xf32>,
      %swap3A_129 = vector.shape_cast %swap3A_128 : vector<1x16xf32> to vector<16xf32>
      %swap3A_130 = vector.shape_cast %broadcast_in_dim3A_116 : vector<16xf32> to vector<1x16xf32>
      tpu.vector_store %arg22[%swap3A_126, %swap3A_127], %swap3A_130 {strides = array<i32>} : memref<40x128xf32, #tpu.memory_space<vmem>>, vector<1x16xf32>,
      %swap3A_131 = arith.index_cast %add3A_115 : i32 to index
      %swap3A_132 = arith.constant 48 : index
      %swap3A_133 = tpu.vector_load %arg22[%swap3A_131, %swap3A_132] {strides = array<i32>} : memref<40x128xf32, #tpu.memory_space<vmem>>, vector<1x16xf32>,
      %swap3A_134 = vector.shape_cast %swap3A_133 : vector<1x16xf32> to vector<16xf32>
      %swap3A_135 = vector.shape_cast %broadcast_in_dim3A_116 : vector<16xf32> to vector<1x16xf32>
      tpu.vector_store %arg22[%swap3A_131, %swap3A_132], %swap3A_135 {strides = array<i32>} : memref<40x128xf32, #tpu.memory_space<vmem>>, vector<1x16xf32>,
      %swap3A_136 = arith.index_cast %add3A_115 : i32 to index
      %swap3A_137 = arith.constant 64 : index
      %swap3A_138 = tpu.vector_load %arg22[%swap3A_136, %swap3A_137] {strides = array<i32>} : memref<40x128xf32, #tpu.memory_space<vmem>>, vector<1x16xf32>,
      %swap3A_139 = vector.shape_cast %swap3A_138 : vector<1x16xf32> to vector<16xf32>
      %swap3A_140 = vector.shape_cast %broadcast_in_dim3A_116 : vector<16xf32> to vector<1x16xf32>
      tpu.vector_store %arg22[%swap3A_136, %swap3A_137], %swap3A_140 {strides = array<i32>} : memref<40x128xf32, #tpu.memory_space<vmem>>, vector<1x16xf32>,
      %swap3A_141 = arith.index_cast %add3A_115 : i32 to index
      %swap3A_142 = arith.constant 80 : index
      %swap3A_143 = tpu.vector_load %arg22[%swap3A_141, %swap3A_142] {strides = array<i32>} : memref<40x128xf32, #tpu.memory_space<vmem>>, vector<1x16xf32>,
      %swap3A_144 = vector.shape_cast %swap3A_143 : vector<1x16xf32> to vector<16xf32>
      %swap3A_145 = vector.shape_cast %broadcast_in_dim3A_116 : vector<16xf32> to vector<1x16xf32>
      tpu.vector_store %arg22[%swap3A_141, %swap3A_142], %swap3A_145 {strides = array<i32>} : memref<40x128xf32, #tpu.memory_space<vmem>>, vector<1x16xf32>,
      %swap3A_146 = arith.index_cast %add3A_115 : i32 to index
      %swap3A_147 = arith.constant 96 : index
      %swap3A_148 = tpu.vector_load %arg22[%swap3A_146, %swap3A_147] {strides = array<i32>} : memref<40x128xf32, #tpu.memory_space<vmem>>, vector<1x16xf32>,
      %swap3A_149 = vector.shape_cast %swap3A_148 : vector<1x16xf32> to vector<16xf32>
      %swap3A_150 = vector.shape_cast %broadcast_in_dim3A_116 : vector<16xf32> to vector<1x16xf32>
      tpu.vector_store %arg22[%swap3A_146, %swap3A_147], %swap3A_150 {strides = array<i32>} : memref<40x128xf32, #tpu.memory_space<vmem>>, vector<1x16xf32>,
      %swap3A_151 = arith.index_cast %add3A_115 : i32 to index
      %swap3A_152 = arith.constant 112 : index
      %swap3A_153 = tpu.vector_load %arg22[%swap3A_151, %swap3A_152] {strides = array<i32>} : memref<40x128xf32, #tpu.memory_space<vmem>>, vector<1x16xf32>,
      %swap3A_154 = vector.shape_cast %swap3A_153 : vector<1x16xf32> to vector<16xf32>
      %swap3A_155 = vector.shape_cast %broadcast_in_dim3A_116 : vector<16xf32> to vector<1x16xf32>
      tpu.vector_store %arg22[%swap3A_151, %swap3A_152], %swap3A_155 {strides = array<i32>} : memref<40x128xf32, #tpu.memory_space<vmem>>, vector<1x16xf32>,
    }
    %scan3A_9 = arith.constant 40 : i32
    %mul3A_10 = arith.constant 624 : i32
    %mul3A_11 = arith.muli %arg1, %mul3A_10 : i32
    %lt3A = arith.constant 15 : i32
    %lt3A_12 = arith.cmpi slt, %arg1, %lt3A : i32
    %convert_element_type3A = arith.extui %lt3A_12 : i1 to i32
    %cond3A = arith.constant 0 : i32
    %cond3A_13 = arith.cmpi ne, %convert_element_type3A, %cond3A : i32
    scf.if %cond3A_13 {
      %add3A_111 = arith.constant 0 : i32
      %add3A_112 = arith.addi %mul3A_11, %add3A_111 : i32
      "tpu.region"() ({
        %run_scoped3A = tpu.sem_alloc : memref<!tpu.dma_semaphore, #tpu.memory_space<semaphore_mem>>
        %dma_start3A_143 = arith.constant 0 : i32
        %dma_start3A_144 = arith.constant 0 : i32
        %dma_start3A_145 = tpu.memref_slice %arg21[%dma_start3A_143, %dma_start3A_144] : memref<40x128xf32, #tpu.memory_space<vmem>> -> memref<40x128xf32, #tpu.memory_space<vmem>>
        %dma_start3A_146 = arith.constant 0 : i32
        %dma_start3A_147 = tpu.memref_slice %arg23[%add3A_112, %dma_start3A_146] : memref<10000x128xf32, #tpu.memory_space<vmem_shared>> -> memref<40x128xf32, #tpu.memory_space<vmem_shared>>
        %dma_start3A_148 = arith.constant 0 : i32
        %dma_start3A_149 = tpu.memref_slice %arg23[%add3A_112, %dma_start3A_148] : memref<10000x128xf32, #tpu.memory_space<vmem_shared>> -> memref<40x128xf32, #tpu.memory_space<vmem_shared>>
        %dma_start3A_150 = arith.constant 0 : i32
        %dma_start3A_151 = arith.constant 0 : i32
        %dma_start3A_152 = tpu.memref_slice %arg21[%dma_start3A_150, %dma_start3A_151] : memref<40x128xf32, #tpu.memory_space<vmem>> -> memref<40x128xf32, #tpu.memory_space<vmem>>
        tpu.enqueue_dma source(%dma_start3A_152 : memref<40x128xf32, #tpu.memory_space<vmem>>) target(%dma_start3A_149 : memref<40x128xf32, #tpu.memory_space<vmem_shared>>) target_semaphore(%run_scoped3A : memref<!tpu.dma_semaphore, #tpu.memory_space<semaphore_mem>>)
        %dma_wait3A_153 = arith.constant 0 : i32
        %dma_wait3A_154 = arith.constant 0 : i32
        %dma_wait3A_155 = tpu.memref_slice %arg21[%dma_wait3A_153, %dma_wait3A_154] : memref<40x128xf32, #tpu.memory_space<vmem>> -> memref<40x128xf32, #tpu.memory_space<vmem>>
        %dma_wait3A_156 = arith.constant 0 : i32
        %dma_wait3A_157 = tpu.memref_slice %arg23[%add3A_112, %dma_wait3A_156] : memref<10000x128xf32, #tpu.memory_space<vmem_shared>> -> memref<40x128xf32, #tpu.memory_space<vmem_shared>>
        %dma_wait3A_158 = arith.constant 0 : i32
        %dma_wait3A_159 = tpu.memref_slice %arg23[%add3A_112, %dma_wait3A_158] : memref<10000x128xf32, #tpu.memory_space<vmem_shared>> -> memref<40x128xf32, #tpu.memory_space<vmem_shared>>
        %dma_wait3A_160 = arith.constant 0 : i32
        %dma_wait3A_161 = arith.constant 0 : i32
        %dma_wait3A_162 = tpu.memref_slice %arg21[%dma_wait3A_160, %dma_wait3A_161] : memref<40x128xf32, #tpu.memory_space<vmem>> -> memref<40x128xf32, #tpu.memory_space<vmem>>
        tpu.wait_dma2 semaphore(%run_scoped3A : memref<!tpu.dma_semaphore, #tpu.memory_space<semaphore_mem>>) src(%dma_wait3A_162 : memref<40x128xf32, #tpu.memory_space<vmem>>) dst(%dma_wait3A_159 : memref<40x128xf32, #tpu.memory_space<vmem_shared>>)
        tpu.yield
      }) : () -> ()
      %add3A_113 = arith.constant 40 : i32
      %add3A_114 = arith.addi %mul3A_11, %add3A_113 : i32
      "tpu.region"() ({
        %run_scoped3A = tpu.sem_alloc : memref<!tpu.dma_semaphore, #tpu.memory_space<semaphore_mem>>
        %dma_start3A_143 = arith.constant 0 : i32
        %dma_start3A_144 = arith.constant 0 : i32
        %dma_start3A_145 = tpu.memref_slice %arg21[%dma_start3A_143, %dma_start3A_144] : memref<40x128xf32, #tpu.memory_space<vmem>> -> memref<40x128xf32, #tpu.memory_space<vmem>>
        %dma_start3A_146 = arith.constant 0 : i32
        %dma_start3A_147 = tpu.memref_slice %arg23[%add3A_114, %dma_start3A_146] : memref<10000x128xf32, #tpu.memory_space<vmem_shared>> -> memref<40x128xf32, #tpu.memory_space<vmem_shared>>
        %dma_start3A_148 = arith.constant 0 : i32
        %dma_start3A_149 = tpu.memref_slice %arg23[%add3A_114, %dma_start3A_148] : memref<10000x128xf32, #tpu.memory_space<vmem_shared>> -> memref<40x128xf32, #tpu.memory_space<vmem_shared>>
        %dma_start3A_150 = arith.constant 0 : i32
        %dma_start3A_151 = arith.constant 0 : i32
        %dma_start3A_152 = tpu.memref_slice %arg21[%dma_start3A_150, %dma_start3A_151] : memref<40x128xf32, #tpu.memory_space<vmem>> -> memref<40x128xf32, #tpu.memory_space<vmem>>
        tpu.enqueue_dma source(%dma_start3A_152 : memref<40x128xf32, #tpu.memory_space<vmem>>) target(%dma_start3A_149 : memref<40x128xf32, #tpu.memory_space<vmem_shared>>) target_semaphore(%run_scoped3A : memref<!tpu.dma_semaphore, #tpu.memory_space<semaphore_mem>>)
        %dma_wait3A_153 = arith.constant 0 : i32
        %dma_wait3A_154 = arith.constant 0 : i32
        %dma_wait3A_155 = tpu.memref_slice %arg21[%dma_wait3A_153, %dma_wait3A_154] : memref<40x128xf32, #tpu.memory_space<vmem>> -> memref<40x128xf32, #tpu.memory_space<vmem>>
        %dma_wait3A_156 = arith.constant 0 : i32
        %dma_wait3A_157 = tpu.memref_slice %arg23[%add3A_114, %dma_wait3A_156] : memref<10000x128xf32, #tpu.memory_space<vmem_shared>> -> memref<40x128xf32, #tpu.memory_space<vmem_shared>>
        %dma_wait3A_158 = arith.constant 0 : i32
        %dma_wait3A_159 = tpu.memref_slice %arg23[%add3A_114, %dma_wait3A_158] : memref<10000x128xf32, #tpu.memory_space<vmem_shared>> -> memref<40x128xf32, #tpu.memory_space<vmem_shared>>
        %dma_wait3A_160 = arith.constant 0 : i32
        %dma_wait3A_161 = arith.constant 0 : i32
        %dma_wait3A_162 = tpu.memref_slice %arg21[%dma_wait3A_160, %dma_wait3A_161] : memref<40x128xf32, #tpu.memory_space<vmem>> -> memref<40x128xf32, #tpu.memory_space<vmem>>
        tpu.wait_dma2 semaphore(%run_scoped3A : memref<!tpu.dma_semaphore, #tpu.memory_space<semaphore_mem>>) src(%dma_wait3A_162 : memref<40x128xf32, #tpu.memory_space<vmem>>) dst(%dma_wait3A_159 : memref<40x128xf32, #tpu.memory_space<vmem_shared>>)
        tpu.yield
      }) : () -> ()
      %add3A_115 = arith.constant 80 : i32
      %add3A_116 = arith.addi %mul3A_11, %add3A_115 : i32
      "tpu.region"() ({
        %run_scoped3A = tpu.sem_alloc : memref<!tpu.dma_semaphore, #tpu.memory_space<semaphore_mem>>
        %dma_start3A_143 = arith.constant 0 : i32
        %dma_start3A_144 = arith.constant 0 : i32
        %dma_start3A_145 = tpu.memref_slice %arg21[%dma_start3A_143, %dma_start3A_144] : memref<40x128xf32, #tpu.memory_space<vmem>> -> memref<40x128xf32, #tpu.memory_space<vmem>>
        %dma_start3A_146 = arith.constant 0 : i32
        %dma_start3A_147 = tpu.memref_slice %arg23[%add3A_116, %dma_start3A_146] : memref<10000x128xf32, #tpu.memory_space<vmem_shared>> -> memref<40x128xf32, #tpu.memory_space<vmem_shared>>
        %dma_start3A_148 = arith.constant 0 : i32
        %dma_start3A_149 = tpu.memref_slice %arg23[%add3A_116, %dma_start3A_148] : memref<10000x128xf32, #tpu.memory_space<vmem_shared>> -> memref<40x128xf32, #tpu.memory_space<vmem_shared>>
        %dma_start3A_150 = arith.constant 0 : i32
        %dma_start3A_151 = arith.constant 0 : i32
        %dma_start3A_152 = tpu.memref_slice %arg21[%dma_start3A_150, %dma_start3A_151] : memref<40x128xf32, #tpu.memory_space<vmem>> -> memref<40x128xf32, #tpu.memory_space<vmem>>
        tpu.enqueue_dma source(%dma_start3A_152 : memref<40x128xf32, #tpu.memory_space<vmem>>) target(%dma_start3A_149 : memref<40x128xf32, #tpu.memory_space<vmem_shared>>) target_semaphore(%run_scoped3A : memref<!tpu.dma_semaphore, #tpu.memory_space<semaphore_mem>>)
        %dma_wait3A_153 = arith.constant 0 : i32
        %dma_wait3A_154 = arith.constant 0 : i32
        %dma_wait3A_155 = tpu.memref_slice %arg21[%dma_wait3A_153, %dma_wait3A_154] : memref<40x128xf32, #tpu.memory_space<vmem>> -> memref<40x128xf32, #tpu.memory_space<vmem>>
        %dma_wait3A_156 = arith.constant 0 : i32
        %dma_wait3A_157 = tpu.memref_slice %arg23[%add3A_116, %dma_wait3A_156] : memref<10000x128xf32, #tpu.memory_space<vmem_shared>> -> memref<40x128xf32, #tpu.memory_space<vmem_shared>>
        %dma_wait3A_158 = arith.constant 0 : i32
        %dma_wait3A_159 = tpu.memref_slice %arg23[%add3A_116, %dma_wait3A_158] : memref<10000x128xf32, #tpu.memory_space<vmem_shared>> -> memref<40x128xf32, #tpu.memory_space<vmem_shared>>
        %dma_wait3A_160 = arith.constant 0 : i32
        %dma_wait3A_161 = arith.constant 0 : i32
        %dma_wait3A_162 = tpu.memref_slice %arg21[%dma_wait3A_160, %dma_wait3A_161] : memref<40x128xf32, #tpu.memory_space<vmem>> -> memref<40x128xf32, #tpu.memory_space<vmem>>
        tpu.wait_dma2 semaphore(%run_scoped3A : memref<!tpu.dma_semaphore, #tpu.memory_space<semaphore_mem>>) src(%dma_wait3A_162 : memref<40x128xf32, #tpu.memory_space<vmem>>) dst(%dma_wait3A_159 : memref<40x128xf32, #tpu.memory_space<vmem_shared>>)
        tpu.yield
      }) : () -> ()
      %add3A_117 = arith.constant 120 : i32
      %add3A_118 = arith.addi %mul3A_11, %add3A_117 : i32
      "tpu.region"() ({
        %run_scoped3A = tpu.sem_alloc : memref<!tpu.dma_semaphore, #tpu.memory_space<semaphore_mem>>
        %dma_start3A_143 = arith.constant 0 : i32
        %dma_start3A_144 = arith.constant 0 : i32
        %dma_start3A_145 = tpu.memref_slice %arg21[%dma_start3A_143, %dma_start3A_144] : memref<40x128xf32, #tpu.memory_space<vmem>> -> memref<40x128xf32, #tpu.memory_space<vmem>>
        %dma_start3A_146 = arith.constant 0 : i32
        %dma_start3A_147 = tpu.memref_slice %arg23[%add3A_118, %dma_start3A_146] : memref<10000x128xf32, #tpu.memory_space<vmem_shared>> -> memref<40x128xf32, #tpu.memory_space<vmem_shared>>
        %dma_start3A_148 = arith.constant 0 : i32
        %dma_start3A_149 = tpu.memref_slice %arg23[%add3A_118, %dma_start3A_148] : memref<10000x128xf32, #tpu.memory_space<vmem_shared>> -> memref<40x128xf32, #tpu.memory_space<vmem_shared>>
        %dma_start3A_150 = arith.constant 0 : i32
        %dma_start3A_151 = arith.constant 0 : i32
        %dma_start3A_152 = tpu.memref_slice %arg21[%dma_start3A_150, %dma_start3A_151] : memref<40x128xf32, #tpu.memory_space<vmem>> -> memref<40x128xf32, #tpu.memory_space<vmem>>
        tpu.enqueue_dma source(%dma_start3A_152 : memref<40x128xf32, #tpu.memory_space<vmem>>) target(%dma_start3A_149 : memref<40x128xf32, #tpu.memory_space<vmem_shared>>) target_semaphore(%run_scoped3A : memref<!tpu.dma_semaphore, #tpu.memory_space<semaphore_mem>>)
        %dma_wait3A_153 = arith.constant 0 : i32
        %dma_wait3A_154 = arith.constant 0 : i32
        %dma_wait3A_155 = tpu.memref_slice %arg21[%dma_wait3A_153, %dma_wait3A_154] : memref<40x128xf32, #tpu.memory_space<vmem>> -> memref<40x128xf32, #tpu.memory_space<vmem>>
        %dma_wait3A_156 = arith.constant 0 : i32
        %dma_wait3A_157 = tpu.memref_slice %arg23[%add3A_118, %dma_wait3A_156] : memref<10000x128xf32, #tpu.memory_space<vmem_shared>> -> memref<40x128xf32, #tpu.memory_space<vmem_shared>>
        %dma_wait3A_158 = arith.constant 0 : i32
        %dma_wait3A_159 = tpu.memref_slice %arg23[%add3A_118, %dma_wait3A_158] : memref<10000x128xf32, #tpu.memory_space<vmem_shared>> -> memref<40x128xf32, #tpu.memory_space<vmem_shared>>
        %dma_wait3A_160 = arith.constant 0 : i32
        %dma_wait3A_161 = arith.constant 0 : i32
        %dma_wait3A_162 = tpu.memref_slice %arg21[%dma_wait3A_160, %dma_wait3A_161] : memref<40x128xf32, #tpu.memory_space<vmem>> -> memref<40x128xf32, #tpu.memory_space<vmem>>
        tpu.wait_dma2 semaphore(%run_scoped3A : memref<!tpu.dma_semaphore, #tpu.memory_space<semaphore_mem>>) src(%dma_wait3A_162 : memref<40x128xf32, #tpu.memory_space<vmem>>) dst(%dma_wait3A_159 : memref<40x128xf32, #tpu.memory_space<vmem_shared>>)
        tpu.yield
      }) : () -> ()
      %add3A_119 = arith.constant 160 : i32
      %add3A_120 = arith.addi %mul3A_11, %add3A_119 : i32
      "tpu.region"() ({
        %run_scoped3A = tpu.sem_alloc : memref<!tpu.dma_semaphore, #tpu.memory_space<semaphore_mem>>
        %dma_start3A_143 = arith.constant 0 : i32
        %dma_start3A_144 = arith.constant 0 : i32
        %dma_start3A_145 = tpu.memref_slice %arg21[%dma_start3A_143, %dma_start3A_144] : memref<40x128xf32, #tpu.memory_space<vmem>> -> memref<40x128xf32, #tpu.memory_space<vmem>>
        %dma_start3A_146 = arith.constant 0 : i32
        %dma_start3A_147 = tpu.memref_slice %arg23[%add3A_120, %dma_start3A_146] : memref<10000x128xf32, #tpu.memory_space<vmem_shared>> -> memref<40x128xf32, #tpu.memory_space<vmem_shared>>
        %dma_start3A_148 = arith.constant 0 : i32
        %dma_start3A_149 = tpu.memref_slice %arg23[%add3A_120, %dma_start3A_148] : memref<10000x128xf32, #tpu.memory_space<vmem_shared>> -> memref<40x128xf32, #tpu.memory_space<vmem_shared>>
        %dma_start3A_150 = arith.constant 0 : i32
        %dma_start3A_151 = arith.constant 0 : i32
        %dma_start3A_152 = tpu.memref_slice %arg21[%dma_start3A_150, %dma_start3A_151] : memref<40x128xf32, #tpu.memory_space<vmem>> -> memref<40x128xf32, #tpu.memory_space<vmem>>
        tpu.enqueue_dma source(%dma_start3A_152 : memref<40x128xf32, #tpu.memory_space<vmem>>) target(%dma_start3A_149 : memref<40x128xf32, #tpu.memory_space<vmem_shared>>) target_semaphore(%run_scoped3A : memref<!tpu.dma_semaphore, #tpu.memory_space<semaphore_mem>>)
        %dma_wait3A_153 = arith.constant 0 : i32
        %dma_wait3A_154 = arith.constant 0 : i32
        %dma_wait3A_155 = tpu.memref_slice %arg21[%dma_wait3A_153, %dma_wait3A_154] : memref<40x128xf32, #tpu.memory_space<vmem>> -> memref<40x128xf32, #tpu.memory_space<vmem>>
        %dma_wait3A_156 = arith.constant 0 : i32
        %dma_wait3A_157 = tpu.memref_slice %arg23[%add3A_120, %dma_wait3A_156] : memref<10000x128xf32, #tpu.memory_space<vmem_shared>> -> memref<40x128xf32, #tpu.memory_space<vmem_shared>>
        %dma_wait3A_158 = arith.constant 0 : i32
        %dma_wait3A_159 = tpu.memref_slice %arg23[%add3A_120, %dma_wait3A_158] : memref<10000x128xf32, #tpu.memory_space<vmem_shared>> -> memref<40x128xf32, #tpu.memory_space<vmem_shared>>
        %dma_wait3A_160 = arith.constant 0 : i32
        %dma_wait3A_161 = arith.constant 0 : i32
        %dma_wait3A_162 = tpu.memref_slice %arg21[%dma_wait3A_160, %dma_wait3A_161] : memref<40x128xf32, #tpu.memory_space<vmem>> -> memref<40x128xf32, #tpu.memory_space<vmem>>
        tpu.wait_dma2 semaphore(%run_scoped3A : memref<!tpu.dma_semaphore, #tpu.memory_space<semaphore_mem>>) src(%dma_wait3A_162 : memref<40x128xf32, #tpu.memory_space<vmem>>) dst(%dma_wait3A_159 : memref<40x128xf32, #tpu.memory_space<vmem_shared>>)
        tpu.yield
      }) : () -> ()
      %add3A_121 = arith.constant 200 : i32
      %add3A_122 = arith.addi %mul3A_11, %add3A_121 : i32
      "tpu.region"() ({
        %run_scoped3A = tpu.sem_alloc : memref<!tpu.dma_semaphore, #tpu.memory_space<semaphore_mem>>
        %dma_start3A_143 = arith.constant 0 : i32
        %dma_start3A_144 = arith.constant 0 : i32
        %dma_start3A_145 = tpu.memref_slice %arg21[%dma_start3A_143, %dma_start3A_144] : memref<40x128xf32, #tpu.memory_space<vmem>> -> memref<40x128xf32, #tpu.memory_space<vmem>>
        %dma_start3A_146 = arith.constant 0 : i32
        %dma_start3A_147 = tpu.memref_slice %arg23[%add3A_122, %dma_start3A_146] : memref<10000x128xf32, #tpu.memory_space<vmem_shared>> -> memref<40x128xf32, #tpu.memory_space<vmem_shared>>
        %dma_start3A_148 = arith.constant 0 : i32
        %dma_start3A_149 = tpu.memref_slice %arg23[%add3A_122, %dma_start3A_148] : memref<10000x128xf32, #tpu.memory_space<vmem_shared>> -> memref<40x128xf32, #tpu.memory_space<vmem_shared>>
        %dma_start3A_150 = arith.constant 0 : i32
        %dma_start3A_151 = arith.constant 0 : i32
        %dma_start3A_152 = tpu.memref_slice %arg21[%dma_start3A_150, %dma_start3A_151] : memref<40x128xf32, #tpu.memory_space<vmem>> -> memref<40x128xf32, #tpu.memory_space<vmem>>
        tpu.enqueue_dma source(%dma_start3A_152 : memref<40x128xf32, #tpu.memory_space<vmem>>) target(%dma_start3A_149 : memref<40x128xf32, #tpu.memory_space<vmem_shared>>) target_semaphore(%run_scoped3A : memref<!tpu.dma_semaphore, #tpu.memory_space<semaphore_mem>>)
        %dma_wait3A_153 = arith.constant 0 : i32
        %dma_wait3A_154 = arith.constant 0 : i32
        %dma_wait3A_155 = tpu.memref_slice %arg21[%dma_wait3A_153, %dma_wait3A_154] : memref<40x128xf32, #tpu.memory_space<vmem>> -> memref<40x128xf32, #tpu.memory_space<vmem>>
        %dma_wait3A_156 = arith.constant 0 : i32
        %dma_wait3A_157 = tpu.memref_slice %arg23[%add3A_122, %dma_wait3A_156] : memref<10000x128xf32, #tpu.memory_space<vmem_shared>> -> memref<40x128xf32, #tpu.memory_space<vmem_shared>>
        %dma_wait3A_158 = arith.constant 0 : i32
        %dma_wait3A_159 = tpu.memref_slice %arg23[%add3A_122, %dma_wait3A_158] : memref<10000x128xf32, #tpu.memory_space<vmem_shared>> -> memref<40x128xf32, #tpu.memory_space<vmem_shared>>
        %dma_wait3A_160 = arith.constant 0 : i32
        %dma_wait3A_161 = arith.constant 0 : i32
        %dma_wait3A_162 = tpu.memref_slice %arg21[%dma_wait3A_160, %dma_wait3A_161] : memref<40x128xf32, #tpu.memory_space<vmem>> -> memref<40x128xf32, #tpu.memory_space<vmem>>
        tpu.wait_dma2 semaphore(%run_scoped3A : memref<!tpu.dma_semaphore, #tpu.memory_space<semaphore_mem>>) src(%dma_wait3A_162 : memref<40x128xf32, #tpu.memory_space<vmem>>) dst(%dma_wait3A_159 : memref<40x128xf32, #tpu.memory_space<vmem_shared>>)
        tpu.yield
      }) : () -> ()
      %add3A_123 = arith.constant 240 : i32
      %add3A_124 = arith.addi %mul3A_11, %add3A_123 : i32
      "tpu.region"() ({
        %run_scoped3A = tpu.sem_alloc : memref<!tpu.dma_semaphore, #tpu.memory_space<semaphore_mem>>
        %dma_start3A_143 = arith.constant 0 : i32
        %dma_start3A_144 = arith.constant 0 : i32
        %dma_start3A_145 = tpu.memref_slice %arg21[%dma_start3A_143, %dma_start3A_144] : memref<40x128xf32, #tpu.memory_space<vmem>> -> memref<40x128xf32, #tpu.memory_space<vmem>>
        %dma_start3A_146 = arith.constant 0 : i32
        %dma_start3A_147 = tpu.memref_slice %arg23[%add3A_124, %dma_start3A_146] : memref<10000x128xf32, #tpu.memory_space<vmem_shared>> -> memref<40x128xf32, #tpu.memory_space<vmem_shared>>
        %dma_start3A_148 = arith.constant 0 : i32
        %dma_start3A_149 = tpu.memref_slice %arg23[%add3A_124, %dma_start3A_148] : memref<10000x128xf32, #tpu.memory_space<vmem_shared>> -> memref<40x128xf32, #tpu.memory_space<vmem_shared>>
        %dma_start3A_150 = arith.constant 0 : i32
        %dma_start3A_151 = arith.constant 0 : i32
        %dma_start3A_152 = tpu.memref_slice %arg21[%dma_start3A_150, %dma_start3A_151] : memref<40x128xf32, #tpu.memory_space<vmem>> -> memref<40x128xf32, #tpu.memory_space<vmem>>
        tpu.enqueue_dma source(%dma_start3A_152 : memref<40x128xf32, #tpu.memory_space<vmem>>) target(%dma_start3A_149 : memref<40x128xf32, #tpu.memory_space<vmem_shared>>) target_semaphore(%run_scoped3A : memref<!tpu.dma_semaphore, #tpu.memory_space<semaphore_mem>>)
        %dma_wait3A_153 = arith.constant 0 : i32
        %dma_wait3A_154 = arith.constant 0 : i32
        %dma_wait3A_155 = tpu.memref_slice %arg21[%dma_wait3A_153, %dma_wait3A_154] : memref<40x128xf32, #tpu.memory_space<vmem>> -> memref<40x128xf32, #tpu.memory_space<vmem>>
        %dma_wait3A_156 = arith.constant 0 : i32
        %dma_wait3A_157 = tpu.memref_slice %arg23[%add3A_124, %dma_wait3A_156] : memref<10000x128xf32, #tpu.memory_space<vmem_shared>> -> memref<40x128xf32, #tpu.memory_space<vmem_shared>>
        %dma_wait3A_158 = arith.constant 0 : i32
        %dma_wait3A_159 = tpu.memref_slice %arg23[%add3A_124, %dma_wait3A_158] : memref<10000x128xf32, #tpu.memory_space<vmem_shared>> -> memref<40x128xf32, #tpu.memory_space<vmem_shared>>
        %dma_wait3A_160 = arith.constant 0 : i32
        %dma_wait3A_161 = arith.constant 0 : i32
        %dma_wait3A_162 = tpu.memref_slice %arg21[%dma_wait3A_160, %dma_wait3A_161] : memref<40x128xf32, #tpu.memory_space<vmem>> -> memref<40x128xf32, #tpu.memory_space<vmem>>
        tpu.wait_dma2 semaphore(%run_scoped3A : memref<!tpu.dma_semaphore, #tpu.memory_space<semaphore_mem>>) src(%dma_wait3A_162 : memref<40x128xf32, #tpu.memory_space<vmem>>) dst(%dma_wait3A_159 : memref<40x128xf32, #tpu.memory_space<vmem_shared>>)
        tpu.yield
      }) : () -> ()
      %add3A_125 = arith.constant 280 : i32
      %add3A_126 = arith.addi %mul3A_11, %add3A_125 : i32
      "tpu.region"() ({
        %run_scoped3A = tpu.sem_alloc : memref<!tpu.dma_semaphore, #tpu.memory_space<semaphore_mem>>
        %dma_start3A_143 = arith.constant 0 : i32
        %dma_start3A_144 = arith.constant 0 : i32
        %dma_start3A_145 = tpu.memref_slice %arg21[%dma_start3A_143, %dma_start3A_144] : memref<40x128xf32, #tpu.memory_space<vmem>> -> memref<40x128xf32, #tpu.memory_space<vmem>>
        %dma_start3A_146 = arith.constant 0 : i32
        %dma_start3A_147 = tpu.memref_slice %arg23[%add3A_126, %dma_start3A_146] : memref<10000x128xf32, #tpu.memory_space<vmem_shared>> -> memref<40x128xf32, #tpu.memory_space<vmem_shared>>
        %dma_start3A_148 = arith.constant 0 : i32
        %dma_start3A_149 = tpu.memref_slice %arg23[%add3A_126, %dma_start3A_148] : memref<10000x128xf32, #tpu.memory_space<vmem_shared>> -> memref<40x128xf32, #tpu.memory_space<vmem_shared>>
        %dma_start3A_150 = arith.constant 0 : i32
        %dma_start3A_151 = arith.constant 0 : i32
        %dma_start3A_152 = tpu.memref_slice %arg21[%dma_start3A_150, %dma_start3A_151] : memref<40x128xf32, #tpu.memory_space<vmem>> -> memref<40x128xf32, #tpu.memory_space<vmem>>
        tpu.enqueue_dma source(%dma_start3A_152 : memref<40x128xf32, #tpu.memory_space<vmem>>) target(%dma_start3A_149 : memref<40x128xf32, #tpu.memory_space<vmem_shared>>) target_semaphore(%run_scoped3A : memref<!tpu.dma_semaphore, #tpu.memory_space<semaphore_mem>>)
        %dma_wait3A_153 = arith.constant 0 : i32
        %dma_wait3A_154 = arith.constant 0 : i32
        %dma_wait3A_155 = tpu.memref_slice %arg21[%dma_wait3A_153, %dma_wait3A_154] : memref<40x128xf32, #tpu.memory_space<vmem>> -> memref<40x128xf32, #tpu.memory_space<vmem>>
        %dma_wait3A_156 = arith.constant 0 : i32
        %dma_wait3A_157 = tpu.memref_slice %arg23[%add3A_126, %dma_wait3A_156] : memref<10000x128xf32, #tpu.memory_space<vmem_shared>> -> memref<40x128xf32, #tpu.memory_space<vmem_shared>>
        %dma_wait3A_158 = arith.constant 0 : i32
        %dma_wait3A_159 = tpu.memref_slice %arg23[%add3A_126, %dma_wait3A_158] : memref<10000x128xf32, #tpu.memory_space<vmem_shared>> -> memref<40x128xf32, #tpu.memory_space<vmem_shared>>
        %dma_wait3A_160 = arith.constant 0 : i32
        %dma_wait3A_161 = arith.constant 0 : i32
        %dma_wait3A_162 = tpu.memref_slice %arg21[%dma_wait3A_160, %dma_wait3A_161] : memref<40x128xf32, #tpu.memory_space<vmem>> -> memref<40x128xf32, #tpu.memory_space<vmem>>
        tpu.wait_dma2 semaphore(%run_scoped3A : memref<!tpu.dma_semaphore, #tpu.memory_space<semaphore_mem>>) src(%dma_wait3A_162 : memref<40x128xf32, #tpu.memory_space<vmem>>) dst(%dma_wait3A_159 : memref<40x128xf32, #tpu.memory_space<vmem_shared>>)
        tpu.yield
      }) : () -> ()
      %add3A_127 = arith.constant 320 : i32
      %add3A_128 = arith.addi %mul3A_11, %add3A_127 : i32
      "tpu.region"() ({
        %run_scoped3A = tpu.sem_alloc : memref<!tpu.dma_semaphore, #tpu.memory_space<semaphore_mem>>
        %dma_start3A_143 = arith.constant 0 : i32
        %dma_start3A_144 = arith.constant 0 : i32
        %dma_start3A_145 = tpu.memref_slice %arg21[%dma_start3A_143, %dma_start3A_144] : memref<40x128xf32, #tpu.memory_space<vmem>> -> memref<40x128xf32, #tpu.memory_space<vmem>>
        %dma_start3A_146 = arith.constant 0 : i32
        %dma_start3A_147 = tpu.memref_slice %arg23[%add3A_128, %dma_start3A_146] : memref<10000x128xf32, #tpu.memory_space<vmem_shared>> -> memref<40x128xf32, #tpu.memory_space<vmem_shared>>
        %dma_start3A_148 = arith.constant 0 : i32
        %dma_start3A_149 = tpu.memref_slice %arg23[%add3A_128, %dma_start3A_148] : memref<10000x128xf32, #tpu.memory_space<vmem_shared>> -> memref<40x128xf32, #tpu.memory_space<vmem_shared>>
        %dma_start3A_150 = arith.constant 0 : i32
        %dma_start3A_151 = arith.constant 0 : i32
        %dma_start3A_152 = tpu.memref_slice %arg21[%dma_start3A_150, %dma_start3A_151] : memref<40x128xf32, #tpu.memory_space<vmem>> -> memref<40x128xf32, #tpu.memory_space<vmem>>
        tpu.enqueue_dma source(%dma_start3A_152 : memref<40x128xf32, #tpu.memory_space<vmem>>) target(%dma_start3A_149 : memref<40x128xf32, #tpu.memory_space<vmem_shared>>) target_semaphore(%run_scoped3A : memref<!tpu.dma_semaphore, #tpu.memory_space<semaphore_mem>>)
        %dma_wait3A_153 = arith.constant 0 : i32
        %dma_wait3A_154 = arith.constant 0 : i32
        %dma_wait3A_155 = tpu.memref_slice %arg21[%dma_wait3A_153, %dma_wait3A_154] : memref<40x128xf32, #tpu.memory_space<vmem>> -> memref<40x128xf32, #tpu.memory_space<vmem>>
        %dma_wait3A_156 = arith.constant 0 : i32
        %dma_wait3A_157 = tpu.memref_slice %arg23[%add3A_128, %dma_wait3A_156] : memref<10000x128xf32, #tpu.memory_space<vmem_shared>> -> memref<40x128xf32, #tpu.memory_space<vmem_shared>>
        %dma_wait3A_158 = arith.constant 0 : i32
        %dma_wait3A_159 = tpu.memref_slice %arg23[%add3A_128, %dma_wait3A_158] : memref<10000x128xf32, #tpu.memory_space<vmem_shared>> -> memref<40x128xf32, #tpu.memory_space<vmem_shared>>
        %dma_wait3A_160 = arith.constant 0 : i32
        %dma_wait3A_161 = arith.constant 0 : i32
        %dma_wait3A_162 = tpu.memref_slice %arg21[%dma_wait3A_160, %dma_wait3A_161] : memref<40x128xf32, #tpu.memory_space<vmem>> -> memref<40x128xf32, #tpu.memory_space<vmem>>
        tpu.wait_dma2 semaphore(%run_scoped3A : memref<!tpu.dma_semaphore, #tpu.memory_space<semaphore_mem>>) src(%dma_wait3A_162 : memref<40x128xf32, #tpu.memory_space<vmem>>) dst(%dma_wait3A_159 : memref<40x128xf32, #tpu.memory_space<vmem_shared>>)
        tpu.yield
      }) : () -> ()
      %add3A_129 = arith.constant 360 : i32
      %add3A_130 = arith.addi %mul3A_11, %add3A_129 : i32
      "tpu.region"() ({
        %run_scoped3A = tpu.sem_alloc : memref<!tpu.dma_semaphore, #tpu.memory_space<semaphore_mem>>
        %dma_start3A_143 = arith.constant 0 : i32
        %dma_start3A_144 = arith.constant 0 : i32
        %dma_start3A_145 = tpu.memref_slice %arg21[%dma_start3A_143, %dma_start3A_144] : memref<40x128xf32, #tpu.memory_space<vmem>> -> memref<40x128xf32, #tpu.memory_space<vmem>>
        %dma_start3A_146 = arith.constant 0 : i32
        %dma_start3A_147 = tpu.memref_slice %arg23[%add3A_130, %dma_start3A_146] : memref<10000x128xf32, #tpu.memory_space<vmem_shared>> -> memref<40x128xf32, #tpu.memory_space<vmem_shared>>
        %dma_start3A_148 = arith.constant 0 : i32
        %dma_start3A_149 = tpu.memref_slice %arg23[%add3A_130, %dma_start3A_148] : memref<10000x128xf32, #tpu.memory_space<vmem_shared>> -> memref<40x128xf32, #tpu.memory_space<vmem_shared>>
        %dma_start3A_150 = arith.constant 0 : i32
        %dma_start3A_151 = arith.constant 0 : i32
        %dma_start3A_152 = tpu.memref_slice %arg21[%dma_start3A_150, %dma_start3A_151] : memref<40x128xf32, #tpu.memory_space<vmem>> -> memref<40x128xf32, #tpu.memory_space<vmem>>
        tpu.enqueue_dma source(%dma_start3A_152 : memref<40x128xf32, #tpu.memory_space<vmem>>) target(%dma_start3A_149 : memref<40x128xf32, #tpu.memory_space<vmem_shared>>) target_semaphore(%run_scoped3A : memref<!tpu.dma_semaphore, #tpu.memory_space<semaphore_mem>>)
        %dma_wait3A_153 = arith.constant 0 : i32
        %dma_wait3A_154 = arith.constant 0 : i32
        %dma_wait3A_155 = tpu.memref_slice %arg21[%dma_wait3A_153, %dma_wait3A_154] : memref<40x128xf32, #tpu.memory_space<vmem>> -> memref<40x128xf32, #tpu.memory_space<vmem>>
        %dma_wait3A_156 = arith.constant 0 : i32
        %dma_wait3A_157 = tpu.memref_slice %arg23[%add3A_130, %dma_wait3A_156] : memref<10000x128xf32, #tpu.memory_space<vmem_shared>> -> memref<40x128xf32, #tpu.memory_space<vmem_shared>>
        %dma_wait3A_158 = arith.constant 0 : i32
        %dma_wait3A_159 = tpu.memref_slice %arg23[%add3A_130, %dma_wait3A_158] : memref<10000x128xf32, #tpu.memory_space<vmem_shared>> -> memref<40x128xf32, #tpu.memory_space<vmem_shared>>
        %dma_wait3A_160 = arith.constant 0 : i32
        %dma_wait3A_161 = arith.constant 0 : i32
        %dma_wait3A_162 = tpu.memref_slice %arg21[%dma_wait3A_160, %dma_wait3A_161] : memref<40x128xf32, #tpu.memory_space<vmem>> -> memref<40x128xf32, #tpu.memory_space<vmem>>
        tpu.wait_dma2 semaphore(%run_scoped3A : memref<!tpu.dma_semaphore, #tpu.memory_space<semaphore_mem>>) src(%dma_wait3A_162 : memref<40x128xf32, #tpu.memory_space<vmem>>) dst(%dma_wait3A_159 : memref<40x128xf32, #tpu.memory_space<vmem_shared>>)
        tpu.yield
      }) : () -> ()
      %add3A_131 = arith.constant 400 : i32
      %add3A_132 = arith.addi %mul3A_11, %add3A_131 : i32
      "tpu.region"() ({
        %run_scoped3A = tpu.sem_alloc : memref<!tpu.dma_semaphore, #tpu.memory_space<semaphore_mem>>
        %dma_start3A_143 = arith.constant 0 : i32
        %dma_start3A_144 = arith.constant 0 : i32
        %dma_start3A_145 = tpu.memref_slice %arg21[%dma_start3A_143, %dma_start3A_144] : memref<40x128xf32, #tpu.memory_space<vmem>> -> memref<40x128xf32, #tpu.memory_space<vmem>>
        %dma_start3A_146 = arith.constant 0 : i32
        %dma_start3A_147 = tpu.memref_slice %arg23[%add3A_132, %dma_start3A_146] : memref<10000x128xf32, #tpu.memory_space<vmem_shared>> -> memref<40x128xf32, #tpu.memory_space<vmem_shared>>
        %dma_start3A_148 = arith.constant 0 : i32
        %dma_start3A_149 = tpu.memref_slice %arg23[%add3A_132, %dma_start3A_148] : memref<10000x128xf32, #tpu.memory_space<vmem_shared>> -> memref<40x128xf32, #tpu.memory_space<vmem_shared>>
        %dma_start3A_150 = arith.constant 0 : i32
        %dma_start3A_151 = arith.constant 0 : i32
        %dma_start3A_152 = tpu.memref_slice %arg21[%dma_start3A_150, %dma_start3A_151] : memref<40x128xf32, #tpu.memory_space<vmem>> -> memref<40x128xf32, #tpu.memory_space<vmem>>
        tpu.enqueue_dma source(%dma_start3A_152 : memref<40x128xf32, #tpu.memory_space<vmem>>) target(%dma_start3A_149 : memref<40x128xf32, #tpu.memory_space<vmem_shared>>) target_semaphore(%run_scoped3A : memref<!tpu.dma_semaphore, #tpu.memory_space<semaphore_mem>>)
        %dma_wait3A_153 = arith.constant 0 : i32
        %dma_wait3A_154 = arith.constant 0 : i32
        %dma_wait3A_155 = tpu.memref_slice %arg21[%dma_wait3A_153, %dma_wait3A_154] : memref<40x128xf32, #tpu.memory_space<vmem>> -> memref<40x128xf32, #tpu.memory_space<vmem>>
        %dma_wait3A_156 = arith.constant 0 : i32
        %dma_wait3A_157 = tpu.memref_slice %arg23[%add3A_132, %dma_wait3A_156] : memref<10000x128xf32, #tpu.memory_space<vmem_shared>> -> memref<40x128xf32, #tpu.memory_space<vmem_shared>>
        %dma_wait3A_158 = arith.constant 0 : i32
        %dma_wait3A_159 = tpu.memref_slice %arg23[%add3A_132, %dma_wait3A_158] : memref<10000x128xf32, #tpu.memory_space<vmem_shared>> -> memref<40x128xf32, #tpu.memory_space<vmem_shared>>
        %dma_wait3A_160 = arith.constant 0 : i32
        %dma_wait3A_161 = arith.constant 0 : i32
        %dma_wait3A_162 = tpu.memref_slice %arg21[%dma_wait3A_160, %dma_wait3A_161] : memref<40x128xf32, #tpu.memory_space<vmem>> -> memref<40x128xf32, #tpu.memory_space<vmem>>
        tpu.wait_dma2 semaphore(%run_scoped3A : memref<!tpu.dma_semaphore, #tpu.memory_space<semaphore_mem>>) src(%dma_wait3A_162 : memref<40x128xf32, #tpu.memory_space<vmem>>) dst(%dma_wait3A_159 : memref<40x128xf32, #tpu.memory_space<vmem_shared>>)
        tpu.yield
      }) : () -> ()
      %add3A_133 = arith.constant 440 : i32
      %add3A_134 = arith.addi %mul3A_11, %add3A_133 : i32
      "tpu.region"() ({
        %run_scoped3A = tpu.sem_alloc : memref<!tpu.dma_semaphore, #tpu.memory_space<semaphore_mem>>
        %dma_start3A_143 = arith.constant 0 : i32
        %dma_start3A_144 = arith.constant 0 : i32
        %dma_start3A_145 = tpu.memref_slice %arg21[%dma_start3A_143, %dma_start3A_144] : memref<40x128xf32, #tpu.memory_space<vmem>> -> memref<40x128xf32, #tpu.memory_space<vmem>>
        %dma_start3A_146 = arith.constant 0 : i32
        %dma_start3A_147 = tpu.memref_slice %arg23[%add3A_134, %dma_start3A_146] : memref<10000x128xf32, #tpu.memory_space<vmem_shared>> -> memref<40x128xf32, #tpu.memory_space<vmem_shared>>
        %dma_start3A_148 = arith.constant 0 : i32
        %dma_start3A_149 = tpu.memref_slice %arg23[%add3A_134, %dma_start3A_148] : memref<10000x128xf32, #tpu.memory_space<vmem_shared>> -> memref<40x128xf32, #tpu.memory_space<vmem_shared>>
        %dma_start3A_150 = arith.constant 0 : i32
        %dma_start3A_151 = arith.constant 0 : i32
        %dma_start3A_152 = tpu.memref_slice %arg21[%dma_start3A_150, %dma_start3A_151] : memref<40x128xf32, #tpu.memory_space<vmem>> -> memref<40x128xf32, #tpu.memory_space<vmem>>
        tpu.enqueue_dma source(%dma_start3A_152 : memref<40x128xf32, #tpu.memory_space<vmem>>) target(%dma_start3A_149 : memref<40x128xf32, #tpu.memory_space<vmem_shared>>) target_semaphore(%run_scoped3A : memref<!tpu.dma_semaphore, #tpu.memory_space<semaphore_mem>>)
        %dma_wait3A_153 = arith.constant 0 : i32
        %dma_wait3A_154 = arith.constant 0 : i32
        %dma_wait3A_155 = tpu.memref_slice %arg21[%dma_wait3A_153, %dma_wait3A_154] : memref<40x128xf32, #tpu.memory_space<vmem>> -> memref<40x128xf32, #tpu.memory_space<vmem>>
        %dma_wait3A_156 = arith.constant 0 : i32
        %dma_wait3A_157 = tpu.memref_slice %arg23[%add3A_134, %dma_wait3A_156] : memref<10000x128xf32, #tpu.memory_space<vmem_shared>> -> memref<40x128xf32, #tpu.memory_space<vmem_shared>>
        %dma_wait3A_158 = arith.constant 0 : i32
        %dma_wait3A_159 = tpu.memref_slice %arg23[%add3A_134, %dma_wait3A_158] : memref<10000x128xf32, #tpu.memory_space<vmem_shared>> -> memref<40x128xf32, #tpu.memory_space<vmem_shared>>
        %dma_wait3A_160 = arith.constant 0 : i32
        %dma_wait3A_161 = arith.constant 0 : i32
        %dma_wait3A_162 = tpu.memref_slice %arg21[%dma_wait3A_160, %dma_wait3A_161] : memref<40x128xf32, #tpu.memory_space<vmem>> -> memref<40x128xf32, #tpu.memory_space<vmem>>
        tpu.wait_dma2 semaphore(%run_scoped3A : memref<!tpu.dma_semaphore, #tpu.memory_space<semaphore_mem>>) src(%dma_wait3A_162 : memref<40x128xf32, #tpu.memory_space<vmem>>) dst(%dma_wait3A_159 : memref<40x128xf32, #tpu.memory_space<vmem_shared>>)
        tpu.yield
      }) : () -> ()
      %add3A_135 = arith.constant 480 : i32
      %add3A_136 = arith.addi %mul3A_11, %add3A_135 : i32
      "tpu.region"() ({
        %run_scoped3A = tpu.sem_alloc : memref<!tpu.dma_semaphore, #tpu.memory_space<semaphore_mem>>
        %dma_start3A_143 = arith.constant 0 : i32
        %dma_start3A_144 = arith.constant 0 : i32
        %dma_start3A_145 = tpu.memref_slice %arg21[%dma_start3A_143, %dma_start3A_144] : memref<40x128xf32, #tpu.memory_space<vmem>> -> memref<40x128xf32, #tpu.memory_space<vmem>>
        %dma_start3A_146 = arith.constant 0 : i32
        %dma_start3A_147 = tpu.memref_slice %arg23[%add3A_136, %dma_start3A_146] : memref<10000x128xf32, #tpu.memory_space<vmem_shared>> -> memref<40x128xf32, #tpu.memory_space<vmem_shared>>
        %dma_start3A_148 = arith.constant 0 : i32
        %dma_start3A_149 = tpu.memref_slice %arg23[%add3A_136, %dma_start3A_148] : memref<10000x128xf32, #tpu.memory_space<vmem_shared>> -> memref<40x128xf32, #tpu.memory_space<vmem_shared>>
        %dma_start3A_150 = arith.constant 0 : i32
        %dma_start3A_151 = arith.constant 0 : i32
        %dma_start3A_152 = tpu.memref_slice %arg21[%dma_start3A_150, %dma_start3A_151] : memref<40x128xf32, #tpu.memory_space<vmem>> -> memref<40x128xf32, #tpu.memory_space<vmem>>
        tpu.enqueue_dma source(%dma_start3A_152 : memref<40x128xf32, #tpu.memory_space<vmem>>) target(%dma_start3A_149 : memref<40x128xf32, #tpu.memory_space<vmem_shared>>) target_semaphore(%run_scoped3A : memref<!tpu.dma_semaphore, #tpu.memory_space<semaphore_mem>>)
        %dma_wait3A_153 = arith.constant 0 : i32
        %dma_wait3A_154 = arith.constant 0 : i32
        %dma_wait3A_155 = tpu.memref_slice %arg21[%dma_wait3A_153, %dma_wait3A_154] : memref<40x128xf32, #tpu.memory_space<vmem>> -> memref<40x128xf32, #tpu.memory_space<vmem>>
        %dma_wait3A_156 = arith.constant 0 : i32
        %dma_wait3A_157 = tpu.memref_slice %arg23[%add3A_136, %dma_wait3A_156] : memref<10000x128xf32, #tpu.memory_space<vmem_shared>> -> memref<40x128xf32, #tpu.memory_space<vmem_shared>>
        %dma_wait3A_158 = arith.constant 0 : i32
        %dma_wait3A_159 = tpu.memref_slice %arg23[%add3A_136, %dma_wait3A_158] : memref<10000x128xf32, #tpu.memory_space<vmem_shared>> -> memref<40x128xf32, #tpu.memory_space<vmem_shared>>
        %dma_wait3A_160 = arith.constant 0 : i32
        %dma_wait3A_161 = arith.constant 0 : i32
        %dma_wait3A_162 = tpu.memref_slice %arg21[%dma_wait3A_160, %dma_wait3A_161] : memref<40x128xf32, #tpu.memory_space<vmem>> -> memref<40x128xf32, #tpu.memory_space<vmem>>
        tpu.wait_dma2 semaphore(%run_scoped3A : memref<!tpu.dma_semaphore, #tpu.memory_space<semaphore_mem>>) src(%dma_wait3A_162 : memref<40x128xf32, #tpu.memory_space<vmem>>) dst(%dma_wait3A_159 : memref<40x128xf32, #tpu.memory_space<vmem_shared>>)
        tpu.yield
      }) : () -> ()
      %add3A_137 = arith.constant 520 : i32
      %add3A_138 = arith.addi %mul3A_11, %add3A_137 : i32
      "tpu.region"() ({
        %run_scoped3A = tpu.sem_alloc : memref<!tpu.dma_semaphore, #tpu.memory_space<semaphore_mem>>
        %dma_start3A_143 = arith.constant 0 : i32
        %dma_start3A_144 = arith.constant 0 : i32
        %dma_start3A_145 = tpu.memref_slice %arg21[%dma_start3A_143, %dma_start3A_144] : memref<40x128xf32, #tpu.memory_space<vmem>> -> memref<40x128xf32, #tpu.memory_space<vmem>>
        %dma_start3A_146 = arith.constant 0 : i32
        %dma_start3A_147 = tpu.memref_slice %arg23[%add3A_138, %dma_start3A_146] : memref<10000x128xf32, #tpu.memory_space<vmem_shared>> -> memref<40x128xf32, #tpu.memory_space<vmem_shared>>
        %dma_start3A_148 = arith.constant 0 : i32
        %dma_start3A_149 = tpu.memref_slice %arg23[%add3A_138, %dma_start3A_148] : memref<10000x128xf32, #tpu.memory_space<vmem_shared>> -> memref<40x128xf32, #tpu.memory_space<vmem_shared>>
        %dma_start3A_150 = arith.constant 0 : i32
        %dma_start3A_151 = arith.constant 0 : i32
        %dma_start3A_152 = tpu.memref_slice %arg21[%dma_start3A_150, %dma_start3A_151] : memref<40x128xf32, #tpu.memory_space<vmem>> -> memref<40x128xf32, #tpu.memory_space<vmem>>
        tpu.enqueue_dma source(%dma_start3A_152 : memref<40x128xf32, #tpu.memory_space<vmem>>) target(%dma_start3A_149 : memref<40x128xf32, #tpu.memory_space<vmem_shared>>) target_semaphore(%run_scoped3A : memref<!tpu.dma_semaphore, #tpu.memory_space<semaphore_mem>>)
        %dma_wait3A_153 = arith.constant 0 : i32
        %dma_wait3A_154 = arith.constant 0 : i32
        %dma_wait3A_155 = tpu.memref_slice %arg21[%dma_wait3A_153, %dma_wait3A_154] : memref<40x128xf32, #tpu.memory_space<vmem>> -> memref<40x128xf32, #tpu.memory_space<vmem>>
        %dma_wait3A_156 = arith.constant 0 : i32
        %dma_wait3A_157 = tpu.memref_slice %arg23[%add3A_138, %dma_wait3A_156] : memref<10000x128xf32, #tpu.memory_space<vmem_shared>> -> memref<40x128xf32, #tpu.memory_space<vmem_shared>>
        %dma_wait3A_158 = arith.constant 0 : i32
        %dma_wait3A_159 = tpu.memref_slice %arg23[%add3A_138, %dma_wait3A_158] : memref<10000x128xf32, #tpu.memory_space<vmem_shared>> -> memref<40x128xf32, #tpu.memory_space<vmem_shared>>
        %dma_wait3A_160 = arith.constant 0 : i32
        %dma_wait3A_161 = arith.constant 0 : i32
        %dma_wait3A_162 = tpu.memref_slice %arg21[%dma_wait3A_160, %dma_wait3A_161] : memref<40x128xf32, #tpu.memory_space<vmem>> -> memref<40x128xf32, #tpu.memory_space<vmem>>
        tpu.wait_dma2 semaphore(%run_scoped3A : memref<!tpu.dma_semaphore, #tpu.memory_space<semaphore_mem>>) src(%dma_wait3A_162 : memref<40x128xf32, #tpu.memory_space<vmem>>) dst(%dma_wait3A_159 : memref<40x128xf32, #tpu.memory_space<vmem_shared>>)
        tpu.yield
      }) : () -> ()
      %add3A_139 = arith.constant 560 : i32
      %add3A_140 = arith.addi %mul3A_11, %add3A_139 : i32
      "tpu.region"() ({
        %run_scoped3A = tpu.sem_alloc : memref<!tpu.dma_semaphore, #tpu.memory_space<semaphore_mem>>
        %dma_start3A_143 = arith.constant 0 : i32
        %dma_start3A_144 = arith.constant 0 : i32
        %dma_start3A_145 = tpu.memref_slice %arg21[%dma_start3A_143, %dma_start3A_144] : memref<40x128xf32, #tpu.memory_space<vmem>> -> memref<40x128xf32, #tpu.memory_space<vmem>>
        %dma_start3A_146 = arith.constant 0 : i32
        %dma_start3A_147 = tpu.memref_slice %arg23[%add3A_140, %dma_start3A_146] : memref<10000x128xf32, #tpu.memory_space<vmem_shared>> -> memref<40x128xf32, #tpu.memory_space<vmem_shared>>
        %dma_start3A_148 = arith.constant 0 : i32
        %dma_start3A_149 = tpu.memref_slice %arg23[%add3A_140, %dma_start3A_148] : memref<10000x128xf32, #tpu.memory_space<vmem_shared>> -> memref<40x128xf32, #tpu.memory_space<vmem_shared>>
        %dma_start3A_150 = arith.constant 0 : i32
        %dma_start3A_151 = arith.constant 0 : i32
        %dma_start3A_152 = tpu.memref_slice %arg21[%dma_start3A_150, %dma_start3A_151] : memref<40x128xf32, #tpu.memory_space<vmem>> -> memref<40x128xf32, #tpu.memory_space<vmem>>
        tpu.enqueue_dma source(%dma_start3A_152 : memref<40x128xf32, #tpu.memory_space<vmem>>) target(%dma_start3A_149 : memref<40x128xf32, #tpu.memory_space<vmem_shared>>) target_semaphore(%run_scoped3A : memref<!tpu.dma_semaphore, #tpu.memory_space<semaphore_mem>>)
        %dma_wait3A_153 = arith.constant 0 : i32
        %dma_wait3A_154 = arith.constant 0 : i32
        %dma_wait3A_155 = tpu.memref_slice %arg21[%dma_wait3A_153, %dma_wait3A_154] : memref<40x128xf32, #tpu.memory_space<vmem>> -> memref<40x128xf32, #tpu.memory_space<vmem>>
        %dma_wait3A_156 = arith.constant 0 : i32
        %dma_wait3A_157 = tpu.memref_slice %arg23[%add3A_140, %dma_wait3A_156] : memref<10000x128xf32, #tpu.memory_space<vmem_shared>> -> memref<40x128xf32, #tpu.memory_space<vmem_shared>>
        %dma_wait3A_158 = arith.constant 0 : i32
        %dma_wait3A_159 = tpu.memref_slice %arg23[%add3A_140, %dma_wait3A_158] : memref<10000x128xf32, #tpu.memory_space<vmem_shared>> -> memref<40x128xf32, #tpu.memory_space<vmem_shared>>
        %dma_wait3A_160 = arith.constant 0 : i32
        %dma_wait3A_161 = arith.constant 0 : i32
        %dma_wait3A_162 = tpu.memref_slice %arg21[%dma_wait3A_160, %dma_wait3A_161] : memref<40x128xf32, #tpu.memory_space<vmem>> -> memref<40x128xf32, #tpu.memory_space<vmem>>
        tpu.wait_dma2 semaphore(%run_scoped3A : memref<!tpu.dma_semaphore, #tpu.memory_space<semaphore_mem>>) src(%dma_wait3A_162 : memref<40x128xf32, #tpu.memory_space<vmem>>) dst(%dma_wait3A_159 : memref<40x128xf32, #tpu.memory_space<vmem_shared>>)
        tpu.yield
      }) : () -> ()
      %add3A_141 = arith.constant 600 : i32
      %add3A_142 = arith.addi %mul3A_11, %add3A_141 : i32
      "tpu.region"() ({
        %run_scoped3A = tpu.sem_alloc : memref<!tpu.dma_semaphore, #tpu.memory_space<semaphore_mem>>
        %dma_start3A_143 = arith.constant 0 : i32
        %dma_start3A_144 = arith.constant 0 : i32
        %dma_start3A_145 = tpu.memref_slice %arg21[%dma_start3A_143, %dma_start3A_144] : memref<40x128xf32, #tpu.memory_space<vmem>> -> memref<24x128xf32, #tpu.memory_space<vmem>>
        %dma_start3A_146 = arith.constant 0 : i32
        %dma_start3A_147 = tpu.memref_slice %arg23[%add3A_142, %dma_start3A_146] : memref<10000x128xf32, #tpu.memory_space<vmem_shared>> -> memref<24x128xf32, #tpu.memory_space<vmem_shared>>
        %dma_start3A_148 = arith.constant 0 : i32
        %dma_start3A_149 = tpu.memref_slice %arg23[%add3A_142, %dma_start3A_148] : memref<10000x128xf32, #tpu.memory_space<vmem_shared>> -> memref<24x128xf32, #tpu.memory_space<vmem_shared>>
        %dma_start3A_150 = arith.constant 0 : i32
        %dma_start3A_151 = arith.constant 0 : i32
        %dma_start3A_152 = tpu.memref_slice %arg21[%dma_start3A_150, %dma_start3A_151] : memref<40x128xf32, #tpu.memory_space<vmem>> -> memref<24x128xf32, #tpu.memory_space<vmem>>
        tpu.enqueue_dma source(%dma_start3A_152 : memref<24x128xf32, #tpu.memory_space<vmem>>) target(%dma_start3A_149 : memref<24x128xf32, #tpu.memory_space<vmem_shared>>) target_semaphore(%run_scoped3A : memref<!tpu.dma_semaphore, #tpu.memory_space<semaphore_mem>>)
        %dma_wait3A_153 = arith.constant 0 : i32
        %dma_wait3A_154 = arith.constant 0 : i32
        %dma_wait3A_155 = tpu.memref_slice %arg21[%dma_wait3A_153, %dma_wait3A_154] : memref<40x128xf32, #tpu.memory_space<vmem>> -> memref<24x128xf32, #tpu.memory_space<vmem>>
        %dma_wait3A_156 = arith.constant 0 : i32
        %dma_wait3A_157 = tpu.memref_slice %arg23[%add3A_142, %dma_wait3A_156] : memref<10000x128xf32, #tpu.memory_space<vmem_shared>> -> memref<24x128xf32, #tpu.memory_space<vmem_shared>>
        %dma_wait3A_158 = arith.constant 0 : i32
        %dma_wait3A_159 = tpu.memref_slice %arg23[%add3A_142, %dma_wait3A_158] : memref<10000x128xf32, #tpu.memory_space<vmem_shared>> -> memref<24x128xf32, #tpu.memory_space<vmem_shared>>
        %dma_wait3A_160 = arith.constant 0 : i32
        %dma_wait3A_161 = arith.constant 0 : i32
        %dma_wait3A_162 = tpu.memref_slice %arg21[%dma_wait3A_160, %dma_wait3A_161] : memref<40x128xf32, #tpu.memory_space<vmem>> -> memref<24x128xf32, #tpu.memory_space<vmem>>
        tpu.wait_dma2 semaphore(%run_scoped3A : memref<!tpu.dma_semaphore, #tpu.memory_space<semaphore_mem>>) src(%dma_wait3A_162 : memref<24x128xf32, #tpu.memory_space<vmem>>) dst(%dma_wait3A_159 : memref<24x128xf32, #tpu.memory_space<vmem_shared>>)
        tpu.yield
      }) : () -> ()
    } else {
    }
    %eq3A = arith.constant 15 : i32
    %eq3A_14 = arith.cmpi eq, %arg1, %eq3A : i32
    %convert_element_type3A_15 = arith.extui %eq3A_14 : i1 to i32
    %cond3A_16 = arith.constant 0 : i32
    %cond3A_17 = arith.cmpi ne, %convert_element_type3A_15, %cond3A_16 : i32
    scf.if %cond3A_17 {
      %add3A_111 = arith.constant 0 : i32
      %add3A_112 = arith.addi %mul3A_11, %add3A_111 : i32
      "tpu.region"() ({
        %run_scoped3A = tpu.sem_alloc : memref<!tpu.dma_semaphore, #tpu.memory_space<semaphore_mem>>
        %dma_start3A_143 = arith.constant 0 : i32
        %dma_start3A_144 = arith.constant 0 : i32
        %dma_start3A_145 = tpu.memref_slice %arg21[%dma_start3A_143, %dma_start3A_144] : memref<40x128xf32, #tpu.memory_space<vmem>> -> memref<40x128xf32, #tpu.memory_space<vmem>>
        %dma_start3A_146 = arith.constant 0 : i32
        %dma_start3A_147 = tpu.memref_slice %arg23[%add3A_112, %dma_start3A_146] : memref<10000x128xf32, #tpu.memory_space<vmem_shared>> -> memref<40x128xf32, #tpu.memory_space<vmem_shared>>
        %dma_start3A_148 = arith.constant 0 : i32
        %dma_start3A_149 = tpu.memref_slice %arg23[%add3A_112, %dma_start3A_148] : memref<10000x128xf32, #tpu.memory_space<vmem_shared>> -> memref<40x128xf32, #tpu.memory_space<vmem_shared>>
        %dma_start3A_150 = arith.constant 0 : i32
        %dma_start3A_151 = arith.constant 0 : i32
        %dma_start3A_152 = tpu.memref_slice %arg21[%dma_start3A_150, %dma_start3A_151] : memref<40x128xf32, #tpu.memory_space<vmem>> -> memref<40x128xf32, #tpu.memory_space<vmem>>
        tpu.enqueue_dma source(%dma_start3A_152 : memref<40x128xf32, #tpu.memory_space<vmem>>) target(%dma_start3A_149 : memref<40x128xf32, #tpu.memory_space<vmem_shared>>) target_semaphore(%run_scoped3A : memref<!tpu.dma_semaphore, #tpu.memory_space<semaphore_mem>>)
        %dma_wait3A_153 = arith.constant 0 : i32
        %dma_wait3A_154 = arith.constant 0 : i32
        %dma_wait3A_155 = tpu.memref_slice %arg21[%dma_wait3A_153, %dma_wait3A_154] : memref<40x128xf32, #tpu.memory_space<vmem>> -> memref<40x128xf32, #tpu.memory_space<vmem>>
        %dma_wait3A_156 = arith.constant 0 : i32
        %dma_wait3A_157 = tpu.memref_slice %arg23[%add3A_112, %dma_wait3A_156] : memref<10000x128xf32, #tpu.memory_space<vmem_shared>> -> memref<40x128xf32, #tpu.memory_space<vmem_shared>>
        %dma_wait3A_158 = arith.constant 0 : i32
        %dma_wait3A_159 = tpu.memref_slice %arg23[%add3A_112, %dma_wait3A_158] : memref<10000x128xf32, #tpu.memory_space<vmem_shared>> -> memref<40x128xf32, #tpu.memory_space<vmem_shared>>
        %dma_wait3A_160 = arith.constant 0 : i32
        %dma_wait3A_161 = arith.constant 0 : i32
        %dma_wait3A_162 = tpu.memref_slice %arg21[%dma_wait3A_160, %dma_wait3A_161] : memref<40x128xf32, #tpu.memory_space<vmem>> -> memref<40x128xf32, #tpu.memory_space<vmem>>
        tpu.wait_dma2 semaphore(%run_scoped3A : memref<!tpu.dma_semaphore, #tpu.memory_space<semaphore_mem>>) src(%dma_wait3A_162 : memref<40x128xf32, #tpu.memory_space<vmem>>) dst(%dma_wait3A_159 : memref<40x128xf32, #tpu.memory_space<vmem_shared>>)
        tpu.yield
      }) : () -> ()
      %add3A_113 = arith.constant 40 : i32
      %add3A_114 = arith.addi %mul3A_11, %add3A_113 : i32
      "tpu.region"() ({
        %run_scoped3A = tpu.sem_alloc : memref<!tpu.dma_semaphore, #tpu.memory_space<semaphore_mem>>
        %dma_start3A_143 = arith.constant 0 : i32
        %dma_start3A_144 = arith.constant 0 : i32
        %dma_start3A_145 = tpu.memref_slice %arg21[%dma_start3A_143, %dma_start3A_144] : memref<40x128xf32, #tpu.memory_space<vmem>> -> memref<40x128xf32, #tpu.memory_space<vmem>>
        %dma_start3A_146 = arith.constant 0 : i32
        %dma_start3A_147 = tpu.memref_slice %arg23[%add3A_114, %dma_start3A_146] : memref<10000x128xf32, #tpu.memory_space<vmem_shared>> -> memref<40x128xf32, #tpu.memory_space<vmem_shared>>
        %dma_start3A_148 = arith.constant 0 : i32
        %dma_start3A_149 = tpu.memref_slice %arg23[%add3A_114, %dma_start3A_148] : memref<10000x128xf32, #tpu.memory_space<vmem_shared>> -> memref<40x128xf32, #tpu.memory_space<vmem_shared>>
        %dma_start3A_150 = arith.constant 0 : i32
        %dma_start3A_151 = arith.constant 0 : i32
        %dma_start3A_152 = tpu.memref_slice %arg21[%dma_start3A_150, %dma_start3A_151] : memref<40x128xf32, #tpu.memory_space<vmem>> -> memref<40x128xf32, #tpu.memory_space<vmem>>
        tpu.enqueue_dma source(%dma_start3A_152 : memref<40x128xf32, #tpu.memory_space<vmem>>) target(%dma_start3A_149 : memref<40x128xf32, #tpu.memory_space<vmem_shared>>) target_semaphore(%run_scoped3A : memref<!tpu.dma_semaphore, #tpu.memory_space<semaphore_mem>>)
        %dma_wait3A_153 = arith.constant 0 : i32
        %dma_wait3A_154 = arith.constant 0 : i32
        %dma_wait3A_155 = tpu.memref_slice %arg21[%dma_wait3A_153, %dma_wait3A_154] : memref<40x128xf32, #tpu.memory_space<vmem>> -> memref<40x128xf32, #tpu.memory_space<vmem>>
        %dma_wait3A_156 = arith.constant 0 : i32
        %dma_wait3A_157 = tpu.memref_slice %arg23[%add3A_114, %dma_wait3A_156] : memref<10000x128xf32, #tpu.memory_space<vmem_shared>> -> memref<40x128xf32, #tpu.memory_space<vmem_shared>>
        %dma_wait3A_158 = arith.constant 0 : i32
        %dma_wait3A_159 = tpu.memref_slice %arg23[%add3A_114, %dma_wait3A_158] : memref<10000x128xf32, #tpu.memory_space<vmem_shared>> -> memref<40x128xf32, #tpu.memory_space<vmem_shared>>
        %dma_wait3A_160 = arith.constant 0 : i32
        %dma_wait3A_161 = arith.constant 0 : i32
        %dma_wait3A_162 = tpu.memref_slice %arg21[%dma_wait3A_160, %dma_wait3A_161] : memref<40x128xf32, #tpu.memory_space<vmem>> -> memref<40x128xf32, #tpu.memory_space<vmem>>
        tpu.wait_dma2 semaphore(%run_scoped3A : memref<!tpu.dma_semaphore, #tpu.memory_space<semaphore_mem>>) src(%dma_wait3A_162 : memref<40x128xf32, #tpu.memory_space<vmem>>) dst(%dma_wait3A_159 : memref<40x128xf32, #tpu.memory_space<vmem_shared>>)
        tpu.yield
      }) : () -> ()
      %add3A_115 = arith.constant 80 : i32
      %add3A_116 = arith.addi %mul3A_11, %add3A_115 : i32
      "tpu.region"() ({
        %run_scoped3A = tpu.sem_alloc : memref<!tpu.dma_semaphore, #tpu.memory_space<semaphore_mem>>
        %dma_start3A_143 = arith.constant 0 : i32
        %dma_start3A_144 = arith.constant 0 : i32
        %dma_start3A_145 = tpu.memref_slice %arg21[%dma_start3A_143, %dma_start3A_144] : memref<40x128xf32, #tpu.memory_space<vmem>> -> memref<40x128xf32, #tpu.memory_space<vmem>>
        %dma_start3A_146 = arith.constant 0 : i32
        %dma_start3A_147 = tpu.memref_slice %arg23[%add3A_116, %dma_start3A_146] : memref<10000x128xf32, #tpu.memory_space<vmem_shared>> -> memref<40x128xf32, #tpu.memory_space<vmem_shared>>
        %dma_start3A_148 = arith.constant 0 : i32
        %dma_start3A_149 = tpu.memref_slice %arg23[%add3A_116, %dma_start3A_148] : memref<10000x128xf32, #tpu.memory_space<vmem_shared>> -> memref<40x128xf32, #tpu.memory_space<vmem_shared>>
        %dma_start3A_150 = arith.constant 0 : i32
        %dma_start3A_151 = arith.constant 0 : i32
        %dma_start3A_152 = tpu.memref_slice %arg21[%dma_start3A_150, %dma_start3A_151] : memref<40x128xf32, #tpu.memory_space<vmem>> -> memref<40x128xf32, #tpu.memory_space<vmem>>
        tpu.enqueue_dma source(%dma_start3A_152 : memref<40x128xf32, #tpu.memory_space<vmem>>) target(%dma_start3A_149 : memref<40x128xf32, #tpu.memory_space<vmem_shared>>) target_semaphore(%run_scoped3A : memref<!tpu.dma_semaphore, #tpu.memory_space<semaphore_mem>>)
        %dma_wait3A_153 = arith.constant 0 : i32
        %dma_wait3A_154 = arith.constant 0 : i32
        %dma_wait3A_155 = tpu.memref_slice %arg21[%dma_wait3A_153, %dma_wait3A_154] : memref<40x128xf32, #tpu.memory_space<vmem>> -> memref<40x128xf32, #tpu.memory_space<vmem>>
        %dma_wait3A_156 = arith.constant 0 : i32
        %dma_wait3A_157 = tpu.memref_slice %arg23[%add3A_116, %dma_wait3A_156] : memref<10000x128xf32, #tpu.memory_space<vmem_shared>> -> memref<40x128xf32, #tpu.memory_space<vmem_shared>>
        %dma_wait3A_158 = arith.constant 0 : i32
        %dma_wait3A_159 = tpu.memref_slice %arg23[%add3A_116, %dma_wait3A_158] : memref<10000x128xf32, #tpu.memory_space<vmem_shared>> -> memref<40x128xf32, #tpu.memory_space<vmem_shared>>
        %dma_wait3A_160 = arith.constant 0 : i32
        %dma_wait3A_161 = arith.constant 0 : i32
        %dma_wait3A_162 = tpu.memref_slice %arg21[%dma_wait3A_160, %dma_wait3A_161] : memref<40x128xf32, #tpu.memory_space<vmem>> -> memref<40x128xf32, #tpu.memory_space<vmem>>
        tpu.wait_dma2 semaphore(%run_scoped3A : memref<!tpu.dma_semaphore, #tpu.memory_space<semaphore_mem>>) src(%dma_wait3A_162 : memref<40x128xf32, #tpu.memory_space<vmem>>) dst(%dma_wait3A_159 : memref<40x128xf32, #tpu.memory_space<vmem_shared>>)
        tpu.yield
      }) : () -> ()
      %add3A_117 = arith.constant 120 : i32
      %add3A_118 = arith.addi %mul3A_11, %add3A_117 : i32
      "tpu.region"() ({
        %run_scoped3A = tpu.sem_alloc : memref<!tpu.dma_semaphore, #tpu.memory_space<semaphore_mem>>
        %dma_start3A_143 = arith.constant 0 : i32
        %dma_start3A_144 = arith.constant 0 : i32
        %dma_start3A_145 = tpu.memref_slice %arg21[%dma_start3A_143, %dma_start3A_144] : memref<40x128xf32, #tpu.memory_space<vmem>> -> memref<40x128xf32, #tpu.memory_space<vmem>>
        %dma_start3A_146 = arith.constant 0 : i32
        %dma_start3A_147 = tpu.memref_slice %arg23[%add3A_118, %dma_start3A_146] : memref<10000x128xf32, #tpu.memory_space<vmem_shared>> -> memref<40x128xf32, #tpu.memory_space<vmem_shared>>
        %dma_start3A_148 = arith.constant 0 : i32
        %dma_start3A_149 = tpu.memref_slice %arg23[%add3A_118, %dma_start3A_148] : memref<10000x128xf32, #tpu.memory_space<vmem_shared>> -> memref<40x128xf32, #tpu.memory_space<vmem_shared>>
        %dma_start3A_150 = arith.constant 0 : i32
        %dma_start3A_151 = arith.constant 0 : i32
        %dma_start3A_152 = tpu.memref_slice %arg21[%dma_start3A_150, %dma_start3A_151] : memref<40x128xf32, #tpu.memory_space<vmem>> -> memref<40x128xf32, #tpu.memory_space<vmem>>
        tpu.enqueue_dma source(%dma_start3A_152 : memref<40x128xf32, #tpu.memory_space<vmem>>) target(%dma_start3A_149 : memref<40x128xf32, #tpu.memory_space<vmem_shared>>) target_semaphore(%run_scoped3A : memref<!tpu.dma_semaphore, #tpu.memory_space<semaphore_mem>>)
        %dma_wait3A_153 = arith.constant 0 : i32
        %dma_wait3A_154 = arith.constant 0 : i32
        %dma_wait3A_155 = tpu.memref_slice %arg21[%dma_wait3A_153, %dma_wait3A_154] : memref<40x128xf32, #tpu.memory_space<vmem>> -> memref<40x128xf32, #tpu.memory_space<vmem>>
        %dma_wait3A_156 = arith.constant 0 : i32
        %dma_wait3A_157 = tpu.memref_slice %arg23[%add3A_118, %dma_wait3A_156] : memref<10000x128xf32, #tpu.memory_space<vmem_shared>> -> memref<40x128xf32, #tpu.memory_space<vmem_shared>>
        %dma_wait3A_158 = arith.constant 0 : i32
        %dma_wait3A_159 = tpu.memref_slice %arg23[%add3A_118, %dma_wait3A_158] : memref<10000x128xf32, #tpu.memory_space<vmem_shared>> -> memref<40x128xf32, #tpu.memory_space<vmem_shared>>
        %dma_wait3A_160 = arith.constant 0 : i32
        %dma_wait3A_161 = arith.constant 0 : i32
        %dma_wait3A_162 = tpu.memref_slice %arg21[%dma_wait3A_160, %dma_wait3A_161] : memref<40x128xf32, #tpu.memory_space<vmem>> -> memref<40x128xf32, #tpu.memory_space<vmem>>
        tpu.wait_dma2 semaphore(%run_scoped3A : memref<!tpu.dma_semaphore, #tpu.memory_space<semaphore_mem>>) src(%dma_wait3A_162 : memref<40x128xf32, #tpu.memory_space<vmem>>) dst(%dma_wait3A_159 : memref<40x128xf32, #tpu.memory_space<vmem_shared>>)
        tpu.yield
      }) : () -> ()
      %add3A_119 = arith.constant 160 : i32
      %add3A_120 = arith.addi %mul3A_11, %add3A_119 : i32
      "tpu.region"() ({
        %run_scoped3A = tpu.sem_alloc : memref<!tpu.dma_semaphore, #tpu.memory_space<semaphore_mem>>
        %dma_start3A_143 = arith.constant 0 : i32
        %dma_start3A_144 = arith.constant 0 : i32
        %dma_start3A_145 = tpu.memref_slice %arg21[%dma_start3A_143, %dma_start3A_144] : memref<40x128xf32, #tpu.memory_space<vmem>> -> memref<40x128xf32, #tpu.memory_space<vmem>>
        %dma_start3A_146 = arith.constant 0 : i32
        %dma_start3A_147 = tpu.memref_slice %arg23[%add3A_120, %dma_start3A_146] : memref<10000x128xf32, #tpu.memory_space<vmem_shared>> -> memref<40x128xf32, #tpu.memory_space<vmem_shared>>
        %dma_start3A_148 = arith.constant 0 : i32
        %dma_start3A_149 = tpu.memref_slice %arg23[%add3A_120, %dma_start3A_148] : memref<10000x128xf32, #tpu.memory_space<vmem_shared>> -> memref<40x128xf32, #tpu.memory_space<vmem_shared>>
        %dma_start3A_150 = arith.constant 0 : i32
        %dma_start3A_151 = arith.constant 0 : i32
        %dma_start3A_152 = tpu.memref_slice %arg21[%dma_start3A_150, %dma_start3A_151] : memref<40x128xf32, #tpu.memory_space<vmem>> -> memref<40x128xf32, #tpu.memory_space<vmem>>
        tpu.enqueue_dma source(%dma_start3A_152 : memref<40x128xf32, #tpu.memory_space<vmem>>) target(%dma_start3A_149 : memref<40x128xf32, #tpu.memory_space<vmem_shared>>) target_semaphore(%run_scoped3A : memref<!tpu.dma_semaphore, #tpu.memory_space<semaphore_mem>>)
        %dma_wait3A_153 = arith.constant 0 : i32
        %dma_wait3A_154 = arith.constant 0 : i32
        %dma_wait3A_155 = tpu.memref_slice %arg21[%dma_wait3A_153, %dma_wait3A_154] : memref<40x128xf32, #tpu.memory_space<vmem>> -> memref<40x128xf32, #tpu.memory_space<vmem>>
        %dma_wait3A_156 = arith.constant 0 : i32
        %dma_wait3A_157 = tpu.memref_slice %arg23[%add3A_120, %dma_wait3A_156] : memref<10000x128xf32, #tpu.memory_space<vmem_shared>> -> memref<40x128xf32, #tpu.memory_space<vmem_shared>>
        %dma_wait3A_158 = arith.constant 0 : i32
        %dma_wait3A_159 = tpu.memref_slice %arg23[%add3A_120, %dma_wait3A_158] : memref<10000x128xf32, #tpu.memory_space<vmem_shared>> -> memref<40x128xf32, #tpu.memory_space<vmem_shared>>
        %dma_wait3A_160 = arith.constant 0 : i32
        %dma_wait3A_161 = arith.constant 0 : i32
        %dma_wait3A_162 = tpu.memref_slice %arg21[%dma_wait3A_160, %dma_wait3A_161] : memref<40x128xf32, #tpu.memory_space<vmem>> -> memref<40x128xf32, #tpu.memory_space<vmem>>
        tpu.wait_dma2 semaphore(%run_scoped3A : memref<!tpu.dma_semaphore, #tpu.memory_space<semaphore_mem>>) src(%dma_wait3A_162 : memref<40x128xf32, #tpu.memory_space<vmem>>) dst(%dma_wait3A_159 : memref<40x128xf32, #tpu.memory_space<vmem_shared>>)
        tpu.yield
      }) : () -> ()
      %add3A_121 = arith.constant 200 : i32
      %add3A_122 = arith.addi %mul3A_11, %add3A_121 : i32
      "tpu.region"() ({
        %run_scoped3A = tpu.sem_alloc : memref<!tpu.dma_semaphore, #tpu.memory_space<semaphore_mem>>
        %dma_start3A_143 = arith.constant 0 : i32
        %dma_start3A_144 = arith.constant 0 : i32
        %dma_start3A_145 = tpu.memref_slice %arg21[%dma_start3A_143, %dma_start3A_144] : memref<40x128xf32, #tpu.memory_space<vmem>> -> memref<40x128xf32, #tpu.memory_space<vmem>>
        %dma_start3A_146 = arith.constant 0 : i32
        %dma_start3A_147 = tpu.memref_slice %arg23[%add3A_122, %dma_start3A_146] : memref<10000x128xf32, #tpu.memory_space<vmem_shared>> -> memref<40x128xf32, #tpu.memory_space<vmem_shared>>
        %dma_start3A_148 = arith.constant 0 : i32
        %dma_start3A_149 = tpu.memref_slice %arg23[%add3A_122, %dma_start3A_148] : memref<10000x128xf32, #tpu.memory_space<vmem_shared>> -> memref<40x128xf32, #tpu.memory_space<vmem_shared>>
        %dma_start3A_150 = arith.constant 0 : i32
        %dma_start3A_151 = arith.constant 0 : i32
        %dma_start3A_152 = tpu.memref_slice %arg21[%dma_start3A_150, %dma_start3A_151] : memref<40x128xf32, #tpu.memory_space<vmem>> -> memref<40x128xf32, #tpu.memory_space<vmem>>
        tpu.enqueue_dma source(%dma_start3A_152 : memref<40x128xf32, #tpu.memory_space<vmem>>) target(%dma_start3A_149 : memref<40x128xf32, #tpu.memory_space<vmem_shared>>) target_semaphore(%run_scoped3A : memref<!tpu.dma_semaphore, #tpu.memory_space<semaphore_mem>>)
        %dma_wait3A_153 = arith.constant 0 : i32
        %dma_wait3A_154 = arith.constant 0 : i32
        %dma_wait3A_155 = tpu.memref_slice %arg21[%dma_wait3A_153, %dma_wait3A_154] : memref<40x128xf32, #tpu.memory_space<vmem>> -> memref<40x128xf32, #tpu.memory_space<vmem>>
        %dma_wait3A_156 = arith.constant 0 : i32
        %dma_wait3A_157 = tpu.memref_slice %arg23[%add3A_122, %dma_wait3A_156] : memref<10000x128xf32, #tpu.memory_space<vmem_shared>> -> memref<40x128xf32, #tpu.memory_space<vmem_shared>>
        %dma_wait3A_158 = arith.constant 0 : i32
        %dma_wait3A_159 = tpu.memref_slice %arg23[%add3A_122, %dma_wait3A_158] : memref<10000x128xf32, #tpu.memory_space<vmem_shared>> -> memref<40x128xf32, #tpu.memory_space<vmem_shared>>
        %dma_wait3A_160 = arith.constant 0 : i32
        %dma_wait3A_161 = arith.constant 0 : i32
        %dma_wait3A_162 = tpu.memref_slice %arg21[%dma_wait3A_160, %dma_wait3A_161] : memref<40x128xf32, #tpu.memory_space<vmem>> -> memref<40x128xf32, #tpu.memory_space<vmem>>
        tpu.wait_dma2 semaphore(%run_scoped3A : memref<!tpu.dma_semaphore, #tpu.memory_space<semaphore_mem>>) src(%dma_wait3A_162 : memref<40x128xf32, #tpu.memory_space<vmem>>) dst(%dma_wait3A_159 : memref<40x128xf32, #tpu.memory_space<vmem_shared>>)
        tpu.yield
      }) : () -> ()
      %add3A_123 = arith.constant 240 : i32
      %add3A_124 = arith.addi %mul3A_11, %add3A_123 : i32
      "tpu.region"() ({
        %run_scoped3A = tpu.sem_alloc : memref<!tpu.dma_semaphore, #tpu.memory_space<semaphore_mem>>
        %dma_start3A_143 = arith.constant 0 : i32
        %dma_start3A_144 = arith.constant 0 : i32
        %dma_start3A_145 = tpu.memref_slice %arg21[%dma_start3A_143, %dma_start3A_144] : memref<40x128xf32, #tpu.memory_space<vmem>> -> memref<40x128xf32, #tpu.memory_space<vmem>>
        %dma_start3A_146 = arith.constant 0 : i32
        %dma_start3A_147 = tpu.memref_slice %arg23[%add3A_124, %dma_start3A_146] : memref<10000x128xf32, #tpu.memory_space<vmem_shared>> -> memref<40x128xf32, #tpu.memory_space<vmem_shared>>
        %dma_start3A_148 = arith.constant 0 : i32
        %dma_start3A_149 = tpu.memref_slice %arg23[%add3A_124, %dma_start3A_148] : memref<10000x128xf32, #tpu.memory_space<vmem_shared>> -> memref<40x128xf32, #tpu.memory_space<vmem_shared>>
        %dma_start3A_150 = arith.constant 0 : i32
        %dma_start3A_151 = arith.constant 0 : i32
        %dma_start3A_152 = tpu.memref_slice %arg21[%dma_start3A_150, %dma_start3A_151] : memref<40x128xf32, #tpu.memory_space<vmem>> -> memref<40x128xf32, #tpu.memory_space<vmem>>
        tpu.enqueue_dma source(%dma_start3A_152 : memref<40x128xf32, #tpu.memory_space<vmem>>) target(%dma_start3A_149 : memref<40x128xf32, #tpu.memory_space<vmem_shared>>) target_semaphore(%run_scoped3A : memref<!tpu.dma_semaphore, #tpu.memory_space<semaphore_mem>>)
        %dma_wait3A_153 = arith.constant 0 : i32
        %dma_wait3A_154 = arith.constant 0 : i32
        %dma_wait3A_155 = tpu.memref_slice %arg21[%dma_wait3A_153, %dma_wait3A_154] : memref<40x128xf32, #tpu.memory_space<vmem>> -> memref<40x128xf32, #tpu.memory_space<vmem>>
        %dma_wait3A_156 = arith.constant 0 : i32
        %dma_wait3A_157 = tpu.memref_slice %arg23[%add3A_124, %dma_wait3A_156] : memref<10000x128xf32, #tpu.memory_space<vmem_shared>> -> memref<40x128xf32, #tpu.memory_space<vmem_shared>>
        %dma_wait3A_158 = arith.constant 0 : i32
        %dma_wait3A_159 = tpu.memref_slice %arg23[%add3A_124, %dma_wait3A_158] : memref<10000x128xf32, #tpu.memory_space<vmem_shared>> -> memref<40x128xf32, #tpu.memory_space<vmem_shared>>
        %dma_wait3A_160 = arith.constant 0 : i32
        %dma_wait3A_161 = arith.constant 0 : i32
        %dma_wait3A_162 = tpu.memref_slice %arg21[%dma_wait3A_160, %dma_wait3A_161] : memref<40x128xf32, #tpu.memory_space<vmem>> -> memref<40x128xf32, #tpu.memory_space<vmem>>
        tpu.wait_dma2 semaphore(%run_scoped3A : memref<!tpu.dma_semaphore, #tpu.memory_space<semaphore_mem>>) src(%dma_wait3A_162 : memref<40x128xf32, #tpu.memory_space<vmem>>) dst(%dma_wait3A_159 : memref<40x128xf32, #tpu.memory_space<vmem_shared>>)
        tpu.yield
      }) : () -> ()
      %add3A_125 = arith.constant 280 : i32
      %add3A_126 = arith.addi %mul3A_11, %add3A_125 : i32
      "tpu.region"() ({
        %run_scoped3A = tpu.sem_alloc : memref<!tpu.dma_semaphore, #tpu.memory_space<semaphore_mem>>
        %dma_start3A_143 = arith.constant 0 : i32
        %dma_start3A_144 = arith.constant 0 : i32
        %dma_start3A_145 = tpu.memref_slice %arg21[%dma_start3A_143, %dma_start3A_144] : memref<40x128xf32, #tpu.memory_space<vmem>> -> memref<40x128xf32, #tpu.memory_space<vmem>>
        %dma_start3A_146 = arith.constant 0 : i32
        %dma_start3A_147 = tpu.memref_slice %arg23[%add3A_126, %dma_start3A_146] : memref<10000x128xf32, #tpu.memory_space<vmem_shared>> -> memref<40x128xf32, #tpu.memory_space<vmem_shared>>
        %dma_start3A_148 = arith.constant 0 : i32
        %dma_start3A_149 = tpu.memref_slice %arg23[%add3A_126, %dma_start3A_148] : memref<10000x128xf32, #tpu.memory_space<vmem_shared>> -> memref<40x128xf32, #tpu.memory_space<vmem_shared>>
        %dma_start3A_150 = arith.constant 0 : i32
        %dma_start3A_151 = arith.constant 0 : i32
        %dma_start3A_152 = tpu.memref_slice %arg21[%dma_start3A_150, %dma_start3A_151] : memref<40x128xf32, #tpu.memory_space<vmem>> -> memref<40x128xf32, #tpu.memory_space<vmem>>
        tpu.enqueue_dma source(%dma_start3A_152 : memref<40x128xf32, #tpu.memory_space<vmem>>) target(%dma_start3A_149 : memref<40x128xf32, #tpu.memory_space<vmem_shared>>) target_semaphore(%run_scoped3A : memref<!tpu.dma_semaphore, #tpu.memory_space<semaphore_mem>>)
        %dma_wait3A_153 = arith.constant 0 : i32
        %dma_wait3A_154 = arith.constant 0 : i32
        %dma_wait3A_155 = tpu.memref_slice %arg21[%dma_wait3A_153, %dma_wait3A_154] : memref<40x128xf32, #tpu.memory_space<vmem>> -> memref<40x128xf32, #tpu.memory_space<vmem>>
        %dma_wait3A_156 = arith.constant 0 : i32
        %dma_wait3A_157 = tpu.memref_slice %arg23[%add3A_126, %dma_wait3A_156] : memref<10000x128xf32, #tpu.memory_space<vmem_shared>> -> memref<40x128xf32, #tpu.memory_space<vmem_shared>>
        %dma_wait3A_158 = arith.constant 0 : i32
        %dma_wait3A_159 = tpu.memref_slice %arg23[%add3A_126, %dma_wait3A_158] : memref<10000x128xf32, #tpu.memory_space<vmem_shared>> -> memref<40x128xf32, #tpu.memory_space<vmem_shared>>
        %dma_wait3A_160 = arith.constant 0 : i32
        %dma_wait3A_161 = arith.constant 0 : i32
        %dma_wait3A_162 = tpu.memref_slice %arg21[%dma_wait3A_160, %dma_wait3A_161] : memref<40x128xf32, #tpu.memory_space<vmem>> -> memref<40x128xf32, #tpu.memory_space<vmem>>
        tpu.wait_dma2 semaphore(%run_scoped3A : memref<!tpu.dma_semaphore, #tpu.memory_space<semaphore_mem>>) src(%dma_wait3A_162 : memref<40x128xf32, #tpu.memory_space<vmem>>) dst(%dma_wait3A_159 : memref<40x128xf32, #tpu.memory_space<vmem_shared>>)
        tpu.yield
      }) : () -> ()
      %add3A_127 = arith.constant 320 : i32
      %add3A_128 = arith.addi %mul3A_11, %add3A_127 : i32
      "tpu.region"() ({
        %run_scoped3A = tpu.sem_alloc : memref<!tpu.dma_semaphore, #tpu.memory_space<semaphore_mem>>
        %dma_start3A_143 = arith.constant 0 : i32
        %dma_start3A_144 = arith.constant 0 : i32
        %dma_start3A_145 = tpu.memref_slice %arg21[%dma_start3A_143, %dma_start3A_144] : memref<40x128xf32, #tpu.memory_space<vmem>> -> memref<40x128xf32, #tpu.memory_space<vmem>>
        %dma_start3A_146 = arith.constant 0 : i32
        %dma_start3A_147 = tpu.memref_slice %arg23[%add3A_128, %dma_start3A_146] : memref<10000x128xf32, #tpu.memory_space<vmem_shared>> -> memref<40x128xf32, #tpu.memory_space<vmem_shared>>
        %dma_start3A_148 = arith.constant 0 : i32
        %dma_start3A_149 = tpu.memref_slice %arg23[%add3A_128, %dma_start3A_148] : memref<10000x128xf32, #tpu.memory_space<vmem_shared>> -> memref<40x128xf32, #tpu.memory_space<vmem_shared>>
        %dma_start3A_150 = arith.constant 0 : i32
        %dma_start3A_151 = arith.constant 0 : i32
        %dma_start3A_152 = tpu.memref_slice %arg21[%dma_start3A_150, %dma_start3A_151] : memref<40x128xf32, #tpu.memory_space<vmem>> -> memref<40x128xf32, #tpu.memory_space<vmem>>
        tpu.enqueue_dma source(%dma_start3A_152 : memref<40x128xf32, #tpu.memory_space<vmem>>) target(%dma_start3A_149 : memref<40x128xf32, #tpu.memory_space<vmem_shared>>) target_semaphore(%run_scoped3A : memref<!tpu.dma_semaphore, #tpu.memory_space<semaphore_mem>>)
        %dma_wait3A_153 = arith.constant 0 : i32
        %dma_wait3A_154 = arith.constant 0 : i32
        %dma_wait3A_155 = tpu.memref_slice %arg21[%dma_wait3A_153, %dma_wait3A_154] : memref<40x128xf32, #tpu.memory_space<vmem>> -> memref<40x128xf32, #tpu.memory_space<vmem>>
        %dma_wait3A_156 = arith.constant 0 : i32
        %dma_wait3A_157 = tpu.memref_slice %arg23[%add3A_128, %dma_wait3A_156] : memref<10000x128xf32, #tpu.memory_space<vmem_shared>> -> memref<40x128xf32, #tpu.memory_space<vmem_shared>>
        %dma_wait3A_158 = arith.constant 0 : i32
        %dma_wait3A_159 = tpu.memref_slice %arg23[%add3A_128, %dma_wait3A_158] : memref<10000x128xf32, #tpu.memory_space<vmem_shared>> -> memref<40x128xf32, #tpu.memory_space<vmem_shared>>
        %dma_wait3A_160 = arith.constant 0 : i32
        %dma_wait3A_161 = arith.constant 0 : i32
        %dma_wait3A_162 = tpu.memref_slice %arg21[%dma_wait3A_160, %dma_wait3A_161] : memref<40x128xf32, #tpu.memory_space<vmem>> -> memref<40x128xf32, #tpu.memory_space<vmem>>
        tpu.wait_dma2 semaphore(%run_scoped3A : memref<!tpu.dma_semaphore, #tpu.memory_space<semaphore_mem>>) src(%dma_wait3A_162 : memref<40x128xf32, #tpu.memory_space<vmem>>) dst(%dma_wait3A_159 : memref<40x128xf32, #tpu.memory_space<vmem_shared>>)
        tpu.yield
      }) : () -> ()
      %add3A_129 = arith.constant 360 : i32
      %add3A_130 = arith.addi %mul3A_11, %add3A_129 : i32
      "tpu.region"() ({
        %run_scoped3A = tpu.sem_alloc : memref<!tpu.dma_semaphore, #tpu.memory_space<semaphore_mem>>
        %dma_start3A_143 = arith.constant 0 : i32
        %dma_start3A_144 = arith.constant 0 : i32
        %dma_start3A_145 = tpu.memref_slice %arg21[%dma_start3A_143, %dma_start3A_144] : memref<40x128xf32, #tpu.memory_space<vmem>> -> memref<40x128xf32, #tpu.memory_space<vmem>>
        %dma_start3A_146 = arith.constant 0 : i32
        %dma_start3A_147 = tpu.memref_slice %arg23[%add3A_130, %dma_start3A_146] : memref<10000x128xf32, #tpu.memory_space<vmem_shared>> -> memref<40x128xf32, #tpu.memory_space<vmem_shared>>
        %dma_start3A_148 = arith.constant 0 : i32
        %dma_start3A_149 = tpu.memref_slice %arg23[%add3A_130, %dma_start3A_148] : memref<10000x128xf32, #tpu.memory_space<vmem_shared>> -> memref<40x128xf32, #tpu.memory_space<vmem_shared>>
        %dma_start3A_150 = arith.constant 0 : i32
        %dma_start3A_151 = arith.constant 0 : i32
        %dma_start3A_152 = tpu.memref_slice %arg21[%dma_start3A_150, %dma_start3A_151] : memref<40x128xf32, #tpu.memory_space<vmem>> -> memref<40x128xf32, #tpu.memory_space<vmem>>
        tpu.enqueue_dma source(%dma_start3A_152 : memref<40x128xf32, #tpu.memory_space<vmem>>) target(%dma_start3A_149 : memref<40x128xf32, #tpu.memory_space<vmem_shared>>) target_semaphore(%run_scoped3A : memref<!tpu.dma_semaphore, #tpu.memory_space<semaphore_mem>>)
        %dma_wait3A_153 = arith.constant 0 : i32
        %dma_wait3A_154 = arith.constant 0 : i32
        %dma_wait3A_155 = tpu.memref_slice %arg21[%dma_wait3A_153, %dma_wait3A_154] : memref<40x128xf32, #tpu.memory_space<vmem>> -> memref<40x128xf32, #tpu.memory_space<vmem>>
        %dma_wait3A_156 = arith.constant 0 : i32
        %dma_wait3A_157 = tpu.memref_slice %arg23[%add3A_130, %dma_wait3A_156] : memref<10000x128xf32, #tpu.memory_space<vmem_shared>> -> memref<40x128xf32, #tpu.memory_space<vmem_shared>>
        %dma_wait3A_158 = arith.constant 0 : i32
        %dma_wait3A_159 = tpu.memref_slice %arg23[%add3A_130, %dma_wait3A_158] : memref<10000x128xf32, #tpu.memory_space<vmem_shared>> -> memref<40x128xf32, #tpu.memory_space<vmem_shared>>
        %dma_wait3A_160 = arith.constant 0 : i32
        %dma_wait3A_161 = arith.constant 0 : i32
        %dma_wait3A_162 = tpu.memref_slice %arg21[%dma_wait3A_160, %dma_wait3A_161] : memref<40x128xf32, #tpu.memory_space<vmem>> -> memref<40x128xf32, #tpu.memory_space<vmem>>
        tpu.wait_dma2 semaphore(%run_scoped3A : memref<!tpu.dma_semaphore, #tpu.memory_space<semaphore_mem>>) src(%dma_wait3A_162 : memref<40x128xf32, #tpu.memory_space<vmem>>) dst(%dma_wait3A_159 : memref<40x128xf32, #tpu.memory_space<vmem_shared>>)
        tpu.yield
      }) : () -> ()
      %add3A_131 = arith.constant 400 : i32
      %add3A_132 = arith.addi %mul3A_11, %add3A_131 : i32
      "tpu.region"() ({
        %run_scoped3A = tpu.sem_alloc : memref<!tpu.dma_semaphore, #tpu.memory_space<semaphore_mem>>
        %dma_start3A_143 = arith.constant 0 : i32
        %dma_start3A_144 = arith.constant 0 : i32
        %dma_start3A_145 = tpu.memref_slice %arg21[%dma_start3A_143, %dma_start3A_144] : memref<40x128xf32, #tpu.memory_space<vmem>> -> memref<40x128xf32, #tpu.memory_space<vmem>>
        %dma_start3A_146 = arith.constant 0 : i32
        %dma_start3A_147 = tpu.memref_slice %arg23[%add3A_132, %dma_start3A_146] : memref<10000x128xf32, #tpu.memory_space<vmem_shared>> -> memref<40x128xf32, #tpu.memory_space<vmem_shared>>
        %dma_start3A_148 = arith.constant 0 : i32
        %dma_start3A_149 = tpu.memref_slice %arg23[%add3A_132, %dma_start3A_148] : memref<10000x128xf32, #tpu.memory_space<vmem_shared>> -> memref<40x128xf32, #tpu.memory_space<vmem_shared>>
        %dma_start3A_150 = arith.constant 0 : i32
        %dma_start3A_151 = arith.constant 0 : i32
        %dma_start3A_152 = tpu.memref_slice %arg21[%dma_start3A_150, %dma_start3A_151] : memref<40x128xf32, #tpu.memory_space<vmem>> -> memref<40x128xf32, #tpu.memory_space<vmem>>
        tpu.enqueue_dma source(%dma_start3A_152 : memref<40x128xf32, #tpu.memory_space<vmem>>) target(%dma_start3A_149 : memref<40x128xf32, #tpu.memory_space<vmem_shared>>) target_semaphore(%run_scoped3A : memref<!tpu.dma_semaphore, #tpu.memory_space<semaphore_mem>>)
        %dma_wait3A_153 = arith.constant 0 : i32
        %dma_wait3A_154 = arith.constant 0 : i32
        %dma_wait3A_155 = tpu.memref_slice %arg21[%dma_wait3A_153, %dma_wait3A_154] : memref<40x128xf32, #tpu.memory_space<vmem>> -> memref<40x128xf32, #tpu.memory_space<vmem>>
        %dma_wait3A_156 = arith.constant 0 : i32
        %dma_wait3A_157 = tpu.memref_slice %arg23[%add3A_132, %dma_wait3A_156] : memref<10000x128xf32, #tpu.memory_space<vmem_shared>> -> memref<40x128xf32, #tpu.memory_space<vmem_shared>>
        %dma_wait3A_158 = arith.constant 0 : i32
        %dma_wait3A_159 = tpu.memref_slice %arg23[%add3A_132, %dma_wait3A_158] : memref<10000x128xf32, #tpu.memory_space<vmem_shared>> -> memref<40x128xf32, #tpu.memory_space<vmem_shared>>
        %dma_wait3A_160 = arith.constant 0 : i32
        %dma_wait3A_161 = arith.constant 0 : i32
        %dma_wait3A_162 = tpu.memref_slice %arg21[%dma_wait3A_160, %dma_wait3A_161] : memref<40x128xf32, #tpu.memory_space<vmem>> -> memref<40x128xf32, #tpu.memory_space<vmem>>
        tpu.wait_dma2 semaphore(%run_scoped3A : memref<!tpu.dma_semaphore, #tpu.memory_space<semaphore_mem>>) src(%dma_wait3A_162 : memref<40x128xf32, #tpu.memory_space<vmem>>) dst(%dma_wait3A_159 : memref<40x128xf32, #tpu.memory_space<vmem_shared>>)
        tpu.yield
      }) : () -> ()
      %add3A_133 = arith.constant 440 : i32
      %add3A_134 = arith.addi %mul3A_11, %add3A_133 : i32
      "tpu.region"() ({
        %run_scoped3A = tpu.sem_alloc : memref<!tpu.dma_semaphore, #tpu.memory_space<semaphore_mem>>
        %dma_start3A_143 = arith.constant 0 : i32
        %dma_start3A_144 = arith.constant 0 : i32
        %dma_start3A_145 = tpu.memref_slice %arg21[%dma_start3A_143, %dma_start3A_144] : memref<40x128xf32, #tpu.memory_space<vmem>> -> memref<40x128xf32, #tpu.memory_space<vmem>>
        %dma_start3A_146 = arith.constant 0 : i32
        %dma_start3A_147 = tpu.memref_slice %arg23[%add3A_134, %dma_start3A_146] : memref<10000x128xf32, #tpu.memory_space<vmem_shared>> -> memref<40x128xf32, #tpu.memory_space<vmem_shared>>
        %dma_start3A_148 = arith.constant 0 : i32
        %dma_start3A_149 = tpu.memref_slice %arg23[%add3A_134, %dma_start3A_148] : memref<10000x128xf32, #tpu.memory_space<vmem_shared>> -> memref<40x128xf32, #tpu.memory_space<vmem_shared>>
        %dma_start3A_150 = arith.constant 0 : i32
        %dma_start3A_151 = arith.constant 0 : i32
        %dma_start3A_152 = tpu.memref_slice %arg21[%dma_start3A_150, %dma_start3A_151] : memref<40x128xf32, #tpu.memory_space<vmem>> -> memref<40x128xf32, #tpu.memory_space<vmem>>
        tpu.enqueue_dma source(%dma_start3A_152 : memref<40x128xf32, #tpu.memory_space<vmem>>) target(%dma_start3A_149 : memref<40x128xf32, #tpu.memory_space<vmem_shared>>) target_semaphore(%run_scoped3A : memref<!tpu.dma_semaphore, #tpu.memory_space<semaphore_mem>>)
        %dma_wait3A_153 = arith.constant 0 : i32
        %dma_wait3A_154 = arith.constant 0 : i32
        %dma_wait3A_155 = tpu.memref_slice %arg21[%dma_wait3A_153, %dma_wait3A_154] : memref<40x128xf32, #tpu.memory_space<vmem>> -> memref<40x128xf32, #tpu.memory_space<vmem>>
        %dma_wait3A_156 = arith.constant 0 : i32
        %dma_wait3A_157 = tpu.memref_slice %arg23[%add3A_134, %dma_wait3A_156] : memref<10000x128xf32, #tpu.memory_space<vmem_shared>> -> memref<40x128xf32, #tpu.memory_space<vmem_shared>>
        %dma_wait3A_158 = arith.constant 0 : i32
        %dma_wait3A_159 = tpu.memref_slice %arg23[%add3A_134, %dma_wait3A_158] : memref<10000x128xf32, #tpu.memory_space<vmem_shared>> -> memref<40x128xf32, #tpu.memory_space<vmem_shared>>
        %dma_wait3A_160 = arith.constant 0 : i32
        %dma_wait3A_161 = arith.constant 0 : i32
        %dma_wait3A_162 = tpu.memref_slice %arg21[%dma_wait3A_160, %dma_wait3A_161] : memref<40x128xf32, #tpu.memory_space<vmem>> -> memref<40x128xf32, #tpu.memory_space<vmem>>
        tpu.wait_dma2 semaphore(%run_scoped3A : memref<!tpu.dma_semaphore, #tpu.memory_space<semaphore_mem>>) src(%dma_wait3A_162 : memref<40x128xf32, #tpu.memory_space<vmem>>) dst(%dma_wait3A_159 : memref<40x128xf32, #tpu.memory_space<vmem_shared>>)
        tpu.yield
      }) : () -> ()
      %add3A_135 = arith.constant 480 : i32
      %add3A_136 = arith.addi %mul3A_11, %add3A_135 : i32
      "tpu.region"() ({
        %run_scoped3A = tpu.sem_alloc : memref<!tpu.dma_semaphore, #tpu.memory_space<semaphore_mem>>
        %dma_start3A_143 = arith.constant 0 : i32
        %dma_start3A_144 = arith.constant 0 : i32
        %dma_start3A_145 = tpu.memref_slice %arg21[%dma_start3A_143, %dma_start3A_144] : memref<40x128xf32, #tpu.memory_space<vmem>> -> memref<40x128xf32, #tpu.memory_space<vmem>>
        %dma_start3A_146 = arith.constant 0 : i32
        %dma_start3A_147 = tpu.memref_slice %arg23[%add3A_136, %dma_start3A_146] : memref<10000x128xf32, #tpu.memory_space<vmem_shared>> -> memref<40x128xf32, #tpu.memory_space<vmem_shared>>
        %dma_start3A_148 = arith.constant 0 : i32
        %dma_start3A_149 = tpu.memref_slice %arg23[%add3A_136, %dma_start3A_148] : memref<10000x128xf32, #tpu.memory_space<vmem_shared>> -> memref<40x128xf32, #tpu.memory_space<vmem_shared>>
        %dma_start3A_150 = arith.constant 0 : i32
        %dma_start3A_151 = arith.constant 0 : i32
        %dma_start3A_152 = tpu.memref_slice %arg21[%dma_start3A_150, %dma_start3A_151] : memref<40x128xf32, #tpu.memory_space<vmem>> -> memref<40x128xf32, #tpu.memory_space<vmem>>
        tpu.enqueue_dma source(%dma_start3A_152 : memref<40x128xf32, #tpu.memory_space<vmem>>) target(%dma_start3A_149 : memref<40x128xf32, #tpu.memory_space<vmem_shared>>) target_semaphore(%run_scoped3A : memref<!tpu.dma_semaphore, #tpu.memory_space<semaphore_mem>>)
        %dma_wait3A_153 = arith.constant 0 : i32
        %dma_wait3A_154 = arith.constant 0 : i32
        %dma_wait3A_155 = tpu.memref_slice %arg21[%dma_wait3A_153, %dma_wait3A_154] : memref<40x128xf32, #tpu.memory_space<vmem>> -> memref<40x128xf32, #tpu.memory_space<vmem>>
        %dma_wait3A_156 = arith.constant 0 : i32
        %dma_wait3A_157 = tpu.memref_slice %arg23[%add3A_136, %dma_wait3A_156] : memref<10000x128xf32, #tpu.memory_space<vmem_shared>> -> memref<40x128xf32, #tpu.memory_space<vmem_shared>>
        %dma_wait3A_158 = arith.constant 0 : i32
        %dma_wait3A_159 = tpu.memref_slice %arg23[%add3A_136, %dma_wait3A_158] : memref<10000x128xf32, #tpu.memory_space<vmem_shared>> -> memref<40x128xf32, #tpu.memory_space<vmem_shared>>
        %dma_wait3A_160 = arith.constant 0 : i32
        %dma_wait3A_161 = arith.constant 0 : i32
        %dma_wait3A_162 = tpu.memref_slice %arg21[%dma_wait3A_160, %dma_wait3A_161] : memref<40x128xf32, #tpu.memory_space<vmem>> -> memref<40x128xf32, #tpu.memory_space<vmem>>
        tpu.wait_dma2 semaphore(%run_scoped3A : memref<!tpu.dma_semaphore, #tpu.memory_space<semaphore_mem>>) src(%dma_wait3A_162 : memref<40x128xf32, #tpu.memory_space<vmem>>) dst(%dma_wait3A_159 : memref<40x128xf32, #tpu.memory_space<vmem_shared>>)
        tpu.yield
      }) : () -> ()
      %add3A_137 = arith.constant 520 : i32
      %add3A_138 = arith.addi %mul3A_11, %add3A_137 : i32
      "tpu.region"() ({
        %run_scoped3A = tpu.sem_alloc : memref<!tpu.dma_semaphore, #tpu.memory_space<semaphore_mem>>
        %dma_start3A_143 = arith.constant 0 : i32
        %dma_start3A_144 = arith.constant 0 : i32
        %dma_start3A_145 = tpu.memref_slice %arg21[%dma_start3A_143, %dma_start3A_144] : memref<40x128xf32, #tpu.memory_space<vmem>> -> memref<40x128xf32, #tpu.memory_space<vmem>>
        %dma_start3A_146 = arith.constant 0 : i32
        %dma_start3A_147 = tpu.memref_slice %arg23[%add3A_138, %dma_start3A_146] : memref<10000x128xf32, #tpu.memory_space<vmem_shared>> -> memref<40x128xf32, #tpu.memory_space<vmem_shared>>
        %dma_start3A_148 = arith.constant 0 : i32
        %dma_start3A_149 = tpu.memref_slice %arg23[%add3A_138, %dma_start3A_148] : memref<10000x128xf32, #tpu.memory_space<vmem_shared>> -> memref<40x128xf32, #tpu.memory_space<vmem_shared>>
        %dma_start3A_150 = arith.constant 0 : i32
        %dma_start3A_151 = arith.constant 0 : i32
        %dma_start3A_152 = tpu.memref_slice %arg21[%dma_start3A_150, %dma_start3A_151] : memref<40x128xf32, #tpu.memory_space<vmem>> -> memref<40x128xf32, #tpu.memory_space<vmem>>
        tpu.enqueue_dma source(%dma_start3A_152 : memref<40x128xf32, #tpu.memory_space<vmem>>) target(%dma_start3A_149 : memref<40x128xf32, #tpu.memory_space<vmem_shared>>) target_semaphore(%run_scoped3A : memref<!tpu.dma_semaphore, #tpu.memory_space<semaphore_mem>>)
        %dma_wait3A_153 = arith.constant 0 : i32
        %dma_wait3A_154 = arith.constant 0 : i32
        %dma_wait3A_155 = tpu.memref_slice %arg21[%dma_wait3A_153, %dma_wait3A_154] : memref<40x128xf32, #tpu.memory_space<vmem>> -> memref<40x128xf32, #tpu.memory_space<vmem>>
        %dma_wait3A_156 = arith.constant 0 : i32
        %dma_wait3A_157 = tpu.memref_slice %arg23[%add3A_138, %dma_wait3A_156] : memref<10000x128xf32, #tpu.memory_space<vmem_shared>> -> memref<40x128xf32, #tpu.memory_space<vmem_shared>>
        %dma_wait3A_158 = arith.constant 0 : i32
        %dma_wait3A_159 = tpu.memref_slice %arg23[%add3A_138, %dma_wait3A_158] : memref<10000x128xf32, #tpu.memory_space<vmem_shared>> -> memref<40x128xf32, #tpu.memory_space<vmem_shared>>
        %dma_wait3A_160 = arith.constant 0 : i32
        %dma_wait3A_161 = arith.constant 0 : i32
        %dma_wait3A_162 = tpu.memref_slice %arg21[%dma_wait3A_160, %dma_wait3A_161] : memref<40x128xf32, #tpu.memory_space<vmem>> -> memref<40x128xf32, #tpu.memory_space<vmem>>
        tpu.wait_dma2 semaphore(%run_scoped3A : memref<!tpu.dma_semaphore, #tpu.memory_space<semaphore_mem>>) src(%dma_wait3A_162 : memref<40x128xf32, #tpu.memory_space<vmem>>) dst(%dma_wait3A_159 : memref<40x128xf32, #tpu.memory_space<vmem_shared>>)
        tpu.yield
      }) : () -> ()
      %add3A_139 = arith.constant 560 : i32
      %add3A_140 = arith.addi %mul3A_11, %add3A_139 : i32
      "tpu.region"() ({
        %run_scoped3A = tpu.sem_alloc : memref<!tpu.dma_semaphore, #tpu.memory_space<semaphore_mem>>
        %dma_start3A_143 = arith.constant 0 : i32
        %dma_start3A_144 = arith.constant 0 : i32
        %dma_start3A_145 = tpu.memref_slice %arg21[%dma_start3A_143, %dma_start3A_144] : memref<40x128xf32, #tpu.memory_space<vmem>> -> memref<40x128xf32, #tpu.memory_space<vmem>>
        %dma_start3A_146 = arith.constant 0 : i32
        %dma_start3A_147 = tpu.memref_slice %arg23[%add3A_140, %dma_start3A_146] : memref<10000x128xf32, #tpu.memory_space<vmem_shared>> -> memref<40x128xf32, #tpu.memory_space<vmem_shared>>
        %dma_start3A_148 = arith.constant 0 : i32
        %dma_start3A_149 = tpu.memref_slice %arg23[%add3A_140, %dma_start3A_148] : memref<10000x128xf32, #tpu.memory_space<vmem_shared>> -> memref<40x128xf32, #tpu.memory_space<vmem_shared>>
        %dma_start3A_150 = arith.constant 0 : i32
        %dma_start3A_151 = arith.constant 0 : i32
        %dma_start3A_152 = tpu.memref_slice %arg21[%dma_start3A_150, %dma_start3A_151] : memref<40x128xf32, #tpu.memory_space<vmem>> -> memref<40x128xf32, #tpu.memory_space<vmem>>
        tpu.enqueue_dma source(%dma_start3A_152 : memref<40x128xf32, #tpu.memory_space<vmem>>) target(%dma_start3A_149 : memref<40x128xf32, #tpu.memory_space<vmem_shared>>) target_semaphore(%run_scoped3A : memref<!tpu.dma_semaphore, #tpu.memory_space<semaphore_mem>>)
        %dma_wait3A_153 = arith.constant 0 : i32
        %dma_wait3A_154 = arith.constant 0 : i32
        %dma_wait3A_155 = tpu.memref_slice %arg21[%dma_wait3A_153, %dma_wait3A_154] : memref<40x128xf32, #tpu.memory_space<vmem>> -> memref<40x128xf32, #tpu.memory_space<vmem>>
        %dma_wait3A_156 = arith.constant 0 : i32
        %dma_wait3A_157 = tpu.memref_slice %arg23[%add3A_140, %dma_wait3A_156] : memref<10000x128xf32, #tpu.memory_space<vmem_shared>> -> memref<40x128xf32, #tpu.memory_space<vmem_shared>>
        %dma_wait3A_158 = arith.constant 0 : i32
        %dma_wait3A_159 = tpu.memref_slice %arg23[%add3A_140, %dma_wait3A_158] : memref<10000x128xf32, #tpu.memory_space<vmem_shared>> -> memref<40x128xf32, #tpu.memory_space<vmem_shared>>
        %dma_wait3A_160 = arith.constant 0 : i32
        %dma_wait3A_161 = arith.constant 0 : i32
        %dma_wait3A_162 = tpu.memref_slice %arg21[%dma_wait3A_160, %dma_wait3A_161] : memref<40x128xf32, #tpu.memory_space<vmem>> -> memref<40x128xf32, #tpu.memory_space<vmem>>
        tpu.wait_dma2 semaphore(%run_scoped3A : memref<!tpu.dma_semaphore, #tpu.memory_space<semaphore_mem>>) src(%dma_wait3A_162 : memref<40x128xf32, #tpu.memory_space<vmem>>) dst(%dma_wait3A_159 : memref<40x128xf32, #tpu.memory_space<vmem_shared>>)
        tpu.yield
      }) : () -> ()
      %add3A_141 = arith.constant 600 : i32
      %add3A_142 = arith.addi %mul3A_11, %add3A_141 : i32
      "tpu.region"() ({
        %run_scoped3A = tpu.sem_alloc : memref<!tpu.dma_semaphore, #tpu.memory_space<semaphore_mem>>
        %dma_start3A_143 = arith.constant 0 : i32
        %dma_start3A_144 = arith.constant 0 : i32
        %dma_start3A_145 = tpu.memref_slice %arg21[%dma_start3A_143, %dma_start3A_144] : memref<40x128xf32, #tpu.memory_space<vmem>> -> memref<40x128xf32, #tpu.memory_space<vmem>>
        %dma_start3A_146 = arith.constant 0 : i32
        %dma_start3A_147 = tpu.memref_slice %arg23[%add3A_142, %dma_start3A_146] : memref<10000x128xf32, #tpu.memory_space<vmem_shared>> -> memref<40x128xf32, #tpu.memory_space<vmem_shared>>
        %dma_start3A_148 = arith.constant 0 : i32
        %dma_start3A_149 = tpu.memref_slice %arg23[%add3A_142, %dma_start3A_148] : memref<10000x128xf32, #tpu.memory_space<vmem_shared>> -> memref<40x128xf32, #tpu.memory_space<vmem_shared>>
        %dma_start3A_150 = arith.constant 0 : i32
        %dma_start3A_151 = arith.constant 0 : i32
        %dma_start3A_152 = tpu.memref_slice %arg21[%dma_start3A_150, %dma_start3A_151] : memref<40x128xf32, #tpu.memory_space<vmem>> -> memref<40x128xf32, #tpu.memory_space<vmem>>
        tpu.enqueue_dma source(%dma_start3A_152 : memref<40x128xf32, #tpu.memory_space<vmem>>) target(%dma_start3A_149 : memref<40x128xf32, #tpu.memory_space<vmem_shared>>) target_semaphore(%run_scoped3A : memref<!tpu.dma_semaphore, #tpu.memory_space<semaphore_mem>>)
        %dma_wait3A_153 = arith.constant 0 : i32
        %dma_wait3A_154 = arith.constant 0 : i32
        %dma_wait3A_155 = tpu.memref_slice %arg21[%dma_wait3A_153, %dma_wait3A_154] : memref<40x128xf32, #tpu.memory_space<vmem>> -> memref<40x128xf32, #tpu.memory_space<vmem>>
        %dma_wait3A_156 = arith.constant 0 : i32
        %dma_wait3A_157 = tpu.memref_slice %arg23[%add3A_142, %dma_wait3A_156] : memref<10000x128xf32, #tpu.memory_space<vmem_shared>> -> memref<40x128xf32, #tpu.memory_space<vmem_shared>>
        %dma_wait3A_158 = arith.constant 0 : i32
        %dma_wait3A_159 = tpu.memref_slice %arg23[%add3A_142, %dma_wait3A_158] : memref<10000x128xf32, #tpu.memory_space<vmem_shared>> -> memref<40x128xf32, #tpu.memory_space<vmem_shared>>
        %dma_wait3A_160 = arith.constant 0 : i32
        %dma_wait3A_161 = arith.constant 0 : i32
        %dma_wait3A_162 = tpu.memref_slice %arg21[%dma_wait3A_160, %dma_wait3A_161] : memref<40x128xf32, #tpu.memory_space<vmem>> -> memref<40x128xf32, #tpu.memory_space<vmem>>
        tpu.wait_dma2 semaphore(%run_scoped3A : memref<!tpu.dma_semaphore, #tpu.memory_space<semaphore_mem>>) src(%dma_wait3A_162 : memref<40x128xf32, #tpu.memory_space<vmem>>) dst(%dma_wait3A_159 : memref<40x128xf32, #tpu.memory_space<vmem_shared>>)
        tpu.yield
      }) : () -> ()
    } else {
    }
    %barrier3A = arith.constant 0 : index
    tpu.barrier barrier_id(%barrier3A)
    %mul3A_18 = arith.constant 5000 : i32
    %mul3A_19 = arith.muli %add3A, %mul3A_18 : i32
    %add3A_20 = arith.constant 0 : i32
    %add3A_21 = arith.addi %mul3A_19, %add3A_20 : i32
    %dma_start3A = tpu.memref_slice %arg4[%add3A_21] : memref<160000xi32, #tpu.memory_space<hbm>> -> memref<40xi32, #tpu.memory_space<hbm>>
    %dma_start3A_22 = tpu.memref_slice %arg4[%add3A_21] : memref<160000xi32, #tpu.memory_space<hbm>> -> memref<40xi32, #tpu.memory_space<hbm>>
    tpu.enqueue_dma source(%dma_start3A_22 : memref<40xi32, #tpu.memory_space<hbm>>) target(%arg9 : memref<40xi32, #tpu.memory_space<vmem>>) target_semaphore(%arg24 : memref<!tpu.dma_semaphore, #tpu.memory_space<semaphore_mem>>)
    %dma_start3A_23 = tpu.memref_slice %arg5[%add3A_21] : memref<160000xi32, #tpu.memory_space<hbm>> -> memref<40xi32, #tpu.memory_space<hbm>>
    %dma_start3A_24 = tpu.memref_slice %arg5[%add3A_21] : memref<160000xi32, #tpu.memory_space<hbm>> -> memref<40xi32, #tpu.memory_space<hbm>>
    tpu.enqueue_dma source(%dma_start3A_24 : memref<40xi32, #tpu.memory_space<hbm>>) target(%arg11 : memref<40xi32, #tpu.memory_space<vmem>>) target_semaphore(%arg24 : memref<!tpu.dma_semaphore, #tpu.memory_space<semaphore_mem>>)
    %mul3A_25 = arith.constant 5000 : i32
    %mul3A_26 = arith.muli %add3A, %mul3A_25 : i32
    %add3A_27 = arith.constant 40 : i32
    %add3A_28 = arith.addi %mul3A_26, %add3A_27 : i32
    %dma_start3A_29 = tpu.memref_slice %arg4[%add3A_28] : memref<160000xi32, #tpu.memory_space<hbm>> -> memref<40xi32, #tpu.memory_space<hbm>>
    %dma_start3A_30 = tpu.memref_slice %arg4[%add3A_28] : memref<160000xi32, #tpu.memory_space<hbm>> -> memref<40xi32, #tpu.memory_space<hbm>>
    tpu.enqueue_dma source(%dma_start3A_30 : memref<40xi32, #tpu.memory_space<hbm>>) target(%arg10 : memref<40xi32, #tpu.memory_space<vmem>>) target_semaphore(%arg25 : memref<!tpu.dma_semaphore, #tpu.memory_space<semaphore_mem>>)
    %dma_start3A_31 = tpu.memref_slice %arg5[%add3A_28] : memref<160000xi32, #tpu.memory_space<hbm>> -> memref<40xi32, #tpu.memory_space<hbm>>
    %dma_start3A_32 = tpu.memref_slice %arg5[%add3A_28] : memref<160000xi32, #tpu.memory_space<hbm>> -> memref<40xi32, #tpu.memory_space<hbm>>
    tpu.enqueue_dma source(%dma_start3A_32 : memref<40xi32, #tpu.memory_space<hbm>>) target(%arg12 : memref<40xi32, #tpu.memory_space<vmem>>) target_semaphore(%arg25 : memref<!tpu.dma_semaphore, #tpu.memory_space<semaphore_mem>>)
    %mul3A_33 = arith.constant 5000 : i32
    %mul3A_34 = arith.muli %add3A, %mul3A_33 : i32
    %add3A_35 = arith.constant 0 : i32
    %add3A_36 = arith.addi %mul3A_34, %add3A_35 : i32
    %dma_wait3A = tpu.memref_slice %arg4[%add3A_36] : memref<160000xi32, #tpu.memory_space<hbm>> -> memref<40xi32, #tpu.memory_space<hbm>>
    %dma_wait3A_37 = tpu.memref_slice %arg4[%add3A_36] : memref<160000xi32, #tpu.memory_space<hbm>> -> memref<40xi32, #tpu.memory_space<hbm>>
    tpu.wait_dma2 semaphore(%arg24 : memref<!tpu.dma_semaphore, #tpu.memory_space<semaphore_mem>>) src(%dma_wait3A_37 : memref<40xi32, #tpu.memory_space<hbm>>) dst(%arg9 : memref<40xi32, #tpu.memory_space<vmem>>)
    %dma_wait3A_38 = tpu.memref_slice %arg5[%add3A_36] : memref<160000xi32, #tpu.memory_space<hbm>> -> memref<40xi32, #tpu.memory_space<hbm>>
    %dma_wait3A_39 = tpu.memref_slice %arg5[%add3A_36] : memref<160000xi32, #tpu.memory_space<hbm>> -> memref<40xi32, #tpu.memory_space<hbm>>
    tpu.wait_dma2 semaphore(%arg24 : memref<!tpu.dma_semaphore, #tpu.memory_space<semaphore_mem>>) src(%dma_wait3A_39 : memref<40xi32, #tpu.memory_space<hbm>>) dst(%arg11 : memref<40xi32, #tpu.memory_space<vmem>>)
    %dma_start3A_40 = arith.constant 0 : i32
    %dma_start3A_41 = arith.constant 0 : i32
    %dma_start3A_42 = tpu.memref_slice %arg2[%dma_start3A_40, %dma_start3A_41] : memref<10000x128xf32, #tpu.memory_space<hbm>> -> memref<10000x128xf32, #tpu.memory_space<hbm>>
    tpu.enqueue_indirect_dma source(%dma_start3A_42 : memref<10000x128xf32, #tpu.memory_space<hbm>>) target(%arg15 : memref<40x128xf32, #tpu.memory_space<vmem>>) offsets(%arg9 : memref<40xi32, #tpu.memory_space<vmem>>) semaphore(%arg26 : memref<!tpu.dma_semaphore, #tpu.memory_space<semaphore_mem>>)
    %dma_start3A_43 = arith.constant 0 : i32
    %dma_start3A_44 = arith.constant 0 : i32
    %dma_start3A_45 = tpu.memref_slice %arg3[%dma_start3A_43, %dma_start3A_44] : memref<10000x128xf32, #tpu.memory_space<hbm>> -> memref<10000x128xf32, #tpu.memory_space<hbm>>
    tpu.enqueue_indirect_dma source(%dma_start3A_45 : memref<10000x128xf32, #tpu.memory_space<hbm>>) target(%arg17 : memref<40x128xf32, #tpu.memory_space<vmem>>) offsets(%arg11 : memref<40xi32, #tpu.memory_space<vmem>>) semaphore(%arg26 : memref<!tpu.dma_semaphore, #tpu.memory_space<semaphore_mem>>)
    %scan3A_46 = arith.constant 0 : i32
    %scan3A_47 = arith.constant 31 : i32
    %scan3A_48 = arith.addi %scan3A_46, %scan3A_47 : i32
    %scan3A_49 = arith.constant 1 : i32
    scf.for %scan3A_111 = %scan3A_46 to %scan3A_48 step %scan3A_49  : i32 {
      %mul3A_112 = arith.constant 1 : i32
      %mul3A_113 = arith.muli %scan3A_111, %mul3A_112 : i32
      %add3A_114 = arith.constant 0 : i32
      %add3A_115 = arith.addi %add3A_114, %mul3A_113 : i32
      %mul3A_116 = arith.constant 4 : i32
      %mul3A_117 = arith.muli %add3A_115, %mul3A_116 : i32
      %add3A_118 = arith.constant 0 : i32
      %add3A_119 = arith.addi %mul3A_117, %add3A_118 : i32
      %add3A_120 = arith.constant 1 : i32
      %add3A_121 = arith.addi %add3A_119, %add3A_120 : i32
      %lt3A_122 = arith.constant 125 : i32
      %lt3A_123 = arith.cmpi slt, %add3A_121, %lt3A_122 : i32
      %convert_element_type3A_124 = arith.extui %lt3A_123 : i1 to i32
      %cond3A_125 = arith.constant 0 : i32
      %cond3A_126 = arith.cmpi ne, %convert_element_type3A_124, %cond3A_125 : i32
      scf.if %cond3A_126 {
        %add3A_285 = arith.constant 1 : i32
        %add3A_286 = arith.addi %add3A_119, %add3A_285 : i32
        %mul3A_287 = arith.constant 5000 : i32
        %mul3A_288 = arith.muli %add3A, %mul3A_287 : i32
        %mul3A_289 = arith.constant 40 : i32
        %mul3A_290 = arith.muli %add3A_286, %mul3A_289 : i32
        %add3A_291 = arith.addi %mul3A_288, %mul3A_290 : i32
        %dma_wait3A_292 = tpu.memref_slice %arg4[%add3A_291] : memref<160000xi32, #tpu.memory_space<hbm>> -> memref<40xi32, #tpu.memory_space<hbm>>
        %dma_wait3A_293 = tpu.memref_slice %arg4[%add3A_291] : memref<160000xi32, #tpu.memory_space<hbm>> -> memref<40xi32, #tpu.memory_space<hbm>>
        tpu.wait_dma2 semaphore(%arg25 : memref<!tpu.dma_semaphore, #tpu.memory_space<semaphore_mem>>) src(%dma_wait3A_293 : memref<40xi32, #tpu.memory_space<hbm>>) dst(%arg10 : memref<40xi32, #tpu.memory_space<vmem>>)
        %dma_wait3A_294 = tpu.memref_slice %arg5[%add3A_291] : memref<160000xi32, #tpu.memory_space<hbm>> -> memref<40xi32, #tpu.memory_space<hbm>>
        %dma_wait3A_295 = tpu.memref_slice %arg5[%add3A_291] : memref<160000xi32, #tpu.memory_space<hbm>> -> memref<40xi32, #tpu.memory_space<hbm>>
        tpu.wait_dma2 semaphore(%arg25 : memref<!tpu.dma_semaphore, #tpu.memory_space<semaphore_mem>>) src(%dma_wait3A_295 : memref<40xi32, #tpu.memory_space<hbm>>) dst(%arg12 : memref<40xi32, #tpu.memory_space<vmem>>)
        %ge3A_296 = arith.constant 1 : i32
        %ge3A_297 = arith.cmpi sge, %add3A_119, %ge3A_296 : i32
        %convert_element_type3A_298 = arith.extui %ge3A_297 : i1 to i32
        %cond3A_299 = arith.constant 0 : i32
        %cond3A_300 = arith.cmpi ne, %convert_element_type3A_298, %cond3A_299 : i32
        scf.if %cond3A_300 {
          %dma_wait3A_307 = arith.constant 0 : i32
          %dma_wait3A_308 = arith.constant 0 : i32
          %dma_wait3A_309 = tpu.memref_slice %arg23[%dma_wait3A_307, %dma_wait3A_308] : memref<10000x128xf32, #tpu.memory_space<vmem_shared>> -> memref<10000x128xf32, #tpu.memory_space<vmem_shared>>
          tpu.wait_indirect_dma semaphore(%arg31 : memref<!tpu.dma_semaphore, #tpu.memory_space<semaphore_mem>>) src(%arg22 : memref<40x128xf32, #tpu.memory_space<vmem>>) dst(%dma_wait3A_309 : memref<10000x128xf32, #tpu.memory_space<vmem_shared>>)
        } else {
        }
        %dma_start3A_301 = arith.constant 0 : i32
        %dma_start3A_302 = arith.constant 0 : i32
        %dma_start3A_303 = tpu.memref_slice %arg2[%dma_start3A_301, %dma_start3A_302] : memref<10000x128xf32, #tpu.memory_space<hbm>> -> memref<10000x128xf32, #tpu.memory_space<hbm>>
        tpu.enqueue_indirect_dma source(%dma_start3A_303 : memref<10000x128xf32, #tpu.memory_space<hbm>>) target(%arg16 : memref<40x128xf32, #tpu.memory_space<vmem>>) offsets(%arg10 : memref<40xi32, #tpu.memory_space<vmem>>) semaphore(%arg27 : memref<!tpu.dma_semaphore, #tpu.memory_space<semaphore_mem>>)
        %dma_start3A_304 = arith.constant 0 : i32
        %dma_start3A_305 = arith.constant 0 : i32
        %dma_start3A_306 = tpu.memref_slice %arg3[%dma_start3A_304, %dma_start3A_305] : memref<10000x128xf32, #tpu.memory_space<hbm>> -> memref<10000x128xf32, #tpu.memory_space<hbm>>
        tpu.enqueue_indirect_dma source(%dma_start3A_306 : memref<10000x128xf32, #tpu.memory_space<hbm>>) target(%arg18 : memref<40x128xf32, #tpu.memory_space<vmem>>) offsets(%arg12 : memref<40xi32, #tpu.memory_space<vmem>>) semaphore(%arg27 : memref<!tpu.dma_semaphore, #tpu.memory_space<semaphore_mem>>)
      } else {
      }
      %dma_wait3A_127 = arith.constant 0 : i32
      %dma_wait3A_128 = arith.constant 0 : i32
      %dma_wait3A_129 = tpu.memref_slice %arg2[%dma_wait3A_127, %dma_wait3A_128] : memref<10000x128xf32, #tpu.memory_space<hbm>> -> memref<10000x128xf32, #tpu.memory_space<hbm>>
      tpu.wait_indirect_dma semaphore(%arg26 : memref<!tpu.dma_semaphore, #tpu.memory_space<semaphore_mem>>) src(%dma_wait3A_129 : memref<10000x128xf32, #tpu.memory_space<hbm>>) dst(%arg15 : memref<40x128xf32, #tpu.memory_space<vmem>>)
      %dma_wait3A_130 = arith.constant 0 : i32
      %dma_wait3A_131 = arith.constant 0 : i32
      %dma_wait3A_132 = tpu.memref_slice %arg3[%dma_wait3A_130, %dma_wait3A_131] : memref<10000x128xf32, #tpu.memory_space<hbm>> -> memref<10000x128xf32, #tpu.memory_space<hbm>>
      tpu.wait_indirect_dma semaphore(%arg26 : memref<!tpu.dma_semaphore, #tpu.memory_space<semaphore_mem>>) src(%dma_wait3A_132 : memref<10000x128xf32, #tpu.memory_space<hbm>>) dst(%arg17 : memref<40x128xf32, #tpu.memory_space<vmem>>)
      %ge3A = arith.constant 2 : i32
      %ge3A_133 = arith.cmpi sge, %add3A_119, %ge3A : i32
      %convert_element_type3A_134 = arith.extui %ge3A_133 : i1 to i32
      %cond3A_135 = arith.constant 0 : i32
      %cond3A_136 = arith.cmpi ne, %convert_element_type3A_134, %cond3A_135 : i32
      scf.if %cond3A_136 {
        %sub3A = arith.constant 2 : i32
        %sub3A_285 = arith.subi %add3A_119, %sub3A : i32
        %mul3A_286 = arith.constant 5000 : i32
        %mul3A_287 = arith.muli %add3A, %mul3A_286 : i32
        %mul3A_288 = arith.constant 40 : i32
        %mul3A_289 = arith.muli %sub3A_285, %mul3A_288 : i32
        %add3A_290 = arith.addi %mul3A_287, %mul3A_289 : i32
        %dma_wait3A_291 = arith.constant 0 : i32
        %dma_wait3A_292 = tpu.memref_slice %arg6[%add3A_290, %dma_wait3A_291] : memref<160000x16xf32, #tpu.memory_space<hbm>> -> memref<40x16xf32, #tpu.memory_space<hbm>>
        %dma_wait3A_293 = arith.constant 0 : i32
        %dma_wait3A_294 = tpu.memref_slice %arg6[%add3A_290, %dma_wait3A_293] : memref<160000x16xf32, #tpu.memory_space<hbm>> -> memref<40x16xf32, #tpu.memory_space<hbm>>
        tpu.wait_dma2 semaphore(%arg28 : memref<!tpu.dma_semaphore, #tpu.memory_space<semaphore_mem>>) src(%arg19 : memref<40x16xf32, #tpu.memory_space<vmem>>) dst(%dma_wait3A_294 : memref<40x16xf32, #tpu.memory_space<hbm>>)
      } else {
      }
      %parallel_loop3A_137 = arith.constant 0 : i32
      %parallel_loop3A_138 = arith.constant 40 : i32
      %parallel_loop3A_139 = arith.constant 1 : i32
      scf.for %parallel_loop3A_285 = %parallel_loop3A_137 to %parallel_loop3A_138 step %parallel_loop3A_139  : i32 {
        %parallel_loop3A_286 = arith.index_cast %parallel_loop3A_285 : i32 to index
        %parallel_loop3A_287 = arith.constant 0 : index
        %parallel_loop3A_288 = tpu.vector_load %arg15[%parallel_loop3A_286, %parallel_loop3A_287] {strides = array<i32>} : memref<40x128xf32, #tpu.memory_space<vmem>>, vector<1x16xf32>,
        %parallel_loop3A_289 = vector.shape_cast %parallel_loop3A_288 : vector<1x16xf32> to vector<16xf32>
        %parallel_loop3A_290 = arith.index_cast %parallel_loop3A_285 : i32 to index
        %parallel_loop3A_291 = arith.constant 0 : index
        %parallel_loop3A_292 = tpu.vector_load %arg17[%parallel_loop3A_290, %parallel_loop3A_291] {strides = array<i32>} : memref<40x128xf32, #tpu.memory_space<vmem>>, vector<1x16xf32>,
        %parallel_loop3A_293 = vector.shape_cast %parallel_loop3A_292 : vector<1x16xf32> to vector<16xf32>
        %parallel_loop3A_294 = arith.addf %parallel_loop3A_289, %parallel_loop3A_293 : vector<16xf32>
        %parallel_loop3A_295 = arith.constant 2.000000e-01 : f32
        %parallel_loop3A_296 = vector.broadcast %parallel_loop3A_295 : f32 to vector<16xf32>
        %parallel_loop3A_297 = arith.mulf %parallel_loop3A_296, %parallel_loop3A_294 : vector<16xf32>
        %parallel_loop3A_298 = arith.maximumf %parallel_loop3A_294, %parallel_loop3A_297 : vector<16xf32>
        %parallel_loop3A_299 = math.exp %parallel_loop3A_298 : vector<16xf32>
        %parallel_loop3A_300 = arith.index_cast %parallel_loop3A_285 : i32 to index
        %parallel_loop3A_301 = arith.constant 0 : index
        %parallel_loop3A_302 = tpu.vector_load %arg19[%parallel_loop3A_300, %parallel_loop3A_301] {strides = array<i32>} : memref<40x16xf32, #tpu.memory_space<vmem>>, vector<1x16xf32>,
        %parallel_loop3A_303 = vector.shape_cast %parallel_loop3A_302 : vector<1x16xf32> to vector<16xf32>
        %parallel_loop3A_304 = vector.shape_cast %parallel_loop3A_299 : vector<16xf32> to vector<1x16xf32>
        tpu.vector_store %arg19[%parallel_loop3A_300, %parallel_loop3A_301], %parallel_loop3A_304 {strides = array<i32>} : memref<40x16xf32, #tpu.memory_space<vmem>>, vector<1x16xf32>,
        %parallel_loop3A_305 = arith.index_cast %parallel_loop3A_285 : i32 to index
        %parallel_loop3A_306 = arith.constant 0 : index
        %parallel_loop3A_307 = tpu.vector_load %arg21[%parallel_loop3A_305, %parallel_loop3A_306] {strides = array<i32>} : memref<40x128xf32, #tpu.memory_space<vmem>>, vector<1x16xf32>,
        %parallel_loop3A_308 = vector.shape_cast %parallel_loop3A_307 : vector<1x16xf32> to vector<16xf32>
        %parallel_loop3A_309 = vector.shape_cast %parallel_loop3A_299 : vector<16xf32> to vector<1x16xf32>
        tpu.vector_store %arg21[%parallel_loop3A_305, %parallel_loop3A_306], %parallel_loop3A_309 {strides = array<i32>} : memref<40x128xf32, #tpu.memory_space<vmem>>, vector<1x16xf32>,
      } {sc.loop_unroll_factor = 2 : i64, sc.parallel_access}
      %mul3A_140 = arith.constant 5000 : i32
      %mul3A_141 = arith.muli %add3A, %mul3A_140 : i32
      %mul3A_142 = arith.constant 40 : i32
      %mul3A_143 = arith.muli %add3A_119, %mul3A_142 : i32
      %add3A_144 = arith.addi %mul3A_141, %mul3A_143 : i32
      %dma_start3A_145 = arith.constant 0 : i32
      %dma_start3A_146 = tpu.memref_slice %arg6[%add3A_144, %dma_start3A_145] : memref<160000x16xf32, #tpu.memory_space<hbm>> -> memref<40x16xf32, #tpu.memory_space<hbm>>
      %dma_start3A_147 = arith.constant 0 : i32
      %dma_start3A_148 = tpu.memref_slice %arg6[%add3A_144, %dma_start3A_147] : memref<160000x16xf32, #tpu.memory_space<hbm>> -> memref<40x16xf32, #tpu.memory_space<hbm>>
      tpu.enqueue_dma source(%arg19 : memref<40x16xf32, #tpu.memory_space<vmem>>) target(%dma_start3A_148 : memref<40x16xf32, #tpu.memory_space<hbm>>) target_semaphore(%arg28 : memref<!tpu.dma_semaphore, #tpu.memory_space<semaphore_mem>>)
      %dma_start3A_149 = arith.constant 0 : i32
      %dma_start3A_150 = arith.constant 0 : i32
      %dma_start3A_151 = tpu.memref_slice %arg23[%dma_start3A_149, %dma_start3A_150] : memref<10000x128xf32, #tpu.memory_space<vmem_shared>> -> memref<10000x128xf32, #tpu.memory_space<vmem_shared>>
      tpu.enqueue_indirect_dma source(%arg21 : memref<40x128xf32, #tpu.memory_space<vmem>>) target(%dma_start3A_151 : memref<10000x128xf32, #tpu.memory_space<vmem_shared>>) offsets(%arg11 : memref<40xi32, #tpu.memory_space<vmem>>) semaphore(%arg30 : memref<!tpu.dma_semaphore, #tpu.memory_space<semaphore_mem>>) {add = true}
      %add3A_152 = arith.constant 2 : i32
      %add3A_153 = arith.addi %add3A_119, %add3A_152 : i32
      %lt3A_154 = arith.constant 125 : i32
      %lt3A_155 = arith.cmpi slt, %add3A_153, %lt3A_154 : i32
      %convert_element_type3A_156 = arith.extui %lt3A_155 : i1 to i32
      %cond3A_157 = arith.constant 0 : i32
      %cond3A_158 = arith.cmpi ne, %convert_element_type3A_156, %cond3A_157 : i32
      scf.if %cond3A_158 {
        %add3A_285 = arith.constant 2 : i32
        %add3A_286 = arith.addi %add3A_119, %add3A_285 : i32
        %mul3A_287 = arith.constant 5000 : i32
        %mul3A_288 = arith.muli %add3A, %mul3A_287 : i32
        %mul3A_289 = arith.constant 40 : i32
        %mul3A_290 = arith.muli %add3A_286, %mul3A_289 : i32
        %add3A_291 = arith.addi %mul3A_288, %mul3A_290 : i32
        %dma_start3A_292 = tpu.memref_slice %arg4[%add3A_291] : memref<160000xi32, #tpu.memory_space<hbm>> -> memref<40xi32, #tpu.memory_space<hbm>>
        %dma_start3A_293 = tpu.memref_slice %arg4[%add3A_291] : memref<160000xi32, #tpu.memory_space<hbm>> -> memref<40xi32, #tpu.memory_space<hbm>>
        tpu.enqueue_dma source(%dma_start3A_293 : memref<40xi32, #tpu.memory_space<hbm>>) target(%arg9 : memref<40xi32, #tpu.memory_space<vmem>>) target_semaphore(%arg24 : memref<!tpu.dma_semaphore, #tpu.memory_space<semaphore_mem>>)
        %dma_start3A_294 = tpu.memref_slice %arg5[%add3A_291] : memref<160000xi32, #tpu.memory_space<hbm>> -> memref<40xi32, #tpu.memory_space<hbm>>
        %dma_start3A_295 = tpu.memref_slice %arg5[%add3A_291] : memref<160000xi32, #tpu.memory_space<hbm>> -> memref<40xi32, #tpu.memory_space<hbm>>
        tpu.enqueue_dma source(%dma_start3A_295 : memref<40xi32, #tpu.memory_space<hbm>>) target(%arg13 : memref<40xi32, #tpu.memory_space<vmem>>) target_semaphore(%arg24 : memref<!tpu.dma_semaphore, #tpu.memory_space<semaphore_mem>>)
      } else {
      }
      %add3A_159 = arith.constant 1 : i32
      %add3A_160 = arith.addi %mul3A_117, %add3A_159 : i32
      %add3A_161 = arith.constant 1 : i32
      %add3A_162 = arith.addi %add3A_160, %add3A_161 : i32
      %lt3A_163 = arith.constant 125 : i32
      %lt3A_164 = arith.cmpi slt, %add3A_162, %lt3A_163 : i32
      %convert_element_type3A_165 = arith.extui %lt3A_164 : i1 to i32
      %cond3A_166 = arith.constant 0 : i32
      %cond3A_167 = arith.cmpi ne, %convert_element_type3A_165, %cond3A_166 : i32
      scf.if %cond3A_167 {
        %add3A_285 = arith.constant 1 : i32
        %add3A_286 = arith.addi %add3A_160, %add3A_285 : i32
        %mul3A_287 = arith.constant 5000 : i32
        %mul3A_288 = arith.muli %add3A, %mul3A_287 : i32
        %mul3A_289 = arith.constant 40 : i32
        %mul3A_290 = arith.muli %add3A_286, %mul3A_289 : i32
        %add3A_291 = arith.addi %mul3A_288, %mul3A_290 : i32
        %dma_wait3A_292 = tpu.memref_slice %arg4[%add3A_291] : memref<160000xi32, #tpu.memory_space<hbm>> -> memref<40xi32, #tpu.memory_space<hbm>>
        %dma_wait3A_293 = tpu.memref_slice %arg4[%add3A_291] : memref<160000xi32, #tpu.memory_space<hbm>> -> memref<40xi32, #tpu.memory_space<hbm>>
        tpu.wait_dma2 semaphore(%arg24 : memref<!tpu.dma_semaphore, #tpu.memory_space<semaphore_mem>>) src(%dma_wait3A_293 : memref<40xi32, #tpu.memory_space<hbm>>) dst(%arg9 : memref<40xi32, #tpu.memory_space<vmem>>)
        %dma_wait3A_294 = tpu.memref_slice %arg5[%add3A_291] : memref<160000xi32, #tpu.memory_space<hbm>> -> memref<40xi32, #tpu.memory_space<hbm>>
        %dma_wait3A_295 = tpu.memref_slice %arg5[%add3A_291] : memref<160000xi32, #tpu.memory_space<hbm>> -> memref<40xi32, #tpu.memory_space<hbm>>
        tpu.wait_dma2 semaphore(%arg24 : memref<!tpu.dma_semaphore, #tpu.memory_space<semaphore_mem>>) src(%dma_wait3A_295 : memref<40xi32, #tpu.memory_space<hbm>>) dst(%arg13 : memref<40xi32, #tpu.memory_space<vmem>>)
        %ge3A_296 = arith.constant 1 : i32
        %ge3A_297 = arith.cmpi sge, %add3A_160, %ge3A_296 : i32
        %convert_element_type3A_298 = arith.extui %ge3A_297 : i1 to i32
        %cond3A_299 = arith.constant 0 : i32
        %cond3A_300 = arith.cmpi ne, %convert_element_type3A_298, %cond3A_299 : i32
        scf.if %cond3A_300 {
          %dma_wait3A_307 = arith.constant 0 : i32
          %dma_wait3A_308 = arith.constant 0 : i32
          %dma_wait3A_309 = tpu.memref_slice %arg23[%dma_wait3A_307, %dma_wait3A_308] : memref<10000x128xf32, #tpu.memory_space<vmem_shared>> -> memref<10000x128xf32, #tpu.memory_space<vmem_shared>>
          tpu.wait_indirect_dma semaphore(%arg30 : memref<!tpu.dma_semaphore, #tpu.memory_space<semaphore_mem>>) src(%arg21 : memref<40x128xf32, #tpu.memory_space<vmem>>) dst(%dma_wait3A_309 : memref<10000x128xf32, #tpu.memory_space<vmem_shared>>)
        } else {
        }
        %dma_start3A_301 = arith.constant 0 : i32
        %dma_start3A_302 = arith.constant 0 : i32
        %dma_start3A_303 = tpu.memref_slice %arg2[%dma_start3A_301, %dma_start3A_302] : memref<10000x128xf32, #tpu.memory_space<hbm>> -> memref<10000x128xf32, #tpu.memory_space<hbm>>
        tpu.enqueue_indirect_dma source(%dma_start3A_303 : memref<10000x128xf32, #tpu.memory_space<hbm>>) target(%arg15 : memref<40x128xf32, #tpu.memory_space<vmem>>) offsets(%arg9 : memref<40xi32, #tpu.memory_space<vmem>>) semaphore(%arg26 : memref<!tpu.dma_semaphore, #tpu.memory_space<semaphore_mem>>)
        %dma_start3A_304 = arith.constant 0 : i32
        %dma_start3A_305 = arith.constant 0 : i32
        %dma_start3A_306 = tpu.memref_slice %arg3[%dma_start3A_304, %dma_start3A_305] : memref<10000x128xf32, #tpu.memory_space<hbm>> -> memref<10000x128xf32, #tpu.memory_space<hbm>>
        tpu.enqueue_indirect_dma source(%dma_start3A_306 : memref<10000x128xf32, #tpu.memory_space<hbm>>) target(%arg17 : memref<40x128xf32, #tpu.memory_space<vmem>>) offsets(%arg13 : memref<40xi32, #tpu.memory_space<vmem>>) semaphore(%arg26 : memref<!tpu.dma_semaphore, #tpu.memory_space<semaphore_mem>>)
      } else {
      }
      %dma_wait3A_168 = arith.constant 0 : i32
      %dma_wait3A_169 = arith.constant 0 : i32
      %dma_wait3A_170 = tpu.memref_slice %arg2[%dma_wait3A_168, %dma_wait3A_169] : memref<10000x128xf32, #tpu.memory_space<hbm>> -> memref<10000x128xf32, #tpu.memory_space<hbm>>
      tpu.wait_indirect_dma semaphore(%arg27 : memref<!tpu.dma_semaphore, #tpu.memory_space<semaphore_mem>>) src(%dma_wait3A_170 : memref<10000x128xf32, #tpu.memory_space<hbm>>) dst(%arg16 : memref<40x128xf32, #tpu.memory_space<vmem>>)
      %dma_wait3A_171 = arith.constant 0 : i32
      %dma_wait3A_172 = arith.constant 0 : i32
      %dma_wait3A_173 = tpu.memref_slice %arg3[%dma_wait3A_171, %dma_wait3A_172] : memref<10000x128xf32, #tpu.memory_space<hbm>> -> memref<10000x128xf32, #tpu.memory_space<hbm>>
      tpu.wait_indirect_dma semaphore(%arg27 : memref<!tpu.dma_semaphore, #tpu.memory_space<semaphore_mem>>) src(%dma_wait3A_173 : memref<10000x128xf32, #tpu.memory_space<hbm>>) dst(%arg18 : memref<40x128xf32, #tpu.memory_space<vmem>>)
      %ge3A_174 = arith.constant 2 : i32
      %ge3A_175 = arith.cmpi sge, %add3A_160, %ge3A_174 : i32
      %convert_element_type3A_176 = arith.extui %ge3A_175 : i1 to i32
      %cond3A_177 = arith.constant 0 : i32
      %cond3A_178 = arith.cmpi ne, %convert_element_type3A_176, %cond3A_177 : i32
      scf.if %cond3A_178 {
        %sub3A = arith.constant 2 : i32
        %sub3A_285 = arith.subi %add3A_160, %sub3A : i32
        %mul3A_286 = arith.constant 5000 : i32
        %mul3A_287 = arith.muli %add3A, %mul3A_286 : i32
        %mul3A_288 = arith.constant 40 : i32
        %mul3A_289 = arith.muli %sub3A_285, %mul3A_288 : i32
        %add3A_290 = arith.addi %mul3A_287, %mul3A_289 : i32
        %dma_wait3A_291 = arith.constant 0 : i32
        %dma_wait3A_292 = tpu.memref_slice %arg6[%add3A_290, %dma_wait3A_291] : memref<160000x16xf32, #tpu.memory_space<hbm>> -> memref<40x16xf32, #tpu.memory_space<hbm>>
        %dma_wait3A_293 = arith.constant 0 : i32
        %dma_wait3A_294 = tpu.memref_slice %arg6[%add3A_290, %dma_wait3A_293] : memref<160000x16xf32, #tpu.memory_space<hbm>> -> memref<40x16xf32, #tpu.memory_space<hbm>>
        tpu.wait_dma2 semaphore(%arg29 : memref<!tpu.dma_semaphore, #tpu.memory_space<semaphore_mem>>) src(%arg20 : memref<40x16xf32, #tpu.memory_space<vmem>>) dst(%dma_wait3A_294 : memref<40x16xf32, #tpu.memory_space<hbm>>)
      } else {
      }
      %parallel_loop3A_179 = arith.constant 0 : i32
      %parallel_loop3A_180 = arith.constant 40 : i32
      %parallel_loop3A_181 = arith.constant 1 : i32
      scf.for %parallel_loop3A_285 = %parallel_loop3A_179 to %parallel_loop3A_180 step %parallel_loop3A_181  : i32 {
        %parallel_loop3A_286 = arith.index_cast %parallel_loop3A_285 : i32 to index
        %parallel_loop3A_287 = arith.constant 0 : index
        %parallel_loop3A_288 = tpu.vector_load %arg16[%parallel_loop3A_286, %parallel_loop3A_287] {strides = array<i32>} : memref<40x128xf32, #tpu.memory_space<vmem>>, vector<1x16xf32>,
        %parallel_loop3A_289 = vector.shape_cast %parallel_loop3A_288 : vector<1x16xf32> to vector<16xf32>
        %parallel_loop3A_290 = arith.index_cast %parallel_loop3A_285 : i32 to index
        %parallel_loop3A_291 = arith.constant 0 : index
        %parallel_loop3A_292 = tpu.vector_load %arg18[%parallel_loop3A_290, %parallel_loop3A_291] {strides = array<i32>} : memref<40x128xf32, #tpu.memory_space<vmem>>, vector<1x16xf32>,
        %parallel_loop3A_293 = vector.shape_cast %parallel_loop3A_292 : vector<1x16xf32> to vector<16xf32>
        %parallel_loop3A_294 = arith.addf %parallel_loop3A_289, %parallel_loop3A_293 : vector<16xf32>
        %parallel_loop3A_295 = arith.constant 2.000000e-01 : f32
        %parallel_loop3A_296 = vector.broadcast %parallel_loop3A_295 : f32 to vector<16xf32>
        %parallel_loop3A_297 = arith.mulf %parallel_loop3A_296, %parallel_loop3A_294 : vector<16xf32>
        %parallel_loop3A_298 = arith.maximumf %parallel_loop3A_294, %parallel_loop3A_297 : vector<16xf32>
        %parallel_loop3A_299 = math.exp %parallel_loop3A_298 : vector<16xf32>
        %parallel_loop3A_300 = arith.index_cast %parallel_loop3A_285 : i32 to index
        %parallel_loop3A_301 = arith.constant 0 : index
        %parallel_loop3A_302 = tpu.vector_load %arg20[%parallel_loop3A_300, %parallel_loop3A_301] {strides = array<i32>} : memref<40x16xf32, #tpu.memory_space<vmem>>, vector<1x16xf32>,
        %parallel_loop3A_303 = vector.shape_cast %parallel_loop3A_302 : vector<1x16xf32> to vector<16xf32>
        %parallel_loop3A_304 = vector.shape_cast %parallel_loop3A_299 : vector<16xf32> to vector<1x16xf32>
        tpu.vector_store %arg20[%parallel_loop3A_300, %parallel_loop3A_301], %parallel_loop3A_304 {strides = array<i32>} : memref<40x16xf32, #tpu.memory_space<vmem>>, vector<1x16xf32>,
        %parallel_loop3A_305 = arith.index_cast %parallel_loop3A_285 : i32 to index
        %parallel_loop3A_306 = arith.constant 0 : index
        %parallel_loop3A_307 = tpu.vector_load %arg22[%parallel_loop3A_305, %parallel_loop3A_306] {strides = array<i32>} : memref<40x128xf32, #tpu.memory_space<vmem>>, vector<1x16xf32>,
        %parallel_loop3A_308 = vector.shape_cast %parallel_loop3A_307 : vector<1x16xf32> to vector<16xf32>
        %parallel_loop3A_309 = vector.shape_cast %parallel_loop3A_299 : vector<16xf32> to vector<1x16xf32>
        tpu.vector_store %arg22[%parallel_loop3A_305, %parallel_loop3A_306], %parallel_loop3A_309 {strides = array<i32>} : memref<40x128xf32, #tpu.memory_space<vmem>>, vector<1x16xf32>,
      } {sc.loop_unroll_factor = 2 : i64, sc.parallel_access}
      %mul3A_182 = arith.constant 5000 : i32
      %mul3A_183 = arith.muli %add3A, %mul3A_182 : i32
      %mul3A_184 = arith.constant 40 : i32
      %mul3A_185 = arith.muli %add3A_160, %mul3A_184 : i32
      %add3A_186 = arith.addi %mul3A_183, %mul3A_185 : i32
      %dma_start3A_187 = arith.constant 0 : i32
      %dma_start3A_188 = tpu.memref_slice %arg6[%add3A_186, %dma_start3A_187] : memref<160000x16xf32, #tpu.memory_space<hbm>> -> memref<40x16xf32, #tpu.memory_space<hbm>>
      %dma_start3A_189 = arith.constant 0 : i32
      %dma_start3A_190 = tpu.memref_slice %arg6[%add3A_186, %dma_start3A_189] : memref<160000x16xf32, #tpu.memory_space<hbm>> -> memref<40x16xf32, #tpu.memory_space<hbm>>
      tpu.enqueue_dma source(%arg20 : memref<40x16xf32, #tpu.memory_space<vmem>>) target(%dma_start3A_190 : memref<40x16xf32, #tpu.memory_space<hbm>>) target_semaphore(%arg29 : memref<!tpu.dma_semaphore, #tpu.memory_space<semaphore_mem>>)
      %dma_start3A_191 = arith.constant 0 : i32
      %dma_start3A_192 = arith.constant 0 : i32
      %dma_start3A_193 = tpu.memref_slice %arg23[%dma_start3A_191, %dma_start3A_192] : memref<10000x128xf32, #tpu.memory_space<vmem_shared>> -> memref<10000x128xf32, #tpu.memory_space<vmem_shared>>
      tpu.enqueue_indirect_dma source(%arg22 : memref<40x128xf32, #tpu.memory_space<vmem>>) target(%dma_start3A_193 : memref<10000x128xf32, #tpu.memory_space<vmem_shared>>) offsets(%arg12 : memref<40xi32, #tpu.memory_space<vmem>>) semaphore(%arg31 : memref<!tpu.dma_semaphore, #tpu.memory_space<semaphore_mem>>) {add = true}
      %add3A_194 = arith.constant 2 : i32
      %add3A_195 = arith.addi %add3A_160, %add3A_194 : i32
      %lt3A_196 = arith.constant 125 : i32
      %lt3A_197 = arith.cmpi slt, %add3A_195, %lt3A_196 : i32
      %convert_element_type3A_198 = arith.extui %lt3A_197 : i1 to i32
      %cond3A_199 = arith.constant 0 : i32
      %cond3A_200 = arith.cmpi ne, %convert_element_type3A_198, %cond3A_199 : i32
      scf.if %cond3A_200 {
        %add3A_285 = arith.constant 2 : i32
        %add3A_286 = arith.addi %add3A_160, %add3A_285 : i32
        %mul3A_287 = arith.constant 5000 : i32
        %mul3A_288 = arith.muli %add3A, %mul3A_287 : i32
        %mul3A_289 = arith.constant 40 : i32
        %mul3A_290 = arith.muli %add3A_286, %mul3A_289 : i32
        %add3A_291 = arith.addi %mul3A_288, %mul3A_290 : i32
        %dma_start3A_292 = tpu.memref_slice %arg4[%add3A_291] : memref<160000xi32, #tpu.memory_space<hbm>> -> memref<40xi32, #tpu.memory_space<hbm>>
        %dma_start3A_293 = tpu.memref_slice %arg4[%add3A_291] : memref<160000xi32, #tpu.memory_space<hbm>> -> memref<40xi32, #tpu.memory_space<hbm>>
        tpu.enqueue_dma source(%dma_start3A_293 : memref<40xi32, #tpu.memory_space<hbm>>) target(%arg10 : memref<40xi32, #tpu.memory_space<vmem>>) target_semaphore(%arg25 : memref<!tpu.dma_semaphore, #tpu.memory_space<semaphore_mem>>)
        %dma_start3A_294 = tpu.memref_slice %arg5[%add3A_291] : memref<160000xi32, #tpu.memory_space<hbm>> -> memref<40xi32, #tpu.memory_space<hbm>>
        %dma_start3A_295 = tpu.memref_slice %arg5[%add3A_291] : memref<160000xi32, #tpu.memory_space<hbm>> -> memref<40xi32, #tpu.memory_space<hbm>>
        tpu.enqueue_dma source(%dma_start3A_295 : memref<40xi32, #tpu.memory_space<hbm>>) target(%arg14 : memref<40xi32, #tpu.memory_space<vmem>>) target_semaphore(%arg25 : memref<!tpu.dma_semaphore, #tpu.memory_space<semaphore_mem>>)
      } else {
      }
      %add3A_201 = arith.constant 2 : i32
      %add3A_202 = arith.addi %mul3A_117, %add3A_201 : i32
      %add3A_203 = arith.constant 1 : i32
      %add3A_204 = arith.addi %add3A_202, %add3A_203 : i32
      %lt3A_205 = arith.constant 125 : i32
      %lt3A_206 = arith.cmpi slt, %add3A_204, %lt3A_205 : i32
      %convert_element_type3A_207 = arith.extui %lt3A_206 : i1 to i32
      %cond3A_208 = arith.constant 0 : i32
      %cond3A_209 = arith.cmpi ne, %convert_element_type3A_207, %cond3A_208 : i32
      scf.if %cond3A_209 {
        %add3A_285 = arith.constant 1 : i32
        %add3A_286 = arith.addi %add3A_202, %add3A_285 : i32
        %mul3A_287 = arith.constant 5000 : i32
        %mul3A_288 = arith.muli %add3A, %mul3A_287 : i32
        %mul3A_289 = arith.constant 40 : i32
        %mul3A_290 = arith.muli %add3A_286, %mul3A_289 : i32
        %add3A_291 = arith.addi %mul3A_288, %mul3A_290 : i32
        %dma_wait3A_292 = tpu.memref_slice %arg4[%add3A_291] : memref<160000xi32, #tpu.memory_space<hbm>> -> memref<40xi32, #tpu.memory_space<hbm>>
        %dma_wait3A_293 = tpu.memref_slice %arg4[%add3A_291] : memref<160000xi32, #tpu.memory_space<hbm>> -> memref<40xi32, #tpu.memory_space<hbm>>
        tpu.wait_dma2 semaphore(%arg25 : memref<!tpu.dma_semaphore, #tpu.memory_space<semaphore_mem>>) src(%dma_wait3A_293 : memref<40xi32, #tpu.memory_space<hbm>>) dst(%arg10 : memref<40xi32, #tpu.memory_space<vmem>>)
        %dma_wait3A_294 = tpu.memref_slice %arg5[%add3A_291] : memref<160000xi32, #tpu.memory_space<hbm>> -> memref<40xi32, #tpu.memory_space<hbm>>
        %dma_wait3A_295 = tpu.memref_slice %arg5[%add3A_291] : memref<160000xi32, #tpu.memory_space<hbm>> -> memref<40xi32, #tpu.memory_space<hbm>>
        tpu.wait_dma2 semaphore(%arg25 : memref<!tpu.dma_semaphore, #tpu.memory_space<semaphore_mem>>) src(%dma_wait3A_295 : memref<40xi32, #tpu.memory_space<hbm>>) dst(%arg14 : memref<40xi32, #tpu.memory_space<vmem>>)
        %ge3A_296 = arith.constant 1 : i32
        %ge3A_297 = arith.cmpi sge, %add3A_202, %ge3A_296 : i32
        %convert_element_type3A_298 = arith.extui %ge3A_297 : i1 to i32
        %cond3A_299 = arith.constant 0 : i32
        %cond3A_300 = arith.cmpi ne, %convert_element_type3A_298, %cond3A_299 : i32
        scf.if %cond3A_300 {
          %dma_wait3A_307 = arith.constant 0 : i32
          %dma_wait3A_308 = arith.constant 0 : i32
          %dma_wait3A_309 = tpu.memref_slice %arg23[%dma_wait3A_307, %dma_wait3A_308] : memref<10000x128xf32, #tpu.memory_space<vmem_shared>> -> memref<10000x128xf32, #tpu.memory_space<vmem_shared>>
          tpu.wait_indirect_dma semaphore(%arg31 : memref<!tpu.dma_semaphore, #tpu.memory_space<semaphore_mem>>) src(%arg22 : memref<40x128xf32, #tpu.memory_space<vmem>>) dst(%dma_wait3A_309 : memref<10000x128xf32, #tpu.memory_space<vmem_shared>>)
        } else {
        }
        %dma_start3A_301 = arith.constant 0 : i32
        %dma_start3A_302 = arith.constant 0 : i32
        %dma_start3A_303 = tpu.memref_slice %arg2[%dma_start3A_301, %dma_start3A_302] : memref<10000x128xf32, #tpu.memory_space<hbm>> -> memref<10000x128xf32, #tpu.memory_space<hbm>>
        tpu.enqueue_indirect_dma source(%dma_start3A_303 : memref<10000x128xf32, #tpu.memory_space<hbm>>) target(%arg16 : memref<40x128xf32, #tpu.memory_space<vmem>>) offsets(%arg10 : memref<40xi32, #tpu.memory_space<vmem>>) semaphore(%arg27 : memref<!tpu.dma_semaphore, #tpu.memory_space<semaphore_mem>>)
        %dma_start3A_304 = arith.constant 0 : i32
        %dma_start3A_305 = arith.constant 0 : i32
        %dma_start3A_306 = tpu.memref_slice %arg3[%dma_start3A_304, %dma_start3A_305] : memref<10000x128xf32, #tpu.memory_space<hbm>> -> memref<10000x128xf32, #tpu.memory_space<hbm>>
        tpu.enqueue_indirect_dma source(%dma_start3A_306 : memref<10000x128xf32, #tpu.memory_space<hbm>>) target(%arg18 : memref<40x128xf32, #tpu.memory_space<vmem>>) offsets(%arg14 : memref<40xi32, #tpu.memory_space<vmem>>) semaphore(%arg27 : memref<!tpu.dma_semaphore, #tpu.memory_space<semaphore_mem>>)
      } else {
      }
      %dma_wait3A_210 = arith.constant 0 : i32
      %dma_wait3A_211 = arith.constant 0 : i32
      %dma_wait3A_212 = tpu.memref_slice %arg2[%dma_wait3A_210, %dma_wait3A_211] : memref<10000x128xf32, #tpu.memory_space<hbm>> -> memref<10000x128xf32, #tpu.memory_space<hbm>>
      tpu.wait_indirect_dma semaphore(%arg26 : memref<!tpu.dma_semaphore, #tpu.memory_space<semaphore_mem>>) src(%dma_wait3A_212 : memref<10000x128xf32, #tpu.memory_space<hbm>>) dst(%arg15 : memref<40x128xf32, #tpu.memory_space<vmem>>)
      %dma_wait3A_213 = arith.constant 0 : i32
      %dma_wait3A_214 = arith.constant 0 : i32
      %dma_wait3A_215 = tpu.memref_slice %arg3[%dma_wait3A_213, %dma_wait3A_214] : memref<10000x128xf32, #tpu.memory_space<hbm>> -> memref<10000x128xf32, #tpu.memory_space<hbm>>
      tpu.wait_indirect_dma semaphore(%arg26 : memref<!tpu.dma_semaphore, #tpu.memory_space<semaphore_mem>>) src(%dma_wait3A_215 : memref<10000x128xf32, #tpu.memory_space<hbm>>) dst(%arg17 : memref<40x128xf32, #tpu.memory_space<vmem>>)
      %ge3A_216 = arith.constant 2 : i32
      %ge3A_217 = arith.cmpi sge, %add3A_202, %ge3A_216 : i32
      %convert_element_type3A_218 = arith.extui %ge3A_217 : i1 to i32
      %cond3A_219 = arith.constant 0 : i32
      %cond3A_220 = arith.cmpi ne, %convert_element_type3A_218, %cond3A_219 : i32
      scf.if %cond3A_220 {
        %sub3A = arith.constant 2 : i32
        %sub3A_285 = arith.subi %add3A_202, %sub3A : i32
        %mul3A_286 = arith.constant 5000 : i32
        %mul3A_287 = arith.muli %add3A, %mul3A_286 : i32
        %mul3A_288 = arith.constant 40 : i32
        %mul3A_289 = arith.muli %sub3A_285, %mul3A_288 : i32
        %add3A_290 = arith.addi %mul3A_287, %mul3A_289 : i32
        %dma_wait3A_291 = arith.constant 0 : i32
        %dma_wait3A_292 = tpu.memref_slice %arg6[%add3A_290, %dma_wait3A_291] : memref<160000x16xf32, #tpu.memory_space<hbm>> -> memref<40x16xf32, #tpu.memory_space<hbm>>
        %dma_wait3A_293 = arith.constant 0 : i32
        %dma_wait3A_294 = tpu.memref_slice %arg6[%add3A_290, %dma_wait3A_293] : memref<160000x16xf32, #tpu.memory_space<hbm>> -> memref<40x16xf32, #tpu.memory_space<hbm>>
        tpu.wait_dma2 semaphore(%arg28 : memref<!tpu.dma_semaphore, #tpu.memory_space<semaphore_mem>>) src(%arg19 : memref<40x16xf32, #tpu.memory_space<vmem>>) dst(%dma_wait3A_294 : memref<40x16xf32, #tpu.memory_space<hbm>>)
      } else {
      }
      %parallel_loop3A_221 = arith.constant 0 : i32
      %parallel_loop3A_222 = arith.constant 40 : i32
      %parallel_loop3A_223 = arith.constant 1 : i32
      scf.for %parallel_loop3A_285 = %parallel_loop3A_221 to %parallel_loop3A_222 step %parallel_loop3A_223  : i32 {
        %parallel_loop3A_286 = arith.index_cast %parallel_loop3A_285 : i32 to index
        %parallel_loop3A_287 = arith.constant 0 : index
        %parallel_loop3A_288 = tpu.vector_load %arg15[%parallel_loop3A_286, %parallel_loop3A_287] {strides = array<i32>} : memref<40x128xf32, #tpu.memory_space<vmem>>, vector<1x16xf32>,
        %parallel_loop3A_289 = vector.shape_cast %parallel_loop3A_288 : vector<1x16xf32> to vector<16xf32>
        %parallel_loop3A_290 = arith.index_cast %parallel_loop3A_285 : i32 to index
        %parallel_loop3A_291 = arith.constant 0 : index
        %parallel_loop3A_292 = tpu.vector_load %arg17[%parallel_loop3A_290, %parallel_loop3A_291] {strides = array<i32>} : memref<40x128xf32, #tpu.memory_space<vmem>>, vector<1x16xf32>,
        %parallel_loop3A_293 = vector.shape_cast %parallel_loop3A_292 : vector<1x16xf32> to vector<16xf32>
        %parallel_loop3A_294 = arith.addf %parallel_loop3A_289, %parallel_loop3A_293 : vector<16xf32>
        %parallel_loop3A_295 = arith.constant 2.000000e-01 : f32
        %parallel_loop3A_296 = vector.broadcast %parallel_loop3A_295 : f32 to vector<16xf32>
        %parallel_loop3A_297 = arith.mulf %parallel_loop3A_296, %parallel_loop3A_294 : vector<16xf32>
        %parallel_loop3A_298 = arith.maximumf %parallel_loop3A_294, %parallel_loop3A_297 : vector<16xf32>
        %parallel_loop3A_299 = math.exp %parallel_loop3A_298 : vector<16xf32>
        %parallel_loop3A_300 = arith.index_cast %parallel_loop3A_285 : i32 to index
        %parallel_loop3A_301 = arith.constant 0 : index
        %parallel_loop3A_302 = tpu.vector_load %arg19[%parallel_loop3A_300, %parallel_loop3A_301] {strides = array<i32>} : memref<40x16xf32, #tpu.memory_space<vmem>>, vector<1x16xf32>,
        %parallel_loop3A_303 = vector.shape_cast %parallel_loop3A_302 : vector<1x16xf32> to vector<16xf32>
        %parallel_loop3A_304 = vector.shape_cast %parallel_loop3A_299 : vector<16xf32> to vector<1x16xf32>
        tpu.vector_store %arg19[%parallel_loop3A_300, %parallel_loop3A_301], %parallel_loop3A_304 {strides = array<i32>} : memref<40x16xf32, #tpu.memory_space<vmem>>, vector<1x16xf32>,
        %parallel_loop3A_305 = arith.index_cast %parallel_loop3A_285 : i32 to index
        %parallel_loop3A_306 = arith.constant 0 : index
        %parallel_loop3A_307 = tpu.vector_load %arg21[%parallel_loop3A_305, %parallel_loop3A_306] {strides = array<i32>} : memref<40x128xf32, #tpu.memory_space<vmem>>, vector<1x16xf32>,
        %parallel_loop3A_308 = vector.shape_cast %parallel_loop3A_307 : vector<1x16xf32> to vector<16xf32>
        %parallel_loop3A_309 = vector.shape_cast %parallel_loop3A_299 : vector<16xf32> to vector<1x16xf32>
        tpu.vector_store %arg21[%parallel_loop3A_305, %parallel_loop3A_306], %parallel_loop3A_309 {strides = array<i32>} : memref<40x128xf32, #tpu.memory_space<vmem>>, vector<1x16xf32>,
      } {sc.loop_unroll_factor = 2 : i64, sc.parallel_access}
      %mul3A_224 = arith.constant 5000 : i32
      %mul3A_225 = arith.muli %add3A, %mul3A_224 : i32
      %mul3A_226 = arith.constant 40 : i32
      %mul3A_227 = arith.muli %add3A_202, %mul3A_226 : i32
      %add3A_228 = arith.addi %mul3A_225, %mul3A_227 : i32
      %dma_start3A_229 = arith.constant 0 : i32
      %dma_start3A_230 = tpu.memref_slice %arg6[%add3A_228, %dma_start3A_229] : memref<160000x16xf32, #tpu.memory_space<hbm>> -> memref<40x16xf32, #tpu.memory_space<hbm>>
      %dma_start3A_231 = arith.constant 0 : i32
      %dma_start3A_232 = tpu.memref_slice %arg6[%add3A_228, %dma_start3A_231] : memref<160000x16xf32, #tpu.memory_space<hbm>> -> memref<40x16xf32, #tpu.memory_space<hbm>>
      tpu.enqueue_dma source(%arg19 : memref<40x16xf32, #tpu.memory_space<vmem>>) target(%dma_start3A_232 : memref<40x16xf32, #tpu.memory_space<hbm>>) target_semaphore(%arg28 : memref<!tpu.dma_semaphore, #tpu.memory_space<semaphore_mem>>)
      %dma_start3A_233 = arith.constant 0 : i32
      %dma_start3A_234 = arith.constant 0 : i32
      %dma_start3A_235 = tpu.memref_slice %arg23[%dma_start3A_233, %dma_start3A_234] : memref<10000x128xf32, #tpu.memory_space<vmem_shared>> -> memref<10000x128xf32, #tpu.memory_space<vmem_shared>>
      tpu.enqueue_indirect_dma source(%arg21 : memref<40x128xf32, #tpu.memory_space<vmem>>) target(%dma_start3A_235 : memref<10000x128xf32, #tpu.memory_space<vmem_shared>>) offsets(%arg13 : memref<40xi32, #tpu.memory_space<vmem>>) semaphore(%arg30 : memref<!tpu.dma_semaphore, #tpu.memory_space<semaphore_mem>>) {add = true}
      %add3A_236 = arith.constant 2 : i32
      %add3A_237 = arith.addi %add3A_202, %add3A_236 : i32
      %lt3A_238 = arith.constant 125 : i32
      %lt3A_239 = arith.cmpi slt, %add3A_237, %lt3A_238 : i32
      %convert_element_type3A_240 = arith.extui %lt3A_239 : i1 to i32
      %cond3A_241 = arith.constant 0 : i32
      %cond3A_242 = arith.cmpi ne, %convert_element_type3A_240, %cond3A_241 : i32
      scf.if %cond3A_242 {
        %add3A_285 = arith.constant 2 : i32
        %add3A_286 = arith.addi %add3A_202, %add3A_285 : i32
        %mul3A_287 = arith.constant 5000 : i32
        %mul3A_288 = arith.muli %add3A, %mul3A_287 : i32
        %mul3A_289 = arith.constant 40 : i32
        %mul3A_290 = arith.muli %add3A_286, %mul3A_289 : i32
        %add3A_291 = arith.addi %mul3A_288, %mul3A_290 : i32
        %dma_start3A_292 = tpu.memref_slice %arg4[%add3A_291] : memref<160000xi32, #tpu.memory_space<hbm>> -> memref<40xi32, #tpu.memory_space<hbm>>
        %dma_start3A_293 = tpu.memref_slice %arg4[%add3A_291] : memref<160000xi32, #tpu.memory_space<hbm>> -> memref<40xi32, #tpu.memory_space<hbm>>
        tpu.enqueue_dma source(%dma_start3A_293 : memref<40xi32, #tpu.memory_space<hbm>>) target(%arg9 : memref<40xi32, #tpu.memory_space<vmem>>) target_semaphore(%arg24 : memref<!tpu.dma_semaphore, #tpu.memory_space<semaphore_mem>>)
        %dma_start3A_294 = tpu.memref_slice %arg5[%add3A_291] : memref<160000xi32, #tpu.memory_space<hbm>> -> memref<40xi32, #tpu.memory_space<hbm>>
        %dma_start3A_295 = tpu.memref_slice %arg5[%add3A_291] : memref<160000xi32, #tpu.memory_space<hbm>> -> memref<40xi32, #tpu.memory_space<hbm>>
        tpu.enqueue_dma source(%dma_start3A_295 : memref<40xi32, #tpu.memory_space<hbm>>) target(%arg11 : memref<40xi32, #tpu.memory_space<vmem>>) target_semaphore(%arg24 : memref<!tpu.dma_semaphore, #tpu.memory_space<semaphore_mem>>)
      } else {
      }
      %add3A_243 = arith.constant 3 : i32
      %add3A_244 = arith.addi %mul3A_117, %add3A_243 : i32
      %add3A_245 = arith.constant 1 : i32
      %add3A_246 = arith.addi %add3A_244, %add3A_245 : i32
      %lt3A_247 = arith.constant 125 : i32
      %lt3A_248 = arith.cmpi slt, %add3A_246, %lt3A_247 : i32
      %convert_element_type3A_249 = arith.extui %lt3A_248 : i1 to i32
      %cond3A_250 = arith.constant 0 : i32
      %cond3A_251 = arith.cmpi ne, %convert_element_type3A_249, %cond3A_250 : i32
      scf.if %cond3A_251 {
        %add3A_285 = arith.constant 1 : i32
        %add3A_286 = arith.addi %add3A_244, %add3A_285 : i32
        %mul3A_287 = arith.constant 5000 : i32
        %mul3A_288 = arith.muli %add3A, %mul3A_287 : i32
        %mul3A_289 = arith.constant 40 : i32
        %mul3A_290 = arith.muli %add3A_286, %mul3A_289 : i32
        %add3A_291 = arith.addi %mul3A_288, %mul3A_290 : i32
        %dma_wait3A_292 = tpu.memref_slice %arg4[%add3A_291] : memref<160000xi32, #tpu.memory_space<hbm>> -> memref<40xi32, #tpu.memory_space<hbm>>
        %dma_wait3A_293 = tpu.memref_slice %arg4[%add3A_291] : memref<160000xi32, #tpu.memory_space<hbm>> -> memref<40xi32, #tpu.memory_space<hbm>>
        tpu.wait_dma2 semaphore(%arg24 : memref<!tpu.dma_semaphore, #tpu.memory_space<semaphore_mem>>) src(%dma_wait3A_293 : memref<40xi32, #tpu.memory_space<hbm>>) dst(%arg9 : memref<40xi32, #tpu.memory_space<vmem>>)
        %dma_wait3A_294 = tpu.memref_slice %arg5[%add3A_291] : memref<160000xi32, #tpu.memory_space<hbm>> -> memref<40xi32, #tpu.memory_space<hbm>>
        %dma_wait3A_295 = tpu.memref_slice %arg5[%add3A_291] : memref<160000xi32, #tpu.memory_space<hbm>> -> memref<40xi32, #tpu.memory_space<hbm>>
        tpu.wait_dma2 semaphore(%arg24 : memref<!tpu.dma_semaphore, #tpu.memory_space<semaphore_mem>>) src(%dma_wait3A_295 : memref<40xi32, #tpu.memory_space<hbm>>) dst(%arg11 : memref<40xi32, #tpu.memory_space<vmem>>)
        %ge3A_296 = arith.constant 1 : i32
        %ge3A_297 = arith.cmpi sge, %add3A_244, %ge3A_296 : i32
        %convert_element_type3A_298 = arith.extui %ge3A_297 : i1 to i32
        %cond3A_299 = arith.constant 0 : i32
        %cond3A_300 = arith.cmpi ne, %convert_element_type3A_298, %cond3A_299 : i32
        scf.if %cond3A_300 {
          %dma_wait3A_307 = arith.constant 0 : i32
          %dma_wait3A_308 = arith.constant 0 : i32
          %dma_wait3A_309 = tpu.memref_slice %arg23[%dma_wait3A_307, %dma_wait3A_308] : memref<10000x128xf32, #tpu.memory_space<vmem_shared>> -> memref<10000x128xf32, #tpu.memory_space<vmem_shared>>
          tpu.wait_indirect_dma semaphore(%arg30 : memref<!tpu.dma_semaphore, #tpu.memory_space<semaphore_mem>>) src(%arg21 : memref<40x128xf32, #tpu.memory_space<vmem>>) dst(%dma_wait3A_309 : memref<10000x128xf32, #tpu.memory_space<vmem_shared>>)
        } else {
        }
        %dma_start3A_301 = arith.constant 0 : i32
        %dma_start3A_302 = arith.constant 0 : i32
        %dma_start3A_303 = tpu.memref_slice %arg2[%dma_start3A_301, %dma_start3A_302] : memref<10000x128xf32, #tpu.memory_space<hbm>> -> memref<10000x128xf32, #tpu.memory_space<hbm>>
        tpu.enqueue_indirect_dma source(%dma_start3A_303 : memref<10000x128xf32, #tpu.memory_space<hbm>>) target(%arg15 : memref<40x128xf32, #tpu.memory_space<vmem>>) offsets(%arg9 : memref<40xi32, #tpu.memory_space<vmem>>) semaphore(%arg26 : memref<!tpu.dma_semaphore, #tpu.memory_space<semaphore_mem>>)
        %dma_start3A_304 = arith.constant 0 : i32
        %dma_start3A_305 = arith.constant 0 : i32
        %dma_start3A_306 = tpu.memref_slice %arg3[%dma_start3A_304, %dma_start3A_305] : memref<10000x128xf32, #tpu.memory_space<hbm>> -> memref<10000x128xf32, #tpu.memory_space<hbm>>
        tpu.enqueue_indirect_dma source(%dma_start3A_306 : memref<10000x128xf32, #tpu.memory_space<hbm>>) target(%arg17 : memref<40x128xf32, #tpu.memory_space<vmem>>) offsets(%arg11 : memref<40xi32, #tpu.memory_space<vmem>>) semaphore(%arg26 : memref<!tpu.dma_semaphore, #tpu.memory_space<semaphore_mem>>)
      } else {
      }
      %dma_wait3A_252 = arith.constant 0 : i32
      %dma_wait3A_253 = arith.constant 0 : i32
      %dma_wait3A_254 = tpu.memref_slice %arg2[%dma_wait3A_252, %dma_wait3A_253] : memref<10000x128xf32, #tpu.memory_space<hbm>> -> memref<10000x128xf32, #tpu.memory_space<hbm>>
      tpu.wait_indirect_dma semaphore(%arg27 : memref<!tpu.dma_semaphore, #tpu.memory_space<semaphore_mem>>) src(%dma_wait3A_254 : memref<10000x128xf32, #tpu.memory_space<hbm>>) dst(%arg16 : memref<40x128xf32, #tpu.memory_space<vmem>>)
      %dma_wait3A_255 = arith.constant 0 : i32
      %dma_wait3A_256 = arith.constant 0 : i32
      %dma_wait3A_257 = tpu.memref_slice %arg3[%dma_wait3A_255, %dma_wait3A_256] : memref<10000x128xf32, #tpu.memory_space<hbm>> -> memref<10000x128xf32, #tpu.memory_space<hbm>>
      tpu.wait_indirect_dma semaphore(%arg27 : memref<!tpu.dma_semaphore, #tpu.memory_space<semaphore_mem>>) src(%dma_wait3A_257 : memref<10000x128xf32, #tpu.memory_space<hbm>>) dst(%arg18 : memref<40x128xf32, #tpu.memory_space<vmem>>)
      %ge3A_258 = arith.constant 2 : i32
      %ge3A_259 = arith.cmpi sge, %add3A_244, %ge3A_258 : i32
      %convert_element_type3A_260 = arith.extui %ge3A_259 : i1 to i32
      %cond3A_261 = arith.constant 0 : i32
      %cond3A_262 = arith.cmpi ne, %convert_element_type3A_260, %cond3A_261 : i32
      scf.if %cond3A_262 {
        %sub3A = arith.constant 2 : i32
        %sub3A_285 = arith.subi %add3A_244, %sub3A : i32
        %mul3A_286 = arith.constant 5000 : i32
        %mul3A_287 = arith.muli %add3A, %mul3A_286 : i32
        %mul3A_288 = arith.constant 40 : i32
        %mul3A_289 = arith.muli %sub3A_285, %mul3A_288 : i32
        %add3A_290 = arith.addi %mul3A_287, %mul3A_289 : i32
        %dma_wait3A_291 = arith.constant 0 : i32
        %dma_wait3A_292 = tpu.memref_slice %arg6[%add3A_290, %dma_wait3A_291] : memref<160000x16xf32, #tpu.memory_space<hbm>> -> memref<40x16xf32, #tpu.memory_space<hbm>>
        %dma_wait3A_293 = arith.constant 0 : i32
        %dma_wait3A_294 = tpu.memref_slice %arg6[%add3A_290, %dma_wait3A_293] : memref<160000x16xf32, #tpu.memory_space<hbm>> -> memref<40x16xf32, #tpu.memory_space<hbm>>
        tpu.wait_dma2 semaphore(%arg29 : memref<!tpu.dma_semaphore, #tpu.memory_space<semaphore_mem>>) src(%arg20 : memref<40x16xf32, #tpu.memory_space<vmem>>) dst(%dma_wait3A_294 : memref<40x16xf32, #tpu.memory_space<hbm>>)
      } else {
      }
      %parallel_loop3A_263 = arith.constant 0 : i32
      %parallel_loop3A_264 = arith.constant 40 : i32
      %parallel_loop3A_265 = arith.constant 1 : i32
      scf.for %parallel_loop3A_285 = %parallel_loop3A_263 to %parallel_loop3A_264 step %parallel_loop3A_265  : i32 {
        %parallel_loop3A_286 = arith.index_cast %parallel_loop3A_285 : i32 to index
        %parallel_loop3A_287 = arith.constant 0 : index
        %parallel_loop3A_288 = tpu.vector_load %arg16[%parallel_loop3A_286, %parallel_loop3A_287] {strides = array<i32>} : memref<40x128xf32, #tpu.memory_space<vmem>>, vector<1x16xf32>,
        %parallel_loop3A_289 = vector.shape_cast %parallel_loop3A_288 : vector<1x16xf32> to vector<16xf32>
        %parallel_loop3A_290 = arith.index_cast %parallel_loop3A_285 : i32 to index
        %parallel_loop3A_291 = arith.constant 0 : index
        %parallel_loop3A_292 = tpu.vector_load %arg18[%parallel_loop3A_290, %parallel_loop3A_291] {strides = array<i32>} : memref<40x128xf32, #tpu.memory_space<vmem>>, vector<1x16xf32>,
        %parallel_loop3A_293 = vector.shape_cast %parallel_loop3A_292 : vector<1x16xf32> to vector<16xf32>
        %parallel_loop3A_294 = arith.addf %parallel_loop3A_289, %parallel_loop3A_293 : vector<16xf32>
        %parallel_loop3A_295 = arith.constant 2.000000e-01 : f32
        %parallel_loop3A_296 = vector.broadcast %parallel_loop3A_295 : f32 to vector<16xf32>
        %parallel_loop3A_297 = arith.mulf %parallel_loop3A_296, %parallel_loop3A_294 : vector<16xf32>
        %parallel_loop3A_298 = arith.maximumf %parallel_loop3A_294, %parallel_loop3A_297 : vector<16xf32>
        %parallel_loop3A_299 = math.exp %parallel_loop3A_298 : vector<16xf32>
        %parallel_loop3A_300 = arith.index_cast %parallel_loop3A_285 : i32 to index
        %parallel_loop3A_301 = arith.constant 0 : index
        %parallel_loop3A_302 = tpu.vector_load %arg20[%parallel_loop3A_300, %parallel_loop3A_301] {strides = array<i32>} : memref<40x16xf32, #tpu.memory_space<vmem>>, vector<1x16xf32>,
        %parallel_loop3A_303 = vector.shape_cast %parallel_loop3A_302 : vector<1x16xf32> to vector<16xf32>
        %parallel_loop3A_304 = vector.shape_cast %parallel_loop3A_299 : vector<16xf32> to vector<1x16xf32>
        tpu.vector_store %arg20[%parallel_loop3A_300, %parallel_loop3A_301], %parallel_loop3A_304 {strides = array<i32>} : memref<40x16xf32, #tpu.memory_space<vmem>>, vector<1x16xf32>,
        %parallel_loop3A_305 = arith.index_cast %parallel_loop3A_285 : i32 to index
        %parallel_loop3A_306 = arith.constant 0 : index
        %parallel_loop3A_307 = tpu.vector_load %arg22[%parallel_loop3A_305, %parallel_loop3A_306] {strides = array<i32>} : memref<40x128xf32, #tpu.memory_space<vmem>>, vector<1x16xf32>,
        %parallel_loop3A_308 = vector.shape_cast %parallel_loop3A_307 : vector<1x16xf32> to vector<16xf32>
        %parallel_loop3A_309 = vector.shape_cast %parallel_loop3A_299 : vector<16xf32> to vector<1x16xf32>
        tpu.vector_store %arg22[%parallel_loop3A_305, %parallel_loop3A_306], %parallel_loop3A_309 {strides = array<i32>} : memref<40x128xf32, #tpu.memory_space<vmem>>, vector<1x16xf32>,
      } {sc.loop_unroll_factor = 2 : i64, sc.parallel_access}
      %mul3A_266 = arith.constant 5000 : i32
      %mul3A_267 = arith.muli %add3A, %mul3A_266 : i32
      %mul3A_268 = arith.constant 40 : i32
      %mul3A_269 = arith.muli %add3A_244, %mul3A_268 : i32
      %add3A_270 = arith.addi %mul3A_267, %mul3A_269 : i32
      %dma_start3A_271 = arith.constant 0 : i32
      %dma_start3A_272 = tpu.memref_slice %arg6[%add3A_270, %dma_start3A_271] : memref<160000x16xf32, #tpu.memory_space<hbm>> -> memref<40x16xf32, #tpu.memory_space<hbm>>
      %dma_start3A_273 = arith.constant 0 : i32
      %dma_start3A_274 = tpu.memref_slice %arg6[%add3A_270, %dma_start3A_273] : memref<160000x16xf32, #tpu.memory_space<hbm>> -> memref<40x16xf32, #tpu.memory_space<hbm>>
      tpu.enqueue_dma source(%arg20 : memref<40x16xf32, #tpu.memory_space<vmem>>) target(%dma_start3A_274 : memref<40x16xf32, #tpu.memory_space<hbm>>) target_semaphore(%arg29 : memref<!tpu.dma_semaphore, #tpu.memory_space<semaphore_mem>>)
      %dma_start3A_275 = arith.constant 0 : i32
      %dma_start3A_276 = arith.constant 0 : i32
      %dma_start3A_277 = tpu.memref_slice %arg23[%dma_start3A_275, %dma_start3A_276] : memref<10000x128xf32, #tpu.memory_space<vmem_shared>> -> memref<10000x128xf32, #tpu.memory_space<vmem_shared>>
      tpu.enqueue_indirect_dma source(%arg22 : memref<40x128xf32, #tpu.memory_space<vmem>>) target(%dma_start3A_277 : memref<10000x128xf32, #tpu.memory_space<vmem_shared>>) offsets(%arg14 : memref<40xi32, #tpu.memory_space<vmem>>) semaphore(%arg31 : memref<!tpu.dma_semaphore, #tpu.memory_space<semaphore_mem>>) {add = true}
      %add3A_278 = arith.constant 2 : i32
      %add3A_279 = arith.addi %add3A_244, %add3A_278 : i32
      %lt3A_280 = arith.constant 125 : i32
      %lt3A_281 = arith.cmpi slt, %add3A_279, %lt3A_280 : i32
      %convert_element_type3A_282 = arith.extui %lt3A_281 : i1 to i32
      %cond3A_283 = arith.constant 0 : i32
      %cond3A_284 = arith.cmpi ne, %convert_element_type3A_282, %cond3A_283 : i32
      scf.if %cond3A_284 {
        %add3A_285 = arith.constant 2 : i32
        %add3A_286 = arith.addi %add3A_244, %add3A_285 : i32
        %mul3A_287 = arith.constant 5000 : i32
        %mul3A_288 = arith.muli %add3A, %mul3A_287 : i32
        %mul3A_289 = arith.constant 40 : i32
        %mul3A_290 = arith.muli %add3A_286, %mul3A_289 : i32
        %add3A_291 = arith.addi %mul3A_288, %mul3A_290 : i32
        %dma_start3A_292 = tpu.memref_slice %arg4[%add3A_291] : memref<160000xi32, #tpu.memory_space<hbm>> -> memref<40xi32, #tpu.memory_space<hbm>>
        %dma_start3A_293 = tpu.memref_slice %arg4[%add3A_291] : memref<160000xi32, #tpu.memory_space<hbm>> -> memref<40xi32, #tpu.memory_space<hbm>>
        tpu.enqueue_dma source(%dma_start3A_293 : memref<40xi32, #tpu.memory_space<hbm>>) target(%arg10 : memref<40xi32, #tpu.memory_space<vmem>>) target_semaphore(%arg25 : memref<!tpu.dma_semaphore, #tpu.memory_space<semaphore_mem>>)
        %dma_start3A_294 = tpu.memref_slice %arg5[%add3A_291] : memref<160000xi32, #tpu.memory_space<hbm>> -> memref<40xi32, #tpu.memory_space<hbm>>
        %dma_start3A_295 = tpu.memref_slice %arg5[%add3A_291] : memref<160000xi32, #tpu.memory_space<hbm>> -> memref<40xi32, #tpu.memory_space<hbm>>
        tpu.enqueue_dma source(%dma_start3A_295 : memref<40xi32, #tpu.memory_space<hbm>>) target(%arg12 : memref<40xi32, #tpu.memory_space<vmem>>) target_semaphore(%arg25 : memref<!tpu.dma_semaphore, #tpu.memory_space<semaphore_mem>>)
      } else {
      }
    }
    %scan3A_50 = arith.constant 31 : i32
    %dma_wait3A_51 = arith.constant 0 : i32
    %dma_wait3A_52 = arith.constant 0 : i32
    %dma_wait3A_53 = tpu.memref_slice %arg2[%dma_wait3A_51, %dma_wait3A_52] : memref<10000x128xf32, #tpu.memory_space<hbm>> -> memref<10000x128xf32, #tpu.memory_space<hbm>>
    tpu.wait_indirect_dma semaphore(%arg26 : memref<!tpu.dma_semaphore, #tpu.memory_space<semaphore_mem>>) src(%dma_wait3A_53 : memref<10000x128xf32, #tpu.memory_space<hbm>>) dst(%arg15 : memref<40x128xf32, #tpu.memory_space<vmem>>)
    %dma_wait3A_54 = arith.constant 0 : i32
    %dma_wait3A_55 = arith.constant 0 : i32
    %dma_wait3A_56 = tpu.memref_slice %arg3[%dma_wait3A_54, %dma_wait3A_55] : memref<10000x128xf32, #tpu.memory_space<hbm>> -> memref<10000x128xf32, #tpu.memory_space<hbm>>
    tpu.wait_indirect_dma semaphore(%arg26 : memref<!tpu.dma_semaphore, #tpu.memory_space<semaphore_mem>>) src(%dma_wait3A_56 : memref<10000x128xf32, #tpu.memory_space<hbm>>) dst(%arg17 : memref<40x128xf32, #tpu.memory_space<vmem>>)
    %mul3A_57 = arith.constant 5000 : i32
    %mul3A_58 = arith.muli %add3A, %mul3A_57 : i32
    %add3A_59 = arith.constant 4880 : i32
    %add3A_60 = arith.addi %mul3A_58, %add3A_59 : i32
    %dma_wait3A_61 = arith.constant 0 : i32
    %dma_wait3A_62 = tpu.memref_slice %arg6[%add3A_60, %dma_wait3A_61] : memref<160000x16xf32, #tpu.memory_space<hbm>> -> memref<40x16xf32, #tpu.memory_space<hbm>>
    %dma_wait3A_63 = arith.constant 0 : i32
    %dma_wait3A_64 = tpu.memref_slice %arg6[%add3A_60, %dma_wait3A_63] : memref<160000x16xf32, #tpu.memory_space<hbm>> -> memref<40x16xf32, #tpu.memory_space<hbm>>
    tpu.wait_dma2 semaphore(%arg28 : memref<!tpu.dma_semaphore, #tpu.memory_space<semaphore_mem>>) src(%arg19 : memref<40x16xf32, #tpu.memory_space<vmem>>) dst(%dma_wait3A_64 : memref<40x16xf32, #tpu.memory_space<hbm>>)
    %parallel_loop3A = arith.constant 0 : i32
    %parallel_loop3A_65 = arith.constant 40 : i32
    %parallel_loop3A_66 = arith.constant 1 : i32
    scf.for %parallel_loop3A_111 = %parallel_loop3A to %parallel_loop3A_65 step %parallel_loop3A_66  : i32 {
      %parallel_loop3A_112 = arith.index_cast %parallel_loop3A_111 : i32 to index
      %parallel_loop3A_113 = arith.constant 0 : index
      %parallel_loop3A_114 = tpu.vector_load %arg15[%parallel_loop3A_112, %parallel_loop3A_113] {strides = array<i32>} : memref<40x128xf32, #tpu.memory_space<vmem>>, vector<1x16xf32>,
      %parallel_loop3A_115 = vector.shape_cast %parallel_loop3A_114 : vector<1x16xf32> to vector<16xf32>
      %parallel_loop3A_116 = arith.index_cast %parallel_loop3A_111 : i32 to index
      %parallel_loop3A_117 = arith.constant 0 : index
      %parallel_loop3A_118 = tpu.vector_load %arg17[%parallel_loop3A_116, %parallel_loop3A_117] {strides = array<i32>} : memref<40x128xf32, #tpu.memory_space<vmem>>, vector<1x16xf32>,
      %parallel_loop3A_119 = vector.shape_cast %parallel_loop3A_118 : vector<1x16xf32> to vector<16xf32>
      %parallel_loop3A_120 = arith.addf %parallel_loop3A_115, %parallel_loop3A_119 : vector<16xf32>
      %parallel_loop3A_121 = arith.constant 2.000000e-01 : f32
      %parallel_loop3A_122 = vector.broadcast %parallel_loop3A_121 : f32 to vector<16xf32>
      %parallel_loop3A_123 = arith.mulf %parallel_loop3A_122, %parallel_loop3A_120 : vector<16xf32>
      %parallel_loop3A_124 = arith.maximumf %parallel_loop3A_120, %parallel_loop3A_123 : vector<16xf32>
      %parallel_loop3A_125 = math.exp %parallel_loop3A_124 : vector<16xf32>
      %parallel_loop3A_126 = arith.index_cast %parallel_loop3A_111 : i32 to index
      %parallel_loop3A_127 = arith.constant 0 : index
      %parallel_loop3A_128 = tpu.vector_load %arg19[%parallel_loop3A_126, %parallel_loop3A_127] {strides = array<i32>} : memref<40x16xf32, #tpu.memory_space<vmem>>, vector<1x16xf32>,
      %parallel_loop3A_129 = vector.shape_cast %parallel_loop3A_128 : vector<1x16xf32> to vector<16xf32>
      %parallel_loop3A_130 = vector.shape_cast %parallel_loop3A_125 : vector<16xf32> to vector<1x16xf32>
      tpu.vector_store %arg19[%parallel_loop3A_126, %parallel_loop3A_127], %parallel_loop3A_130 {strides = array<i32>} : memref<40x16xf32, #tpu.memory_space<vmem>>, vector<1x16xf32>,
      %parallel_loop3A_131 = arith.index_cast %parallel_loop3A_111 : i32 to index
      %parallel_loop3A_132 = arith.constant 0 : index
      %parallel_loop3A_133 = tpu.vector_load %arg21[%parallel_loop3A_131, %parallel_loop3A_132] {strides = array<i32>} : memref<40x128xf32, #tpu.memory_space<vmem>>, vector<1x16xf32>,
      %parallel_loop3A_134 = vector.shape_cast %parallel_loop3A_133 : vector<1x16xf32> to vector<16xf32>
      %parallel_loop3A_135 = vector.shape_cast %parallel_loop3A_125 : vector<16xf32> to vector<1x16xf32>
      tpu.vector_store %arg21[%parallel_loop3A_131, %parallel_loop3A_132], %parallel_loop3A_135 {strides = array<i32>} : memref<40x128xf32, #tpu.memory_space<vmem>>, vector<1x16xf32>,
    } {sc.loop_unroll_factor = 2 : i64, sc.parallel_access}
    %mul3A_67 = arith.constant 5000 : i32
    %mul3A_68 = arith.muli %add3A, %mul3A_67 : i32
    %add3A_69 = arith.constant 4960 : i32
    %add3A_70 = arith.addi %mul3A_68, %add3A_69 : i32
    %dma_start3A_71 = arith.constant 0 : i32
    %dma_start3A_72 = tpu.memref_slice %arg6[%add3A_70, %dma_start3A_71] : memref<160000x16xf32, #tpu.memory_space<hbm>> -> memref<40x16xf32, #tpu.memory_space<hbm>>
    %dma_start3A_73 = arith.constant 0 : i32
    %dma_start3A_74 = tpu.memref_slice %arg6[%add3A_70, %dma_start3A_73] : memref<160000x16xf32, #tpu.memory_space<hbm>> -> memref<40x16xf32, #tpu.memory_space<hbm>>
    tpu.enqueue_dma source(%arg19 : memref<40x16xf32, #tpu.memory_space<vmem>>) target(%dma_start3A_74 : memref<40x16xf32, #tpu.memory_space<hbm>>) target_semaphore(%arg28 : memref<!tpu.dma_semaphore, #tpu.memory_space<semaphore_mem>>)
    %dma_start3A_75 = arith.constant 0 : i32
    %dma_start3A_76 = arith.constant 0 : i32
    %dma_start3A_77 = tpu.memref_slice %arg23[%dma_start3A_75, %dma_start3A_76] : memref<10000x128xf32, #tpu.memory_space<vmem_shared>> -> memref<10000x128xf32, #tpu.memory_space<vmem_shared>>
    tpu.enqueue_indirect_dma source(%arg21 : memref<40x128xf32, #tpu.memory_space<vmem>>) target(%dma_start3A_77 : memref<10000x128xf32, #tpu.memory_space<vmem_shared>>) offsets(%arg11 : memref<40xi32, #tpu.memory_space<vmem>>) semaphore(%arg30 : memref<!tpu.dma_semaphore, #tpu.memory_space<semaphore_mem>>) {add = true}
    %mul3A_78 = arith.constant 5000 : i32
    %mul3A_79 = arith.muli %add3A, %mul3A_78 : i32
    %add3A_80 = arith.constant 4920 : i32
    %add3A_81 = arith.addi %mul3A_79, %add3A_80 : i32
    %dma_wait3A_82 = arith.constant 0 : i32
    %dma_wait3A_83 = tpu.memref_slice %arg6[%add3A_81, %dma_wait3A_82] : memref<160000x16xf32, #tpu.memory_space<hbm>> -> memref<40x16xf32, #tpu.memory_space<hbm>>
    %dma_wait3A_84 = arith.constant 0 : i32
    %dma_wait3A_85 = tpu.memref_slice %arg6[%add3A_81, %dma_wait3A_84] : memref<160000x16xf32, #tpu.memory_space<hbm>> -> memref<40x16xf32, #tpu.memory_space<hbm>>
    tpu.wait_dma2 semaphore(%arg29 : memref<!tpu.dma_semaphore, #tpu.memory_space<semaphore_mem>>) src(%arg20 : memref<40x16xf32, #tpu.memory_space<vmem>>) dst(%dma_wait3A_85 : memref<40x16xf32, #tpu.memory_space<hbm>>)
    %dma_wait3A_86 = arith.constant 0 : i32
    %dma_wait3A_87 = arith.constant 0 : i32
    %dma_wait3A_88 = tpu.memref_slice %arg23[%dma_wait3A_86, %dma_wait3A_87] : memref<10000x128xf32, #tpu.memory_space<vmem_shared>> -> memref<10000x128xf32, #tpu.memory_space<vmem_shared>>
    tpu.wait_indirect_dma semaphore(%arg31 : memref<!tpu.dma_semaphore, #tpu.memory_space<semaphore_mem>>) src(%arg22 : memref<40x128xf32, #tpu.memory_space<vmem>>) dst(%dma_wait3A_88 : memref<10000x128xf32, #tpu.memory_space<vmem_shared>>)
    %mul3A_89 = arith.constant 5000 : i32
    %mul3A_90 = arith.muli %add3A, %mul3A_89 : i32
    %add3A_91 = arith.constant 4960 : i32
    %add3A_92 = arith.addi %mul3A_90, %add3A_91 : i32
    %dma_wait3A_93 = arith.constant 0 : i32
    %dma_wait3A_94 = tpu.memref_slice %arg6[%add3A_92, %dma_wait3A_93] : memref<160000x16xf32, #tpu.memory_space<hbm>> -> memref<40x16xf32, #tpu.memory_space<hbm>>
    %dma_wait3A_95 = arith.constant 0 : i32
    %dma_wait3A_96 = tpu.memref_slice %arg6[%add3A_92, %dma_wait3A_95] : memref<160000x16xf32, #tpu.memory_space<hbm>> -> memref<40x16xf32, #tpu.memory_space<hbm>>
    tpu.wait_dma2 semaphore(%arg28 : memref<!tpu.dma_semaphore, #tpu.memory_space<semaphore_mem>>) src(%arg19 : memref<40x16xf32, #tpu.memory_space<vmem>>) dst(%dma_wait3A_96 : memref<40x16xf32, #tpu.memory_space<hbm>>)
    %dma_wait3A_97 = arith.constant 0 : i32
    %dma_wait3A_98 = arith.constant 0 : i32
    %dma_wait3A_99 = tpu.memref_slice %arg23[%dma_wait3A_97, %dma_wait3A_98] : memref<10000x128xf32, #tpu.memory_space<vmem_shared>> -> memref<10000x128xf32, #tpu.memory_space<vmem_shared>>
    tpu.wait_indirect_dma semaphore(%arg30 : memref<!tpu.dma_semaphore, #tpu.memory_space<semaphore_mem>>) src(%arg21 : memref<40x128xf32, #tpu.memory_space<vmem>>) dst(%dma_wait3A_99 : memref<10000x128xf32, #tpu.memory_space<vmem_shared>>)
    %barrier3A_100 = arith.constant 0 : index
    tpu.barrier barrier_id(%barrier3A_100)
    %lt3A_101 = arith.constant 15 : i32
    %lt3A_102 = arith.cmpi slt, %arg1, %lt3A_101 : i32
    %convert_element_type3A_103 = arith.extui %lt3A_102 : i1 to i32
    %cond3A_104 = arith.constant 0 : i32
    %cond3A_105 = arith.cmpi ne, %convert_element_type3A_103, %cond3A_104 : i32
    scf.if %cond3A_105 {
      %eq3A_111 = arith.constant 0 : i32
      %eq3A_112 = arith.cmpi eq, %arg0, %eq3A_111 : i32
      %convert_element_type3A_113 = arith.extui %eq3A_112 : i1 to i32
      %cond3A_114 = arith.constant 0 : i32
      %cond3A_115 = arith.cmpi ne, %convert_element_type3A_113, %cond3A_114 : i32
      scf.if %cond3A_115 {
        "tpu.region"() ({
          %run_scoped3A = tpu.sem_alloc : memref<!tpu.dma_semaphore, #tpu.memory_space<semaphore_mem>>
          %dma_start3A_121 = arith.constant 0 : i32
          %dma_start3A_122 = tpu.memref_slice %arg7[%mul3A_11, %dma_start3A_121] : memref<10000x128xf32, #tpu.memory_space<hbm>> -> memref<624x128xf32, #tpu.memory_space<hbm>>
          %dma_start3A_123 = arith.constant 0 : i32
          %dma_start3A_124 = tpu.memref_slice %arg23[%mul3A_11, %dma_start3A_123] : memref<10000x128xf32, #tpu.memory_space<vmem_shared>> -> memref<624x128xf32, #tpu.memory_space<vmem_shared>>
          tpu.enqueue_dma source(%dma_start3A_124 : memref<624x128xf32, #tpu.memory_space<vmem_shared>>) target(%dma_start3A_122 : memref<624x128xf32, #tpu.memory_space<hbm>>) target_semaphore(%run_scoped3A : memref<!tpu.dma_semaphore, #tpu.memory_space<semaphore_mem>>)
          %dma_wait3A_125 = arith.constant 0 : i32
          %dma_wait3A_126 = tpu.memref_slice %arg7[%mul3A_11, %dma_wait3A_125] : memref<10000x128xf32, #tpu.memory_space<hbm>> -> memref<624x128xf32, #tpu.memory_space<hbm>>
          %dma_wait3A_127 = arith.constant 0 : i32
          %dma_wait3A_128 = tpu.memref_slice %arg23[%mul3A_11, %dma_wait3A_127] : memref<10000x128xf32, #tpu.memory_space<vmem_shared>> -> memref<624x128xf32, #tpu.memory_space<vmem_shared>>
          tpu.wait_dma2 semaphore(%run_scoped3A : memref<!tpu.dma_semaphore, #tpu.memory_space<semaphore_mem>>) src(%dma_wait3A_128 : memref<624x128xf32, #tpu.memory_space<vmem_shared>>) dst(%dma_wait3A_126 : memref<624x128xf32, #tpu.memory_space<hbm>>)
          tpu.yield
        }) : () -> ()
      } else {
      }
      %eq3A_116 = arith.constant 1 : i32
      %eq3A_117 = arith.cmpi eq, %arg0, %eq3A_116 : i32
      %convert_element_type3A_118 = arith.extui %eq3A_117 : i1 to i32
      %cond3A_119 = arith.constant 0 : i32
      %cond3A_120 = arith.cmpi ne, %convert_element_type3A_118, %cond3A_119 : i32
      scf.if %cond3A_120 {
        "tpu.region"() ({
          %run_scoped3A = tpu.sem_alloc : memref<!tpu.dma_semaphore, #tpu.memory_space<semaphore_mem>>
          %dma_start3A_121 = arith.constant 0 : i32
          %dma_start3A_122 = tpu.memref_slice %arg8[%mul3A_11, %dma_start3A_121] : memref<10000x128xf32, #tpu.memory_space<hbm>> -> memref<624x128xf32, #tpu.memory_space<hbm>>
          %dma_start3A_123 = arith.constant 0 : i32
          %dma_start3A_124 = tpu.memref_slice %arg23[%mul3A_11, %dma_start3A_123] : memref<10000x128xf32, #tpu.memory_space<vmem_shared>> -> memref<624x128xf32, #tpu.memory_space<vmem_shared>>
          tpu.enqueue_dma source(%dma_start3A_124 : memref<624x128xf32, #tpu.memory_space<vmem_shared>>) target(%dma_start3A_122 : memref<624x128xf32, #tpu.memory_space<hbm>>) target_semaphore(%run_scoped3A : memref<!tpu.dma_semaphore, #tpu.memory_space<semaphore_mem>>)
          %dma_wait3A_125 = arith.constant 0 : i32
          %dma_wait3A_126 = tpu.memref_slice %arg8[%mul3A_11, %dma_wait3A_125] : memref<10000x128xf32, #tpu.memory_space<hbm>> -> memref<624x128xf32, #tpu.memory_space<hbm>>
          %dma_wait3A_127 = arith.constant 0 : i32
          %dma_wait3A_128 = tpu.memref_slice %arg23[%mul3A_11, %dma_wait3A_127] : memref<10000x128xf32, #tpu.memory_space<vmem_shared>> -> memref<624x128xf32, #tpu.memory_space<vmem_shared>>
          tpu.wait_dma2 semaphore(%run_scoped3A : memref<!tpu.dma_semaphore, #tpu.memory_space<semaphore_mem>>) src(%dma_wait3A_128 : memref<624x128xf32, #tpu.memory_space<vmem_shared>>) dst(%dma_wait3A_126 : memref<624x128xf32, #tpu.memory_space<hbm>>)
          tpu.yield
        }) : () -> ()
      } else {
      }
    } else {
    }
    %eq3A_106 = arith.constant 15 : i32
    %eq3A_107 = arith.cmpi eq, %arg1, %eq3A_106 : i32
    %convert_element_type3A_108 = arith.extui %eq3A_107 : i1 to i32
    %cond3A_109 = arith.constant 0 : i32
    %cond3A_110 = arith.cmpi ne, %convert_element_type3A_108, %cond3A_109 : i32
    scf.if %cond3A_110 {
      %eq3A_111 = arith.constant 0 : i32
      %eq3A_112 = arith.cmpi eq, %arg0, %eq3A_111 : i32
      %convert_element_type3A_113 = arith.extui %eq3A_112 : i1 to i32
      %cond3A_114 = arith.constant 0 : i32
      %cond3A_115 = arith.cmpi ne, %convert_element_type3A_113, %cond3A_114 : i32
      scf.if %cond3A_115 {
        "tpu.region"() ({
          %run_scoped3A = tpu.sem_alloc : memref<!tpu.dma_semaphore, #tpu.memory_space<semaphore_mem>>
          %dma_start3A_121 = arith.constant 0 : i32
          %dma_start3A_122 = tpu.memref_slice %arg7[%mul3A_11, %dma_start3A_121] : memref<10000x128xf32, #tpu.memory_space<hbm>> -> memref<640x128xf32, #tpu.memory_space<hbm>>
          %dma_start3A_123 = arith.constant 0 : i32
          %dma_start3A_124 = tpu.memref_slice %arg23[%mul3A_11, %dma_start3A_123] : memref<10000x128xf32, #tpu.memory_space<vmem_shared>> -> memref<640x128xf32, #tpu.memory_space<vmem_shared>>
          tpu.enqueue_dma source(%dma_start3A_124 : memref<640x128xf32, #tpu.memory_space<vmem_shared>>) target(%dma_start3A_122 : memref<640x128xf32, #tpu.memory_space<hbm>>) target_semaphore(%run_scoped3A : memref<!tpu.dma_semaphore, #tpu.memory_space<semaphore_mem>>)
          %dma_wait3A_125 = arith.constant 0 : i32
          %dma_wait3A_126 = tpu.memref_slice %arg7[%mul3A_11, %dma_wait3A_125] : memref<10000x128xf32, #tpu.memory_space<hbm>> -> memref<640x128xf32, #tpu.memory_space<hbm>>
          %dma_wait3A_127 = arith.constant 0 : i32
          %dma_wait3A_128 = tpu.memref_slice %arg23[%mul3A_11, %dma_wait3A_127] : memref<10000x128xf32, #tpu.memory_space<vmem_shared>> -> memref<640x128xf32, #tpu.memory_space<vmem_shared>>
          tpu.wait_dma2 semaphore(%run_scoped3A : memref<!tpu.dma_semaphore, #tpu.memory_space<semaphore_mem>>) src(%dma_wait3A_128 : memref<640x128xf32, #tpu.memory_space<vmem_shared>>) dst(%dma_wait3A_126 : memref<640x128xf32, #tpu.memory_space<hbm>>)
          tpu.yield
        }) : () -> ()
      } else {
      }
      %eq3A_116 = arith.constant 1 : i32
      %eq3A_117 = arith.cmpi eq, %arg0, %eq3A_116 : i32
      %convert_element_type3A_118 = arith.extui %eq3A_117 : i1 to i32
      %cond3A_119 = arith.constant 0 : i32
      %cond3A_120 = arith.cmpi ne, %convert_element_type3A_118, %cond3A_119 : i32
      scf.if %cond3A_120 {
        "tpu.region"() ({
          %run_scoped3A = tpu.sem_alloc : memref<!tpu.dma_semaphore, #tpu.memory_space<semaphore_mem>>
          %dma_start3A_121 = arith.constant 0 : i32
          %dma_start3A_122 = tpu.memref_slice %arg8[%mul3A_11, %dma_start3A_121] : memref<10000x128xf32, #tpu.memory_space<hbm>> -> memref<640x128xf32, #tpu.memory_space<hbm>>
          %dma_start3A_123 = arith.constant 0 : i32
          %dma_start3A_124 = tpu.memref_slice %arg23[%mul3A_11, %dma_start3A_123] : memref<10000x128xf32, #tpu.memory_space<vmem_shared>> -> memref<640x128xf32, #tpu.memory_space<vmem_shared>>
          tpu.enqueue_dma source(%dma_start3A_124 : memref<640x128xf32, #tpu.memory_space<vmem_shared>>) target(%dma_start3A_122 : memref<640x128xf32, #tpu.memory_space<hbm>>) target_semaphore(%run_scoped3A : memref<!tpu.dma_semaphore, #tpu.memory_space<semaphore_mem>>)
          %dma_wait3A_125 = arith.constant 0 : i32
          %dma_wait3A_126 = tpu.memref_slice %arg8[%mul3A_11, %dma_wait3A_125] : memref<10000x128xf32, #tpu.memory_space<hbm>> -> memref<640x128xf32, #tpu.memory_space<hbm>>
          %dma_wait3A_127 = arith.constant 0 : i32
          %dma_wait3A_128 = tpu.memref_slice %arg23[%mul3A_11, %dma_wait3A_127] : memref<10000x128xf32, #tpu.memory_space<vmem_shared>> -> memref<640x128xf32, #tpu.memory_space<vmem_shared>>
          tpu.wait_dma2 semaphore(%run_scoped3A : memref<!tpu.dma_semaphore, #tpu.memory_space<semaphore_mem>>) src(%dma_wait3A_128 : memref<640x128xf32, #tpu.memory_space<vmem_shared>>) dst(%dma_wait3A_126 : memref<640x128xf32, #tpu.memory_space<hbm>>)
          tpu.yield
        }) : () -> ()
      } else {
      }
    } else {
    }
    return
  }
}

#map = affine_map<(d0, d1) -> (0, 0)>
#map1 = affine_map<(d0, d1) -> (0)>
module attributes {stable_mosaic.version = 14 : i64} {
  func.func @_msg_body(%arg0: i32, %arg1: i32, %arg2: memref<10000x128xf32, #tpu.memory_space<hbm>>, %arg3: memref<10000x128xf32, #tpu.memory_space<hbm>>, %arg4: memref<160000x16xf32, #tpu.memory_space<hbm>>, %arg5: memref<160000xi32, #tpu.memory_space<hbm>>, %arg6: memref<160000xi32, #tpu.memory_space<hbm>>, %arg7: memref<10000x128xf32, #tpu.memory_space<hbm>>, %arg8: memref<10000x128xf32, #tpu.memory_space<hbm>>, %arg9: memref<80xi32, #tpu.memory_space<vmem>>, %arg10: memref<80xi32, #tpu.memory_space<vmem>>, %arg11: memref<80xi32, #tpu.memory_space<vmem>>, %arg12: memref<80xi32, #tpu.memory_space<vmem>>, %arg13: memref<80xi32, #tpu.memory_space<vmem>>, %arg14: memref<80xi32, #tpu.memory_space<vmem>>, %arg15: memref<80x128xf32, #tpu.memory_space<vmem>>, %arg16: memref<80x128xf32, #tpu.memory_space<vmem>>, %arg17: memref<80x16xf32, #tpu.memory_space<vmem>>, %arg18: memref<80x16xf32, #tpu.memory_space<vmem>>, %arg19: memref<10000x128xf32, #tpu.memory_space<vmem_shared>>, %arg20: memref<!tpu.dma_semaphore, #tpu.memory_space<semaphore_mem>>, %arg21: memref<!tpu.dma_semaphore, #tpu.memory_space<semaphore_mem>>, %arg22: memref<!tpu.dma_semaphore, #tpu.memory_space<semaphore_mem>>, %arg23: memref<!tpu.dma_semaphore, #tpu.memory_space<semaphore_mem>>, %arg24: memref<!tpu.dma_semaphore, #tpu.memory_space<semaphore_mem>>, %arg25: memref<!tpu.dma_semaphore, #tpu.memory_space<semaphore_mem>>) attributes {dimension_semantics = [#tpu.dimension_semantics<core_parallel>, #tpu.dimension_semantics<subcore_parallel>], iteration_bounds = array<i64: 2, 16>, scalar_prefetch = 0 : i64, scratch_operands = 17 : i64, tpu.core_type = #tpu.core_type<sc_vector_subcore>, window_params = [{transform_indices = #map}, {transform_indices = #map}, {transform_indices = #map}, {transform_indices = #map1}, {transform_indices = #map1}, {transform_indices = #map}, {transform_indices = #map}]} {
    %scan3A = arith.constant 0 : i32
    %scan3A_0 = arith.constant 80 : i32
    %scan3A_1 = arith.addi %scan3A, %scan3A_0 : i32
    %scan3A_2 = arith.constant 1 : i32
    scf.for %scan3A_84 = %scan3A to %scan3A_1 step %scan3A_2  : i32 {
      %mul3A_85 = arith.constant 1 : i32
      %mul3A_86 = arith.muli %scan3A_84, %mul3A_85 : i32
      %add3A_87 = arith.constant 0 : i32
      %add3A_88 = arith.addi %add3A_87, %mul3A_86 : i32
      %broadcast_in_dim3A = arith.constant 0.000000e+00 : f32
      %broadcast_in_dim3A_89 = vector.broadcast %broadcast_in_dim3A : f32 to vector<16xf32>
      %swap3A = arith.index_cast %add3A_88 : i32 to index
      %swap3A_90 = arith.constant 0 : index
      %swap3A_91 = tpu.vector_load %arg15[%swap3A, %swap3A_90] {strides = array<i32>} : memref<80x128xf32, #tpu.memory_space<vmem>>, vector<1x16xf32>,
      %swap3A_92 = vector.shape_cast %swap3A_91 : vector<1x16xf32> to vector<16xf32>
      %swap3A_93 = vector.shape_cast %broadcast_in_dim3A_89 : vector<16xf32> to vector<1x16xf32>
      tpu.vector_store %arg15[%swap3A, %swap3A_90], %swap3A_93 {strides = array<i32>} : memref<80x128xf32, #tpu.memory_space<vmem>>, vector<1x16xf32>,
      %swap3A_94 = arith.index_cast %add3A_88 : i32 to index
      %swap3A_95 = arith.constant 16 : index
      %swap3A_96 = tpu.vector_load %arg15[%swap3A_94, %swap3A_95] {strides = array<i32>} : memref<80x128xf32, #tpu.memory_space<vmem>>, vector<1x16xf32>,
      %swap3A_97 = vector.shape_cast %swap3A_96 : vector<1x16xf32> to vector<16xf32>
      %swap3A_98 = vector.shape_cast %broadcast_in_dim3A_89 : vector<16xf32> to vector<1x16xf32>
      tpu.vector_store %arg15[%swap3A_94, %swap3A_95], %swap3A_98 {strides = array<i32>} : memref<80x128xf32, #tpu.memory_space<vmem>>, vector<1x16xf32>,
      %swap3A_99 = arith.index_cast %add3A_88 : i32 to index
      %swap3A_100 = arith.constant 32 : index
      %swap3A_101 = tpu.vector_load %arg15[%swap3A_99, %swap3A_100] {strides = array<i32>} : memref<80x128xf32, #tpu.memory_space<vmem>>, vector<1x16xf32>,
      %swap3A_102 = vector.shape_cast %swap3A_101 : vector<1x16xf32> to vector<16xf32>
      %swap3A_103 = vector.shape_cast %broadcast_in_dim3A_89 : vector<16xf32> to vector<1x16xf32>
      tpu.vector_store %arg15[%swap3A_99, %swap3A_100], %swap3A_103 {strides = array<i32>} : memref<80x128xf32, #tpu.memory_space<vmem>>, vector<1x16xf32>,
      %swap3A_104 = arith.index_cast %add3A_88 : i32 to index
      %swap3A_105 = arith.constant 48 : index
      %swap3A_106 = tpu.vector_load %arg15[%swap3A_104, %swap3A_105] {strides = array<i32>} : memref<80x128xf32, #tpu.memory_space<vmem>>, vector<1x16xf32>,
      %swap3A_107 = vector.shape_cast %swap3A_106 : vector<1x16xf32> to vector<16xf32>
      %swap3A_108 = vector.shape_cast %broadcast_in_dim3A_89 : vector<16xf32> to vector<1x16xf32>
      tpu.vector_store %arg15[%swap3A_104, %swap3A_105], %swap3A_108 {strides = array<i32>} : memref<80x128xf32, #tpu.memory_space<vmem>>, vector<1x16xf32>,
      %swap3A_109 = arith.index_cast %add3A_88 : i32 to index
      %swap3A_110 = arith.constant 64 : index
      %swap3A_111 = tpu.vector_load %arg15[%swap3A_109, %swap3A_110] {strides = array<i32>} : memref<80x128xf32, #tpu.memory_space<vmem>>, vector<1x16xf32>,
      %swap3A_112 = vector.shape_cast %swap3A_111 : vector<1x16xf32> to vector<16xf32>
      %swap3A_113 = vector.shape_cast %broadcast_in_dim3A_89 : vector<16xf32> to vector<1x16xf32>
      tpu.vector_store %arg15[%swap3A_109, %swap3A_110], %swap3A_113 {strides = array<i32>} : memref<80x128xf32, #tpu.memory_space<vmem>>, vector<1x16xf32>,
      %swap3A_114 = arith.index_cast %add3A_88 : i32 to index
      %swap3A_115 = arith.constant 80 : index
      %swap3A_116 = tpu.vector_load %arg15[%swap3A_114, %swap3A_115] {strides = array<i32>} : memref<80x128xf32, #tpu.memory_space<vmem>>, vector<1x16xf32>,
      %swap3A_117 = vector.shape_cast %swap3A_116 : vector<1x16xf32> to vector<16xf32>
      %swap3A_118 = vector.shape_cast %broadcast_in_dim3A_89 : vector<16xf32> to vector<1x16xf32>
      tpu.vector_store %arg15[%swap3A_114, %swap3A_115], %swap3A_118 {strides = array<i32>} : memref<80x128xf32, #tpu.memory_space<vmem>>, vector<1x16xf32>,
      %swap3A_119 = arith.index_cast %add3A_88 : i32 to index
      %swap3A_120 = arith.constant 96 : index
      %swap3A_121 = tpu.vector_load %arg15[%swap3A_119, %swap3A_120] {strides = array<i32>} : memref<80x128xf32, #tpu.memory_space<vmem>>, vector<1x16xf32>,
      %swap3A_122 = vector.shape_cast %swap3A_121 : vector<1x16xf32> to vector<16xf32>
      %swap3A_123 = vector.shape_cast %broadcast_in_dim3A_89 : vector<16xf32> to vector<1x16xf32>
      tpu.vector_store %arg15[%swap3A_119, %swap3A_120], %swap3A_123 {strides = array<i32>} : memref<80x128xf32, #tpu.memory_space<vmem>>, vector<1x16xf32>,
      %swap3A_124 = arith.index_cast %add3A_88 : i32 to index
      %swap3A_125 = arith.constant 112 : index
      %swap3A_126 = tpu.vector_load %arg15[%swap3A_124, %swap3A_125] {strides = array<i32>} : memref<80x128xf32, #tpu.memory_space<vmem>>, vector<1x16xf32>,
      %swap3A_127 = vector.shape_cast %swap3A_126 : vector<1x16xf32> to vector<16xf32>
      %swap3A_128 = vector.shape_cast %broadcast_in_dim3A_89 : vector<16xf32> to vector<1x16xf32>
      tpu.vector_store %arg15[%swap3A_124, %swap3A_125], %swap3A_128 {strides = array<i32>} : memref<80x128xf32, #tpu.memory_space<vmem>>, vector<1x16xf32>,
    }
    %scan3A_3 = arith.constant 80 : i32
    %mul3A = arith.constant 624 : i32
    %mul3A_4 = arith.muli %arg1, %mul3A : i32
    %lt3A = arith.constant 15 : i32
    %lt3A_5 = arith.cmpi slt, %arg1, %lt3A : i32
    %convert_element_type3A = arith.extui %lt3A_5 : i1 to i32
    %cond3A = arith.constant 0 : i32
    %cond3A_6 = arith.cmpi ne, %convert_element_type3A, %cond3A : i32
    scf.if %cond3A_6 {
      %add3A_84 = arith.constant 0 : i32
      %add3A_85 = arith.addi %mul3A_4, %add3A_84 : i32
      "tpu.region"() ({
        %run_scoped3A = tpu.sem_alloc : memref<!tpu.dma_semaphore, #tpu.memory_space<semaphore_mem>>
        %dma_start3A_100 = arith.constant 0 : i32
        %dma_start3A_101 = arith.constant 0 : i32
        %dma_start3A_102 = tpu.memref_slice %arg15[%dma_start3A_100, %dma_start3A_101] : memref<80x128xf32, #tpu.memory_space<vmem>> -> memref<80x128xf32, #tpu.memory_space<vmem>>
        %dma_start3A_103 = arith.constant 0 : i32
        %dma_start3A_104 = tpu.memref_slice %arg19[%add3A_85, %dma_start3A_103] : memref<10000x128xf32, #tpu.memory_space<vmem_shared>> -> memref<80x128xf32, #tpu.memory_space<vmem_shared>>
        %dma_start3A_105 = arith.constant 0 : i32
        %dma_start3A_106 = tpu.memref_slice %arg19[%add3A_85, %dma_start3A_105] : memref<10000x128xf32, #tpu.memory_space<vmem_shared>> -> memref<80x128xf32, #tpu.memory_space<vmem_shared>>
        %dma_start3A_107 = arith.constant 0 : i32
        %dma_start3A_108 = arith.constant 0 : i32
        %dma_start3A_109 = tpu.memref_slice %arg15[%dma_start3A_107, %dma_start3A_108] : memref<80x128xf32, #tpu.memory_space<vmem>> -> memref<80x128xf32, #tpu.memory_space<vmem>>
        tpu.enqueue_dma source(%dma_start3A_109 : memref<80x128xf32, #tpu.memory_space<vmem>>) target(%dma_start3A_106 : memref<80x128xf32, #tpu.memory_space<vmem_shared>>) target_semaphore(%run_scoped3A : memref<!tpu.dma_semaphore, #tpu.memory_space<semaphore_mem>>)
        %dma_wait3A_110 = arith.constant 0 : i32
        %dma_wait3A_111 = arith.constant 0 : i32
        %dma_wait3A_112 = tpu.memref_slice %arg15[%dma_wait3A_110, %dma_wait3A_111] : memref<80x128xf32, #tpu.memory_space<vmem>> -> memref<80x128xf32, #tpu.memory_space<vmem>>
        %dma_wait3A_113 = arith.constant 0 : i32
        %dma_wait3A_114 = tpu.memref_slice %arg19[%add3A_85, %dma_wait3A_113] : memref<10000x128xf32, #tpu.memory_space<vmem_shared>> -> memref<80x128xf32, #tpu.memory_space<vmem_shared>>
        %dma_wait3A_115 = arith.constant 0 : i32
        %dma_wait3A_116 = tpu.memref_slice %arg19[%add3A_85, %dma_wait3A_115] : memref<10000x128xf32, #tpu.memory_space<vmem_shared>> -> memref<80x128xf32, #tpu.memory_space<vmem_shared>>
        %dma_wait3A_117 = arith.constant 0 : i32
        %dma_wait3A_118 = arith.constant 0 : i32
        %dma_wait3A_119 = tpu.memref_slice %arg15[%dma_wait3A_117, %dma_wait3A_118] : memref<80x128xf32, #tpu.memory_space<vmem>> -> memref<80x128xf32, #tpu.memory_space<vmem>>
        tpu.wait_dma2 semaphore(%run_scoped3A : memref<!tpu.dma_semaphore, #tpu.memory_space<semaphore_mem>>) src(%dma_wait3A_119 : memref<80x128xf32, #tpu.memory_space<vmem>>) dst(%dma_wait3A_116 : memref<80x128xf32, #tpu.memory_space<vmem_shared>>)
        tpu.yield
      }) : () -> ()
      %add3A_86 = arith.constant 80 : i32
      %add3A_87 = arith.addi %mul3A_4, %add3A_86 : i32
      "tpu.region"() ({
        %run_scoped3A = tpu.sem_alloc : memref<!tpu.dma_semaphore, #tpu.memory_space<semaphore_mem>>
        %dma_start3A_100 = arith.constant 0 : i32
        %dma_start3A_101 = arith.constant 0 : i32
        %dma_start3A_102 = tpu.memref_slice %arg15[%dma_start3A_100, %dma_start3A_101] : memref<80x128xf32, #tpu.memory_space<vmem>> -> memref<80x128xf32, #tpu.memory_space<vmem>>
        %dma_start3A_103 = arith.constant 0 : i32
        %dma_start3A_104 = tpu.memref_slice %arg19[%add3A_87, %dma_start3A_103] : memref<10000x128xf32, #tpu.memory_space<vmem_shared>> -> memref<80x128xf32, #tpu.memory_space<vmem_shared>>
        %dma_start3A_105 = arith.constant 0 : i32
        %dma_start3A_106 = tpu.memref_slice %arg19[%add3A_87, %dma_start3A_105] : memref<10000x128xf32, #tpu.memory_space<vmem_shared>> -> memref<80x128xf32, #tpu.memory_space<vmem_shared>>
        %dma_start3A_107 = arith.constant 0 : i32
        %dma_start3A_108 = arith.constant 0 : i32
        %dma_start3A_109 = tpu.memref_slice %arg15[%dma_start3A_107, %dma_start3A_108] : memref<80x128xf32, #tpu.memory_space<vmem>> -> memref<80x128xf32, #tpu.memory_space<vmem>>
        tpu.enqueue_dma source(%dma_start3A_109 : memref<80x128xf32, #tpu.memory_space<vmem>>) target(%dma_start3A_106 : memref<80x128xf32, #tpu.memory_space<vmem_shared>>) target_semaphore(%run_scoped3A : memref<!tpu.dma_semaphore, #tpu.memory_space<semaphore_mem>>)
        %dma_wait3A_110 = arith.constant 0 : i32
        %dma_wait3A_111 = arith.constant 0 : i32
        %dma_wait3A_112 = tpu.memref_slice %arg15[%dma_wait3A_110, %dma_wait3A_111] : memref<80x128xf32, #tpu.memory_space<vmem>> -> memref<80x128xf32, #tpu.memory_space<vmem>>
        %dma_wait3A_113 = arith.constant 0 : i32
        %dma_wait3A_114 = tpu.memref_slice %arg19[%add3A_87, %dma_wait3A_113] : memref<10000x128xf32, #tpu.memory_space<vmem_shared>> -> memref<80x128xf32, #tpu.memory_space<vmem_shared>>
        %dma_wait3A_115 = arith.constant 0 : i32
        %dma_wait3A_116 = tpu.memref_slice %arg19[%add3A_87, %dma_wait3A_115] : memref<10000x128xf32, #tpu.memory_space<vmem_shared>> -> memref<80x128xf32, #tpu.memory_space<vmem_shared>>
        %dma_wait3A_117 = arith.constant 0 : i32
        %dma_wait3A_118 = arith.constant 0 : i32
        %dma_wait3A_119 = tpu.memref_slice %arg15[%dma_wait3A_117, %dma_wait3A_118] : memref<80x128xf32, #tpu.memory_space<vmem>> -> memref<80x128xf32, #tpu.memory_space<vmem>>
        tpu.wait_dma2 semaphore(%run_scoped3A : memref<!tpu.dma_semaphore, #tpu.memory_space<semaphore_mem>>) src(%dma_wait3A_119 : memref<80x128xf32, #tpu.memory_space<vmem>>) dst(%dma_wait3A_116 : memref<80x128xf32, #tpu.memory_space<vmem_shared>>)
        tpu.yield
      }) : () -> ()
      %add3A_88 = arith.constant 160 : i32
      %add3A_89 = arith.addi %mul3A_4, %add3A_88 : i32
      "tpu.region"() ({
        %run_scoped3A = tpu.sem_alloc : memref<!tpu.dma_semaphore, #tpu.memory_space<semaphore_mem>>
        %dma_start3A_100 = arith.constant 0 : i32
        %dma_start3A_101 = arith.constant 0 : i32
        %dma_start3A_102 = tpu.memref_slice %arg15[%dma_start3A_100, %dma_start3A_101] : memref<80x128xf32, #tpu.memory_space<vmem>> -> memref<80x128xf32, #tpu.memory_space<vmem>>
        %dma_start3A_103 = arith.constant 0 : i32
        %dma_start3A_104 = tpu.memref_slice %arg19[%add3A_89, %dma_start3A_103] : memref<10000x128xf32, #tpu.memory_space<vmem_shared>> -> memref<80x128xf32, #tpu.memory_space<vmem_shared>>
        %dma_start3A_105 = arith.constant 0 : i32
        %dma_start3A_106 = tpu.memref_slice %arg19[%add3A_89, %dma_start3A_105] : memref<10000x128xf32, #tpu.memory_space<vmem_shared>> -> memref<80x128xf32, #tpu.memory_space<vmem_shared>>
        %dma_start3A_107 = arith.constant 0 : i32
        %dma_start3A_108 = arith.constant 0 : i32
        %dma_start3A_109 = tpu.memref_slice %arg15[%dma_start3A_107, %dma_start3A_108] : memref<80x128xf32, #tpu.memory_space<vmem>> -> memref<80x128xf32, #tpu.memory_space<vmem>>
        tpu.enqueue_dma source(%dma_start3A_109 : memref<80x128xf32, #tpu.memory_space<vmem>>) target(%dma_start3A_106 : memref<80x128xf32, #tpu.memory_space<vmem_shared>>) target_semaphore(%run_scoped3A : memref<!tpu.dma_semaphore, #tpu.memory_space<semaphore_mem>>)
        %dma_wait3A_110 = arith.constant 0 : i32
        %dma_wait3A_111 = arith.constant 0 : i32
        %dma_wait3A_112 = tpu.memref_slice %arg15[%dma_wait3A_110, %dma_wait3A_111] : memref<80x128xf32, #tpu.memory_space<vmem>> -> memref<80x128xf32, #tpu.memory_space<vmem>>
        %dma_wait3A_113 = arith.constant 0 : i32
        %dma_wait3A_114 = tpu.memref_slice %arg19[%add3A_89, %dma_wait3A_113] : memref<10000x128xf32, #tpu.memory_space<vmem_shared>> -> memref<80x128xf32, #tpu.memory_space<vmem_shared>>
        %dma_wait3A_115 = arith.constant 0 : i32
        %dma_wait3A_116 = tpu.memref_slice %arg19[%add3A_89, %dma_wait3A_115] : memref<10000x128xf32, #tpu.memory_space<vmem_shared>> -> memref<80x128xf32, #tpu.memory_space<vmem_shared>>
        %dma_wait3A_117 = arith.constant 0 : i32
        %dma_wait3A_118 = arith.constant 0 : i32
        %dma_wait3A_119 = tpu.memref_slice %arg15[%dma_wait3A_117, %dma_wait3A_118] : memref<80x128xf32, #tpu.memory_space<vmem>> -> memref<80x128xf32, #tpu.memory_space<vmem>>
        tpu.wait_dma2 semaphore(%run_scoped3A : memref<!tpu.dma_semaphore, #tpu.memory_space<semaphore_mem>>) src(%dma_wait3A_119 : memref<80x128xf32, #tpu.memory_space<vmem>>) dst(%dma_wait3A_116 : memref<80x128xf32, #tpu.memory_space<vmem_shared>>)
        tpu.yield
      }) : () -> ()
      %add3A_90 = arith.constant 240 : i32
      %add3A_91 = arith.addi %mul3A_4, %add3A_90 : i32
      "tpu.region"() ({
        %run_scoped3A = tpu.sem_alloc : memref<!tpu.dma_semaphore, #tpu.memory_space<semaphore_mem>>
        %dma_start3A_100 = arith.constant 0 : i32
        %dma_start3A_101 = arith.constant 0 : i32
        %dma_start3A_102 = tpu.memref_slice %arg15[%dma_start3A_100, %dma_start3A_101] : memref<80x128xf32, #tpu.memory_space<vmem>> -> memref<80x128xf32, #tpu.memory_space<vmem>>
        %dma_start3A_103 = arith.constant 0 : i32
        %dma_start3A_104 = tpu.memref_slice %arg19[%add3A_91, %dma_start3A_103] : memref<10000x128xf32, #tpu.memory_space<vmem_shared>> -> memref<80x128xf32, #tpu.memory_space<vmem_shared>>
        %dma_start3A_105 = arith.constant 0 : i32
        %dma_start3A_106 = tpu.memref_slice %arg19[%add3A_91, %dma_start3A_105] : memref<10000x128xf32, #tpu.memory_space<vmem_shared>> -> memref<80x128xf32, #tpu.memory_space<vmem_shared>>
        %dma_start3A_107 = arith.constant 0 : i32
        %dma_start3A_108 = arith.constant 0 : i32
        %dma_start3A_109 = tpu.memref_slice %arg15[%dma_start3A_107, %dma_start3A_108] : memref<80x128xf32, #tpu.memory_space<vmem>> -> memref<80x128xf32, #tpu.memory_space<vmem>>
        tpu.enqueue_dma source(%dma_start3A_109 : memref<80x128xf32, #tpu.memory_space<vmem>>) target(%dma_start3A_106 : memref<80x128xf32, #tpu.memory_space<vmem_shared>>) target_semaphore(%run_scoped3A : memref<!tpu.dma_semaphore, #tpu.memory_space<semaphore_mem>>)
        %dma_wait3A_110 = arith.constant 0 : i32
        %dma_wait3A_111 = arith.constant 0 : i32
        %dma_wait3A_112 = tpu.memref_slice %arg15[%dma_wait3A_110, %dma_wait3A_111] : memref<80x128xf32, #tpu.memory_space<vmem>> -> memref<80x128xf32, #tpu.memory_space<vmem>>
        %dma_wait3A_113 = arith.constant 0 : i32
        %dma_wait3A_114 = tpu.memref_slice %arg19[%add3A_91, %dma_wait3A_113] : memref<10000x128xf32, #tpu.memory_space<vmem_shared>> -> memref<80x128xf32, #tpu.memory_space<vmem_shared>>
        %dma_wait3A_115 = arith.constant 0 : i32
        %dma_wait3A_116 = tpu.memref_slice %arg19[%add3A_91, %dma_wait3A_115] : memref<10000x128xf32, #tpu.memory_space<vmem_shared>> -> memref<80x128xf32, #tpu.memory_space<vmem_shared>>
        %dma_wait3A_117 = arith.constant 0 : i32
        %dma_wait3A_118 = arith.constant 0 : i32
        %dma_wait3A_119 = tpu.memref_slice %arg15[%dma_wait3A_117, %dma_wait3A_118] : memref<80x128xf32, #tpu.memory_space<vmem>> -> memref<80x128xf32, #tpu.memory_space<vmem>>
        tpu.wait_dma2 semaphore(%run_scoped3A : memref<!tpu.dma_semaphore, #tpu.memory_space<semaphore_mem>>) src(%dma_wait3A_119 : memref<80x128xf32, #tpu.memory_space<vmem>>) dst(%dma_wait3A_116 : memref<80x128xf32, #tpu.memory_space<vmem_shared>>)
        tpu.yield
      }) : () -> ()
      %add3A_92 = arith.constant 320 : i32
      %add3A_93 = arith.addi %mul3A_4, %add3A_92 : i32
      "tpu.region"() ({
        %run_scoped3A = tpu.sem_alloc : memref<!tpu.dma_semaphore, #tpu.memory_space<semaphore_mem>>
        %dma_start3A_100 = arith.constant 0 : i32
        %dma_start3A_101 = arith.constant 0 : i32
        %dma_start3A_102 = tpu.memref_slice %arg15[%dma_start3A_100, %dma_start3A_101] : memref<80x128xf32, #tpu.memory_space<vmem>> -> memref<80x128xf32, #tpu.memory_space<vmem>>
        %dma_start3A_103 = arith.constant 0 : i32
        %dma_start3A_104 = tpu.memref_slice %arg19[%add3A_93, %dma_start3A_103] : memref<10000x128xf32, #tpu.memory_space<vmem_shared>> -> memref<80x128xf32, #tpu.memory_space<vmem_shared>>
        %dma_start3A_105 = arith.constant 0 : i32
        %dma_start3A_106 = tpu.memref_slice %arg19[%add3A_93, %dma_start3A_105] : memref<10000x128xf32, #tpu.memory_space<vmem_shared>> -> memref<80x128xf32, #tpu.memory_space<vmem_shared>>
        %dma_start3A_107 = arith.constant 0 : i32
        %dma_start3A_108 = arith.constant 0 : i32
        %dma_start3A_109 = tpu.memref_slice %arg15[%dma_start3A_107, %dma_start3A_108] : memref<80x128xf32, #tpu.memory_space<vmem>> -> memref<80x128xf32, #tpu.memory_space<vmem>>
        tpu.enqueue_dma source(%dma_start3A_109 : memref<80x128xf32, #tpu.memory_space<vmem>>) target(%dma_start3A_106 : memref<80x128xf32, #tpu.memory_space<vmem_shared>>) target_semaphore(%run_scoped3A : memref<!tpu.dma_semaphore, #tpu.memory_space<semaphore_mem>>)
        %dma_wait3A_110 = arith.constant 0 : i32
        %dma_wait3A_111 = arith.constant 0 : i32
        %dma_wait3A_112 = tpu.memref_slice %arg15[%dma_wait3A_110, %dma_wait3A_111] : memref<80x128xf32, #tpu.memory_space<vmem>> -> memref<80x128xf32, #tpu.memory_space<vmem>>
        %dma_wait3A_113 = arith.constant 0 : i32
        %dma_wait3A_114 = tpu.memref_slice %arg19[%add3A_93, %dma_wait3A_113] : memref<10000x128xf32, #tpu.memory_space<vmem_shared>> -> memref<80x128xf32, #tpu.memory_space<vmem_shared>>
        %dma_wait3A_115 = arith.constant 0 : i32
        %dma_wait3A_116 = tpu.memref_slice %arg19[%add3A_93, %dma_wait3A_115] : memref<10000x128xf32, #tpu.memory_space<vmem_shared>> -> memref<80x128xf32, #tpu.memory_space<vmem_shared>>
        %dma_wait3A_117 = arith.constant 0 : i32
        %dma_wait3A_118 = arith.constant 0 : i32
        %dma_wait3A_119 = tpu.memref_slice %arg15[%dma_wait3A_117, %dma_wait3A_118] : memref<80x128xf32, #tpu.memory_space<vmem>> -> memref<80x128xf32, #tpu.memory_space<vmem>>
        tpu.wait_dma2 semaphore(%run_scoped3A : memref<!tpu.dma_semaphore, #tpu.memory_space<semaphore_mem>>) src(%dma_wait3A_119 : memref<80x128xf32, #tpu.memory_space<vmem>>) dst(%dma_wait3A_116 : memref<80x128xf32, #tpu.memory_space<vmem_shared>>)
        tpu.yield
      }) : () -> ()
      %add3A_94 = arith.constant 400 : i32
      %add3A_95 = arith.addi %mul3A_4, %add3A_94 : i32
      "tpu.region"() ({
        %run_scoped3A = tpu.sem_alloc : memref<!tpu.dma_semaphore, #tpu.memory_space<semaphore_mem>>
        %dma_start3A_100 = arith.constant 0 : i32
        %dma_start3A_101 = arith.constant 0 : i32
        %dma_start3A_102 = tpu.memref_slice %arg15[%dma_start3A_100, %dma_start3A_101] : memref<80x128xf32, #tpu.memory_space<vmem>> -> memref<80x128xf32, #tpu.memory_space<vmem>>
        %dma_start3A_103 = arith.constant 0 : i32
        %dma_start3A_104 = tpu.memref_slice %arg19[%add3A_95, %dma_start3A_103] : memref<10000x128xf32, #tpu.memory_space<vmem_shared>> -> memref<80x128xf32, #tpu.memory_space<vmem_shared>>
        %dma_start3A_105 = arith.constant 0 : i32
        %dma_start3A_106 = tpu.memref_slice %arg19[%add3A_95, %dma_start3A_105] : memref<10000x128xf32, #tpu.memory_space<vmem_shared>> -> memref<80x128xf32, #tpu.memory_space<vmem_shared>>
        %dma_start3A_107 = arith.constant 0 : i32
        %dma_start3A_108 = arith.constant 0 : i32
        %dma_start3A_109 = tpu.memref_slice %arg15[%dma_start3A_107, %dma_start3A_108] : memref<80x128xf32, #tpu.memory_space<vmem>> -> memref<80x128xf32, #tpu.memory_space<vmem>>
        tpu.enqueue_dma source(%dma_start3A_109 : memref<80x128xf32, #tpu.memory_space<vmem>>) target(%dma_start3A_106 : memref<80x128xf32, #tpu.memory_space<vmem_shared>>) target_semaphore(%run_scoped3A : memref<!tpu.dma_semaphore, #tpu.memory_space<semaphore_mem>>)
        %dma_wait3A_110 = arith.constant 0 : i32
        %dma_wait3A_111 = arith.constant 0 : i32
        %dma_wait3A_112 = tpu.memref_slice %arg15[%dma_wait3A_110, %dma_wait3A_111] : memref<80x128xf32, #tpu.memory_space<vmem>> -> memref<80x128xf32, #tpu.memory_space<vmem>>
        %dma_wait3A_113 = arith.constant 0 : i32
        %dma_wait3A_114 = tpu.memref_slice %arg19[%add3A_95, %dma_wait3A_113] : memref<10000x128xf32, #tpu.memory_space<vmem_shared>> -> memref<80x128xf32, #tpu.memory_space<vmem_shared>>
        %dma_wait3A_115 = arith.constant 0 : i32
        %dma_wait3A_116 = tpu.memref_slice %arg19[%add3A_95, %dma_wait3A_115] : memref<10000x128xf32, #tpu.memory_space<vmem_shared>> -> memref<80x128xf32, #tpu.memory_space<vmem_shared>>
        %dma_wait3A_117 = arith.constant 0 : i32
        %dma_wait3A_118 = arith.constant 0 : i32
        %dma_wait3A_119 = tpu.memref_slice %arg15[%dma_wait3A_117, %dma_wait3A_118] : memref<80x128xf32, #tpu.memory_space<vmem>> -> memref<80x128xf32, #tpu.memory_space<vmem>>
        tpu.wait_dma2 semaphore(%run_scoped3A : memref<!tpu.dma_semaphore, #tpu.memory_space<semaphore_mem>>) src(%dma_wait3A_119 : memref<80x128xf32, #tpu.memory_space<vmem>>) dst(%dma_wait3A_116 : memref<80x128xf32, #tpu.memory_space<vmem_shared>>)
        tpu.yield
      }) : () -> ()
      %add3A_96 = arith.constant 480 : i32
      %add3A_97 = arith.addi %mul3A_4, %add3A_96 : i32
      "tpu.region"() ({
        %run_scoped3A = tpu.sem_alloc : memref<!tpu.dma_semaphore, #tpu.memory_space<semaphore_mem>>
        %dma_start3A_100 = arith.constant 0 : i32
        %dma_start3A_101 = arith.constant 0 : i32
        %dma_start3A_102 = tpu.memref_slice %arg15[%dma_start3A_100, %dma_start3A_101] : memref<80x128xf32, #tpu.memory_space<vmem>> -> memref<80x128xf32, #tpu.memory_space<vmem>>
        %dma_start3A_103 = arith.constant 0 : i32
        %dma_start3A_104 = tpu.memref_slice %arg19[%add3A_97, %dma_start3A_103] : memref<10000x128xf32, #tpu.memory_space<vmem_shared>> -> memref<80x128xf32, #tpu.memory_space<vmem_shared>>
        %dma_start3A_105 = arith.constant 0 : i32
        %dma_start3A_106 = tpu.memref_slice %arg19[%add3A_97, %dma_start3A_105] : memref<10000x128xf32, #tpu.memory_space<vmem_shared>> -> memref<80x128xf32, #tpu.memory_space<vmem_shared>>
        %dma_start3A_107 = arith.constant 0 : i32
        %dma_start3A_108 = arith.constant 0 : i32
        %dma_start3A_109 = tpu.memref_slice %arg15[%dma_start3A_107, %dma_start3A_108] : memref<80x128xf32, #tpu.memory_space<vmem>> -> memref<80x128xf32, #tpu.memory_space<vmem>>
        tpu.enqueue_dma source(%dma_start3A_109 : memref<80x128xf32, #tpu.memory_space<vmem>>) target(%dma_start3A_106 : memref<80x128xf32, #tpu.memory_space<vmem_shared>>) target_semaphore(%run_scoped3A : memref<!tpu.dma_semaphore, #tpu.memory_space<semaphore_mem>>)
        %dma_wait3A_110 = arith.constant 0 : i32
        %dma_wait3A_111 = arith.constant 0 : i32
        %dma_wait3A_112 = tpu.memref_slice %arg15[%dma_wait3A_110, %dma_wait3A_111] : memref<80x128xf32, #tpu.memory_space<vmem>> -> memref<80x128xf32, #tpu.memory_space<vmem>>
        %dma_wait3A_113 = arith.constant 0 : i32
        %dma_wait3A_114 = tpu.memref_slice %arg19[%add3A_97, %dma_wait3A_113] : memref<10000x128xf32, #tpu.memory_space<vmem_shared>> -> memref<80x128xf32, #tpu.memory_space<vmem_shared>>
        %dma_wait3A_115 = arith.constant 0 : i32
        %dma_wait3A_116 = tpu.memref_slice %arg19[%add3A_97, %dma_wait3A_115] : memref<10000x128xf32, #tpu.memory_space<vmem_shared>> -> memref<80x128xf32, #tpu.memory_space<vmem_shared>>
        %dma_wait3A_117 = arith.constant 0 : i32
        %dma_wait3A_118 = arith.constant 0 : i32
        %dma_wait3A_119 = tpu.memref_slice %arg15[%dma_wait3A_117, %dma_wait3A_118] : memref<80x128xf32, #tpu.memory_space<vmem>> -> memref<80x128xf32, #tpu.memory_space<vmem>>
        tpu.wait_dma2 semaphore(%run_scoped3A : memref<!tpu.dma_semaphore, #tpu.memory_space<semaphore_mem>>) src(%dma_wait3A_119 : memref<80x128xf32, #tpu.memory_space<vmem>>) dst(%dma_wait3A_116 : memref<80x128xf32, #tpu.memory_space<vmem_shared>>)
        tpu.yield
      }) : () -> ()
      %add3A_98 = arith.constant 560 : i32
      %add3A_99 = arith.addi %mul3A_4, %add3A_98 : i32
      "tpu.region"() ({
        %run_scoped3A = tpu.sem_alloc : memref<!tpu.dma_semaphore, #tpu.memory_space<semaphore_mem>>
        %dma_start3A_100 = arith.constant 0 : i32
        %dma_start3A_101 = arith.constant 0 : i32
        %dma_start3A_102 = tpu.memref_slice %arg15[%dma_start3A_100, %dma_start3A_101] : memref<80x128xf32, #tpu.memory_space<vmem>> -> memref<64x128xf32, #tpu.memory_space<vmem>>
        %dma_start3A_103 = arith.constant 0 : i32
        %dma_start3A_104 = tpu.memref_slice %arg19[%add3A_99, %dma_start3A_103] : memref<10000x128xf32, #tpu.memory_space<vmem_shared>> -> memref<64x128xf32, #tpu.memory_space<vmem_shared>>
        %dma_start3A_105 = arith.constant 0 : i32
        %dma_start3A_106 = tpu.memref_slice %arg19[%add3A_99, %dma_start3A_105] : memref<10000x128xf32, #tpu.memory_space<vmem_shared>> -> memref<64x128xf32, #tpu.memory_space<vmem_shared>>
        %dma_start3A_107 = arith.constant 0 : i32
        %dma_start3A_108 = arith.constant 0 : i32
        %dma_start3A_109 = tpu.memref_slice %arg15[%dma_start3A_107, %dma_start3A_108] : memref<80x128xf32, #tpu.memory_space<vmem>> -> memref<64x128xf32, #tpu.memory_space<vmem>>
        tpu.enqueue_dma source(%dma_start3A_109 : memref<64x128xf32, #tpu.memory_space<vmem>>) target(%dma_start3A_106 : memref<64x128xf32, #tpu.memory_space<vmem_shared>>) target_semaphore(%run_scoped3A : memref<!tpu.dma_semaphore, #tpu.memory_space<semaphore_mem>>)
        %dma_wait3A_110 = arith.constant 0 : i32
        %dma_wait3A_111 = arith.constant 0 : i32
        %dma_wait3A_112 = tpu.memref_slice %arg15[%dma_wait3A_110, %dma_wait3A_111] : memref<80x128xf32, #tpu.memory_space<vmem>> -> memref<64x128xf32, #tpu.memory_space<vmem>>
        %dma_wait3A_113 = arith.constant 0 : i32
        %dma_wait3A_114 = tpu.memref_slice %arg19[%add3A_99, %dma_wait3A_113] : memref<10000x128xf32, #tpu.memory_space<vmem_shared>> -> memref<64x128xf32, #tpu.memory_space<vmem_shared>>
        %dma_wait3A_115 = arith.constant 0 : i32
        %dma_wait3A_116 = tpu.memref_slice %arg19[%add3A_99, %dma_wait3A_115] : memref<10000x128xf32, #tpu.memory_space<vmem_shared>> -> memref<64x128xf32, #tpu.memory_space<vmem_shared>>
        %dma_wait3A_117 = arith.constant 0 : i32
        %dma_wait3A_118 = arith.constant 0 : i32
        %dma_wait3A_119 = tpu.memref_slice %arg15[%dma_wait3A_117, %dma_wait3A_118] : memref<80x128xf32, #tpu.memory_space<vmem>> -> memref<64x128xf32, #tpu.memory_space<vmem>>
        tpu.wait_dma2 semaphore(%run_scoped3A : memref<!tpu.dma_semaphore, #tpu.memory_space<semaphore_mem>>) src(%dma_wait3A_119 : memref<64x128xf32, #tpu.memory_space<vmem>>) dst(%dma_wait3A_116 : memref<64x128xf32, #tpu.memory_space<vmem_shared>>)
        tpu.yield
      }) : () -> ()
    } else {
    }
    %eq3A = arith.constant 15 : i32
    %eq3A_7 = arith.cmpi eq, %arg1, %eq3A : i32
    %convert_element_type3A_8 = arith.extui %eq3A_7 : i1 to i32
    %cond3A_9 = arith.constant 0 : i32
    %cond3A_10 = arith.cmpi ne, %convert_element_type3A_8, %cond3A_9 : i32
    scf.if %cond3A_10 {
      %add3A_84 = arith.constant 0 : i32
      %add3A_85 = arith.addi %mul3A_4, %add3A_84 : i32
      "tpu.region"() ({
        %run_scoped3A = tpu.sem_alloc : memref<!tpu.dma_semaphore, #tpu.memory_space<semaphore_mem>>
        %dma_start3A_100 = arith.constant 0 : i32
        %dma_start3A_101 = arith.constant 0 : i32
        %dma_start3A_102 = tpu.memref_slice %arg15[%dma_start3A_100, %dma_start3A_101] : memref<80x128xf32, #tpu.memory_space<vmem>> -> memref<80x128xf32, #tpu.memory_space<vmem>>
        %dma_start3A_103 = arith.constant 0 : i32
        %dma_start3A_104 = tpu.memref_slice %arg19[%add3A_85, %dma_start3A_103] : memref<10000x128xf32, #tpu.memory_space<vmem_shared>> -> memref<80x128xf32, #tpu.memory_space<vmem_shared>>
        %dma_start3A_105 = arith.constant 0 : i32
        %dma_start3A_106 = tpu.memref_slice %arg19[%add3A_85, %dma_start3A_105] : memref<10000x128xf32, #tpu.memory_space<vmem_shared>> -> memref<80x128xf32, #tpu.memory_space<vmem_shared>>
        %dma_start3A_107 = arith.constant 0 : i32
        %dma_start3A_108 = arith.constant 0 : i32
        %dma_start3A_109 = tpu.memref_slice %arg15[%dma_start3A_107, %dma_start3A_108] : memref<80x128xf32, #tpu.memory_space<vmem>> -> memref<80x128xf32, #tpu.memory_space<vmem>>
        tpu.enqueue_dma source(%dma_start3A_109 : memref<80x128xf32, #tpu.memory_space<vmem>>) target(%dma_start3A_106 : memref<80x128xf32, #tpu.memory_space<vmem_shared>>) target_semaphore(%run_scoped3A : memref<!tpu.dma_semaphore, #tpu.memory_space<semaphore_mem>>)
        %dma_wait3A_110 = arith.constant 0 : i32
        %dma_wait3A_111 = arith.constant 0 : i32
        %dma_wait3A_112 = tpu.memref_slice %arg15[%dma_wait3A_110, %dma_wait3A_111] : memref<80x128xf32, #tpu.memory_space<vmem>> -> memref<80x128xf32, #tpu.memory_space<vmem>>
        %dma_wait3A_113 = arith.constant 0 : i32
        %dma_wait3A_114 = tpu.memref_slice %arg19[%add3A_85, %dma_wait3A_113] : memref<10000x128xf32, #tpu.memory_space<vmem_shared>> -> memref<80x128xf32, #tpu.memory_space<vmem_shared>>
        %dma_wait3A_115 = arith.constant 0 : i32
        %dma_wait3A_116 = tpu.memref_slice %arg19[%add3A_85, %dma_wait3A_115] : memref<10000x128xf32, #tpu.memory_space<vmem_shared>> -> memref<80x128xf32, #tpu.memory_space<vmem_shared>>
        %dma_wait3A_117 = arith.constant 0 : i32
        %dma_wait3A_118 = arith.constant 0 : i32
        %dma_wait3A_119 = tpu.memref_slice %arg15[%dma_wait3A_117, %dma_wait3A_118] : memref<80x128xf32, #tpu.memory_space<vmem>> -> memref<80x128xf32, #tpu.memory_space<vmem>>
        tpu.wait_dma2 semaphore(%run_scoped3A : memref<!tpu.dma_semaphore, #tpu.memory_space<semaphore_mem>>) src(%dma_wait3A_119 : memref<80x128xf32, #tpu.memory_space<vmem>>) dst(%dma_wait3A_116 : memref<80x128xf32, #tpu.memory_space<vmem_shared>>)
        tpu.yield
      }) : () -> ()
      %add3A_86 = arith.constant 80 : i32
      %add3A_87 = arith.addi %mul3A_4, %add3A_86 : i32
      "tpu.region"() ({
        %run_scoped3A = tpu.sem_alloc : memref<!tpu.dma_semaphore, #tpu.memory_space<semaphore_mem>>
        %dma_start3A_100 = arith.constant 0 : i32
        %dma_start3A_101 = arith.constant 0 : i32
        %dma_start3A_102 = tpu.memref_slice %arg15[%dma_start3A_100, %dma_start3A_101] : memref<80x128xf32, #tpu.memory_space<vmem>> -> memref<80x128xf32, #tpu.memory_space<vmem>>
        %dma_start3A_103 = arith.constant 0 : i32
        %dma_start3A_104 = tpu.memref_slice %arg19[%add3A_87, %dma_start3A_103] : memref<10000x128xf32, #tpu.memory_space<vmem_shared>> -> memref<80x128xf32, #tpu.memory_space<vmem_shared>>
        %dma_start3A_105 = arith.constant 0 : i32
        %dma_start3A_106 = tpu.memref_slice %arg19[%add3A_87, %dma_start3A_105] : memref<10000x128xf32, #tpu.memory_space<vmem_shared>> -> memref<80x128xf32, #tpu.memory_space<vmem_shared>>
        %dma_start3A_107 = arith.constant 0 : i32
        %dma_start3A_108 = arith.constant 0 : i32
        %dma_start3A_109 = tpu.memref_slice %arg15[%dma_start3A_107, %dma_start3A_108] : memref<80x128xf32, #tpu.memory_space<vmem>> -> memref<80x128xf32, #tpu.memory_space<vmem>>
        tpu.enqueue_dma source(%dma_start3A_109 : memref<80x128xf32, #tpu.memory_space<vmem>>) target(%dma_start3A_106 : memref<80x128xf32, #tpu.memory_space<vmem_shared>>) target_semaphore(%run_scoped3A : memref<!tpu.dma_semaphore, #tpu.memory_space<semaphore_mem>>)
        %dma_wait3A_110 = arith.constant 0 : i32
        %dma_wait3A_111 = arith.constant 0 : i32
        %dma_wait3A_112 = tpu.memref_slice %arg15[%dma_wait3A_110, %dma_wait3A_111] : memref<80x128xf32, #tpu.memory_space<vmem>> -> memref<80x128xf32, #tpu.memory_space<vmem>>
        %dma_wait3A_113 = arith.constant 0 : i32
        %dma_wait3A_114 = tpu.memref_slice %arg19[%add3A_87, %dma_wait3A_113] : memref<10000x128xf32, #tpu.memory_space<vmem_shared>> -> memref<80x128xf32, #tpu.memory_space<vmem_shared>>
        %dma_wait3A_115 = arith.constant 0 : i32
        %dma_wait3A_116 = tpu.memref_slice %arg19[%add3A_87, %dma_wait3A_115] : memref<10000x128xf32, #tpu.memory_space<vmem_shared>> -> memref<80x128xf32, #tpu.memory_space<vmem_shared>>
        %dma_wait3A_117 = arith.constant 0 : i32
        %dma_wait3A_118 = arith.constant 0 : i32
        %dma_wait3A_119 = tpu.memref_slice %arg15[%dma_wait3A_117, %dma_wait3A_118] : memref<80x128xf32, #tpu.memory_space<vmem>> -> memref<80x128xf32, #tpu.memory_space<vmem>>
        tpu.wait_dma2 semaphore(%run_scoped3A : memref<!tpu.dma_semaphore, #tpu.memory_space<semaphore_mem>>) src(%dma_wait3A_119 : memref<80x128xf32, #tpu.memory_space<vmem>>) dst(%dma_wait3A_116 : memref<80x128xf32, #tpu.memory_space<vmem_shared>>)
        tpu.yield
      }) : () -> ()
      %add3A_88 = arith.constant 160 : i32
      %add3A_89 = arith.addi %mul3A_4, %add3A_88 : i32
      "tpu.region"() ({
        %run_scoped3A = tpu.sem_alloc : memref<!tpu.dma_semaphore, #tpu.memory_space<semaphore_mem>>
        %dma_start3A_100 = arith.constant 0 : i32
        %dma_start3A_101 = arith.constant 0 : i32
        %dma_start3A_102 = tpu.memref_slice %arg15[%dma_start3A_100, %dma_start3A_101] : memref<80x128xf32, #tpu.memory_space<vmem>> -> memref<80x128xf32, #tpu.memory_space<vmem>>
        %dma_start3A_103 = arith.constant 0 : i32
        %dma_start3A_104 = tpu.memref_slice %arg19[%add3A_89, %dma_start3A_103] : memref<10000x128xf32, #tpu.memory_space<vmem_shared>> -> memref<80x128xf32, #tpu.memory_space<vmem_shared>>
        %dma_start3A_105 = arith.constant 0 : i32
        %dma_start3A_106 = tpu.memref_slice %arg19[%add3A_89, %dma_start3A_105] : memref<10000x128xf32, #tpu.memory_space<vmem_shared>> -> memref<80x128xf32, #tpu.memory_space<vmem_shared>>
        %dma_start3A_107 = arith.constant 0 : i32
        %dma_start3A_108 = arith.constant 0 : i32
        %dma_start3A_109 = tpu.memref_slice %arg15[%dma_start3A_107, %dma_start3A_108] : memref<80x128xf32, #tpu.memory_space<vmem>> -> memref<80x128xf32, #tpu.memory_space<vmem>>
        tpu.enqueue_dma source(%dma_start3A_109 : memref<80x128xf32, #tpu.memory_space<vmem>>) target(%dma_start3A_106 : memref<80x128xf32, #tpu.memory_space<vmem_shared>>) target_semaphore(%run_scoped3A : memref<!tpu.dma_semaphore, #tpu.memory_space<semaphore_mem>>)
        %dma_wait3A_110 = arith.constant 0 : i32
        %dma_wait3A_111 = arith.constant 0 : i32
        %dma_wait3A_112 = tpu.memref_slice %arg15[%dma_wait3A_110, %dma_wait3A_111] : memref<80x128xf32, #tpu.memory_space<vmem>> -> memref<80x128xf32, #tpu.memory_space<vmem>>
        %dma_wait3A_113 = arith.constant 0 : i32
        %dma_wait3A_114 = tpu.memref_slice %arg19[%add3A_89, %dma_wait3A_113] : memref<10000x128xf32, #tpu.memory_space<vmem_shared>> -> memref<80x128xf32, #tpu.memory_space<vmem_shared>>
        %dma_wait3A_115 = arith.constant 0 : i32
        %dma_wait3A_116 = tpu.memref_slice %arg19[%add3A_89, %dma_wait3A_115] : memref<10000x128xf32, #tpu.memory_space<vmem_shared>> -> memref<80x128xf32, #tpu.memory_space<vmem_shared>>
        %dma_wait3A_117 = arith.constant 0 : i32
        %dma_wait3A_118 = arith.constant 0 : i32
        %dma_wait3A_119 = tpu.memref_slice %arg15[%dma_wait3A_117, %dma_wait3A_118] : memref<80x128xf32, #tpu.memory_space<vmem>> -> memref<80x128xf32, #tpu.memory_space<vmem>>
        tpu.wait_dma2 semaphore(%run_scoped3A : memref<!tpu.dma_semaphore, #tpu.memory_space<semaphore_mem>>) src(%dma_wait3A_119 : memref<80x128xf32, #tpu.memory_space<vmem>>) dst(%dma_wait3A_116 : memref<80x128xf32, #tpu.memory_space<vmem_shared>>)
        tpu.yield
      }) : () -> ()
      %add3A_90 = arith.constant 240 : i32
      %add3A_91 = arith.addi %mul3A_4, %add3A_90 : i32
      "tpu.region"() ({
        %run_scoped3A = tpu.sem_alloc : memref<!tpu.dma_semaphore, #tpu.memory_space<semaphore_mem>>
        %dma_start3A_100 = arith.constant 0 : i32
        %dma_start3A_101 = arith.constant 0 : i32
        %dma_start3A_102 = tpu.memref_slice %arg15[%dma_start3A_100, %dma_start3A_101] : memref<80x128xf32, #tpu.memory_space<vmem>> -> memref<80x128xf32, #tpu.memory_space<vmem>>
        %dma_start3A_103 = arith.constant 0 : i32
        %dma_start3A_104 = tpu.memref_slice %arg19[%add3A_91, %dma_start3A_103] : memref<10000x128xf32, #tpu.memory_space<vmem_shared>> -> memref<80x128xf32, #tpu.memory_space<vmem_shared>>
        %dma_start3A_105 = arith.constant 0 : i32
        %dma_start3A_106 = tpu.memref_slice %arg19[%add3A_91, %dma_start3A_105] : memref<10000x128xf32, #tpu.memory_space<vmem_shared>> -> memref<80x128xf32, #tpu.memory_space<vmem_shared>>
        %dma_start3A_107 = arith.constant 0 : i32
        %dma_start3A_108 = arith.constant 0 : i32
        %dma_start3A_109 = tpu.memref_slice %arg15[%dma_start3A_107, %dma_start3A_108] : memref<80x128xf32, #tpu.memory_space<vmem>> -> memref<80x128xf32, #tpu.memory_space<vmem>>
        tpu.enqueue_dma source(%dma_start3A_109 : memref<80x128xf32, #tpu.memory_space<vmem>>) target(%dma_start3A_106 : memref<80x128xf32, #tpu.memory_space<vmem_shared>>) target_semaphore(%run_scoped3A : memref<!tpu.dma_semaphore, #tpu.memory_space<semaphore_mem>>)
        %dma_wait3A_110 = arith.constant 0 : i32
        %dma_wait3A_111 = arith.constant 0 : i32
        %dma_wait3A_112 = tpu.memref_slice %arg15[%dma_wait3A_110, %dma_wait3A_111] : memref<80x128xf32, #tpu.memory_space<vmem>> -> memref<80x128xf32, #tpu.memory_space<vmem>>
        %dma_wait3A_113 = arith.constant 0 : i32
        %dma_wait3A_114 = tpu.memref_slice %arg19[%add3A_91, %dma_wait3A_113] : memref<10000x128xf32, #tpu.memory_space<vmem_shared>> -> memref<80x128xf32, #tpu.memory_space<vmem_shared>>
        %dma_wait3A_115 = arith.constant 0 : i32
        %dma_wait3A_116 = tpu.memref_slice %arg19[%add3A_91, %dma_wait3A_115] : memref<10000x128xf32, #tpu.memory_space<vmem_shared>> -> memref<80x128xf32, #tpu.memory_space<vmem_shared>>
        %dma_wait3A_117 = arith.constant 0 : i32
        %dma_wait3A_118 = arith.constant 0 : i32
        %dma_wait3A_119 = tpu.memref_slice %arg15[%dma_wait3A_117, %dma_wait3A_118] : memref<80x128xf32, #tpu.memory_space<vmem>> -> memref<80x128xf32, #tpu.memory_space<vmem>>
        tpu.wait_dma2 semaphore(%run_scoped3A : memref<!tpu.dma_semaphore, #tpu.memory_space<semaphore_mem>>) src(%dma_wait3A_119 : memref<80x128xf32, #tpu.memory_space<vmem>>) dst(%dma_wait3A_116 : memref<80x128xf32, #tpu.memory_space<vmem_shared>>)
        tpu.yield
      }) : () -> ()
      %add3A_92 = arith.constant 320 : i32
      %add3A_93 = arith.addi %mul3A_4, %add3A_92 : i32
      "tpu.region"() ({
        %run_scoped3A = tpu.sem_alloc : memref<!tpu.dma_semaphore, #tpu.memory_space<semaphore_mem>>
        %dma_start3A_100 = arith.constant 0 : i32
        %dma_start3A_101 = arith.constant 0 : i32
        %dma_start3A_102 = tpu.memref_slice %arg15[%dma_start3A_100, %dma_start3A_101] : memref<80x128xf32, #tpu.memory_space<vmem>> -> memref<80x128xf32, #tpu.memory_space<vmem>>
        %dma_start3A_103 = arith.constant 0 : i32
        %dma_start3A_104 = tpu.memref_slice %arg19[%add3A_93, %dma_start3A_103] : memref<10000x128xf32, #tpu.memory_space<vmem_shared>> -> memref<80x128xf32, #tpu.memory_space<vmem_shared>>
        %dma_start3A_105 = arith.constant 0 : i32
        %dma_start3A_106 = tpu.memref_slice %arg19[%add3A_93, %dma_start3A_105] : memref<10000x128xf32, #tpu.memory_space<vmem_shared>> -> memref<80x128xf32, #tpu.memory_space<vmem_shared>>
        %dma_start3A_107 = arith.constant 0 : i32
        %dma_start3A_108 = arith.constant 0 : i32
        %dma_start3A_109 = tpu.memref_slice %arg15[%dma_start3A_107, %dma_start3A_108] : memref<80x128xf32, #tpu.memory_space<vmem>> -> memref<80x128xf32, #tpu.memory_space<vmem>>
        tpu.enqueue_dma source(%dma_start3A_109 : memref<80x128xf32, #tpu.memory_space<vmem>>) target(%dma_start3A_106 : memref<80x128xf32, #tpu.memory_space<vmem_shared>>) target_semaphore(%run_scoped3A : memref<!tpu.dma_semaphore, #tpu.memory_space<semaphore_mem>>)
        %dma_wait3A_110 = arith.constant 0 : i32
        %dma_wait3A_111 = arith.constant 0 : i32
        %dma_wait3A_112 = tpu.memref_slice %arg15[%dma_wait3A_110, %dma_wait3A_111] : memref<80x128xf32, #tpu.memory_space<vmem>> -> memref<80x128xf32, #tpu.memory_space<vmem>>
        %dma_wait3A_113 = arith.constant 0 : i32
        %dma_wait3A_114 = tpu.memref_slice %arg19[%add3A_93, %dma_wait3A_113] : memref<10000x128xf32, #tpu.memory_space<vmem_shared>> -> memref<80x128xf32, #tpu.memory_space<vmem_shared>>
        %dma_wait3A_115 = arith.constant 0 : i32
        %dma_wait3A_116 = tpu.memref_slice %arg19[%add3A_93, %dma_wait3A_115] : memref<10000x128xf32, #tpu.memory_space<vmem_shared>> -> memref<80x128xf32, #tpu.memory_space<vmem_shared>>
        %dma_wait3A_117 = arith.constant 0 : i32
        %dma_wait3A_118 = arith.constant 0 : i32
        %dma_wait3A_119 = tpu.memref_slice %arg15[%dma_wait3A_117, %dma_wait3A_118] : memref<80x128xf32, #tpu.memory_space<vmem>> -> memref<80x128xf32, #tpu.memory_space<vmem>>
        tpu.wait_dma2 semaphore(%run_scoped3A : memref<!tpu.dma_semaphore, #tpu.memory_space<semaphore_mem>>) src(%dma_wait3A_119 : memref<80x128xf32, #tpu.memory_space<vmem>>) dst(%dma_wait3A_116 : memref<80x128xf32, #tpu.memory_space<vmem_shared>>)
        tpu.yield
      }) : () -> ()
      %add3A_94 = arith.constant 400 : i32
      %add3A_95 = arith.addi %mul3A_4, %add3A_94 : i32
      "tpu.region"() ({
        %run_scoped3A = tpu.sem_alloc : memref<!tpu.dma_semaphore, #tpu.memory_space<semaphore_mem>>
        %dma_start3A_100 = arith.constant 0 : i32
        %dma_start3A_101 = arith.constant 0 : i32
        %dma_start3A_102 = tpu.memref_slice %arg15[%dma_start3A_100, %dma_start3A_101] : memref<80x128xf32, #tpu.memory_space<vmem>> -> memref<80x128xf32, #tpu.memory_space<vmem>>
        %dma_start3A_103 = arith.constant 0 : i32
        %dma_start3A_104 = tpu.memref_slice %arg19[%add3A_95, %dma_start3A_103] : memref<10000x128xf32, #tpu.memory_space<vmem_shared>> -> memref<80x128xf32, #tpu.memory_space<vmem_shared>>
        %dma_start3A_105 = arith.constant 0 : i32
        %dma_start3A_106 = tpu.memref_slice %arg19[%add3A_95, %dma_start3A_105] : memref<10000x128xf32, #tpu.memory_space<vmem_shared>> -> memref<80x128xf32, #tpu.memory_space<vmem_shared>>
        %dma_start3A_107 = arith.constant 0 : i32
        %dma_start3A_108 = arith.constant 0 : i32
        %dma_start3A_109 = tpu.memref_slice %arg15[%dma_start3A_107, %dma_start3A_108] : memref<80x128xf32, #tpu.memory_space<vmem>> -> memref<80x128xf32, #tpu.memory_space<vmem>>
        tpu.enqueue_dma source(%dma_start3A_109 : memref<80x128xf32, #tpu.memory_space<vmem>>) target(%dma_start3A_106 : memref<80x128xf32, #tpu.memory_space<vmem_shared>>) target_semaphore(%run_scoped3A : memref<!tpu.dma_semaphore, #tpu.memory_space<semaphore_mem>>)
        %dma_wait3A_110 = arith.constant 0 : i32
        %dma_wait3A_111 = arith.constant 0 : i32
        %dma_wait3A_112 = tpu.memref_slice %arg15[%dma_wait3A_110, %dma_wait3A_111] : memref<80x128xf32, #tpu.memory_space<vmem>> -> memref<80x128xf32, #tpu.memory_space<vmem>>
        %dma_wait3A_113 = arith.constant 0 : i32
        %dma_wait3A_114 = tpu.memref_slice %arg19[%add3A_95, %dma_wait3A_113] : memref<10000x128xf32, #tpu.memory_space<vmem_shared>> -> memref<80x128xf32, #tpu.memory_space<vmem_shared>>
        %dma_wait3A_115 = arith.constant 0 : i32
        %dma_wait3A_116 = tpu.memref_slice %arg19[%add3A_95, %dma_wait3A_115] : memref<10000x128xf32, #tpu.memory_space<vmem_shared>> -> memref<80x128xf32, #tpu.memory_space<vmem_shared>>
        %dma_wait3A_117 = arith.constant 0 : i32
        %dma_wait3A_118 = arith.constant 0 : i32
        %dma_wait3A_119 = tpu.memref_slice %arg15[%dma_wait3A_117, %dma_wait3A_118] : memref<80x128xf32, #tpu.memory_space<vmem>> -> memref<80x128xf32, #tpu.memory_space<vmem>>
        tpu.wait_dma2 semaphore(%run_scoped3A : memref<!tpu.dma_semaphore, #tpu.memory_space<semaphore_mem>>) src(%dma_wait3A_119 : memref<80x128xf32, #tpu.memory_space<vmem>>) dst(%dma_wait3A_116 : memref<80x128xf32, #tpu.memory_space<vmem_shared>>)
        tpu.yield
      }) : () -> ()
      %add3A_96 = arith.constant 480 : i32
      %add3A_97 = arith.addi %mul3A_4, %add3A_96 : i32
      "tpu.region"() ({
        %run_scoped3A = tpu.sem_alloc : memref<!tpu.dma_semaphore, #tpu.memory_space<semaphore_mem>>
        %dma_start3A_100 = arith.constant 0 : i32
        %dma_start3A_101 = arith.constant 0 : i32
        %dma_start3A_102 = tpu.memref_slice %arg15[%dma_start3A_100, %dma_start3A_101] : memref<80x128xf32, #tpu.memory_space<vmem>> -> memref<80x128xf32, #tpu.memory_space<vmem>>
        %dma_start3A_103 = arith.constant 0 : i32
        %dma_start3A_104 = tpu.memref_slice %arg19[%add3A_97, %dma_start3A_103] : memref<10000x128xf32, #tpu.memory_space<vmem_shared>> -> memref<80x128xf32, #tpu.memory_space<vmem_shared>>
        %dma_start3A_105 = arith.constant 0 : i32
        %dma_start3A_106 = tpu.memref_slice %arg19[%add3A_97, %dma_start3A_105] : memref<10000x128xf32, #tpu.memory_space<vmem_shared>> -> memref<80x128xf32, #tpu.memory_space<vmem_shared>>
        %dma_start3A_107 = arith.constant 0 : i32
        %dma_start3A_108 = arith.constant 0 : i32
        %dma_start3A_109 = tpu.memref_slice %arg15[%dma_start3A_107, %dma_start3A_108] : memref<80x128xf32, #tpu.memory_space<vmem>> -> memref<80x128xf32, #tpu.memory_space<vmem>>
        tpu.enqueue_dma source(%dma_start3A_109 : memref<80x128xf32, #tpu.memory_space<vmem>>) target(%dma_start3A_106 : memref<80x128xf32, #tpu.memory_space<vmem_shared>>) target_semaphore(%run_scoped3A : memref<!tpu.dma_semaphore, #tpu.memory_space<semaphore_mem>>)
        %dma_wait3A_110 = arith.constant 0 : i32
        %dma_wait3A_111 = arith.constant 0 : i32
        %dma_wait3A_112 = tpu.memref_slice %arg15[%dma_wait3A_110, %dma_wait3A_111] : memref<80x128xf32, #tpu.memory_space<vmem>> -> memref<80x128xf32, #tpu.memory_space<vmem>>
        %dma_wait3A_113 = arith.constant 0 : i32
        %dma_wait3A_114 = tpu.memref_slice %arg19[%add3A_97, %dma_wait3A_113] : memref<10000x128xf32, #tpu.memory_space<vmem_shared>> -> memref<80x128xf32, #tpu.memory_space<vmem_shared>>
        %dma_wait3A_115 = arith.constant 0 : i32
        %dma_wait3A_116 = tpu.memref_slice %arg19[%add3A_97, %dma_wait3A_115] : memref<10000x128xf32, #tpu.memory_space<vmem_shared>> -> memref<80x128xf32, #tpu.memory_space<vmem_shared>>
        %dma_wait3A_117 = arith.constant 0 : i32
        %dma_wait3A_118 = arith.constant 0 : i32
        %dma_wait3A_119 = tpu.memref_slice %arg15[%dma_wait3A_117, %dma_wait3A_118] : memref<80x128xf32, #tpu.memory_space<vmem>> -> memref<80x128xf32, #tpu.memory_space<vmem>>
        tpu.wait_dma2 semaphore(%run_scoped3A : memref<!tpu.dma_semaphore, #tpu.memory_space<semaphore_mem>>) src(%dma_wait3A_119 : memref<80x128xf32, #tpu.memory_space<vmem>>) dst(%dma_wait3A_116 : memref<80x128xf32, #tpu.memory_space<vmem_shared>>)
        tpu.yield
      }) : () -> ()
      %add3A_98 = arith.constant 560 : i32
      %add3A_99 = arith.addi %mul3A_4, %add3A_98 : i32
      "tpu.region"() ({
        %run_scoped3A = tpu.sem_alloc : memref<!tpu.dma_semaphore, #tpu.memory_space<semaphore_mem>>
        %dma_start3A_100 = arith.constant 0 : i32
        %dma_start3A_101 = arith.constant 0 : i32
        %dma_start3A_102 = tpu.memref_slice %arg15[%dma_start3A_100, %dma_start3A_101] : memref<80x128xf32, #tpu.memory_space<vmem>> -> memref<80x128xf32, #tpu.memory_space<vmem>>
        %dma_start3A_103 = arith.constant 0 : i32
        %dma_start3A_104 = tpu.memref_slice %arg19[%add3A_99, %dma_start3A_103] : memref<10000x128xf32, #tpu.memory_space<vmem_shared>> -> memref<80x128xf32, #tpu.memory_space<vmem_shared>>
        %dma_start3A_105 = arith.constant 0 : i32
        %dma_start3A_106 = tpu.memref_slice %arg19[%add3A_99, %dma_start3A_105] : memref<10000x128xf32, #tpu.memory_space<vmem_shared>> -> memref<80x128xf32, #tpu.memory_space<vmem_shared>>
        %dma_start3A_107 = arith.constant 0 : i32
        %dma_start3A_108 = arith.constant 0 : i32
        %dma_start3A_109 = tpu.memref_slice %arg15[%dma_start3A_107, %dma_start3A_108] : memref<80x128xf32, #tpu.memory_space<vmem>> -> memref<80x128xf32, #tpu.memory_space<vmem>>
        tpu.enqueue_dma source(%dma_start3A_109 : memref<80x128xf32, #tpu.memory_space<vmem>>) target(%dma_start3A_106 : memref<80x128xf32, #tpu.memory_space<vmem_shared>>) target_semaphore(%run_scoped3A : memref<!tpu.dma_semaphore, #tpu.memory_space<semaphore_mem>>)
        %dma_wait3A_110 = arith.constant 0 : i32
        %dma_wait3A_111 = arith.constant 0 : i32
        %dma_wait3A_112 = tpu.memref_slice %arg15[%dma_wait3A_110, %dma_wait3A_111] : memref<80x128xf32, #tpu.memory_space<vmem>> -> memref<80x128xf32, #tpu.memory_space<vmem>>
        %dma_wait3A_113 = arith.constant 0 : i32
        %dma_wait3A_114 = tpu.memref_slice %arg19[%add3A_99, %dma_wait3A_113] : memref<10000x128xf32, #tpu.memory_space<vmem_shared>> -> memref<80x128xf32, #tpu.memory_space<vmem_shared>>
        %dma_wait3A_115 = arith.constant 0 : i32
        %dma_wait3A_116 = tpu.memref_slice %arg19[%add3A_99, %dma_wait3A_115] : memref<10000x128xf32, #tpu.memory_space<vmem_shared>> -> memref<80x128xf32, #tpu.memory_space<vmem_shared>>
        %dma_wait3A_117 = arith.constant 0 : i32
        %dma_wait3A_118 = arith.constant 0 : i32
        %dma_wait3A_119 = tpu.memref_slice %arg15[%dma_wait3A_117, %dma_wait3A_118] : memref<80x128xf32, #tpu.memory_space<vmem>> -> memref<80x128xf32, #tpu.memory_space<vmem>>
        tpu.wait_dma2 semaphore(%run_scoped3A : memref<!tpu.dma_semaphore, #tpu.memory_space<semaphore_mem>>) src(%dma_wait3A_119 : memref<80x128xf32, #tpu.memory_space<vmem>>) dst(%dma_wait3A_116 : memref<80x128xf32, #tpu.memory_space<vmem_shared>>)
        tpu.yield
      }) : () -> ()
    } else {
    }
    %barrier3A = arith.constant 0 : index
    tpu.barrier barrier_id(%barrier3A)
    %mul3A_11 = arith.constant 10000 : i32
    %mul3A_12 = arith.muli %arg1, %mul3A_11 : i32
    %add3A = arith.constant 0 : i32
    %add3A_13 = arith.addi %mul3A_12, %add3A : i32
    %dma_start3A = tpu.memref_slice %arg5[%add3A_13] : memref<160000xi32, #tpu.memory_space<hbm>> -> memref<80xi32, #tpu.memory_space<hbm>>
    %dma_start3A_14 = tpu.memref_slice %arg5[%add3A_13] : memref<160000xi32, #tpu.memory_space<hbm>> -> memref<80xi32, #tpu.memory_space<hbm>>
    tpu.enqueue_dma source(%dma_start3A_14 : memref<80xi32, #tpu.memory_space<hbm>>) target(%arg9 : memref<80xi32, #tpu.memory_space<vmem>>) target_semaphore(%arg20 : memref<!tpu.dma_semaphore, #tpu.memory_space<semaphore_mem>>)
    %dma_start3A_15 = tpu.memref_slice %arg6[%add3A_13] : memref<160000xi32, #tpu.memory_space<hbm>> -> memref<80xi32, #tpu.memory_space<hbm>>
    %dma_start3A_16 = tpu.memref_slice %arg6[%add3A_13] : memref<160000xi32, #tpu.memory_space<hbm>> -> memref<80xi32, #tpu.memory_space<hbm>>
    tpu.enqueue_dma source(%dma_start3A_16 : memref<80xi32, #tpu.memory_space<hbm>>) target(%arg11 : memref<80xi32, #tpu.memory_space<vmem>>) target_semaphore(%arg20 : memref<!tpu.dma_semaphore, #tpu.memory_space<semaphore_mem>>)
    %dma_start3A_17 = arith.constant 0 : i32
    %dma_start3A_18 = tpu.memref_slice %arg4[%add3A_13, %dma_start3A_17] : memref<160000x16xf32, #tpu.memory_space<hbm>> -> memref<80x16xf32, #tpu.memory_space<hbm>>
    %dma_start3A_19 = arith.constant 0 : i32
    %dma_start3A_20 = tpu.memref_slice %arg4[%add3A_13, %dma_start3A_19] : memref<160000x16xf32, #tpu.memory_space<hbm>> -> memref<80x16xf32, #tpu.memory_space<hbm>>
    tpu.enqueue_dma source(%dma_start3A_20 : memref<80x16xf32, #tpu.memory_space<hbm>>) target(%arg17 : memref<80x16xf32, #tpu.memory_space<vmem>>) target_semaphore(%arg20 : memref<!tpu.dma_semaphore, #tpu.memory_space<semaphore_mem>>)
    %mul3A_21 = arith.constant 10000 : i32
    %mul3A_22 = arith.muli %arg1, %mul3A_21 : i32
    %add3A_23 = arith.constant 80 : i32
    %add3A_24 = arith.addi %mul3A_22, %add3A_23 : i32
    %dma_start3A_25 = tpu.memref_slice %arg5[%add3A_24] : memref<160000xi32, #tpu.memory_space<hbm>> -> memref<80xi32, #tpu.memory_space<hbm>>
    %dma_start3A_26 = tpu.memref_slice %arg5[%add3A_24] : memref<160000xi32, #tpu.memory_space<hbm>> -> memref<80xi32, #tpu.memory_space<hbm>>
    tpu.enqueue_dma source(%dma_start3A_26 : memref<80xi32, #tpu.memory_space<hbm>>) target(%arg10 : memref<80xi32, #tpu.memory_space<vmem>>) target_semaphore(%arg21 : memref<!tpu.dma_semaphore, #tpu.memory_space<semaphore_mem>>)
    %dma_start3A_27 = tpu.memref_slice %arg6[%add3A_24] : memref<160000xi32, #tpu.memory_space<hbm>> -> memref<80xi32, #tpu.memory_space<hbm>>
    %dma_start3A_28 = tpu.memref_slice %arg6[%add3A_24] : memref<160000xi32, #tpu.memory_space<hbm>> -> memref<80xi32, #tpu.memory_space<hbm>>
    tpu.enqueue_dma source(%dma_start3A_28 : memref<80xi32, #tpu.memory_space<hbm>>) target(%arg12 : memref<80xi32, #tpu.memory_space<vmem>>) target_semaphore(%arg21 : memref<!tpu.dma_semaphore, #tpu.memory_space<semaphore_mem>>)
    %dma_start3A_29 = arith.constant 0 : i32
    %dma_start3A_30 = tpu.memref_slice %arg4[%add3A_24, %dma_start3A_29] : memref<160000x16xf32, #tpu.memory_space<hbm>> -> memref<80x16xf32, #tpu.memory_space<hbm>>
    %dma_start3A_31 = arith.constant 0 : i32
    %dma_start3A_32 = tpu.memref_slice %arg4[%add3A_24, %dma_start3A_31] : memref<160000x16xf32, #tpu.memory_space<hbm>> -> memref<80x16xf32, #tpu.memory_space<hbm>>
    tpu.enqueue_dma source(%dma_start3A_32 : memref<80x16xf32, #tpu.memory_space<hbm>>) target(%arg18 : memref<80x16xf32, #tpu.memory_space<vmem>>) target_semaphore(%arg21 : memref<!tpu.dma_semaphore, #tpu.memory_space<semaphore_mem>>)
    %mul3A_33 = arith.constant 10000 : i32
    %mul3A_34 = arith.muli %arg1, %mul3A_33 : i32
    %add3A_35 = arith.constant 0 : i32
    %add3A_36 = arith.addi %mul3A_34, %add3A_35 : i32
    %dma_wait3A = tpu.memref_slice %arg5[%add3A_36] : memref<160000xi32, #tpu.memory_space<hbm>> -> memref<80xi32, #tpu.memory_space<hbm>>
    %dma_wait3A_37 = tpu.memref_slice %arg5[%add3A_36] : memref<160000xi32, #tpu.memory_space<hbm>> -> memref<80xi32, #tpu.memory_space<hbm>>
    tpu.wait_dma2 semaphore(%arg20 : memref<!tpu.dma_semaphore, #tpu.memory_space<semaphore_mem>>) src(%dma_wait3A_37 : memref<80xi32, #tpu.memory_space<hbm>>) dst(%arg9 : memref<80xi32, #tpu.memory_space<vmem>>)
    %dma_wait3A_38 = tpu.memref_slice %arg6[%add3A_36] : memref<160000xi32, #tpu.memory_space<hbm>> -> memref<80xi32, #tpu.memory_space<hbm>>
    %dma_wait3A_39 = tpu.memref_slice %arg6[%add3A_36] : memref<160000xi32, #tpu.memory_space<hbm>> -> memref<80xi32, #tpu.memory_space<hbm>>
    tpu.wait_dma2 semaphore(%arg20 : memref<!tpu.dma_semaphore, #tpu.memory_space<semaphore_mem>>) src(%dma_wait3A_39 : memref<80xi32, #tpu.memory_space<hbm>>) dst(%arg11 : memref<80xi32, #tpu.memory_space<vmem>>)
    %dma_wait3A_40 = arith.constant 0 : i32
    %dma_wait3A_41 = tpu.memref_slice %arg4[%add3A_36, %dma_wait3A_40] : memref<160000x16xf32, #tpu.memory_space<hbm>> -> memref<80x16xf32, #tpu.memory_space<hbm>>
    %dma_wait3A_42 = arith.constant 0 : i32
    %dma_wait3A_43 = tpu.memref_slice %arg4[%add3A_36, %dma_wait3A_42] : memref<160000x16xf32, #tpu.memory_space<hbm>> -> memref<80x16xf32, #tpu.memory_space<hbm>>
    tpu.wait_dma2 semaphore(%arg20 : memref<!tpu.dma_semaphore, #tpu.memory_space<semaphore_mem>>) src(%dma_wait3A_43 : memref<80x16xf32, #tpu.memory_space<hbm>>) dst(%arg17 : memref<80x16xf32, #tpu.memory_space<vmem>>)
    %eq3A_44 = arith.constant 0 : i32
    %eq3A_45 = arith.cmpi eq, %arg0, %eq3A_44 : i32
    %convert_element_type3A_46 = arith.extui %eq3A_45 : i1 to i32
    %cond3A_47 = arith.constant 0 : i32
    %cond3A_48 = arith.cmpi ne, %convert_element_type3A_46, %cond3A_47 : i32
    scf.if %cond3A_48 {
      %dma_start3A_84 = arith.constant 0 : i32
      %dma_start3A_85 = arith.constant 0 : i32
      %dma_start3A_86 = tpu.memref_slice %arg2[%dma_start3A_84, %dma_start3A_85] : memref<10000x128xf32, #tpu.memory_space<hbm>> -> memref<10000x128xf32, #tpu.memory_space<hbm>>
      tpu.enqueue_indirect_dma source(%dma_start3A_86 : memref<10000x128xf32, #tpu.memory_space<hbm>>) target(%arg15 : memref<80x128xf32, #tpu.memory_space<vmem>>) offsets(%arg9 : memref<80xi32, #tpu.memory_space<vmem>>) semaphore(%arg22 : memref<!tpu.dma_semaphore, #tpu.memory_space<semaphore_mem>>)
    } else {
    }
    %eq3A_49 = arith.constant 1 : i32
    %eq3A_50 = arith.cmpi eq, %arg0, %eq3A_49 : i32
    %convert_element_type3A_51 = arith.extui %eq3A_50 : i1 to i32
    %cond3A_52 = arith.constant 0 : i32
    %cond3A_53 = arith.cmpi ne, %convert_element_type3A_51, %cond3A_52 : i32
    scf.if %cond3A_53 {
      %dma_start3A_84 = arith.constant 0 : i32
      %dma_start3A_85 = arith.constant 0 : i32
      %dma_start3A_86 = tpu.memref_slice %arg3[%dma_start3A_84, %dma_start3A_85] : memref<10000x128xf32, #tpu.memory_space<hbm>> -> memref<10000x128xf32, #tpu.memory_space<hbm>>
      tpu.enqueue_indirect_dma source(%dma_start3A_86 : memref<10000x128xf32, #tpu.memory_space<hbm>>) target(%arg15 : memref<80x128xf32, #tpu.memory_space<vmem>>) offsets(%arg9 : memref<80xi32, #tpu.memory_space<vmem>>) semaphore(%arg22 : memref<!tpu.dma_semaphore, #tpu.memory_space<semaphore_mem>>)
    } else {
    }
    %scan3A_54 = arith.constant 0 : i32
    %scan3A_55 = arith.constant 31 : i32
    %scan3A_56 = arith.addi %scan3A_54, %scan3A_55 : i32
    %scan3A_57 = arith.constant 1 : i32
    scf.for %scan3A_84 = %scan3A_54 to %scan3A_56 step %scan3A_57  : i32 {
      %mul3A_85 = arith.constant 1 : i32
      %mul3A_86 = arith.muli %scan3A_84, %mul3A_85 : i32
      %add3A_87 = arith.constant 0 : i32
      %add3A_88 = arith.addi %add3A_87, %mul3A_86 : i32
      %mul3A_89 = arith.constant 4 : i32
      %mul3A_90 = arith.muli %add3A_88, %mul3A_89 : i32
      %add3A_91 = arith.constant 0 : i32
      %add3A_92 = arith.addi %mul3A_90, %add3A_91 : i32
      %add3A_93 = arith.constant 1 : i32
      %add3A_94 = arith.addi %add3A_92, %add3A_93 : i32
      %lt3A_95 = arith.constant 125 : i32
      %lt3A_96 = arith.cmpi slt, %add3A_94, %lt3A_95 : i32
      %convert_element_type3A_97 = arith.extui %lt3A_96 : i1 to i32
      %cond3A_98 = arith.constant 0 : i32
      %cond3A_99 = arith.cmpi ne, %convert_element_type3A_97, %cond3A_98 : i32
      scf.if %cond3A_99 {
        %add3A_191 = arith.constant 1 : i32
        %add3A_192 = arith.addi %add3A_92, %add3A_191 : i32
        %mul3A_193 = arith.constant 10000 : i32
        %mul3A_194 = arith.muli %arg1, %mul3A_193 : i32
        %mul3A_195 = arith.constant 80 : i32
        %mul3A_196 = arith.muli %add3A_192, %mul3A_195 : i32
        %add3A_197 = arith.addi %mul3A_194, %mul3A_196 : i32
        %dma_wait3A_198 = tpu.memref_slice %arg5[%add3A_197] : memref<160000xi32, #tpu.memory_space<hbm>> -> memref<80xi32, #tpu.memory_space<hbm>>
        %dma_wait3A_199 = tpu.memref_slice %arg5[%add3A_197] : memref<160000xi32, #tpu.memory_space<hbm>> -> memref<80xi32, #tpu.memory_space<hbm>>
        tpu.wait_dma2 semaphore(%arg21 : memref<!tpu.dma_semaphore, #tpu.memory_space<semaphore_mem>>) src(%dma_wait3A_199 : memref<80xi32, #tpu.memory_space<hbm>>) dst(%arg10 : memref<80xi32, #tpu.memory_space<vmem>>)
        %dma_wait3A_200 = tpu.memref_slice %arg6[%add3A_197] : memref<160000xi32, #tpu.memory_space<hbm>> -> memref<80xi32, #tpu.memory_space<hbm>>
        %dma_wait3A_201 = tpu.memref_slice %arg6[%add3A_197] : memref<160000xi32, #tpu.memory_space<hbm>> -> memref<80xi32, #tpu.memory_space<hbm>>
        tpu.wait_dma2 semaphore(%arg21 : memref<!tpu.dma_semaphore, #tpu.memory_space<semaphore_mem>>) src(%dma_wait3A_201 : memref<80xi32, #tpu.memory_space<hbm>>) dst(%arg12 : memref<80xi32, #tpu.memory_space<vmem>>)
        %dma_wait3A_202 = arith.constant 0 : i32
        %dma_wait3A_203 = tpu.memref_slice %arg4[%add3A_197, %dma_wait3A_202] : memref<160000x16xf32, #tpu.memory_space<hbm>> -> memref<80x16xf32, #tpu.memory_space<hbm>>
        %dma_wait3A_204 = arith.constant 0 : i32
        %dma_wait3A_205 = tpu.memref_slice %arg4[%add3A_197, %dma_wait3A_204] : memref<160000x16xf32, #tpu.memory_space<hbm>> -> memref<80x16xf32, #tpu.memory_space<hbm>>
        tpu.wait_dma2 semaphore(%arg21 : memref<!tpu.dma_semaphore, #tpu.memory_space<semaphore_mem>>) src(%dma_wait3A_205 : memref<80x16xf32, #tpu.memory_space<hbm>>) dst(%arg18 : memref<80x16xf32, #tpu.memory_space<vmem>>)
        %ge3A = arith.constant 1 : i32
        %ge3A_206 = arith.cmpi sge, %add3A_92, %ge3A : i32
        %convert_element_type3A_207 = arith.extui %ge3A_206 : i1 to i32
        %cond3A_208 = arith.constant 0 : i32
        %cond3A_209 = arith.cmpi ne, %convert_element_type3A_207, %cond3A_208 : i32
        scf.if %cond3A_209 {
          %dma_wait3A_220 = arith.constant 0 : i32
          %dma_wait3A_221 = arith.constant 0 : i32
          %dma_wait3A_222 = tpu.memref_slice %arg19[%dma_wait3A_220, %dma_wait3A_221] : memref<10000x128xf32, #tpu.memory_space<vmem_shared>> -> memref<10000x128xf32, #tpu.memory_space<vmem_shared>>
          tpu.wait_indirect_dma semaphore(%arg25 : memref<!tpu.dma_semaphore, #tpu.memory_space<semaphore_mem>>) src(%arg16 : memref<80x128xf32, #tpu.memory_space<vmem>>) dst(%dma_wait3A_222 : memref<10000x128xf32, #tpu.memory_space<vmem_shared>>)
        } else {
        }
        %eq3A_210 = arith.constant 0 : i32
        %eq3A_211 = arith.cmpi eq, %arg0, %eq3A_210 : i32
        %convert_element_type3A_212 = arith.extui %eq3A_211 : i1 to i32
        %cond3A_213 = arith.constant 0 : i32
        %cond3A_214 = arith.cmpi ne, %convert_element_type3A_212, %cond3A_213 : i32
        scf.if %cond3A_214 {
          %dma_start3A_220 = arith.constant 0 : i32
          %dma_start3A_221 = arith.constant 0 : i32
          %dma_start3A_222 = tpu.memref_slice %arg2[%dma_start3A_220, %dma_start3A_221] : memref<10000x128xf32, #tpu.memory_space<hbm>> -> memref<10000x128xf32, #tpu.memory_space<hbm>>
          tpu.enqueue_indirect_dma source(%dma_start3A_222 : memref<10000x128xf32, #tpu.memory_space<hbm>>) target(%arg16 : memref<80x128xf32, #tpu.memory_space<vmem>>) offsets(%arg10 : memref<80xi32, #tpu.memory_space<vmem>>) semaphore(%arg23 : memref<!tpu.dma_semaphore, #tpu.memory_space<semaphore_mem>>)
        } else {
        }
        %eq3A_215 = arith.constant 1 : i32
        %eq3A_216 = arith.cmpi eq, %arg0, %eq3A_215 : i32
        %convert_element_type3A_217 = arith.extui %eq3A_216 : i1 to i32
        %cond3A_218 = arith.constant 0 : i32
        %cond3A_219 = arith.cmpi ne, %convert_element_type3A_217, %cond3A_218 : i32
        scf.if %cond3A_219 {
          %dma_start3A_220 = arith.constant 0 : i32
          %dma_start3A_221 = arith.constant 0 : i32
          %dma_start3A_222 = tpu.memref_slice %arg3[%dma_start3A_220, %dma_start3A_221] : memref<10000x128xf32, #tpu.memory_space<hbm>> -> memref<10000x128xf32, #tpu.memory_space<hbm>>
          tpu.enqueue_indirect_dma source(%dma_start3A_222 : memref<10000x128xf32, #tpu.memory_space<hbm>>) target(%arg16 : memref<80x128xf32, #tpu.memory_space<vmem>>) offsets(%arg10 : memref<80xi32, #tpu.memory_space<vmem>>) semaphore(%arg23 : memref<!tpu.dma_semaphore, #tpu.memory_space<semaphore_mem>>)
        } else {
        }
      } else {
      }
      %dma_wait3A_100 = arith.constant 0 : i32
      %dma_wait3A_101 = arith.constant 0 : i32
      %dma_wait3A_102 = tpu.memref_slice %arg2[%dma_wait3A_100, %dma_wait3A_101] : memref<10000x128xf32, #tpu.memory_space<hbm>> -> memref<10000x128xf32, #tpu.memory_space<hbm>>
      tpu.wait_indirect_dma semaphore(%arg22 : memref<!tpu.dma_semaphore, #tpu.memory_space<semaphore_mem>>) src(%dma_wait3A_102 : memref<10000x128xf32, #tpu.memory_space<hbm>>) dst(%arg15 : memref<80x128xf32, #tpu.memory_space<vmem>>)
      %parallel_loop3A_103 = arith.constant 0 : i32
      %parallel_loop3A_104 = arith.constant 80 : i32
      %parallel_loop3A_105 = arith.constant 1 : i32
      scf.for %parallel_loop3A_191 = %parallel_loop3A_103 to %parallel_loop3A_104 step %parallel_loop3A_105  : i32 {
        %parallel_loop3A_192 = arith.index_cast %parallel_loop3A_191 : i32 to index
        %parallel_loop3A_193 = arith.constant 0 : index
        %parallel_loop3A_194 = tpu.vector_load %arg17[%parallel_loop3A_192, %parallel_loop3A_193] {strides = array<i32>} : memref<80x16xf32, #tpu.memory_space<vmem>>, vector<1x16xf32>,
        %parallel_loop3A_195 = vector.shape_cast %parallel_loop3A_194 : vector<1x16xf32> to vector<16xf32>
        %parallel_loop3A_196 = arith.constant 4 : i32
        %parallel_loop3A_197 = arith.muli %parallel_loop3A_196, %arg0 : i32
        %parallel_loop3A_198 = arith.constant 0 : i32
        %parallel_loop3A_199 = arith.addi %parallel_loop3A_197, %parallel_loop3A_198 : i32
        %parallel_loop3A_200 = vector.broadcast %parallel_loop3A_199 : i32 to vector<16x1xi32>
        %parallel_loop3A_201 = vector.shape_cast %parallel_loop3A_200 : vector<16x1xi32> to vector<16xi32>
        %parallel_loop3A_202 = tpu.dynamic_gather %parallel_loop3A_195[%parallel_loop3A_201] in [0] : vector<16xf32>, vector<16xi32> -> vector<16xf32>
        %parallel_loop3A_203 = arith.index_cast %parallel_loop3A_191 : i32 to index
        %parallel_loop3A_204 = arith.constant 0 : index
        %parallel_loop3A_205 = tpu.vector_load %arg15[%parallel_loop3A_203, %parallel_loop3A_204] {strides = array<i32>} : memref<80x128xf32, #tpu.memory_space<vmem>>, vector<1x16xf32>,
        %parallel_loop3A_206 = vector.shape_cast %parallel_loop3A_205 : vector<1x16xf32> to vector<16xf32>
        %parallel_loop3A_207 = arith.mulf %parallel_loop3A_206, %parallel_loop3A_202 : vector<16xf32>
        %parallel_loop3A_208 = arith.index_cast %parallel_loop3A_191 : i32 to index
        %parallel_loop3A_209 = arith.constant 0 : index
        %parallel_loop3A_210 = tpu.vector_load %arg15[%parallel_loop3A_208, %parallel_loop3A_209] {strides = array<i32>} : memref<80x128xf32, #tpu.memory_space<vmem>>, vector<1x16xf32>,
        %parallel_loop3A_211 = vector.shape_cast %parallel_loop3A_210 : vector<1x16xf32> to vector<16xf32>
        %parallel_loop3A_212 = vector.shape_cast %parallel_loop3A_207 : vector<16xf32> to vector<1x16xf32>
        tpu.vector_store %arg15[%parallel_loop3A_208, %parallel_loop3A_209], %parallel_loop3A_212 {strides = array<i32>} : memref<80x128xf32, #tpu.memory_space<vmem>>, vector<1x16xf32>,
        %parallel_loop3A_213 = arith.index_cast %parallel_loop3A_191 : i32 to index
        %parallel_loop3A_214 = arith.constant 16 : index
        %parallel_loop3A_215 = tpu.vector_load %arg15[%parallel_loop3A_213, %parallel_loop3A_214] {strides = array<i32>} : memref<80x128xf32, #tpu.memory_space<vmem>>, vector<1x16xf32>,
        %parallel_loop3A_216 = vector.shape_cast %parallel_loop3A_215 : vector<1x16xf32> to vector<16xf32>
        %parallel_loop3A_217 = arith.mulf %parallel_loop3A_216, %parallel_loop3A_202 : vector<16xf32>
        %parallel_loop3A_218 = arith.index_cast %parallel_loop3A_191 : i32 to index
        %parallel_loop3A_219 = arith.constant 16 : index
        %parallel_loop3A_220 = tpu.vector_load %arg15[%parallel_loop3A_218, %parallel_loop3A_219] {strides = array<i32>} : memref<80x128xf32, #tpu.memory_space<vmem>>, vector<1x16xf32>,
        %parallel_loop3A_221 = vector.shape_cast %parallel_loop3A_220 : vector<1x16xf32> to vector<16xf32>
        %parallel_loop3A_222 = vector.shape_cast %parallel_loop3A_217 : vector<16xf32> to vector<1x16xf32>
        tpu.vector_store %arg15[%parallel_loop3A_218, %parallel_loop3A_219], %parallel_loop3A_222 {strides = array<i32>} : memref<80x128xf32, #tpu.memory_space<vmem>>, vector<1x16xf32>,
        %parallel_loop3A_223 = arith.constant 4 : i32
        %parallel_loop3A_224 = arith.muli %parallel_loop3A_223, %arg0 : i32
        %parallel_loop3A_225 = arith.constant 1 : i32
        %parallel_loop3A_226 = arith.addi %parallel_loop3A_224, %parallel_loop3A_225 : i32
        %parallel_loop3A_227 = vector.broadcast %parallel_loop3A_226 : i32 to vector<16x1xi32>
        %parallel_loop3A_228 = vector.shape_cast %parallel_loop3A_227 : vector<16x1xi32> to vector<16xi32>
        %parallel_loop3A_229 = tpu.dynamic_gather %parallel_loop3A_195[%parallel_loop3A_228] in [0] : vector<16xf32>, vector<16xi32> -> vector<16xf32>
        %parallel_loop3A_230 = arith.index_cast %parallel_loop3A_191 : i32 to index
        %parallel_loop3A_231 = arith.constant 32 : index
        %parallel_loop3A_232 = tpu.vector_load %arg15[%parallel_loop3A_230, %parallel_loop3A_231] {strides = array<i32>} : memref<80x128xf32, #tpu.memory_space<vmem>>, vector<1x16xf32>,
        %parallel_loop3A_233 = vector.shape_cast %parallel_loop3A_232 : vector<1x16xf32> to vector<16xf32>
        %parallel_loop3A_234 = arith.mulf %parallel_loop3A_233, %parallel_loop3A_229 : vector<16xf32>
        %parallel_loop3A_235 = arith.index_cast %parallel_loop3A_191 : i32 to index
        %parallel_loop3A_236 = arith.constant 32 : index
        %parallel_loop3A_237 = tpu.vector_load %arg15[%parallel_loop3A_235, %parallel_loop3A_236] {strides = array<i32>} : memref<80x128xf32, #tpu.memory_space<vmem>>, vector<1x16xf32>,
        %parallel_loop3A_238 = vector.shape_cast %parallel_loop3A_237 : vector<1x16xf32> to vector<16xf32>
        %parallel_loop3A_239 = vector.shape_cast %parallel_loop3A_234 : vector<16xf32> to vector<1x16xf32>
        tpu.vector_store %arg15[%parallel_loop3A_235, %parallel_loop3A_236], %parallel_loop3A_239 {strides = array<i32>} : memref<80x128xf32, #tpu.memory_space<vmem>>, vector<1x16xf32>,
        %parallel_loop3A_240 = arith.index_cast %parallel_loop3A_191 : i32 to index
        %parallel_loop3A_241 = arith.constant 48 : index
        %parallel_loop3A_242 = tpu.vector_load %arg15[%parallel_loop3A_240, %parallel_loop3A_241] {strides = array<i32>} : memref<80x128xf32, #tpu.memory_space<vmem>>, vector<1x16xf32>,
        %parallel_loop3A_243 = vector.shape_cast %parallel_loop3A_242 : vector<1x16xf32> to vector<16xf32>
        %parallel_loop3A_244 = arith.mulf %parallel_loop3A_243, %parallel_loop3A_229 : vector<16xf32>
        %parallel_loop3A_245 = arith.index_cast %parallel_loop3A_191 : i32 to index
        %parallel_loop3A_246 = arith.constant 48 : index
        %parallel_loop3A_247 = tpu.vector_load %arg15[%parallel_loop3A_245, %parallel_loop3A_246] {strides = array<i32>} : memref<80x128xf32, #tpu.memory_space<vmem>>, vector<1x16xf32>,
        %parallel_loop3A_248 = vector.shape_cast %parallel_loop3A_247 : vector<1x16xf32> to vector<16xf32>
        %parallel_loop3A_249 = vector.shape_cast %parallel_loop3A_244 : vector<16xf32> to vector<1x16xf32>
        tpu.vector_store %arg15[%parallel_loop3A_245, %parallel_loop3A_246], %parallel_loop3A_249 {strides = array<i32>} : memref<80x128xf32, #tpu.memory_space<vmem>>, vector<1x16xf32>,
        %parallel_loop3A_250 = arith.constant 4 : i32
        %parallel_loop3A_251 = arith.muli %parallel_loop3A_250, %arg0 : i32
        %parallel_loop3A_252 = arith.constant 2 : i32
        %parallel_loop3A_253 = arith.addi %parallel_loop3A_251, %parallel_loop3A_252 : i32
        %parallel_loop3A_254 = vector.broadcast %parallel_loop3A_253 : i32 to vector<16x1xi32>
        %parallel_loop3A_255 = vector.shape_cast %parallel_loop3A_254 : vector<16x1xi32> to vector<16xi32>
        %parallel_loop3A_256 = tpu.dynamic_gather %parallel_loop3A_195[%parallel_loop3A_255] in [0] : vector<16xf32>, vector<16xi32> -> vector<16xf32>
        %parallel_loop3A_257 = arith.index_cast %parallel_loop3A_191 : i32 to index
        %parallel_loop3A_258 = arith.constant 64 : index
        %parallel_loop3A_259 = tpu.vector_load %arg15[%parallel_loop3A_257, %parallel_loop3A_258] {strides = array<i32>} : memref<80x128xf32, #tpu.memory_space<vmem>>, vector<1x16xf32>,
        %parallel_loop3A_260 = vector.shape_cast %parallel_loop3A_259 : vector<1x16xf32> to vector<16xf32>
        %parallel_loop3A_261 = arith.mulf %parallel_loop3A_260, %parallel_loop3A_256 : vector<16xf32>
        %parallel_loop3A_262 = arith.index_cast %parallel_loop3A_191 : i32 to index
        %parallel_loop3A_263 = arith.constant 64 : index
        %parallel_loop3A_264 = tpu.vector_load %arg15[%parallel_loop3A_262, %parallel_loop3A_263] {strides = array<i32>} : memref<80x128xf32, #tpu.memory_space<vmem>>, vector<1x16xf32>,
        %parallel_loop3A_265 = vector.shape_cast %parallel_loop3A_264 : vector<1x16xf32> to vector<16xf32>
        %parallel_loop3A_266 = vector.shape_cast %parallel_loop3A_261 : vector<16xf32> to vector<1x16xf32>
        tpu.vector_store %arg15[%parallel_loop3A_262, %parallel_loop3A_263], %parallel_loop3A_266 {strides = array<i32>} : memref<80x128xf32, #tpu.memory_space<vmem>>, vector<1x16xf32>,
        %parallel_loop3A_267 = arith.index_cast %parallel_loop3A_191 : i32 to index
        %parallel_loop3A_268 = arith.constant 80 : index
        %parallel_loop3A_269 = tpu.vector_load %arg15[%parallel_loop3A_267, %parallel_loop3A_268] {strides = array<i32>} : memref<80x128xf32, #tpu.memory_space<vmem>>, vector<1x16xf32>,
        %parallel_loop3A_270 = vector.shape_cast %parallel_loop3A_269 : vector<1x16xf32> to vector<16xf32>
        %parallel_loop3A_271 = arith.mulf %parallel_loop3A_270, %parallel_loop3A_256 : vector<16xf32>
        %parallel_loop3A_272 = arith.index_cast %parallel_loop3A_191 : i32 to index
        %parallel_loop3A_273 = arith.constant 80 : index
        %parallel_loop3A_274 = tpu.vector_load %arg15[%parallel_loop3A_272, %parallel_loop3A_273] {strides = array<i32>} : memref<80x128xf32, #tpu.memory_space<vmem>>, vector<1x16xf32>,
        %parallel_loop3A_275 = vector.shape_cast %parallel_loop3A_274 : vector<1x16xf32> to vector<16xf32>
        %parallel_loop3A_276 = vector.shape_cast %parallel_loop3A_271 : vector<16xf32> to vector<1x16xf32>
        tpu.vector_store %arg15[%parallel_loop3A_272, %parallel_loop3A_273], %parallel_loop3A_276 {strides = array<i32>} : memref<80x128xf32, #tpu.memory_space<vmem>>, vector<1x16xf32>,
        %parallel_loop3A_277 = arith.constant 4 : i32
        %parallel_loop3A_278 = arith.muli %parallel_loop3A_277, %arg0 : i32
        %parallel_loop3A_279 = arith.constant 3 : i32
        %parallel_loop3A_280 = arith.addi %parallel_loop3A_278, %parallel_loop3A_279 : i32
        %parallel_loop3A_281 = vector.broadcast %parallel_loop3A_280 : i32 to vector<16x1xi32>
        %parallel_loop3A_282 = vector.shape_cast %parallel_loop3A_281 : vector<16x1xi32> to vector<16xi32>
        %parallel_loop3A_283 = tpu.dynamic_gather %parallel_loop3A_195[%parallel_loop3A_282] in [0] : vector<16xf32>, vector<16xi32> -> vector<16xf32>
        %parallel_loop3A_284 = arith.index_cast %parallel_loop3A_191 : i32 to index
        %parallel_loop3A_285 = arith.constant 96 : index
        %parallel_loop3A_286 = tpu.vector_load %arg15[%parallel_loop3A_284, %parallel_loop3A_285] {strides = array<i32>} : memref<80x128xf32, #tpu.memory_space<vmem>>, vector<1x16xf32>,
        %parallel_loop3A_287 = vector.shape_cast %parallel_loop3A_286 : vector<1x16xf32> to vector<16xf32>
        %parallel_loop3A_288 = arith.mulf %parallel_loop3A_287, %parallel_loop3A_283 : vector<16xf32>
        %parallel_loop3A_289 = arith.index_cast %parallel_loop3A_191 : i32 to index
        %parallel_loop3A_290 = arith.constant 96 : index
        %parallel_loop3A_291 = tpu.vector_load %arg15[%parallel_loop3A_289, %parallel_loop3A_290] {strides = array<i32>} : memref<80x128xf32, #tpu.memory_space<vmem>>, vector<1x16xf32>,
        %parallel_loop3A_292 = vector.shape_cast %parallel_loop3A_291 : vector<1x16xf32> to vector<16xf32>
        %parallel_loop3A_293 = vector.shape_cast %parallel_loop3A_288 : vector<16xf32> to vector<1x16xf32>
        tpu.vector_store %arg15[%parallel_loop3A_289, %parallel_loop3A_290], %parallel_loop3A_293 {strides = array<i32>} : memref<80x128xf32, #tpu.memory_space<vmem>>, vector<1x16xf32>,
        %parallel_loop3A_294 = arith.index_cast %parallel_loop3A_191 : i32 to index
        %parallel_loop3A_295 = arith.constant 112 : index
        %parallel_loop3A_296 = tpu.vector_load %arg15[%parallel_loop3A_294, %parallel_loop3A_295] {strides = array<i32>} : memref<80x128xf32, #tpu.memory_space<vmem>>, vector<1x16xf32>,
        %parallel_loop3A_297 = vector.shape_cast %parallel_loop3A_296 : vector<1x16xf32> to vector<16xf32>
        %parallel_loop3A_298 = arith.mulf %parallel_loop3A_297, %parallel_loop3A_283 : vector<16xf32>
        %parallel_loop3A_299 = arith.index_cast %parallel_loop3A_191 : i32 to index
        %parallel_loop3A_300 = arith.constant 112 : index
        %parallel_loop3A_301 = tpu.vector_load %arg15[%parallel_loop3A_299, %parallel_loop3A_300] {strides = array<i32>} : memref<80x128xf32, #tpu.memory_space<vmem>>, vector<1x16xf32>,
        %parallel_loop3A_302 = vector.shape_cast %parallel_loop3A_301 : vector<1x16xf32> to vector<16xf32>
        %parallel_loop3A_303 = vector.shape_cast %parallel_loop3A_298 : vector<16xf32> to vector<1x16xf32>
        tpu.vector_store %arg15[%parallel_loop3A_299, %parallel_loop3A_300], %parallel_loop3A_303 {strides = array<i32>} : memref<80x128xf32, #tpu.memory_space<vmem>>, vector<1x16xf32>,
      } {sc.loop_unroll_factor = 2 : i64, sc.parallel_access}
      %dma_start3A_106 = arith.constant 0 : i32
      %dma_start3A_107 = arith.constant 0 : i32
      %dma_start3A_108 = tpu.memref_slice %arg19[%dma_start3A_106, %dma_start3A_107] : memref<10000x128xf32, #tpu.memory_space<vmem_shared>> -> memref<10000x128xf32, #tpu.memory_space<vmem_shared>>
      tpu.enqueue_indirect_dma source(%arg15 : memref<80x128xf32, #tpu.memory_space<vmem>>) target(%dma_start3A_108 : memref<10000x128xf32, #tpu.memory_space<vmem_shared>>) offsets(%arg11 : memref<80xi32, #tpu.memory_space<vmem>>) semaphore(%arg24 : memref<!tpu.dma_semaphore, #tpu.memory_space<semaphore_mem>>) {add = true}
      %add3A_109 = arith.constant 2 : i32
      %add3A_110 = arith.addi %add3A_92, %add3A_109 : i32
      %lt3A_111 = arith.constant 125 : i32
      %lt3A_112 = arith.cmpi slt, %add3A_110, %lt3A_111 : i32
      %convert_element_type3A_113 = arith.extui %lt3A_112 : i1 to i32
      %cond3A_114 = arith.constant 0 : i32
      %cond3A_115 = arith.cmpi ne, %convert_element_type3A_113, %cond3A_114 : i32
      scf.if %cond3A_115 {
        %add3A_191 = arith.constant 2 : i32
        %add3A_192 = arith.addi %add3A_92, %add3A_191 : i32
        %mul3A_193 = arith.constant 10000 : i32
        %mul3A_194 = arith.muli %arg1, %mul3A_193 : i32
        %mul3A_195 = arith.constant 80 : i32
        %mul3A_196 = arith.muli %add3A_192, %mul3A_195 : i32
        %add3A_197 = arith.addi %mul3A_194, %mul3A_196 : i32
        %dma_start3A_198 = tpu.memref_slice %arg5[%add3A_197] : memref<160000xi32, #tpu.memory_space<hbm>> -> memref<80xi32, #tpu.memory_space<hbm>>
        %dma_start3A_199 = tpu.memref_slice %arg5[%add3A_197] : memref<160000xi32, #tpu.memory_space<hbm>> -> memref<80xi32, #tpu.memory_space<hbm>>
        tpu.enqueue_dma source(%dma_start3A_199 : memref<80xi32, #tpu.memory_space<hbm>>) target(%arg9 : memref<80xi32, #tpu.memory_space<vmem>>) target_semaphore(%arg20 : memref<!tpu.dma_semaphore, #tpu.memory_space<semaphore_mem>>)
        %dma_start3A_200 = tpu.memref_slice %arg6[%add3A_197] : memref<160000xi32, #tpu.memory_space<hbm>> -> memref<80xi32, #tpu.memory_space<hbm>>
        %dma_start3A_201 = tpu.memref_slice %arg6[%add3A_197] : memref<160000xi32, #tpu.memory_space<hbm>> -> memref<80xi32, #tpu.memory_space<hbm>>
        tpu.enqueue_dma source(%dma_start3A_201 : memref<80xi32, #tpu.memory_space<hbm>>) target(%arg13 : memref<80xi32, #tpu.memory_space<vmem>>) target_semaphore(%arg20 : memref<!tpu.dma_semaphore, #tpu.memory_space<semaphore_mem>>)
        %dma_start3A_202 = arith.constant 0 : i32
        %dma_start3A_203 = tpu.memref_slice %arg4[%add3A_197, %dma_start3A_202] : memref<160000x16xf32, #tpu.memory_space<hbm>> -> memref<80x16xf32, #tpu.memory_space<hbm>>
        %dma_start3A_204 = arith.constant 0 : i32
        %dma_start3A_205 = tpu.memref_slice %arg4[%add3A_197, %dma_start3A_204] : memref<160000x16xf32, #tpu.memory_space<hbm>> -> memref<80x16xf32, #tpu.memory_space<hbm>>
        tpu.enqueue_dma source(%dma_start3A_205 : memref<80x16xf32, #tpu.memory_space<hbm>>) target(%arg17 : memref<80x16xf32, #tpu.memory_space<vmem>>) target_semaphore(%arg20 : memref<!tpu.dma_semaphore, #tpu.memory_space<semaphore_mem>>)
      } else {
      }
      %add3A_116 = arith.constant 1 : i32
      %add3A_117 = arith.addi %mul3A_90, %add3A_116 : i32
      %add3A_118 = arith.constant 1 : i32
      %add3A_119 = arith.addi %add3A_117, %add3A_118 : i32
      %lt3A_120 = arith.constant 125 : i32
      %lt3A_121 = arith.cmpi slt, %add3A_119, %lt3A_120 : i32
      %convert_element_type3A_122 = arith.extui %lt3A_121 : i1 to i32
      %cond3A_123 = arith.constant 0 : i32
      %cond3A_124 = arith.cmpi ne, %convert_element_type3A_122, %cond3A_123 : i32
      scf.if %cond3A_124 {
        %add3A_191 = arith.constant 1 : i32
        %add3A_192 = arith.addi %add3A_117, %add3A_191 : i32
        %mul3A_193 = arith.constant 10000 : i32
        %mul3A_194 = arith.muli %arg1, %mul3A_193 : i32
        %mul3A_195 = arith.constant 80 : i32
        %mul3A_196 = arith.muli %add3A_192, %mul3A_195 : i32
        %add3A_197 = arith.addi %mul3A_194, %mul3A_196 : i32
        %dma_wait3A_198 = tpu.memref_slice %arg5[%add3A_197] : memref<160000xi32, #tpu.memory_space<hbm>> -> memref<80xi32, #tpu.memory_space<hbm>>
        %dma_wait3A_199 = tpu.memref_slice %arg5[%add3A_197] : memref<160000xi32, #tpu.memory_space<hbm>> -> memref<80xi32, #tpu.memory_space<hbm>>
        tpu.wait_dma2 semaphore(%arg20 : memref<!tpu.dma_semaphore, #tpu.memory_space<semaphore_mem>>) src(%dma_wait3A_199 : memref<80xi32, #tpu.memory_space<hbm>>) dst(%arg9 : memref<80xi32, #tpu.memory_space<vmem>>)
        %dma_wait3A_200 = tpu.memref_slice %arg6[%add3A_197] : memref<160000xi32, #tpu.memory_space<hbm>> -> memref<80xi32, #tpu.memory_space<hbm>>
        %dma_wait3A_201 = tpu.memref_slice %arg6[%add3A_197] : memref<160000xi32, #tpu.memory_space<hbm>> -> memref<80xi32, #tpu.memory_space<hbm>>
        tpu.wait_dma2 semaphore(%arg20 : memref<!tpu.dma_semaphore, #tpu.memory_space<semaphore_mem>>) src(%dma_wait3A_201 : memref<80xi32, #tpu.memory_space<hbm>>) dst(%arg13 : memref<80xi32, #tpu.memory_space<vmem>>)
        %dma_wait3A_202 = arith.constant 0 : i32
        %dma_wait3A_203 = tpu.memref_slice %arg4[%add3A_197, %dma_wait3A_202] : memref<160000x16xf32, #tpu.memory_space<hbm>> -> memref<80x16xf32, #tpu.memory_space<hbm>>
        %dma_wait3A_204 = arith.constant 0 : i32
        %dma_wait3A_205 = tpu.memref_slice %arg4[%add3A_197, %dma_wait3A_204] : memref<160000x16xf32, #tpu.memory_space<hbm>> -> memref<80x16xf32, #tpu.memory_space<hbm>>
        tpu.wait_dma2 semaphore(%arg20 : memref<!tpu.dma_semaphore, #tpu.memory_space<semaphore_mem>>) src(%dma_wait3A_205 : memref<80x16xf32, #tpu.memory_space<hbm>>) dst(%arg17 : memref<80x16xf32, #tpu.memory_space<vmem>>)
        %ge3A = arith.constant 1 : i32
        %ge3A_206 = arith.cmpi sge, %add3A_117, %ge3A : i32
        %convert_element_type3A_207 = arith.extui %ge3A_206 : i1 to i32
        %cond3A_208 = arith.constant 0 : i32
        %cond3A_209 = arith.cmpi ne, %convert_element_type3A_207, %cond3A_208 : i32
        scf.if %cond3A_209 {
          %dma_wait3A_220 = arith.constant 0 : i32
          %dma_wait3A_221 = arith.constant 0 : i32
          %dma_wait3A_222 = tpu.memref_slice %arg19[%dma_wait3A_220, %dma_wait3A_221] : memref<10000x128xf32, #tpu.memory_space<vmem_shared>> -> memref<10000x128xf32, #tpu.memory_space<vmem_shared>>
          tpu.wait_indirect_dma semaphore(%arg24 : memref<!tpu.dma_semaphore, #tpu.memory_space<semaphore_mem>>) src(%arg15 : memref<80x128xf32, #tpu.memory_space<vmem>>) dst(%dma_wait3A_222 : memref<10000x128xf32, #tpu.memory_space<vmem_shared>>)
        } else {
        }
        %eq3A_210 = arith.constant 0 : i32
        %eq3A_211 = arith.cmpi eq, %arg0, %eq3A_210 : i32
        %convert_element_type3A_212 = arith.extui %eq3A_211 : i1 to i32
        %cond3A_213 = arith.constant 0 : i32
        %cond3A_214 = arith.cmpi ne, %convert_element_type3A_212, %cond3A_213 : i32
        scf.if %cond3A_214 {
          %dma_start3A_220 = arith.constant 0 : i32
          %dma_start3A_221 = arith.constant 0 : i32
          %dma_start3A_222 = tpu.memref_slice %arg2[%dma_start3A_220, %dma_start3A_221] : memref<10000x128xf32, #tpu.memory_space<hbm>> -> memref<10000x128xf32, #tpu.memory_space<hbm>>
          tpu.enqueue_indirect_dma source(%dma_start3A_222 : memref<10000x128xf32, #tpu.memory_space<hbm>>) target(%arg15 : memref<80x128xf32, #tpu.memory_space<vmem>>) offsets(%arg9 : memref<80xi32, #tpu.memory_space<vmem>>) semaphore(%arg22 : memref<!tpu.dma_semaphore, #tpu.memory_space<semaphore_mem>>)
        } else {
        }
        %eq3A_215 = arith.constant 1 : i32
        %eq3A_216 = arith.cmpi eq, %arg0, %eq3A_215 : i32
        %convert_element_type3A_217 = arith.extui %eq3A_216 : i1 to i32
        %cond3A_218 = arith.constant 0 : i32
        %cond3A_219 = arith.cmpi ne, %convert_element_type3A_217, %cond3A_218 : i32
        scf.if %cond3A_219 {
          %dma_start3A_220 = arith.constant 0 : i32
          %dma_start3A_221 = arith.constant 0 : i32
          %dma_start3A_222 = tpu.memref_slice %arg3[%dma_start3A_220, %dma_start3A_221] : memref<10000x128xf32, #tpu.memory_space<hbm>> -> memref<10000x128xf32, #tpu.memory_space<hbm>>
          tpu.enqueue_indirect_dma source(%dma_start3A_222 : memref<10000x128xf32, #tpu.memory_space<hbm>>) target(%arg15 : memref<80x128xf32, #tpu.memory_space<vmem>>) offsets(%arg9 : memref<80xi32, #tpu.memory_space<vmem>>) semaphore(%arg22 : memref<!tpu.dma_semaphore, #tpu.memory_space<semaphore_mem>>)
        } else {
        }
      } else {
      }
      %dma_wait3A_125 = arith.constant 0 : i32
      %dma_wait3A_126 = arith.constant 0 : i32
      %dma_wait3A_127 = tpu.memref_slice %arg2[%dma_wait3A_125, %dma_wait3A_126] : memref<10000x128xf32, #tpu.memory_space<hbm>> -> memref<10000x128xf32, #tpu.memory_space<hbm>>
      tpu.wait_indirect_dma semaphore(%arg23 : memref<!tpu.dma_semaphore, #tpu.memory_space<semaphore_mem>>) src(%dma_wait3A_127 : memref<10000x128xf32, #tpu.memory_space<hbm>>) dst(%arg16 : memref<80x128xf32, #tpu.memory_space<vmem>>)
      %parallel_loop3A_128 = arith.constant 0 : i32
      %parallel_loop3A_129 = arith.constant 80 : i32
      %parallel_loop3A_130 = arith.constant 1 : i32
      scf.for %parallel_loop3A_191 = %parallel_loop3A_128 to %parallel_loop3A_129 step %parallel_loop3A_130  : i32 {
        %parallel_loop3A_192 = arith.index_cast %parallel_loop3A_191 : i32 to index
        %parallel_loop3A_193 = arith.constant 0 : index
        %parallel_loop3A_194 = tpu.vector_load %arg18[%parallel_loop3A_192, %parallel_loop3A_193] {strides = array<i32>} : memref<80x16xf32, #tpu.memory_space<vmem>>, vector<1x16xf32>,
        %parallel_loop3A_195 = vector.shape_cast %parallel_loop3A_194 : vector<1x16xf32> to vector<16xf32>
        %parallel_loop3A_196 = arith.constant 4 : i32
        %parallel_loop3A_197 = arith.muli %parallel_loop3A_196, %arg0 : i32
        %parallel_loop3A_198 = arith.constant 0 : i32
        %parallel_loop3A_199 = arith.addi %parallel_loop3A_197, %parallel_loop3A_198 : i32
        %parallel_loop3A_200 = vector.broadcast %parallel_loop3A_199 : i32 to vector<16x1xi32>
        %parallel_loop3A_201 = vector.shape_cast %parallel_loop3A_200 : vector<16x1xi32> to vector<16xi32>
        %parallel_loop3A_202 = tpu.dynamic_gather %parallel_loop3A_195[%parallel_loop3A_201] in [0] : vector<16xf32>, vector<16xi32> -> vector<16xf32>
        %parallel_loop3A_203 = arith.index_cast %parallel_loop3A_191 : i32 to index
        %parallel_loop3A_204 = arith.constant 0 : index
        %parallel_loop3A_205 = tpu.vector_load %arg16[%parallel_loop3A_203, %parallel_loop3A_204] {strides = array<i32>} : memref<80x128xf32, #tpu.memory_space<vmem>>, vector<1x16xf32>,
        %parallel_loop3A_206 = vector.shape_cast %parallel_loop3A_205 : vector<1x16xf32> to vector<16xf32>
        %parallel_loop3A_207 = arith.mulf %parallel_loop3A_206, %parallel_loop3A_202 : vector<16xf32>
        %parallel_loop3A_208 = arith.index_cast %parallel_loop3A_191 : i32 to index
        %parallel_loop3A_209 = arith.constant 0 : index
        %parallel_loop3A_210 = tpu.vector_load %arg16[%parallel_loop3A_208, %parallel_loop3A_209] {strides = array<i32>} : memref<80x128xf32, #tpu.memory_space<vmem>>, vector<1x16xf32>,
        %parallel_loop3A_211 = vector.shape_cast %parallel_loop3A_210 : vector<1x16xf32> to vector<16xf32>
        %parallel_loop3A_212 = vector.shape_cast %parallel_loop3A_207 : vector<16xf32> to vector<1x16xf32>
        tpu.vector_store %arg16[%parallel_loop3A_208, %parallel_loop3A_209], %parallel_loop3A_212 {strides = array<i32>} : memref<80x128xf32, #tpu.memory_space<vmem>>, vector<1x16xf32>,
        %parallel_loop3A_213 = arith.index_cast %parallel_loop3A_191 : i32 to index
        %parallel_loop3A_214 = arith.constant 16 : index
        %parallel_loop3A_215 = tpu.vector_load %arg16[%parallel_loop3A_213, %parallel_loop3A_214] {strides = array<i32>} : memref<80x128xf32, #tpu.memory_space<vmem>>, vector<1x16xf32>,
        %parallel_loop3A_216 = vector.shape_cast %parallel_loop3A_215 : vector<1x16xf32> to vector<16xf32>
        %parallel_loop3A_217 = arith.mulf %parallel_loop3A_216, %parallel_loop3A_202 : vector<16xf32>
        %parallel_loop3A_218 = arith.index_cast %parallel_loop3A_191 : i32 to index
        %parallel_loop3A_219 = arith.constant 16 : index
        %parallel_loop3A_220 = tpu.vector_load %arg16[%parallel_loop3A_218, %parallel_loop3A_219] {strides = array<i32>} : memref<80x128xf32, #tpu.memory_space<vmem>>, vector<1x16xf32>,
        %parallel_loop3A_221 = vector.shape_cast %parallel_loop3A_220 : vector<1x16xf32> to vector<16xf32>
        %parallel_loop3A_222 = vector.shape_cast %parallel_loop3A_217 : vector<16xf32> to vector<1x16xf32>
        tpu.vector_store %arg16[%parallel_loop3A_218, %parallel_loop3A_219], %parallel_loop3A_222 {strides = array<i32>} : memref<80x128xf32, #tpu.memory_space<vmem>>, vector<1x16xf32>,
        %parallel_loop3A_223 = arith.constant 4 : i32
        %parallel_loop3A_224 = arith.muli %parallel_loop3A_223, %arg0 : i32
        %parallel_loop3A_225 = arith.constant 1 : i32
        %parallel_loop3A_226 = arith.addi %parallel_loop3A_224, %parallel_loop3A_225 : i32
        %parallel_loop3A_227 = vector.broadcast %parallel_loop3A_226 : i32 to vector<16x1xi32>
        %parallel_loop3A_228 = vector.shape_cast %parallel_loop3A_227 : vector<16x1xi32> to vector<16xi32>
        %parallel_loop3A_229 = tpu.dynamic_gather %parallel_loop3A_195[%parallel_loop3A_228] in [0] : vector<16xf32>, vector<16xi32> -> vector<16xf32>
        %parallel_loop3A_230 = arith.index_cast %parallel_loop3A_191 : i32 to index
        %parallel_loop3A_231 = arith.constant 32 : index
        %parallel_loop3A_232 = tpu.vector_load %arg16[%parallel_loop3A_230, %parallel_loop3A_231] {strides = array<i32>} : memref<80x128xf32, #tpu.memory_space<vmem>>, vector<1x16xf32>,
        %parallel_loop3A_233 = vector.shape_cast %parallel_loop3A_232 : vector<1x16xf32> to vector<16xf32>
        %parallel_loop3A_234 = arith.mulf %parallel_loop3A_233, %parallel_loop3A_229 : vector<16xf32>
        %parallel_loop3A_235 = arith.index_cast %parallel_loop3A_191 : i32 to index
        %parallel_loop3A_236 = arith.constant 32 : index
        %parallel_loop3A_237 = tpu.vector_load %arg16[%parallel_loop3A_235, %parallel_loop3A_236] {strides = array<i32>} : memref<80x128xf32, #tpu.memory_space<vmem>>, vector<1x16xf32>,
        %parallel_loop3A_238 = vector.shape_cast %parallel_loop3A_237 : vector<1x16xf32> to vector<16xf32>
        %parallel_loop3A_239 = vector.shape_cast %parallel_loop3A_234 : vector<16xf32> to vector<1x16xf32>
        tpu.vector_store %arg16[%parallel_loop3A_235, %parallel_loop3A_236], %parallel_loop3A_239 {strides = array<i32>} : memref<80x128xf32, #tpu.memory_space<vmem>>, vector<1x16xf32>,
        %parallel_loop3A_240 = arith.index_cast %parallel_loop3A_191 : i32 to index
        %parallel_loop3A_241 = arith.constant 48 : index
        %parallel_loop3A_242 = tpu.vector_load %arg16[%parallel_loop3A_240, %parallel_loop3A_241] {strides = array<i32>} : memref<80x128xf32, #tpu.memory_space<vmem>>, vector<1x16xf32>,
        %parallel_loop3A_243 = vector.shape_cast %parallel_loop3A_242 : vector<1x16xf32> to vector<16xf32>
        %parallel_loop3A_244 = arith.mulf %parallel_loop3A_243, %parallel_loop3A_229 : vector<16xf32>
        %parallel_loop3A_245 = arith.index_cast %parallel_loop3A_191 : i32 to index
        %parallel_loop3A_246 = arith.constant 48 : index
        %parallel_loop3A_247 = tpu.vector_load %arg16[%parallel_loop3A_245, %parallel_loop3A_246] {strides = array<i32>} : memref<80x128xf32, #tpu.memory_space<vmem>>, vector<1x16xf32>,
        %parallel_loop3A_248 = vector.shape_cast %parallel_loop3A_247 : vector<1x16xf32> to vector<16xf32>
        %parallel_loop3A_249 = vector.shape_cast %parallel_loop3A_244 : vector<16xf32> to vector<1x16xf32>
        tpu.vector_store %arg16[%parallel_loop3A_245, %parallel_loop3A_246], %parallel_loop3A_249 {strides = array<i32>} : memref<80x128xf32, #tpu.memory_space<vmem>>, vector<1x16xf32>,
        %parallel_loop3A_250 = arith.constant 4 : i32
        %parallel_loop3A_251 = arith.muli %parallel_loop3A_250, %arg0 : i32
        %parallel_loop3A_252 = arith.constant 2 : i32
        %parallel_loop3A_253 = arith.addi %parallel_loop3A_251, %parallel_loop3A_252 : i32
        %parallel_loop3A_254 = vector.broadcast %parallel_loop3A_253 : i32 to vector<16x1xi32>
        %parallel_loop3A_255 = vector.shape_cast %parallel_loop3A_254 : vector<16x1xi32> to vector<16xi32>
        %parallel_loop3A_256 = tpu.dynamic_gather %parallel_loop3A_195[%parallel_loop3A_255] in [0] : vector<16xf32>, vector<16xi32> -> vector<16xf32>
        %parallel_loop3A_257 = arith.index_cast %parallel_loop3A_191 : i32 to index
        %parallel_loop3A_258 = arith.constant 64 : index
        %parallel_loop3A_259 = tpu.vector_load %arg16[%parallel_loop3A_257, %parallel_loop3A_258] {strides = array<i32>} : memref<80x128xf32, #tpu.memory_space<vmem>>, vector<1x16xf32>,
        %parallel_loop3A_260 = vector.shape_cast %parallel_loop3A_259 : vector<1x16xf32> to vector<16xf32>
        %parallel_loop3A_261 = arith.mulf %parallel_loop3A_260, %parallel_loop3A_256 : vector<16xf32>
        %parallel_loop3A_262 = arith.index_cast %parallel_loop3A_191 : i32 to index
        %parallel_loop3A_263 = arith.constant 64 : index
        %parallel_loop3A_264 = tpu.vector_load %arg16[%parallel_loop3A_262, %parallel_loop3A_263] {strides = array<i32>} : memref<80x128xf32, #tpu.memory_space<vmem>>, vector<1x16xf32>,
        %parallel_loop3A_265 = vector.shape_cast %parallel_loop3A_264 : vector<1x16xf32> to vector<16xf32>
        %parallel_loop3A_266 = vector.shape_cast %parallel_loop3A_261 : vector<16xf32> to vector<1x16xf32>
        tpu.vector_store %arg16[%parallel_loop3A_262, %parallel_loop3A_263], %parallel_loop3A_266 {strides = array<i32>} : memref<80x128xf32, #tpu.memory_space<vmem>>, vector<1x16xf32>,
        %parallel_loop3A_267 = arith.index_cast %parallel_loop3A_191 : i32 to index
        %parallel_loop3A_268 = arith.constant 80 : index
        %parallel_loop3A_269 = tpu.vector_load %arg16[%parallel_loop3A_267, %parallel_loop3A_268] {strides = array<i32>} : memref<80x128xf32, #tpu.memory_space<vmem>>, vector<1x16xf32>,
        %parallel_loop3A_270 = vector.shape_cast %parallel_loop3A_269 : vector<1x16xf32> to vector<16xf32>
        %parallel_loop3A_271 = arith.mulf %parallel_loop3A_270, %parallel_loop3A_256 : vector<16xf32>
        %parallel_loop3A_272 = arith.index_cast %parallel_loop3A_191 : i32 to index
        %parallel_loop3A_273 = arith.constant 80 : index
        %parallel_loop3A_274 = tpu.vector_load %arg16[%parallel_loop3A_272, %parallel_loop3A_273] {strides = array<i32>} : memref<80x128xf32, #tpu.memory_space<vmem>>, vector<1x16xf32>,
        %parallel_loop3A_275 = vector.shape_cast %parallel_loop3A_274 : vector<1x16xf32> to vector<16xf32>
        %parallel_loop3A_276 = vector.shape_cast %parallel_loop3A_271 : vector<16xf32> to vector<1x16xf32>
        tpu.vector_store %arg16[%parallel_loop3A_272, %parallel_loop3A_273], %parallel_loop3A_276 {strides = array<i32>} : memref<80x128xf32, #tpu.memory_space<vmem>>, vector<1x16xf32>,
        %parallel_loop3A_277 = arith.constant 4 : i32
        %parallel_loop3A_278 = arith.muli %parallel_loop3A_277, %arg0 : i32
        %parallel_loop3A_279 = arith.constant 3 : i32
        %parallel_loop3A_280 = arith.addi %parallel_loop3A_278, %parallel_loop3A_279 : i32
        %parallel_loop3A_281 = vector.broadcast %parallel_loop3A_280 : i32 to vector<16x1xi32>
        %parallel_loop3A_282 = vector.shape_cast %parallel_loop3A_281 : vector<16x1xi32> to vector<16xi32>
        %parallel_loop3A_283 = tpu.dynamic_gather %parallel_loop3A_195[%parallel_loop3A_282] in [0] : vector<16xf32>, vector<16xi32> -> vector<16xf32>
        %parallel_loop3A_284 = arith.index_cast %parallel_loop3A_191 : i32 to index
        %parallel_loop3A_285 = arith.constant 96 : index
        %parallel_loop3A_286 = tpu.vector_load %arg16[%parallel_loop3A_284, %parallel_loop3A_285] {strides = array<i32>} : memref<80x128xf32, #tpu.memory_space<vmem>>, vector<1x16xf32>,
        %parallel_loop3A_287 = vector.shape_cast %parallel_loop3A_286 : vector<1x16xf32> to vector<16xf32>
        %parallel_loop3A_288 = arith.mulf %parallel_loop3A_287, %parallel_loop3A_283 : vector<16xf32>
        %parallel_loop3A_289 = arith.index_cast %parallel_loop3A_191 : i32 to index
        %parallel_loop3A_290 = arith.constant 96 : index
        %parallel_loop3A_291 = tpu.vector_load %arg16[%parallel_loop3A_289, %parallel_loop3A_290] {strides = array<i32>} : memref<80x128xf32, #tpu.memory_space<vmem>>, vector<1x16xf32>,
        %parallel_loop3A_292 = vector.shape_cast %parallel_loop3A_291 : vector<1x16xf32> to vector<16xf32>
        %parallel_loop3A_293 = vector.shape_cast %parallel_loop3A_288 : vector<16xf32> to vector<1x16xf32>
        tpu.vector_store %arg16[%parallel_loop3A_289, %parallel_loop3A_290], %parallel_loop3A_293 {strides = array<i32>} : memref<80x128xf32, #tpu.memory_space<vmem>>, vector<1x16xf32>,
        %parallel_loop3A_294 = arith.index_cast %parallel_loop3A_191 : i32 to index
        %parallel_loop3A_295 = arith.constant 112 : index
        %parallel_loop3A_296 = tpu.vector_load %arg16[%parallel_loop3A_294, %parallel_loop3A_295] {strides = array<i32>} : memref<80x128xf32, #tpu.memory_space<vmem>>, vector<1x16xf32>,
        %parallel_loop3A_297 = vector.shape_cast %parallel_loop3A_296 : vector<1x16xf32> to vector<16xf32>
        %parallel_loop3A_298 = arith.mulf %parallel_loop3A_297, %parallel_loop3A_283 : vector<16xf32>
        %parallel_loop3A_299 = arith.index_cast %parallel_loop3A_191 : i32 to index
        %parallel_loop3A_300 = arith.constant 112 : index
        %parallel_loop3A_301 = tpu.vector_load %arg16[%parallel_loop3A_299, %parallel_loop3A_300] {strides = array<i32>} : memref<80x128xf32, #tpu.memory_space<vmem>>, vector<1x16xf32>,
        %parallel_loop3A_302 = vector.shape_cast %parallel_loop3A_301 : vector<1x16xf32> to vector<16xf32>
        %parallel_loop3A_303 = vector.shape_cast %parallel_loop3A_298 : vector<16xf32> to vector<1x16xf32>
        tpu.vector_store %arg16[%parallel_loop3A_299, %parallel_loop3A_300], %parallel_loop3A_303 {strides = array<i32>} : memref<80x128xf32, #tpu.memory_space<vmem>>, vector<1x16xf32>,
      } {sc.loop_unroll_factor = 2 : i64, sc.parallel_access}
      %dma_start3A_131 = arith.constant 0 : i32
      %dma_start3A_132 = arith.constant 0 : i32
      %dma_start3A_133 = tpu.memref_slice %arg19[%dma_start3A_131, %dma_start3A_132] : memref<10000x128xf32, #tpu.memory_space<vmem_shared>> -> memref<10000x128xf32, #tpu.memory_space<vmem_shared>>
      tpu.enqueue_indirect_dma source(%arg16 : memref<80x128xf32, #tpu.memory_space<vmem>>) target(%dma_start3A_133 : memref<10000x128xf32, #tpu.memory_space<vmem_shared>>) offsets(%arg12 : memref<80xi32, #tpu.memory_space<vmem>>) semaphore(%arg25 : memref<!tpu.dma_semaphore, #tpu.memory_space<semaphore_mem>>) {add = true}
      %add3A_134 = arith.constant 2 : i32
      %add3A_135 = arith.addi %add3A_117, %add3A_134 : i32
      %lt3A_136 = arith.constant 125 : i32
      %lt3A_137 = arith.cmpi slt, %add3A_135, %lt3A_136 : i32
      %convert_element_type3A_138 = arith.extui %lt3A_137 : i1 to i32
      %cond3A_139 = arith.constant 0 : i32
      %cond3A_140 = arith.cmpi ne, %convert_element_type3A_138, %cond3A_139 : i32
      scf.if %cond3A_140 {
        %add3A_191 = arith.constant 2 : i32
        %add3A_192 = arith.addi %add3A_117, %add3A_191 : i32
        %mul3A_193 = arith.constant 10000 : i32
        %mul3A_194 = arith.muli %arg1, %mul3A_193 : i32
        %mul3A_195 = arith.constant 80 : i32
        %mul3A_196 = arith.muli %add3A_192, %mul3A_195 : i32
        %add3A_197 = arith.addi %mul3A_194, %mul3A_196 : i32
        %dma_start3A_198 = tpu.memref_slice %arg5[%add3A_197] : memref<160000xi32, #tpu.memory_space<hbm>> -> memref<80xi32, #tpu.memory_space<hbm>>
        %dma_start3A_199 = tpu.memref_slice %arg5[%add3A_197] : memref<160000xi32, #tpu.memory_space<hbm>> -> memref<80xi32, #tpu.memory_space<hbm>>
        tpu.enqueue_dma source(%dma_start3A_199 : memref<80xi32, #tpu.memory_space<hbm>>) target(%arg10 : memref<80xi32, #tpu.memory_space<vmem>>) target_semaphore(%arg21 : memref<!tpu.dma_semaphore, #tpu.memory_space<semaphore_mem>>)
        %dma_start3A_200 = tpu.memref_slice %arg6[%add3A_197] : memref<160000xi32, #tpu.memory_space<hbm>> -> memref<80xi32, #tpu.memory_space<hbm>>
        %dma_start3A_201 = tpu.memref_slice %arg6[%add3A_197] : memref<160000xi32, #tpu.memory_space<hbm>> -> memref<80xi32, #tpu.memory_space<hbm>>
        tpu.enqueue_dma source(%dma_start3A_201 : memref<80xi32, #tpu.memory_space<hbm>>) target(%arg14 : memref<80xi32, #tpu.memory_space<vmem>>) target_semaphore(%arg21 : memref<!tpu.dma_semaphore, #tpu.memory_space<semaphore_mem>>)
        %dma_start3A_202 = arith.constant 0 : i32
        %dma_start3A_203 = tpu.memref_slice %arg4[%add3A_197, %dma_start3A_202] : memref<160000x16xf32, #tpu.memory_space<hbm>> -> memref<80x16xf32, #tpu.memory_space<hbm>>
        %dma_start3A_204 = arith.constant 0 : i32
        %dma_start3A_205 = tpu.memref_slice %arg4[%add3A_197, %dma_start3A_204] : memref<160000x16xf32, #tpu.memory_space<hbm>> -> memref<80x16xf32, #tpu.memory_space<hbm>>
        tpu.enqueue_dma source(%dma_start3A_205 : memref<80x16xf32, #tpu.memory_space<hbm>>) target(%arg18 : memref<80x16xf32, #tpu.memory_space<vmem>>) target_semaphore(%arg21 : memref<!tpu.dma_semaphore, #tpu.memory_space<semaphore_mem>>)
      } else {
      }
      %add3A_141 = arith.constant 2 : i32
      %add3A_142 = arith.addi %mul3A_90, %add3A_141 : i32
      %add3A_143 = arith.constant 1 : i32
      %add3A_144 = arith.addi %add3A_142, %add3A_143 : i32
      %lt3A_145 = arith.constant 125 : i32
      %lt3A_146 = arith.cmpi slt, %add3A_144, %lt3A_145 : i32
      %convert_element_type3A_147 = arith.extui %lt3A_146 : i1 to i32
      %cond3A_148 = arith.constant 0 : i32
      %cond3A_149 = arith.cmpi ne, %convert_element_type3A_147, %cond3A_148 : i32
      scf.if %cond3A_149 {
        %add3A_191 = arith.constant 1 : i32
        %add3A_192 = arith.addi %add3A_142, %add3A_191 : i32
        %mul3A_193 = arith.constant 10000 : i32
        %mul3A_194 = arith.muli %arg1, %mul3A_193 : i32
        %mul3A_195 = arith.constant 80 : i32
        %mul3A_196 = arith.muli %add3A_192, %mul3A_195 : i32
        %add3A_197 = arith.addi %mul3A_194, %mul3A_196 : i32
        %dma_wait3A_198 = tpu.memref_slice %arg5[%add3A_197] : memref<160000xi32, #tpu.memory_space<hbm>> -> memref<80xi32, #tpu.memory_space<hbm>>
        %dma_wait3A_199 = tpu.memref_slice %arg5[%add3A_197] : memref<160000xi32, #tpu.memory_space<hbm>> -> memref<80xi32, #tpu.memory_space<hbm>>
        tpu.wait_dma2 semaphore(%arg21 : memref<!tpu.dma_semaphore, #tpu.memory_space<semaphore_mem>>) src(%dma_wait3A_199 : memref<80xi32, #tpu.memory_space<hbm>>) dst(%arg10 : memref<80xi32, #tpu.memory_space<vmem>>)
        %dma_wait3A_200 = tpu.memref_slice %arg6[%add3A_197] : memref<160000xi32, #tpu.memory_space<hbm>> -> memref<80xi32, #tpu.memory_space<hbm>>
        %dma_wait3A_201 = tpu.memref_slice %arg6[%add3A_197] : memref<160000xi32, #tpu.memory_space<hbm>> -> memref<80xi32, #tpu.memory_space<hbm>>
        tpu.wait_dma2 semaphore(%arg21 : memref<!tpu.dma_semaphore, #tpu.memory_space<semaphore_mem>>) src(%dma_wait3A_201 : memref<80xi32, #tpu.memory_space<hbm>>) dst(%arg14 : memref<80xi32, #tpu.memory_space<vmem>>)
        %dma_wait3A_202 = arith.constant 0 : i32
        %dma_wait3A_203 = tpu.memref_slice %arg4[%add3A_197, %dma_wait3A_202] : memref<160000x16xf32, #tpu.memory_space<hbm>> -> memref<80x16xf32, #tpu.memory_space<hbm>>
        %dma_wait3A_204 = arith.constant 0 : i32
        %dma_wait3A_205 = tpu.memref_slice %arg4[%add3A_197, %dma_wait3A_204] : memref<160000x16xf32, #tpu.memory_space<hbm>> -> memref<80x16xf32, #tpu.memory_space<hbm>>
        tpu.wait_dma2 semaphore(%arg21 : memref<!tpu.dma_semaphore, #tpu.memory_space<semaphore_mem>>) src(%dma_wait3A_205 : memref<80x16xf32, #tpu.memory_space<hbm>>) dst(%arg18 : memref<80x16xf32, #tpu.memory_space<vmem>>)
        %ge3A = arith.constant 1 : i32
        %ge3A_206 = arith.cmpi sge, %add3A_142, %ge3A : i32
        %convert_element_type3A_207 = arith.extui %ge3A_206 : i1 to i32
        %cond3A_208 = arith.constant 0 : i32
        %cond3A_209 = arith.cmpi ne, %convert_element_type3A_207, %cond3A_208 : i32
        scf.if %cond3A_209 {
          %dma_wait3A_220 = arith.constant 0 : i32
          %dma_wait3A_221 = arith.constant 0 : i32
          %dma_wait3A_222 = tpu.memref_slice %arg19[%dma_wait3A_220, %dma_wait3A_221] : memref<10000x128xf32, #tpu.memory_space<vmem_shared>> -> memref<10000x128xf32, #tpu.memory_space<vmem_shared>>
          tpu.wait_indirect_dma semaphore(%arg25 : memref<!tpu.dma_semaphore, #tpu.memory_space<semaphore_mem>>) src(%arg16 : memref<80x128xf32, #tpu.memory_space<vmem>>) dst(%dma_wait3A_222 : memref<10000x128xf32, #tpu.memory_space<vmem_shared>>)
        } else {
        }
        %eq3A_210 = arith.constant 0 : i32
        %eq3A_211 = arith.cmpi eq, %arg0, %eq3A_210 : i32
        %convert_element_type3A_212 = arith.extui %eq3A_211 : i1 to i32
        %cond3A_213 = arith.constant 0 : i32
        %cond3A_214 = arith.cmpi ne, %convert_element_type3A_212, %cond3A_213 : i32
        scf.if %cond3A_214 {
          %dma_start3A_220 = arith.constant 0 : i32
          %dma_start3A_221 = arith.constant 0 : i32
          %dma_start3A_222 = tpu.memref_slice %arg2[%dma_start3A_220, %dma_start3A_221] : memref<10000x128xf32, #tpu.memory_space<hbm>> -> memref<10000x128xf32, #tpu.memory_space<hbm>>
          tpu.enqueue_indirect_dma source(%dma_start3A_222 : memref<10000x128xf32, #tpu.memory_space<hbm>>) target(%arg16 : memref<80x128xf32, #tpu.memory_space<vmem>>) offsets(%arg10 : memref<80xi32, #tpu.memory_space<vmem>>) semaphore(%arg23 : memref<!tpu.dma_semaphore, #tpu.memory_space<semaphore_mem>>)
        } else {
        }
        %eq3A_215 = arith.constant 1 : i32
        %eq3A_216 = arith.cmpi eq, %arg0, %eq3A_215 : i32
        %convert_element_type3A_217 = arith.extui %eq3A_216 : i1 to i32
        %cond3A_218 = arith.constant 0 : i32
        %cond3A_219 = arith.cmpi ne, %convert_element_type3A_217, %cond3A_218 : i32
        scf.if %cond3A_219 {
          %dma_start3A_220 = arith.constant 0 : i32
          %dma_start3A_221 = arith.constant 0 : i32
          %dma_start3A_222 = tpu.memref_slice %arg3[%dma_start3A_220, %dma_start3A_221] : memref<10000x128xf32, #tpu.memory_space<hbm>> -> memref<10000x128xf32, #tpu.memory_space<hbm>>
          tpu.enqueue_indirect_dma source(%dma_start3A_222 : memref<10000x128xf32, #tpu.memory_space<hbm>>) target(%arg16 : memref<80x128xf32, #tpu.memory_space<vmem>>) offsets(%arg10 : memref<80xi32, #tpu.memory_space<vmem>>) semaphore(%arg23 : memref<!tpu.dma_semaphore, #tpu.memory_space<semaphore_mem>>)
        } else {
        }
      } else {
      }
      %dma_wait3A_150 = arith.constant 0 : i32
      %dma_wait3A_151 = arith.constant 0 : i32
      %dma_wait3A_152 = tpu.memref_slice %arg2[%dma_wait3A_150, %dma_wait3A_151] : memref<10000x128xf32, #tpu.memory_space<hbm>> -> memref<10000x128xf32, #tpu.memory_space<hbm>>
      tpu.wait_indirect_dma semaphore(%arg22 : memref<!tpu.dma_semaphore, #tpu.memory_space<semaphore_mem>>) src(%dma_wait3A_152 : memref<10000x128xf32, #tpu.memory_space<hbm>>) dst(%arg15 : memref<80x128xf32, #tpu.memory_space<vmem>>)
      %parallel_loop3A_153 = arith.constant 0 : i32
      %parallel_loop3A_154 = arith.constant 80 : i32
      %parallel_loop3A_155 = arith.constant 1 : i32
      scf.for %parallel_loop3A_191 = %parallel_loop3A_153 to %parallel_loop3A_154 step %parallel_loop3A_155  : i32 {
        %parallel_loop3A_192 = arith.index_cast %parallel_loop3A_191 : i32 to index
        %parallel_loop3A_193 = arith.constant 0 : index
        %parallel_loop3A_194 = tpu.vector_load %arg17[%parallel_loop3A_192, %parallel_loop3A_193] {strides = array<i32>} : memref<80x16xf32, #tpu.memory_space<vmem>>, vector<1x16xf32>,
        %parallel_loop3A_195 = vector.shape_cast %parallel_loop3A_194 : vector<1x16xf32> to vector<16xf32>
        %parallel_loop3A_196 = arith.constant 4 : i32
        %parallel_loop3A_197 = arith.muli %parallel_loop3A_196, %arg0 : i32
        %parallel_loop3A_198 = arith.constant 0 : i32
        %parallel_loop3A_199 = arith.addi %parallel_loop3A_197, %parallel_loop3A_198 : i32
        %parallel_loop3A_200 = vector.broadcast %parallel_loop3A_199 : i32 to vector<16x1xi32>
        %parallel_loop3A_201 = vector.shape_cast %parallel_loop3A_200 : vector<16x1xi32> to vector<16xi32>
        %parallel_loop3A_202 = tpu.dynamic_gather %parallel_loop3A_195[%parallel_loop3A_201] in [0] : vector<16xf32>, vector<16xi32> -> vector<16xf32>
        %parallel_loop3A_203 = arith.index_cast %parallel_loop3A_191 : i32 to index
        %parallel_loop3A_204 = arith.constant 0 : index
        %parallel_loop3A_205 = tpu.vector_load %arg15[%parallel_loop3A_203, %parallel_loop3A_204] {strides = array<i32>} : memref<80x128xf32, #tpu.memory_space<vmem>>, vector<1x16xf32>,
        %parallel_loop3A_206 = vector.shape_cast %parallel_loop3A_205 : vector<1x16xf32> to vector<16xf32>
        %parallel_loop3A_207 = arith.mulf %parallel_loop3A_206, %parallel_loop3A_202 : vector<16xf32>
        %parallel_loop3A_208 = arith.index_cast %parallel_loop3A_191 : i32 to index
        %parallel_loop3A_209 = arith.constant 0 : index
        %parallel_loop3A_210 = tpu.vector_load %arg15[%parallel_loop3A_208, %parallel_loop3A_209] {strides = array<i32>} : memref<80x128xf32, #tpu.memory_space<vmem>>, vector<1x16xf32>,
        %parallel_loop3A_211 = vector.shape_cast %parallel_loop3A_210 : vector<1x16xf32> to vector<16xf32>
        %parallel_loop3A_212 = vector.shape_cast %parallel_loop3A_207 : vector<16xf32> to vector<1x16xf32>
        tpu.vector_store %arg15[%parallel_loop3A_208, %parallel_loop3A_209], %parallel_loop3A_212 {strides = array<i32>} : memref<80x128xf32, #tpu.memory_space<vmem>>, vector<1x16xf32>,
        %parallel_loop3A_213 = arith.index_cast %parallel_loop3A_191 : i32 to index
        %parallel_loop3A_214 = arith.constant 16 : index
        %parallel_loop3A_215 = tpu.vector_load %arg15[%parallel_loop3A_213, %parallel_loop3A_214] {strides = array<i32>} : memref<80x128xf32, #tpu.memory_space<vmem>>, vector<1x16xf32>,
        %parallel_loop3A_216 = vector.shape_cast %parallel_loop3A_215 : vector<1x16xf32> to vector<16xf32>
        %parallel_loop3A_217 = arith.mulf %parallel_loop3A_216, %parallel_loop3A_202 : vector<16xf32>
        %parallel_loop3A_218 = arith.index_cast %parallel_loop3A_191 : i32 to index
        %parallel_loop3A_219 = arith.constant 16 : index
        %parallel_loop3A_220 = tpu.vector_load %arg15[%parallel_loop3A_218, %parallel_loop3A_219] {strides = array<i32>} : memref<80x128xf32, #tpu.memory_space<vmem>>, vector<1x16xf32>,
        %parallel_loop3A_221 = vector.shape_cast %parallel_loop3A_220 : vector<1x16xf32> to vector<16xf32>
        %parallel_loop3A_222 = vector.shape_cast %parallel_loop3A_217 : vector<16xf32> to vector<1x16xf32>
        tpu.vector_store %arg15[%parallel_loop3A_218, %parallel_loop3A_219], %parallel_loop3A_222 {strides = array<i32>} : memref<80x128xf32, #tpu.memory_space<vmem>>, vector<1x16xf32>,
        %parallel_loop3A_223 = arith.constant 4 : i32
        %parallel_loop3A_224 = arith.muli %parallel_loop3A_223, %arg0 : i32
        %parallel_loop3A_225 = arith.constant 1 : i32
        %parallel_loop3A_226 = arith.addi %parallel_loop3A_224, %parallel_loop3A_225 : i32
        %parallel_loop3A_227 = vector.broadcast %parallel_loop3A_226 : i32 to vector<16x1xi32>
        %parallel_loop3A_228 = vector.shape_cast %parallel_loop3A_227 : vector<16x1xi32> to vector<16xi32>
        %parallel_loop3A_229 = tpu.dynamic_gather %parallel_loop3A_195[%parallel_loop3A_228] in [0] : vector<16xf32>, vector<16xi32> -> vector<16xf32>
        %parallel_loop3A_230 = arith.index_cast %parallel_loop3A_191 : i32 to index
        %parallel_loop3A_231 = arith.constant 32 : index
        %parallel_loop3A_232 = tpu.vector_load %arg15[%parallel_loop3A_230, %parallel_loop3A_231] {strides = array<i32>} : memref<80x128xf32, #tpu.memory_space<vmem>>, vector<1x16xf32>,
        %parallel_loop3A_233 = vector.shape_cast %parallel_loop3A_232 : vector<1x16xf32> to vector<16xf32>
        %parallel_loop3A_234 = arith.mulf %parallel_loop3A_233, %parallel_loop3A_229 : vector<16xf32>
        %parallel_loop3A_235 = arith.index_cast %parallel_loop3A_191 : i32 to index
        %parallel_loop3A_236 = arith.constant 32 : index
        %parallel_loop3A_237 = tpu.vector_load %arg15[%parallel_loop3A_235, %parallel_loop3A_236] {strides = array<i32>} : memref<80x128xf32, #tpu.memory_space<vmem>>, vector<1x16xf32>,
        %parallel_loop3A_238 = vector.shape_cast %parallel_loop3A_237 : vector<1x16xf32> to vector<16xf32>
        %parallel_loop3A_239 = vector.shape_cast %parallel_loop3A_234 : vector<16xf32> to vector<1x16xf32>
        tpu.vector_store %arg15[%parallel_loop3A_235, %parallel_loop3A_236], %parallel_loop3A_239 {strides = array<i32>} : memref<80x128xf32, #tpu.memory_space<vmem>>, vector<1x16xf32>,
        %parallel_loop3A_240 = arith.index_cast %parallel_loop3A_191 : i32 to index
        %parallel_loop3A_241 = arith.constant 48 : index
        %parallel_loop3A_242 = tpu.vector_load %arg15[%parallel_loop3A_240, %parallel_loop3A_241] {strides = array<i32>} : memref<80x128xf32, #tpu.memory_space<vmem>>, vector<1x16xf32>,
        %parallel_loop3A_243 = vector.shape_cast %parallel_loop3A_242 : vector<1x16xf32> to vector<16xf32>
        %parallel_loop3A_244 = arith.mulf %parallel_loop3A_243, %parallel_loop3A_229 : vector<16xf32>
        %parallel_loop3A_245 = arith.index_cast %parallel_loop3A_191 : i32 to index
        %parallel_loop3A_246 = arith.constant 48 : index
        %parallel_loop3A_247 = tpu.vector_load %arg15[%parallel_loop3A_245, %parallel_loop3A_246] {strides = array<i32>} : memref<80x128xf32, #tpu.memory_space<vmem>>, vector<1x16xf32>,
        %parallel_loop3A_248 = vector.shape_cast %parallel_loop3A_247 : vector<1x16xf32> to vector<16xf32>
        %parallel_loop3A_249 = vector.shape_cast %parallel_loop3A_244 : vector<16xf32> to vector<1x16xf32>
        tpu.vector_store %arg15[%parallel_loop3A_245, %parallel_loop3A_246], %parallel_loop3A_249 {strides = array<i32>} : memref<80x128xf32, #tpu.memory_space<vmem>>, vector<1x16xf32>,
        %parallel_loop3A_250 = arith.constant 4 : i32
        %parallel_loop3A_251 = arith.muli %parallel_loop3A_250, %arg0 : i32
        %parallel_loop3A_252 = arith.constant 2 : i32
        %parallel_loop3A_253 = arith.addi %parallel_loop3A_251, %parallel_loop3A_252 : i32
        %parallel_loop3A_254 = vector.broadcast %parallel_loop3A_253 : i32 to vector<16x1xi32>
        %parallel_loop3A_255 = vector.shape_cast %parallel_loop3A_254 : vector<16x1xi32> to vector<16xi32>
        %parallel_loop3A_256 = tpu.dynamic_gather %parallel_loop3A_195[%parallel_loop3A_255] in [0] : vector<16xf32>, vector<16xi32> -> vector<16xf32>
        %parallel_loop3A_257 = arith.index_cast %parallel_loop3A_191 : i32 to index
        %parallel_loop3A_258 = arith.constant 64 : index
        %parallel_loop3A_259 = tpu.vector_load %arg15[%parallel_loop3A_257, %parallel_loop3A_258] {strides = array<i32>} : memref<80x128xf32, #tpu.memory_space<vmem>>, vector<1x16xf32>,
        %parallel_loop3A_260 = vector.shape_cast %parallel_loop3A_259 : vector<1x16xf32> to vector<16xf32>
        %parallel_loop3A_261 = arith.mulf %parallel_loop3A_260, %parallel_loop3A_256 : vector<16xf32>
        %parallel_loop3A_262 = arith.index_cast %parallel_loop3A_191 : i32 to index
        %parallel_loop3A_263 = arith.constant 64 : index
        %parallel_loop3A_264 = tpu.vector_load %arg15[%parallel_loop3A_262, %parallel_loop3A_263] {strides = array<i32>} : memref<80x128xf32, #tpu.memory_space<vmem>>, vector<1x16xf32>,
        %parallel_loop3A_265 = vector.shape_cast %parallel_loop3A_264 : vector<1x16xf32> to vector<16xf32>
        %parallel_loop3A_266 = vector.shape_cast %parallel_loop3A_261 : vector<16xf32> to vector<1x16xf32>
        tpu.vector_store %arg15[%parallel_loop3A_262, %parallel_loop3A_263], %parallel_loop3A_266 {strides = array<i32>} : memref<80x128xf32, #tpu.memory_space<vmem>>, vector<1x16xf32>,
        %parallel_loop3A_267 = arith.index_cast %parallel_loop3A_191 : i32 to index
        %parallel_loop3A_268 = arith.constant 80 : index
        %parallel_loop3A_269 = tpu.vector_load %arg15[%parallel_loop3A_267, %parallel_loop3A_268] {strides = array<i32>} : memref<80x128xf32, #tpu.memory_space<vmem>>, vector<1x16xf32>,
        %parallel_loop3A_270 = vector.shape_cast %parallel_loop3A_269 : vector<1x16xf32> to vector<16xf32>
        %parallel_loop3A_271 = arith.mulf %parallel_loop3A_270, %parallel_loop3A_256 : vector<16xf32>
        %parallel_loop3A_272 = arith.index_cast %parallel_loop3A_191 : i32 to index
        %parallel_loop3A_273 = arith.constant 80 : index
        %parallel_loop3A_274 = tpu.vector_load %arg15[%parallel_loop3A_272, %parallel_loop3A_273] {strides = array<i32>} : memref<80x128xf32, #tpu.memory_space<vmem>>, vector<1x16xf32>,
        %parallel_loop3A_275 = vector.shape_cast %parallel_loop3A_274 : vector<1x16xf32> to vector<16xf32>
        %parallel_loop3A_276 = vector.shape_cast %parallel_loop3A_271 : vector<16xf32> to vector<1x16xf32>
        tpu.vector_store %arg15[%parallel_loop3A_272, %parallel_loop3A_273], %parallel_loop3A_276 {strides = array<i32>} : memref<80x128xf32, #tpu.memory_space<vmem>>, vector<1x16xf32>,
        %parallel_loop3A_277 = arith.constant 4 : i32
        %parallel_loop3A_278 = arith.muli %parallel_loop3A_277, %arg0 : i32
        %parallel_loop3A_279 = arith.constant 3 : i32
        %parallel_loop3A_280 = arith.addi %parallel_loop3A_278, %parallel_loop3A_279 : i32
        %parallel_loop3A_281 = vector.broadcast %parallel_loop3A_280 : i32 to vector<16x1xi32>
        %parallel_loop3A_282 = vector.shape_cast %parallel_loop3A_281 : vector<16x1xi32> to vector<16xi32>
        %parallel_loop3A_283 = tpu.dynamic_gather %parallel_loop3A_195[%parallel_loop3A_282] in [0] : vector<16xf32>, vector<16xi32> -> vector<16xf32>
        %parallel_loop3A_284 = arith.index_cast %parallel_loop3A_191 : i32 to index
        %parallel_loop3A_285 = arith.constant 96 : index
        %parallel_loop3A_286 = tpu.vector_load %arg15[%parallel_loop3A_284, %parallel_loop3A_285] {strides = array<i32>} : memref<80x128xf32, #tpu.memory_space<vmem>>, vector<1x16xf32>,
        %parallel_loop3A_287 = vector.shape_cast %parallel_loop3A_286 : vector<1x16xf32> to vector<16xf32>
        %parallel_loop3A_288 = arith.mulf %parallel_loop3A_287, %parallel_loop3A_283 : vector<16xf32>
        %parallel_loop3A_289 = arith.index_cast %parallel_loop3A_191 : i32 to index
        %parallel_loop3A_290 = arith.constant 96 : index
        %parallel_loop3A_291 = tpu.vector_load %arg15[%parallel_loop3A_289, %parallel_loop3A_290] {strides = array<i32>} : memref<80x128xf32, #tpu.memory_space<vmem>>, vector<1x16xf32>,
        %parallel_loop3A_292 = vector.shape_cast %parallel_loop3A_291 : vector<1x16xf32> to vector<16xf32>
        %parallel_loop3A_293 = vector.shape_cast %parallel_loop3A_288 : vector<16xf32> to vector<1x16xf32>
        tpu.vector_store %arg15[%parallel_loop3A_289, %parallel_loop3A_290], %parallel_loop3A_293 {strides = array<i32>} : memref<80x128xf32, #tpu.memory_space<vmem>>, vector<1x16xf32>,
        %parallel_loop3A_294 = arith.index_cast %parallel_loop3A_191 : i32 to index
        %parallel_loop3A_295 = arith.constant 112 : index
        %parallel_loop3A_296 = tpu.vector_load %arg15[%parallel_loop3A_294, %parallel_loop3A_295] {strides = array<i32>} : memref<80x128xf32, #tpu.memory_space<vmem>>, vector<1x16xf32>,
        %parallel_loop3A_297 = vector.shape_cast %parallel_loop3A_296 : vector<1x16xf32> to vector<16xf32>
        %parallel_loop3A_298 = arith.mulf %parallel_loop3A_297, %parallel_loop3A_283 : vector<16xf32>
        %parallel_loop3A_299 = arith.index_cast %parallel_loop3A_191 : i32 to index
        %parallel_loop3A_300 = arith.constant 112 : index
        %parallel_loop3A_301 = tpu.vector_load %arg15[%parallel_loop3A_299, %parallel_loop3A_300] {strides = array<i32>} : memref<80x128xf32, #tpu.memory_space<vmem>>, vector<1x16xf32>,
        %parallel_loop3A_302 = vector.shape_cast %parallel_loop3A_301 : vector<1x16xf32> to vector<16xf32>
        %parallel_loop3A_303 = vector.shape_cast %parallel_loop3A_298 : vector<16xf32> to vector<1x16xf32>
        tpu.vector_store %arg15[%parallel_loop3A_299, %parallel_loop3A_300], %parallel_loop3A_303 {strides = array<i32>} : memref<80x128xf32, #tpu.memory_space<vmem>>, vector<1x16xf32>,
      } {sc.loop_unroll_factor = 2 : i64, sc.parallel_access}
      %dma_start3A_156 = arith.constant 0 : i32
      %dma_start3A_157 = arith.constant 0 : i32
      %dma_start3A_158 = tpu.memref_slice %arg19[%dma_start3A_156, %dma_start3A_157] : memref<10000x128xf32, #tpu.memory_space<vmem_shared>> -> memref<10000x128xf32, #tpu.memory_space<vmem_shared>>
      tpu.enqueue_indirect_dma source(%arg15 : memref<80x128xf32, #tpu.memory_space<vmem>>) target(%dma_start3A_158 : memref<10000x128xf32, #tpu.memory_space<vmem_shared>>) offsets(%arg13 : memref<80xi32, #tpu.memory_space<vmem>>) semaphore(%arg24 : memref<!tpu.dma_semaphore, #tpu.memory_space<semaphore_mem>>) {add = true}
      %add3A_159 = arith.constant 2 : i32
      %add3A_160 = arith.addi %add3A_142, %add3A_159 : i32
      %lt3A_161 = arith.constant 125 : i32
      %lt3A_162 = arith.cmpi slt, %add3A_160, %lt3A_161 : i32
      %convert_element_type3A_163 = arith.extui %lt3A_162 : i1 to i32
      %cond3A_164 = arith.constant 0 : i32
      %cond3A_165 = arith.cmpi ne, %convert_element_type3A_163, %cond3A_164 : i32
      scf.if %cond3A_165 {
        %add3A_191 = arith.constant 2 : i32
        %add3A_192 = arith.addi %add3A_142, %add3A_191 : i32
        %mul3A_193 = arith.constant 10000 : i32
        %mul3A_194 = arith.muli %arg1, %mul3A_193 : i32
        %mul3A_195 = arith.constant 80 : i32
        %mul3A_196 = arith.muli %add3A_192, %mul3A_195 : i32
        %add3A_197 = arith.addi %mul3A_194, %mul3A_196 : i32
        %dma_start3A_198 = tpu.memref_slice %arg5[%add3A_197] : memref<160000xi32, #tpu.memory_space<hbm>> -> memref<80xi32, #tpu.memory_space<hbm>>
        %dma_start3A_199 = tpu.memref_slice %arg5[%add3A_197] : memref<160000xi32, #tpu.memory_space<hbm>> -> memref<80xi32, #tpu.memory_space<hbm>>
        tpu.enqueue_dma source(%dma_start3A_199 : memref<80xi32, #tpu.memory_space<hbm>>) target(%arg9 : memref<80xi32, #tpu.memory_space<vmem>>) target_semaphore(%arg20 : memref<!tpu.dma_semaphore, #tpu.memory_space<semaphore_mem>>)
        %dma_start3A_200 = tpu.memref_slice %arg6[%add3A_197] : memref<160000xi32, #tpu.memory_space<hbm>> -> memref<80xi32, #tpu.memory_space<hbm>>
        %dma_start3A_201 = tpu.memref_slice %arg6[%add3A_197] : memref<160000xi32, #tpu.memory_space<hbm>> -> memref<80xi32, #tpu.memory_space<hbm>>
        tpu.enqueue_dma source(%dma_start3A_201 : memref<80xi32, #tpu.memory_space<hbm>>) target(%arg11 : memref<80xi32, #tpu.memory_space<vmem>>) target_semaphore(%arg20 : memref<!tpu.dma_semaphore, #tpu.memory_space<semaphore_mem>>)
        %dma_start3A_202 = arith.constant 0 : i32
        %dma_start3A_203 = tpu.memref_slice %arg4[%add3A_197, %dma_start3A_202] : memref<160000x16xf32, #tpu.memory_space<hbm>> -> memref<80x16xf32, #tpu.memory_space<hbm>>
        %dma_start3A_204 = arith.constant 0 : i32
        %dma_start3A_205 = tpu.memref_slice %arg4[%add3A_197, %dma_start3A_204] : memref<160000x16xf32, #tpu.memory_space<hbm>> -> memref<80x16xf32, #tpu.memory_space<hbm>>
        tpu.enqueue_dma source(%dma_start3A_205 : memref<80x16xf32, #tpu.memory_space<hbm>>) target(%arg17 : memref<80x16xf32, #tpu.memory_space<vmem>>) target_semaphore(%arg20 : memref<!tpu.dma_semaphore, #tpu.memory_space<semaphore_mem>>)
      } else {
      }
      %add3A_166 = arith.constant 3 : i32
      %add3A_167 = arith.addi %mul3A_90, %add3A_166 : i32
      %add3A_168 = arith.constant 1 : i32
      %add3A_169 = arith.addi %add3A_167, %add3A_168 : i32
      %lt3A_170 = arith.constant 125 : i32
      %lt3A_171 = arith.cmpi slt, %add3A_169, %lt3A_170 : i32
      %convert_element_type3A_172 = arith.extui %lt3A_171 : i1 to i32
      %cond3A_173 = arith.constant 0 : i32
      %cond3A_174 = arith.cmpi ne, %convert_element_type3A_172, %cond3A_173 : i32
      scf.if %cond3A_174 {
        %add3A_191 = arith.constant 1 : i32
        %add3A_192 = arith.addi %add3A_167, %add3A_191 : i32
        %mul3A_193 = arith.constant 10000 : i32
        %mul3A_194 = arith.muli %arg1, %mul3A_193 : i32
        %mul3A_195 = arith.constant 80 : i32
        %mul3A_196 = arith.muli %add3A_192, %mul3A_195 : i32
        %add3A_197 = arith.addi %mul3A_194, %mul3A_196 : i32
        %dma_wait3A_198 = tpu.memref_slice %arg5[%add3A_197] : memref<160000xi32, #tpu.memory_space<hbm>> -> memref<80xi32, #tpu.memory_space<hbm>>
        %dma_wait3A_199 = tpu.memref_slice %arg5[%add3A_197] : memref<160000xi32, #tpu.memory_space<hbm>> -> memref<80xi32, #tpu.memory_space<hbm>>
        tpu.wait_dma2 semaphore(%arg20 : memref<!tpu.dma_semaphore, #tpu.memory_space<semaphore_mem>>) src(%dma_wait3A_199 : memref<80xi32, #tpu.memory_space<hbm>>) dst(%arg9 : memref<80xi32, #tpu.memory_space<vmem>>)
        %dma_wait3A_200 = tpu.memref_slice %arg6[%add3A_197] : memref<160000xi32, #tpu.memory_space<hbm>> -> memref<80xi32, #tpu.memory_space<hbm>>
        %dma_wait3A_201 = tpu.memref_slice %arg6[%add3A_197] : memref<160000xi32, #tpu.memory_space<hbm>> -> memref<80xi32, #tpu.memory_space<hbm>>
        tpu.wait_dma2 semaphore(%arg20 : memref<!tpu.dma_semaphore, #tpu.memory_space<semaphore_mem>>) src(%dma_wait3A_201 : memref<80xi32, #tpu.memory_space<hbm>>) dst(%arg11 : memref<80xi32, #tpu.memory_space<vmem>>)
        %dma_wait3A_202 = arith.constant 0 : i32
        %dma_wait3A_203 = tpu.memref_slice %arg4[%add3A_197, %dma_wait3A_202] : memref<160000x16xf32, #tpu.memory_space<hbm>> -> memref<80x16xf32, #tpu.memory_space<hbm>>
        %dma_wait3A_204 = arith.constant 0 : i32
        %dma_wait3A_205 = tpu.memref_slice %arg4[%add3A_197, %dma_wait3A_204] : memref<160000x16xf32, #tpu.memory_space<hbm>> -> memref<80x16xf32, #tpu.memory_space<hbm>>
        tpu.wait_dma2 semaphore(%arg20 : memref<!tpu.dma_semaphore, #tpu.memory_space<semaphore_mem>>) src(%dma_wait3A_205 : memref<80x16xf32, #tpu.memory_space<hbm>>) dst(%arg17 : memref<80x16xf32, #tpu.memory_space<vmem>>)
        %ge3A = arith.constant 1 : i32
        %ge3A_206 = arith.cmpi sge, %add3A_167, %ge3A : i32
        %convert_element_type3A_207 = arith.extui %ge3A_206 : i1 to i32
        %cond3A_208 = arith.constant 0 : i32
        %cond3A_209 = arith.cmpi ne, %convert_element_type3A_207, %cond3A_208 : i32
        scf.if %cond3A_209 {
          %dma_wait3A_220 = arith.constant 0 : i32
          %dma_wait3A_221 = arith.constant 0 : i32
          %dma_wait3A_222 = tpu.memref_slice %arg19[%dma_wait3A_220, %dma_wait3A_221] : memref<10000x128xf32, #tpu.memory_space<vmem_shared>> -> memref<10000x128xf32, #tpu.memory_space<vmem_shared>>
          tpu.wait_indirect_dma semaphore(%arg24 : memref<!tpu.dma_semaphore, #tpu.memory_space<semaphore_mem>>) src(%arg15 : memref<80x128xf32, #tpu.memory_space<vmem>>) dst(%dma_wait3A_222 : memref<10000x128xf32, #tpu.memory_space<vmem_shared>>)
        } else {
        }
        %eq3A_210 = arith.constant 0 : i32
        %eq3A_211 = arith.cmpi eq, %arg0, %eq3A_210 : i32
        %convert_element_type3A_212 = arith.extui %eq3A_211 : i1 to i32
        %cond3A_213 = arith.constant 0 : i32
        %cond3A_214 = arith.cmpi ne, %convert_element_type3A_212, %cond3A_213 : i32
        scf.if %cond3A_214 {
          %dma_start3A_220 = arith.constant 0 : i32
          %dma_start3A_221 = arith.constant 0 : i32
          %dma_start3A_222 = tpu.memref_slice %arg2[%dma_start3A_220, %dma_start3A_221] : memref<10000x128xf32, #tpu.memory_space<hbm>> -> memref<10000x128xf32, #tpu.memory_space<hbm>>
          tpu.enqueue_indirect_dma source(%dma_start3A_222 : memref<10000x128xf32, #tpu.memory_space<hbm>>) target(%arg15 : memref<80x128xf32, #tpu.memory_space<vmem>>) offsets(%arg9 : memref<80xi32, #tpu.memory_space<vmem>>) semaphore(%arg22 : memref<!tpu.dma_semaphore, #tpu.memory_space<semaphore_mem>>)
        } else {
        }
        %eq3A_215 = arith.constant 1 : i32
        %eq3A_216 = arith.cmpi eq, %arg0, %eq3A_215 : i32
        %convert_element_type3A_217 = arith.extui %eq3A_216 : i1 to i32
        %cond3A_218 = arith.constant 0 : i32
        %cond3A_219 = arith.cmpi ne, %convert_element_type3A_217, %cond3A_218 : i32
        scf.if %cond3A_219 {
          %dma_start3A_220 = arith.constant 0 : i32
          %dma_start3A_221 = arith.constant 0 : i32
          %dma_start3A_222 = tpu.memref_slice %arg3[%dma_start3A_220, %dma_start3A_221] : memref<10000x128xf32, #tpu.memory_space<hbm>> -> memref<10000x128xf32, #tpu.memory_space<hbm>>
          tpu.enqueue_indirect_dma source(%dma_start3A_222 : memref<10000x128xf32, #tpu.memory_space<hbm>>) target(%arg15 : memref<80x128xf32, #tpu.memory_space<vmem>>) offsets(%arg9 : memref<80xi32, #tpu.memory_space<vmem>>) semaphore(%arg22 : memref<!tpu.dma_semaphore, #tpu.memory_space<semaphore_mem>>)
        } else {
        }
      } else {
      }
      %dma_wait3A_175 = arith.constant 0 : i32
      %dma_wait3A_176 = arith.constant 0 : i32
      %dma_wait3A_177 = tpu.memref_slice %arg2[%dma_wait3A_175, %dma_wait3A_176] : memref<10000x128xf32, #tpu.memory_space<hbm>> -> memref<10000x128xf32, #tpu.memory_space<hbm>>
      tpu.wait_indirect_dma semaphore(%arg23 : memref<!tpu.dma_semaphore, #tpu.memory_space<semaphore_mem>>) src(%dma_wait3A_177 : memref<10000x128xf32, #tpu.memory_space<hbm>>) dst(%arg16 : memref<80x128xf32, #tpu.memory_space<vmem>>)
      %parallel_loop3A_178 = arith.constant 0 : i32
      %parallel_loop3A_179 = arith.constant 80 : i32
      %parallel_loop3A_180 = arith.constant 1 : i32
      scf.for %parallel_loop3A_191 = %parallel_loop3A_178 to %parallel_loop3A_179 step %parallel_loop3A_180  : i32 {
        %parallel_loop3A_192 = arith.index_cast %parallel_loop3A_191 : i32 to index
        %parallel_loop3A_193 = arith.constant 0 : index
        %parallel_loop3A_194 = tpu.vector_load %arg18[%parallel_loop3A_192, %parallel_loop3A_193] {strides = array<i32>} : memref<80x16xf32, #tpu.memory_space<vmem>>, vector<1x16xf32>,
        %parallel_loop3A_195 = vector.shape_cast %parallel_loop3A_194 : vector<1x16xf32> to vector<16xf32>
        %parallel_loop3A_196 = arith.constant 4 : i32
        %parallel_loop3A_197 = arith.muli %parallel_loop3A_196, %arg0 : i32
        %parallel_loop3A_198 = arith.constant 0 : i32
        %parallel_loop3A_199 = arith.addi %parallel_loop3A_197, %parallel_loop3A_198 : i32
        %parallel_loop3A_200 = vector.broadcast %parallel_loop3A_199 : i32 to vector<16x1xi32>
        %parallel_loop3A_201 = vector.shape_cast %parallel_loop3A_200 : vector<16x1xi32> to vector<16xi32>
        %parallel_loop3A_202 = tpu.dynamic_gather %parallel_loop3A_195[%parallel_loop3A_201] in [0] : vector<16xf32>, vector<16xi32> -> vector<16xf32>
        %parallel_loop3A_203 = arith.index_cast %parallel_loop3A_191 : i32 to index
        %parallel_loop3A_204 = arith.constant 0 : index
        %parallel_loop3A_205 = tpu.vector_load %arg16[%parallel_loop3A_203, %parallel_loop3A_204] {strides = array<i32>} : memref<80x128xf32, #tpu.memory_space<vmem>>, vector<1x16xf32>,
        %parallel_loop3A_206 = vector.shape_cast %parallel_loop3A_205 : vector<1x16xf32> to vector<16xf32>
        %parallel_loop3A_207 = arith.mulf %parallel_loop3A_206, %parallel_loop3A_202 : vector<16xf32>
        %parallel_loop3A_208 = arith.index_cast %parallel_loop3A_191 : i32 to index
        %parallel_loop3A_209 = arith.constant 0 : index
        %parallel_loop3A_210 = tpu.vector_load %arg16[%parallel_loop3A_208, %parallel_loop3A_209] {strides = array<i32>} : memref<80x128xf32, #tpu.memory_space<vmem>>, vector<1x16xf32>,
        %parallel_loop3A_211 = vector.shape_cast %parallel_loop3A_210 : vector<1x16xf32> to vector<16xf32>
        %parallel_loop3A_212 = vector.shape_cast %parallel_loop3A_207 : vector<16xf32> to vector<1x16xf32>
        tpu.vector_store %arg16[%parallel_loop3A_208, %parallel_loop3A_209], %parallel_loop3A_212 {strides = array<i32>} : memref<80x128xf32, #tpu.memory_space<vmem>>, vector<1x16xf32>,
        %parallel_loop3A_213 = arith.index_cast %parallel_loop3A_191 : i32 to index
        %parallel_loop3A_214 = arith.constant 16 : index
        %parallel_loop3A_215 = tpu.vector_load %arg16[%parallel_loop3A_213, %parallel_loop3A_214] {strides = array<i32>} : memref<80x128xf32, #tpu.memory_space<vmem>>, vector<1x16xf32>,
        %parallel_loop3A_216 = vector.shape_cast %parallel_loop3A_215 : vector<1x16xf32> to vector<16xf32>
        %parallel_loop3A_217 = arith.mulf %parallel_loop3A_216, %parallel_loop3A_202 : vector<16xf32>
        %parallel_loop3A_218 = arith.index_cast %parallel_loop3A_191 : i32 to index
        %parallel_loop3A_219 = arith.constant 16 : index
        %parallel_loop3A_220 = tpu.vector_load %arg16[%parallel_loop3A_218, %parallel_loop3A_219] {strides = array<i32>} : memref<80x128xf32, #tpu.memory_space<vmem>>, vector<1x16xf32>,
        %parallel_loop3A_221 = vector.shape_cast %parallel_loop3A_220 : vector<1x16xf32> to vector<16xf32>
        %parallel_loop3A_222 = vector.shape_cast %parallel_loop3A_217 : vector<16xf32> to vector<1x16xf32>
        tpu.vector_store %arg16[%parallel_loop3A_218, %parallel_loop3A_219], %parallel_loop3A_222 {strides = array<i32>} : memref<80x128xf32, #tpu.memory_space<vmem>>, vector<1x16xf32>,
        %parallel_loop3A_223 = arith.constant 4 : i32
        %parallel_loop3A_224 = arith.muli %parallel_loop3A_223, %arg0 : i32
        %parallel_loop3A_225 = arith.constant 1 : i32
        %parallel_loop3A_226 = arith.addi %parallel_loop3A_224, %parallel_loop3A_225 : i32
        %parallel_loop3A_227 = vector.broadcast %parallel_loop3A_226 : i32 to vector<16x1xi32>
        %parallel_loop3A_228 = vector.shape_cast %parallel_loop3A_227 : vector<16x1xi32> to vector<16xi32>
        %parallel_loop3A_229 = tpu.dynamic_gather %parallel_loop3A_195[%parallel_loop3A_228] in [0] : vector<16xf32>, vector<16xi32> -> vector<16xf32>
        %parallel_loop3A_230 = arith.index_cast %parallel_loop3A_191 : i32 to index
        %parallel_loop3A_231 = arith.constant 32 : index
        %parallel_loop3A_232 = tpu.vector_load %arg16[%parallel_loop3A_230, %parallel_loop3A_231] {strides = array<i32>} : memref<80x128xf32, #tpu.memory_space<vmem>>, vector<1x16xf32>,
        %parallel_loop3A_233 = vector.shape_cast %parallel_loop3A_232 : vector<1x16xf32> to vector<16xf32>
        %parallel_loop3A_234 = arith.mulf %parallel_loop3A_233, %parallel_loop3A_229 : vector<16xf32>
        %parallel_loop3A_235 = arith.index_cast %parallel_loop3A_191 : i32 to index
        %parallel_loop3A_236 = arith.constant 32 : index
        %parallel_loop3A_237 = tpu.vector_load %arg16[%parallel_loop3A_235, %parallel_loop3A_236] {strides = array<i32>} : memref<80x128xf32, #tpu.memory_space<vmem>>, vector<1x16xf32>,
        %parallel_loop3A_238 = vector.shape_cast %parallel_loop3A_237 : vector<1x16xf32> to vector<16xf32>
        %parallel_loop3A_239 = vector.shape_cast %parallel_loop3A_234 : vector<16xf32> to vector<1x16xf32>
        tpu.vector_store %arg16[%parallel_loop3A_235, %parallel_loop3A_236], %parallel_loop3A_239 {strides = array<i32>} : memref<80x128xf32, #tpu.memory_space<vmem>>, vector<1x16xf32>,
        %parallel_loop3A_240 = arith.index_cast %parallel_loop3A_191 : i32 to index
        %parallel_loop3A_241 = arith.constant 48 : index
        %parallel_loop3A_242 = tpu.vector_load %arg16[%parallel_loop3A_240, %parallel_loop3A_241] {strides = array<i32>} : memref<80x128xf32, #tpu.memory_space<vmem>>, vector<1x16xf32>,
        %parallel_loop3A_243 = vector.shape_cast %parallel_loop3A_242 : vector<1x16xf32> to vector<16xf32>
        %parallel_loop3A_244 = arith.mulf %parallel_loop3A_243, %parallel_loop3A_229 : vector<16xf32>
        %parallel_loop3A_245 = arith.index_cast %parallel_loop3A_191 : i32 to index
        %parallel_loop3A_246 = arith.constant 48 : index
        %parallel_loop3A_247 = tpu.vector_load %arg16[%parallel_loop3A_245, %parallel_loop3A_246] {strides = array<i32>} : memref<80x128xf32, #tpu.memory_space<vmem>>, vector<1x16xf32>,
        %parallel_loop3A_248 = vector.shape_cast %parallel_loop3A_247 : vector<1x16xf32> to vector<16xf32>
        %parallel_loop3A_249 = vector.shape_cast %parallel_loop3A_244 : vector<16xf32> to vector<1x16xf32>
        tpu.vector_store %arg16[%parallel_loop3A_245, %parallel_loop3A_246], %parallel_loop3A_249 {strides = array<i32>} : memref<80x128xf32, #tpu.memory_space<vmem>>, vector<1x16xf32>,
        %parallel_loop3A_250 = arith.constant 4 : i32
        %parallel_loop3A_251 = arith.muli %parallel_loop3A_250, %arg0 : i32
        %parallel_loop3A_252 = arith.constant 2 : i32
        %parallel_loop3A_253 = arith.addi %parallel_loop3A_251, %parallel_loop3A_252 : i32
        %parallel_loop3A_254 = vector.broadcast %parallel_loop3A_253 : i32 to vector<16x1xi32>
        %parallel_loop3A_255 = vector.shape_cast %parallel_loop3A_254 : vector<16x1xi32> to vector<16xi32>
        %parallel_loop3A_256 = tpu.dynamic_gather %parallel_loop3A_195[%parallel_loop3A_255] in [0] : vector<16xf32>, vector<16xi32> -> vector<16xf32>
        %parallel_loop3A_257 = arith.index_cast %parallel_loop3A_191 : i32 to index
        %parallel_loop3A_258 = arith.constant 64 : index
        %parallel_loop3A_259 = tpu.vector_load %arg16[%parallel_loop3A_257, %parallel_loop3A_258] {strides = array<i32>} : memref<80x128xf32, #tpu.memory_space<vmem>>, vector<1x16xf32>,
        %parallel_loop3A_260 = vector.shape_cast %parallel_loop3A_259 : vector<1x16xf32> to vector<16xf32>
        %parallel_loop3A_261 = arith.mulf %parallel_loop3A_260, %parallel_loop3A_256 : vector<16xf32>
        %parallel_loop3A_262 = arith.index_cast %parallel_loop3A_191 : i32 to index
        %parallel_loop3A_263 = arith.constant 64 : index
        %parallel_loop3A_264 = tpu.vector_load %arg16[%parallel_loop3A_262, %parallel_loop3A_263] {strides = array<i32>} : memref<80x128xf32, #tpu.memory_space<vmem>>, vector<1x16xf32>,
        %parallel_loop3A_265 = vector.shape_cast %parallel_loop3A_264 : vector<1x16xf32> to vector<16xf32>
        %parallel_loop3A_266 = vector.shape_cast %parallel_loop3A_261 : vector<16xf32> to vector<1x16xf32>
        tpu.vector_store %arg16[%parallel_loop3A_262, %parallel_loop3A_263], %parallel_loop3A_266 {strides = array<i32>} : memref<80x128xf32, #tpu.memory_space<vmem>>, vector<1x16xf32>,
        %parallel_loop3A_267 = arith.index_cast %parallel_loop3A_191 : i32 to index
        %parallel_loop3A_268 = arith.constant 80 : index
        %parallel_loop3A_269 = tpu.vector_load %arg16[%parallel_loop3A_267, %parallel_loop3A_268] {strides = array<i32>} : memref<80x128xf32, #tpu.memory_space<vmem>>, vector<1x16xf32>,
        %parallel_loop3A_270 = vector.shape_cast %parallel_loop3A_269 : vector<1x16xf32> to vector<16xf32>
        %parallel_loop3A_271 = arith.mulf %parallel_loop3A_270, %parallel_loop3A_256 : vector<16xf32>
        %parallel_loop3A_272 = arith.index_cast %parallel_loop3A_191 : i32 to index
        %parallel_loop3A_273 = arith.constant 80 : index
        %parallel_loop3A_274 = tpu.vector_load %arg16[%parallel_loop3A_272, %parallel_loop3A_273] {strides = array<i32>} : memref<80x128xf32, #tpu.memory_space<vmem>>, vector<1x16xf32>,
        %parallel_loop3A_275 = vector.shape_cast %parallel_loop3A_274 : vector<1x16xf32> to vector<16xf32>
        %parallel_loop3A_276 = vector.shape_cast %parallel_loop3A_271 : vector<16xf32> to vector<1x16xf32>
        tpu.vector_store %arg16[%parallel_loop3A_272, %parallel_loop3A_273], %parallel_loop3A_276 {strides = array<i32>} : memref<80x128xf32, #tpu.memory_space<vmem>>, vector<1x16xf32>,
        %parallel_loop3A_277 = arith.constant 4 : i32
        %parallel_loop3A_278 = arith.muli %parallel_loop3A_277, %arg0 : i32
        %parallel_loop3A_279 = arith.constant 3 : i32
        %parallel_loop3A_280 = arith.addi %parallel_loop3A_278, %parallel_loop3A_279 : i32
        %parallel_loop3A_281 = vector.broadcast %parallel_loop3A_280 : i32 to vector<16x1xi32>
        %parallel_loop3A_282 = vector.shape_cast %parallel_loop3A_281 : vector<16x1xi32> to vector<16xi32>
        %parallel_loop3A_283 = tpu.dynamic_gather %parallel_loop3A_195[%parallel_loop3A_282] in [0] : vector<16xf32>, vector<16xi32> -> vector<16xf32>
        %parallel_loop3A_284 = arith.index_cast %parallel_loop3A_191 : i32 to index
        %parallel_loop3A_285 = arith.constant 96 : index
        %parallel_loop3A_286 = tpu.vector_load %arg16[%parallel_loop3A_284, %parallel_loop3A_285] {strides = array<i32>} : memref<80x128xf32, #tpu.memory_space<vmem>>, vector<1x16xf32>,
        %parallel_loop3A_287 = vector.shape_cast %parallel_loop3A_286 : vector<1x16xf32> to vector<16xf32>
        %parallel_loop3A_288 = arith.mulf %parallel_loop3A_287, %parallel_loop3A_283 : vector<16xf32>
        %parallel_loop3A_289 = arith.index_cast %parallel_loop3A_191 : i32 to index
        %parallel_loop3A_290 = arith.constant 96 : index
        %parallel_loop3A_291 = tpu.vector_load %arg16[%parallel_loop3A_289, %parallel_loop3A_290] {strides = array<i32>} : memref<80x128xf32, #tpu.memory_space<vmem>>, vector<1x16xf32>,
        %parallel_loop3A_292 = vector.shape_cast %parallel_loop3A_291 : vector<1x16xf32> to vector<16xf32>
        %parallel_loop3A_293 = vector.shape_cast %parallel_loop3A_288 : vector<16xf32> to vector<1x16xf32>
        tpu.vector_store %arg16[%parallel_loop3A_289, %parallel_loop3A_290], %parallel_loop3A_293 {strides = array<i32>} : memref<80x128xf32, #tpu.memory_space<vmem>>, vector<1x16xf32>,
        %parallel_loop3A_294 = arith.index_cast %parallel_loop3A_191 : i32 to index
        %parallel_loop3A_295 = arith.constant 112 : index
        %parallel_loop3A_296 = tpu.vector_load %arg16[%parallel_loop3A_294, %parallel_loop3A_295] {strides = array<i32>} : memref<80x128xf32, #tpu.memory_space<vmem>>, vector<1x16xf32>,
        %parallel_loop3A_297 = vector.shape_cast %parallel_loop3A_296 : vector<1x16xf32> to vector<16xf32>
        %parallel_loop3A_298 = arith.mulf %parallel_loop3A_297, %parallel_loop3A_283 : vector<16xf32>
        %parallel_loop3A_299 = arith.index_cast %parallel_loop3A_191 : i32 to index
        %parallel_loop3A_300 = arith.constant 112 : index
        %parallel_loop3A_301 = tpu.vector_load %arg16[%parallel_loop3A_299, %parallel_loop3A_300] {strides = array<i32>} : memref<80x128xf32, #tpu.memory_space<vmem>>, vector<1x16xf32>,
        %parallel_loop3A_302 = vector.shape_cast %parallel_loop3A_301 : vector<1x16xf32> to vector<16xf32>
        %parallel_loop3A_303 = vector.shape_cast %parallel_loop3A_298 : vector<16xf32> to vector<1x16xf32>
        tpu.vector_store %arg16[%parallel_loop3A_299, %parallel_loop3A_300], %parallel_loop3A_303 {strides = array<i32>} : memref<80x128xf32, #tpu.memory_space<vmem>>, vector<1x16xf32>,
      } {sc.loop_unroll_factor = 2 : i64, sc.parallel_access}
      %dma_start3A_181 = arith.constant 0 : i32
      %dma_start3A_182 = arith.constant 0 : i32
      %dma_start3A_183 = tpu.memref_slice %arg19[%dma_start3A_181, %dma_start3A_182] : memref<10000x128xf32, #tpu.memory_space<vmem_shared>> -> memref<10000x128xf32, #tpu.memory_space<vmem_shared>>
      tpu.enqueue_indirect_dma source(%arg16 : memref<80x128xf32, #tpu.memory_space<vmem>>) target(%dma_start3A_183 : memref<10000x128xf32, #tpu.memory_space<vmem_shared>>) offsets(%arg14 : memref<80xi32, #tpu.memory_space<vmem>>) semaphore(%arg25 : memref<!tpu.dma_semaphore, #tpu.memory_space<semaphore_mem>>) {add = true}
      %add3A_184 = arith.constant 2 : i32
      %add3A_185 = arith.addi %add3A_167, %add3A_184 : i32
      %lt3A_186 = arith.constant 125 : i32
      %lt3A_187 = arith.cmpi slt, %add3A_185, %lt3A_186 : i32
      %convert_element_type3A_188 = arith.extui %lt3A_187 : i1 to i32
      %cond3A_189 = arith.constant 0 : i32
      %cond3A_190 = arith.cmpi ne, %convert_element_type3A_188, %cond3A_189 : i32
      scf.if %cond3A_190 {
        %add3A_191 = arith.constant 2 : i32
        %add3A_192 = arith.addi %add3A_167, %add3A_191 : i32
        %mul3A_193 = arith.constant 10000 : i32
        %mul3A_194 = arith.muli %arg1, %mul3A_193 : i32
        %mul3A_195 = arith.constant 80 : i32
        %mul3A_196 = arith.muli %add3A_192, %mul3A_195 : i32
        %add3A_197 = arith.addi %mul3A_194, %mul3A_196 : i32
        %dma_start3A_198 = tpu.memref_slice %arg5[%add3A_197] : memref<160000xi32, #tpu.memory_space<hbm>> -> memref<80xi32, #tpu.memory_space<hbm>>
        %dma_start3A_199 = tpu.memref_slice %arg5[%add3A_197] : memref<160000xi32, #tpu.memory_space<hbm>> -> memref<80xi32, #tpu.memory_space<hbm>>
        tpu.enqueue_dma source(%dma_start3A_199 : memref<80xi32, #tpu.memory_space<hbm>>) target(%arg10 : memref<80xi32, #tpu.memory_space<vmem>>) target_semaphore(%arg21 : memref<!tpu.dma_semaphore, #tpu.memory_space<semaphore_mem>>)
        %dma_start3A_200 = tpu.memref_slice %arg6[%add3A_197] : memref<160000xi32, #tpu.memory_space<hbm>> -> memref<80xi32, #tpu.memory_space<hbm>>
        %dma_start3A_201 = tpu.memref_slice %arg6[%add3A_197] : memref<160000xi32, #tpu.memory_space<hbm>> -> memref<80xi32, #tpu.memory_space<hbm>>
        tpu.enqueue_dma source(%dma_start3A_201 : memref<80xi32, #tpu.memory_space<hbm>>) target(%arg12 : memref<80xi32, #tpu.memory_space<vmem>>) target_semaphore(%arg21 : memref<!tpu.dma_semaphore, #tpu.memory_space<semaphore_mem>>)
        %dma_start3A_202 = arith.constant 0 : i32
        %dma_start3A_203 = tpu.memref_slice %arg4[%add3A_197, %dma_start3A_202] : memref<160000x16xf32, #tpu.memory_space<hbm>> -> memref<80x16xf32, #tpu.memory_space<hbm>>
        %dma_start3A_204 = arith.constant 0 : i32
        %dma_start3A_205 = tpu.memref_slice %arg4[%add3A_197, %dma_start3A_204] : memref<160000x16xf32, #tpu.memory_space<hbm>> -> memref<80x16xf32, #tpu.memory_space<hbm>>
        tpu.enqueue_dma source(%dma_start3A_205 : memref<80x16xf32, #tpu.memory_space<hbm>>) target(%arg18 : memref<80x16xf32, #tpu.memory_space<vmem>>) target_semaphore(%arg21 : memref<!tpu.dma_semaphore, #tpu.memory_space<semaphore_mem>>)
      } else {
      }
    }
    %scan3A_58 = arith.constant 31 : i32
    %dma_wait3A_59 = arith.constant 0 : i32
    %dma_wait3A_60 = arith.constant 0 : i32
    %dma_wait3A_61 = tpu.memref_slice %arg2[%dma_wait3A_59, %dma_wait3A_60] : memref<10000x128xf32, #tpu.memory_space<hbm>> -> memref<10000x128xf32, #tpu.memory_space<hbm>>
    tpu.wait_indirect_dma semaphore(%arg22 : memref<!tpu.dma_semaphore, #tpu.memory_space<semaphore_mem>>) src(%dma_wait3A_61 : memref<10000x128xf32, #tpu.memory_space<hbm>>) dst(%arg15 : memref<80x128xf32, #tpu.memory_space<vmem>>)
    %parallel_loop3A = arith.constant 0 : i32
    %parallel_loop3A_62 = arith.constant 80 : i32
    %parallel_loop3A_63 = arith.constant 1 : i32
    scf.for %parallel_loop3A_84 = %parallel_loop3A to %parallel_loop3A_62 step %parallel_loop3A_63  : i32 {
      %parallel_loop3A_85 = arith.index_cast %parallel_loop3A_84 : i32 to index
      %parallel_loop3A_86 = arith.constant 0 : index
      %parallel_loop3A_87 = tpu.vector_load %arg17[%parallel_loop3A_85, %parallel_loop3A_86] {strides = array<i32>} : memref<80x16xf32, #tpu.memory_space<vmem>>, vector<1x16xf32>,
      %parallel_loop3A_88 = vector.shape_cast %parallel_loop3A_87 : vector<1x16xf32> to vector<16xf32>
      %parallel_loop3A_89 = arith.constant 4 : i32
      %parallel_loop3A_90 = arith.muli %parallel_loop3A_89, %arg0 : i32
      %parallel_loop3A_91 = arith.constant 0 : i32
      %parallel_loop3A_92 = arith.addi %parallel_loop3A_90, %parallel_loop3A_91 : i32
      %parallel_loop3A_93 = vector.broadcast %parallel_loop3A_92 : i32 to vector<16x1xi32>
      %parallel_loop3A_94 = vector.shape_cast %parallel_loop3A_93 : vector<16x1xi32> to vector<16xi32>
      %parallel_loop3A_95 = tpu.dynamic_gather %parallel_loop3A_88[%parallel_loop3A_94] in [0] : vector<16xf32>, vector<16xi32> -> vector<16xf32>
      %parallel_loop3A_96 = arith.index_cast %parallel_loop3A_84 : i32 to index
      %parallel_loop3A_97 = arith.constant 0 : index
      %parallel_loop3A_98 = tpu.vector_load %arg15[%parallel_loop3A_96, %parallel_loop3A_97] {strides = array<i32>} : memref<80x128xf32, #tpu.memory_space<vmem>>, vector<1x16xf32>,
      %parallel_loop3A_99 = vector.shape_cast %parallel_loop3A_98 : vector<1x16xf32> to vector<16xf32>
      %parallel_loop3A_100 = arith.mulf %parallel_loop3A_99, %parallel_loop3A_95 : vector<16xf32>
      %parallel_loop3A_101 = arith.index_cast %parallel_loop3A_84 : i32 to index
      %parallel_loop3A_102 = arith.constant 0 : index
      %parallel_loop3A_103 = tpu.vector_load %arg15[%parallel_loop3A_101, %parallel_loop3A_102] {strides = array<i32>} : memref<80x128xf32, #tpu.memory_space<vmem>>, vector<1x16xf32>,
      %parallel_loop3A_104 = vector.shape_cast %parallel_loop3A_103 : vector<1x16xf32> to vector<16xf32>
      %parallel_loop3A_105 = vector.shape_cast %parallel_loop3A_100 : vector<16xf32> to vector<1x16xf32>
      tpu.vector_store %arg15[%parallel_loop3A_101, %parallel_loop3A_102], %parallel_loop3A_105 {strides = array<i32>} : memref<80x128xf32, #tpu.memory_space<vmem>>, vector<1x16xf32>,
      %parallel_loop3A_106 = arith.index_cast %parallel_loop3A_84 : i32 to index
      %parallel_loop3A_107 = arith.constant 16 : index
      %parallel_loop3A_108 = tpu.vector_load %arg15[%parallel_loop3A_106, %parallel_loop3A_107] {strides = array<i32>} : memref<80x128xf32, #tpu.memory_space<vmem>>, vector<1x16xf32>,
      %parallel_loop3A_109 = vector.shape_cast %parallel_loop3A_108 : vector<1x16xf32> to vector<16xf32>
      %parallel_loop3A_110 = arith.mulf %parallel_loop3A_109, %parallel_loop3A_95 : vector<16xf32>
      %parallel_loop3A_111 = arith.index_cast %parallel_loop3A_84 : i32 to index
      %parallel_loop3A_112 = arith.constant 16 : index
      %parallel_loop3A_113 = tpu.vector_load %arg15[%parallel_loop3A_111, %parallel_loop3A_112] {strides = array<i32>} : memref<80x128xf32, #tpu.memory_space<vmem>>, vector<1x16xf32>,
      %parallel_loop3A_114 = vector.shape_cast %parallel_loop3A_113 : vector<1x16xf32> to vector<16xf32>
      %parallel_loop3A_115 = vector.shape_cast %parallel_loop3A_110 : vector<16xf32> to vector<1x16xf32>
      tpu.vector_store %arg15[%parallel_loop3A_111, %parallel_loop3A_112], %parallel_loop3A_115 {strides = array<i32>} : memref<80x128xf32, #tpu.memory_space<vmem>>, vector<1x16xf32>,
      %parallel_loop3A_116 = arith.constant 4 : i32
      %parallel_loop3A_117 = arith.muli %parallel_loop3A_116, %arg0 : i32
      %parallel_loop3A_118 = arith.constant 1 : i32
      %parallel_loop3A_119 = arith.addi %parallel_loop3A_117, %parallel_loop3A_118 : i32
      %parallel_loop3A_120 = vector.broadcast %parallel_loop3A_119 : i32 to vector<16x1xi32>
      %parallel_loop3A_121 = vector.shape_cast %parallel_loop3A_120 : vector<16x1xi32> to vector<16xi32>
      %parallel_loop3A_122 = tpu.dynamic_gather %parallel_loop3A_88[%parallel_loop3A_121] in [0] : vector<16xf32>, vector<16xi32> -> vector<16xf32>
      %parallel_loop3A_123 = arith.index_cast %parallel_loop3A_84 : i32 to index
      %parallel_loop3A_124 = arith.constant 32 : index
      %parallel_loop3A_125 = tpu.vector_load %arg15[%parallel_loop3A_123, %parallel_loop3A_124] {strides = array<i32>} : memref<80x128xf32, #tpu.memory_space<vmem>>, vector<1x16xf32>,
      %parallel_loop3A_126 = vector.shape_cast %parallel_loop3A_125 : vector<1x16xf32> to vector<16xf32>
      %parallel_loop3A_127 = arith.mulf %parallel_loop3A_126, %parallel_loop3A_122 : vector<16xf32>
      %parallel_loop3A_128 = arith.index_cast %parallel_loop3A_84 : i32 to index
      %parallel_loop3A_129 = arith.constant 32 : index
      %parallel_loop3A_130 = tpu.vector_load %arg15[%parallel_loop3A_128, %parallel_loop3A_129] {strides = array<i32>} : memref<80x128xf32, #tpu.memory_space<vmem>>, vector<1x16xf32>,
      %parallel_loop3A_131 = vector.shape_cast %parallel_loop3A_130 : vector<1x16xf32> to vector<16xf32>
      %parallel_loop3A_132 = vector.shape_cast %parallel_loop3A_127 : vector<16xf32> to vector<1x16xf32>
      tpu.vector_store %arg15[%parallel_loop3A_128, %parallel_loop3A_129], %parallel_loop3A_132 {strides = array<i32>} : memref<80x128xf32, #tpu.memory_space<vmem>>, vector<1x16xf32>,
      %parallel_loop3A_133 = arith.index_cast %parallel_loop3A_84 : i32 to index
      %parallel_loop3A_134 = arith.constant 48 : index
      %parallel_loop3A_135 = tpu.vector_load %arg15[%parallel_loop3A_133, %parallel_loop3A_134] {strides = array<i32>} : memref<80x128xf32, #tpu.memory_space<vmem>>, vector<1x16xf32>,
      %parallel_loop3A_136 = vector.shape_cast %parallel_loop3A_135 : vector<1x16xf32> to vector<16xf32>
      %parallel_loop3A_137 = arith.mulf %parallel_loop3A_136, %parallel_loop3A_122 : vector<16xf32>
      %parallel_loop3A_138 = arith.index_cast %parallel_loop3A_84 : i32 to index
      %parallel_loop3A_139 = arith.constant 48 : index
      %parallel_loop3A_140 = tpu.vector_load %arg15[%parallel_loop3A_138, %parallel_loop3A_139] {strides = array<i32>} : memref<80x128xf32, #tpu.memory_space<vmem>>, vector<1x16xf32>,
      %parallel_loop3A_141 = vector.shape_cast %parallel_loop3A_140 : vector<1x16xf32> to vector<16xf32>
      %parallel_loop3A_142 = vector.shape_cast %parallel_loop3A_137 : vector<16xf32> to vector<1x16xf32>
      tpu.vector_store %arg15[%parallel_loop3A_138, %parallel_loop3A_139], %parallel_loop3A_142 {strides = array<i32>} : memref<80x128xf32, #tpu.memory_space<vmem>>, vector<1x16xf32>,
      %parallel_loop3A_143 = arith.constant 4 : i32
      %parallel_loop3A_144 = arith.muli %parallel_loop3A_143, %arg0 : i32
      %parallel_loop3A_145 = arith.constant 2 : i32
      %parallel_loop3A_146 = arith.addi %parallel_loop3A_144, %parallel_loop3A_145 : i32
      %parallel_loop3A_147 = vector.broadcast %parallel_loop3A_146 : i32 to vector<16x1xi32>
      %parallel_loop3A_148 = vector.shape_cast %parallel_loop3A_147 : vector<16x1xi32> to vector<16xi32>
      %parallel_loop3A_149 = tpu.dynamic_gather %parallel_loop3A_88[%parallel_loop3A_148] in [0] : vector<16xf32>, vector<16xi32> -> vector<16xf32>
      %parallel_loop3A_150 = arith.index_cast %parallel_loop3A_84 : i32 to index
      %parallel_loop3A_151 = arith.constant 64 : index
      %parallel_loop3A_152 = tpu.vector_load %arg15[%parallel_loop3A_150, %parallel_loop3A_151] {strides = array<i32>} : memref<80x128xf32, #tpu.memory_space<vmem>>, vector<1x16xf32>,
      %parallel_loop3A_153 = vector.shape_cast %parallel_loop3A_152 : vector<1x16xf32> to vector<16xf32>
      %parallel_loop3A_154 = arith.mulf %parallel_loop3A_153, %parallel_loop3A_149 : vector<16xf32>
      %parallel_loop3A_155 = arith.index_cast %parallel_loop3A_84 : i32 to index
      %parallel_loop3A_156 = arith.constant 64 : index
      %parallel_loop3A_157 = tpu.vector_load %arg15[%parallel_loop3A_155, %parallel_loop3A_156] {strides = array<i32>} : memref<80x128xf32, #tpu.memory_space<vmem>>, vector<1x16xf32>,
      %parallel_loop3A_158 = vector.shape_cast %parallel_loop3A_157 : vector<1x16xf32> to vector<16xf32>
      %parallel_loop3A_159 = vector.shape_cast %parallel_loop3A_154 : vector<16xf32> to vector<1x16xf32>
      tpu.vector_store %arg15[%parallel_loop3A_155, %parallel_loop3A_156], %parallel_loop3A_159 {strides = array<i32>} : memref<80x128xf32, #tpu.memory_space<vmem>>, vector<1x16xf32>,
      %parallel_loop3A_160 = arith.index_cast %parallel_loop3A_84 : i32 to index
      %parallel_loop3A_161 = arith.constant 80 : index
      %parallel_loop3A_162 = tpu.vector_load %arg15[%parallel_loop3A_160, %parallel_loop3A_161] {strides = array<i32>} : memref<80x128xf32, #tpu.memory_space<vmem>>, vector<1x16xf32>,
      %parallel_loop3A_163 = vector.shape_cast %parallel_loop3A_162 : vector<1x16xf32> to vector<16xf32>
      %parallel_loop3A_164 = arith.mulf %parallel_loop3A_163, %parallel_loop3A_149 : vector<16xf32>
      %parallel_loop3A_165 = arith.index_cast %parallel_loop3A_84 : i32 to index
      %parallel_loop3A_166 = arith.constant 80 : index
      %parallel_loop3A_167 = tpu.vector_load %arg15[%parallel_loop3A_165, %parallel_loop3A_166] {strides = array<i32>} : memref<80x128xf32, #tpu.memory_space<vmem>>, vector<1x16xf32>,
      %parallel_loop3A_168 = vector.shape_cast %parallel_loop3A_167 : vector<1x16xf32> to vector<16xf32>
      %parallel_loop3A_169 = vector.shape_cast %parallel_loop3A_164 : vector<16xf32> to vector<1x16xf32>
      tpu.vector_store %arg15[%parallel_loop3A_165, %parallel_loop3A_166], %parallel_loop3A_169 {strides = array<i32>} : memref<80x128xf32, #tpu.memory_space<vmem>>, vector<1x16xf32>,
      %parallel_loop3A_170 = arith.constant 4 : i32
      %parallel_loop3A_171 = arith.muli %parallel_loop3A_170, %arg0 : i32
      %parallel_loop3A_172 = arith.constant 3 : i32
      %parallel_loop3A_173 = arith.addi %parallel_loop3A_171, %parallel_loop3A_172 : i32
      %parallel_loop3A_174 = vector.broadcast %parallel_loop3A_173 : i32 to vector<16x1xi32>
      %parallel_loop3A_175 = vector.shape_cast %parallel_loop3A_174 : vector<16x1xi32> to vector<16xi32>
      %parallel_loop3A_176 = tpu.dynamic_gather %parallel_loop3A_88[%parallel_loop3A_175] in [0] : vector<16xf32>, vector<16xi32> -> vector<16xf32>
      %parallel_loop3A_177 = arith.index_cast %parallel_loop3A_84 : i32 to index
      %parallel_loop3A_178 = arith.constant 96 : index
      %parallel_loop3A_179 = tpu.vector_load %arg15[%parallel_loop3A_177, %parallel_loop3A_178] {strides = array<i32>} : memref<80x128xf32, #tpu.memory_space<vmem>>, vector<1x16xf32>,
      %parallel_loop3A_180 = vector.shape_cast %parallel_loop3A_179 : vector<1x16xf32> to vector<16xf32>
      %parallel_loop3A_181 = arith.mulf %parallel_loop3A_180, %parallel_loop3A_176 : vector<16xf32>
      %parallel_loop3A_182 = arith.index_cast %parallel_loop3A_84 : i32 to index
      %parallel_loop3A_183 = arith.constant 96 : index
      %parallel_loop3A_184 = tpu.vector_load %arg15[%parallel_loop3A_182, %parallel_loop3A_183] {strides = array<i32>} : memref<80x128xf32, #tpu.memory_space<vmem>>, vector<1x16xf32>,
      %parallel_loop3A_185 = vector.shape_cast %parallel_loop3A_184 : vector<1x16xf32> to vector<16xf32>
      %parallel_loop3A_186 = vector.shape_cast %parallel_loop3A_181 : vector<16xf32> to vector<1x16xf32>
      tpu.vector_store %arg15[%parallel_loop3A_182, %parallel_loop3A_183], %parallel_loop3A_186 {strides = array<i32>} : memref<80x128xf32, #tpu.memory_space<vmem>>, vector<1x16xf32>,
      %parallel_loop3A_187 = arith.index_cast %parallel_loop3A_84 : i32 to index
      %parallel_loop3A_188 = arith.constant 112 : index
      %parallel_loop3A_189 = tpu.vector_load %arg15[%parallel_loop3A_187, %parallel_loop3A_188] {strides = array<i32>} : memref<80x128xf32, #tpu.memory_space<vmem>>, vector<1x16xf32>,
      %parallel_loop3A_190 = vector.shape_cast %parallel_loop3A_189 : vector<1x16xf32> to vector<16xf32>
      %parallel_loop3A_191 = arith.mulf %parallel_loop3A_190, %parallel_loop3A_176 : vector<16xf32>
      %parallel_loop3A_192 = arith.index_cast %parallel_loop3A_84 : i32 to index
      %parallel_loop3A_193 = arith.constant 112 : index
      %parallel_loop3A_194 = tpu.vector_load %arg15[%parallel_loop3A_192, %parallel_loop3A_193] {strides = array<i32>} : memref<80x128xf32, #tpu.memory_space<vmem>>, vector<1x16xf32>,
      %parallel_loop3A_195 = vector.shape_cast %parallel_loop3A_194 : vector<1x16xf32> to vector<16xf32>
      %parallel_loop3A_196 = vector.shape_cast %parallel_loop3A_191 : vector<16xf32> to vector<1x16xf32>
      tpu.vector_store %arg15[%parallel_loop3A_192, %parallel_loop3A_193], %parallel_loop3A_196 {strides = array<i32>} : memref<80x128xf32, #tpu.memory_space<vmem>>, vector<1x16xf32>,
    } {sc.loop_unroll_factor = 2 : i64, sc.parallel_access}
    %dma_start3A_64 = arith.constant 0 : i32
    %dma_start3A_65 = arith.constant 0 : i32
    %dma_start3A_66 = tpu.memref_slice %arg19[%dma_start3A_64, %dma_start3A_65] : memref<10000x128xf32, #tpu.memory_space<vmem_shared>> -> memref<10000x128xf32, #tpu.memory_space<vmem_shared>>
    tpu.enqueue_indirect_dma source(%arg15 : memref<80x128xf32, #tpu.memory_space<vmem>>) target(%dma_start3A_66 : memref<10000x128xf32, #tpu.memory_space<vmem_shared>>) offsets(%arg11 : memref<80xi32, #tpu.memory_space<vmem>>) semaphore(%arg24 : memref<!tpu.dma_semaphore, #tpu.memory_space<semaphore_mem>>) {add = true}
    %dma_wait3A_67 = arith.constant 0 : i32
    %dma_wait3A_68 = arith.constant 0 : i32
    %dma_wait3A_69 = tpu.memref_slice %arg19[%dma_wait3A_67, %dma_wait3A_68] : memref<10000x128xf32, #tpu.memory_space<vmem_shared>> -> memref<10000x128xf32, #tpu.memory_space<vmem_shared>>
    tpu.wait_indirect_dma semaphore(%arg25 : memref<!tpu.dma_semaphore, #tpu.memory_space<semaphore_mem>>) src(%arg16 : memref<80x128xf32, #tpu.memory_space<vmem>>) dst(%dma_wait3A_69 : memref<10000x128xf32, #tpu.memory_space<vmem_shared>>)
    %dma_wait3A_70 = arith.constant 0 : i32
    %dma_wait3A_71 = arith.constant 0 : i32
    %dma_wait3A_72 = tpu.memref_slice %arg19[%dma_wait3A_70, %dma_wait3A_71] : memref<10000x128xf32, #tpu.memory_space<vmem_shared>> -> memref<10000x128xf32, #tpu.memory_space<vmem_shared>>
    tpu.wait_indirect_dma semaphore(%arg24 : memref<!tpu.dma_semaphore, #tpu.memory_space<semaphore_mem>>) src(%arg15 : memref<80x128xf32, #tpu.memory_space<vmem>>) dst(%dma_wait3A_72 : memref<10000x128xf32, #tpu.memory_space<vmem_shared>>)
    %barrier3A_73 = arith.constant 0 : index
    tpu.barrier barrier_id(%barrier3A_73)
    %lt3A_74 = arith.constant 15 : i32
    %lt3A_75 = arith.cmpi slt, %arg1, %lt3A_74 : i32
    %convert_element_type3A_76 = arith.extui %lt3A_75 : i1 to i32
    %cond3A_77 = arith.constant 0 : i32
    %cond3A_78 = arith.cmpi ne, %convert_element_type3A_76, %cond3A_77 : i32
    scf.if %cond3A_78 {
      %eq3A_84 = arith.constant 0 : i32
      %eq3A_85 = arith.cmpi eq, %arg0, %eq3A_84 : i32
      %convert_element_type3A_86 = arith.extui %eq3A_85 : i1 to i32
      %cond3A_87 = arith.constant 0 : i32
      %cond3A_88 = arith.cmpi ne, %convert_element_type3A_86, %cond3A_87 : i32
      scf.if %cond3A_88 {
        "tpu.region"() ({
          %run_scoped3A = tpu.sem_alloc : memref<!tpu.dma_semaphore, #tpu.memory_space<semaphore_mem>>
          %dma_start3A_94 = arith.constant 0 : i32
          %dma_start3A_95 = tpu.memref_slice %arg7[%mul3A_4, %dma_start3A_94] : memref<10000x128xf32, #tpu.memory_space<hbm>> -> memref<624x128xf32, #tpu.memory_space<hbm>>
          %dma_start3A_96 = arith.constant 0 : i32
          %dma_start3A_97 = tpu.memref_slice %arg19[%mul3A_4, %dma_start3A_96] : memref<10000x128xf32, #tpu.memory_space<vmem_shared>> -> memref<624x128xf32, #tpu.memory_space<vmem_shared>>
          tpu.enqueue_dma source(%dma_start3A_97 : memref<624x128xf32, #tpu.memory_space<vmem_shared>>) target(%dma_start3A_95 : memref<624x128xf32, #tpu.memory_space<hbm>>) target_semaphore(%run_scoped3A : memref<!tpu.dma_semaphore, #tpu.memory_space<semaphore_mem>>)
          %dma_wait3A_98 = arith.constant 0 : i32
          %dma_wait3A_99 = tpu.memref_slice %arg7[%mul3A_4, %dma_wait3A_98] : memref<10000x128xf32, #tpu.memory_space<hbm>> -> memref<624x128xf32, #tpu.memory_space<hbm>>
          %dma_wait3A_100 = arith.constant 0 : i32
          %dma_wait3A_101 = tpu.memref_slice %arg19[%mul3A_4, %dma_wait3A_100] : memref<10000x128xf32, #tpu.memory_space<vmem_shared>> -> memref<624x128xf32, #tpu.memory_space<vmem_shared>>
          tpu.wait_dma2 semaphore(%run_scoped3A : memref<!tpu.dma_semaphore, #tpu.memory_space<semaphore_mem>>) src(%dma_wait3A_101 : memref<624x128xf32, #tpu.memory_space<vmem_shared>>) dst(%dma_wait3A_99 : memref<624x128xf32, #tpu.memory_space<hbm>>)
          tpu.yield
        }) : () -> ()
      } else {
      }
      %eq3A_89 = arith.constant 1 : i32
      %eq3A_90 = arith.cmpi eq, %arg0, %eq3A_89 : i32
      %convert_element_type3A_91 = arith.extui %eq3A_90 : i1 to i32
      %cond3A_92 = arith.constant 0 : i32
      %cond3A_93 = arith.cmpi ne, %convert_element_type3A_91, %cond3A_92 : i32
      scf.if %cond3A_93 {
        "tpu.region"() ({
          %run_scoped3A = tpu.sem_alloc : memref<!tpu.dma_semaphore, #tpu.memory_space<semaphore_mem>>
          %dma_start3A_94 = arith.constant 0 : i32
          %dma_start3A_95 = tpu.memref_slice %arg8[%mul3A_4, %dma_start3A_94] : memref<10000x128xf32, #tpu.memory_space<hbm>> -> memref<624x128xf32, #tpu.memory_space<hbm>>
          %dma_start3A_96 = arith.constant 0 : i32
          %dma_start3A_97 = tpu.memref_slice %arg19[%mul3A_4, %dma_start3A_96] : memref<10000x128xf32, #tpu.memory_space<vmem_shared>> -> memref<624x128xf32, #tpu.memory_space<vmem_shared>>
          tpu.enqueue_dma source(%dma_start3A_97 : memref<624x128xf32, #tpu.memory_space<vmem_shared>>) target(%dma_start3A_95 : memref<624x128xf32, #tpu.memory_space<hbm>>) target_semaphore(%run_scoped3A : memref<!tpu.dma_semaphore, #tpu.memory_space<semaphore_mem>>)
          %dma_wait3A_98 = arith.constant 0 : i32
          %dma_wait3A_99 = tpu.memref_slice %arg8[%mul3A_4, %dma_wait3A_98] : memref<10000x128xf32, #tpu.memory_space<hbm>> -> memref<624x128xf32, #tpu.memory_space<hbm>>
          %dma_wait3A_100 = arith.constant 0 : i32
          %dma_wait3A_101 = tpu.memref_slice %arg19[%mul3A_4, %dma_wait3A_100] : memref<10000x128xf32, #tpu.memory_space<vmem_shared>> -> memref<624x128xf32, #tpu.memory_space<vmem_shared>>
          tpu.wait_dma2 semaphore(%run_scoped3A : memref<!tpu.dma_semaphore, #tpu.memory_space<semaphore_mem>>) src(%dma_wait3A_101 : memref<624x128xf32, #tpu.memory_space<vmem_shared>>) dst(%dma_wait3A_99 : memref<624x128xf32, #tpu.memory_space<hbm>>)
          tpu.yield
        }) : () -> ()
      } else {
      }
    } else {
    }
    %eq3A_79 = arith.constant 15 : i32
    %eq3A_80 = arith.cmpi eq, %arg1, %eq3A_79 : i32
    %convert_element_type3A_81 = arith.extui %eq3A_80 : i1 to i32
    %cond3A_82 = arith.constant 0 : i32
    %cond3A_83 = arith.cmpi ne, %convert_element_type3A_81, %cond3A_82 : i32
    scf.if %cond3A_83 {
      %eq3A_84 = arith.constant 0 : i32
      %eq3A_85 = arith.cmpi eq, %arg0, %eq3A_84 : i32
      %convert_element_type3A_86 = arith.extui %eq3A_85 : i1 to i32
      %cond3A_87 = arith.constant 0 : i32
      %cond3A_88 = arith.cmpi ne, %convert_element_type3A_86, %cond3A_87 : i32
      scf.if %cond3A_88 {
        "tpu.region"() ({
          %run_scoped3A = tpu.sem_alloc : memref<!tpu.dma_semaphore, #tpu.memory_space<semaphore_mem>>
          %dma_start3A_94 = arith.constant 0 : i32
          %dma_start3A_95 = tpu.memref_slice %arg7[%mul3A_4, %dma_start3A_94] : memref<10000x128xf32, #tpu.memory_space<hbm>> -> memref<640x128xf32, #tpu.memory_space<hbm>>
          %dma_start3A_96 = arith.constant 0 : i32
          %dma_start3A_97 = tpu.memref_slice %arg19[%mul3A_4, %dma_start3A_96] : memref<10000x128xf32, #tpu.memory_space<vmem_shared>> -> memref<640x128xf32, #tpu.memory_space<vmem_shared>>
          tpu.enqueue_dma source(%dma_start3A_97 : memref<640x128xf32, #tpu.memory_space<vmem_shared>>) target(%dma_start3A_95 : memref<640x128xf32, #tpu.memory_space<hbm>>) target_semaphore(%run_scoped3A : memref<!tpu.dma_semaphore, #tpu.memory_space<semaphore_mem>>)
          %dma_wait3A_98 = arith.constant 0 : i32
          %dma_wait3A_99 = tpu.memref_slice %arg7[%mul3A_4, %dma_wait3A_98] : memref<10000x128xf32, #tpu.memory_space<hbm>> -> memref<640x128xf32, #tpu.memory_space<hbm>>
          %dma_wait3A_100 = arith.constant 0 : i32
          %dma_wait3A_101 = tpu.memref_slice %arg19[%mul3A_4, %dma_wait3A_100] : memref<10000x128xf32, #tpu.memory_space<vmem_shared>> -> memref<640x128xf32, #tpu.memory_space<vmem_shared>>
          tpu.wait_dma2 semaphore(%run_scoped3A : memref<!tpu.dma_semaphore, #tpu.memory_space<semaphore_mem>>) src(%dma_wait3A_101 : memref<640x128xf32, #tpu.memory_space<vmem_shared>>) dst(%dma_wait3A_99 : memref<640x128xf32, #tpu.memory_space<hbm>>)
          tpu.yield
        }) : () -> ()
      } else {
      }
      %eq3A_89 = arith.constant 1 : i32
      %eq3A_90 = arith.cmpi eq, %arg0, %eq3A_89 : i32
      %convert_element_type3A_91 = arith.extui %eq3A_90 : i1 to i32
      %cond3A_92 = arith.constant 0 : i32
      %cond3A_93 = arith.cmpi ne, %convert_element_type3A_91, %cond3A_92 : i32
      scf.if %cond3A_93 {
        "tpu.region"() ({
          %run_scoped3A = tpu.sem_alloc : memref<!tpu.dma_semaphore, #tpu.memory_space<semaphore_mem>>
          %dma_start3A_94 = arith.constant 0 : i32
          %dma_start3A_95 = tpu.memref_slice %arg8[%mul3A_4, %dma_start3A_94] : memref<10000x128xf32, #tpu.memory_space<hbm>> -> memref<640x128xf32, #tpu.memory_space<hbm>>
          %dma_start3A_96 = arith.constant 0 : i32
          %dma_start3A_97 = tpu.memref_slice %arg19[%mul3A_4, %dma_start3A_96] : memref<10000x128xf32, #tpu.memory_space<vmem_shared>> -> memref<640x128xf32, #tpu.memory_space<vmem_shared>>
          tpu.enqueue_dma source(%dma_start3A_97 : memref<640x128xf32, #tpu.memory_space<vmem_shared>>) target(%dma_start3A_95 : memref<640x128xf32, #tpu.memory_space<hbm>>) target_semaphore(%run_scoped3A : memref<!tpu.dma_semaphore, #tpu.memory_space<semaphore_mem>>)
          %dma_wait3A_98 = arith.constant 0 : i32
          %dma_wait3A_99 = tpu.memref_slice %arg8[%mul3A_4, %dma_wait3A_98] : memref<10000x128xf32, #tpu.memory_space<hbm>> -> memref<640x128xf32, #tpu.memory_space<hbm>>
          %dma_wait3A_100 = arith.constant 0 : i32
          %dma_wait3A_101 = tpu.memref_slice %arg19[%mul3A_4, %dma_wait3A_100] : memref<10000x128xf32, #tpu.memory_space<vmem_shared>> -> memref<640x128xf32, #tpu.memory_space<vmem_shared>>
          tpu.wait_dma2 semaphore(%run_scoped3A : memref<!tpu.dma_semaphore, #tpu.memory_space<semaphore_mem>>) src(%dma_wait3A_101 : memref<640x128xf32, #tpu.memory_space<vmem_shared>>) dst(%dma_wait3A_99 : memref<640x128xf32, #tpu.memory_space<hbm>>)
          tpu.yield
        }) : () -> ()
      } else {
      }
    } else {
    }
    return
  }
}

module attributes {stable_mosaic.version = 14 : i64} {
  func.func @_stage1_body(%arg0: i32, %arg1: memref<1000x256xf32, #tpu.memory_space<vmem>>, %arg2: memref<256x256xf32, #tpu.memory_space<vmem>>, %arg3: memref<256x128xf32, #tpu.memory_space<vmem>>, %arg4: memref<256x128xf32, #tpu.memory_space<vmem>>, %arg5: memref<1000x128xf32, #tpu.memory_space<vmem>>, %arg6: memref<1000x128xf32, #tpu.memory_space<vmem>>, %arg7: memref<1000x128xf32, #tpu.memory_space<vmem>>, %arg8: memref<1000x128xf32, #tpu.memory_space<vmem>>) attributes {dimension_semantics = [#tpu.dimension_semantics<arbitrary>], iteration_bounds = array<i64: 10>, scalar_prefetch = 0 : i64, scratch_operands = 0 : i64, tpu.core_type = #tpu.core_type<tc>, window_params = [{transform_indices = @transform_0, window_bounds = array<i64: 1000, 256>}, {pipeline_mode = #tpu.pipeline_mode<synchronous>, transform_indices = @transform_1, window_bounds = array<i64: 256, 256>}, {pipeline_mode = #tpu.pipeline_mode<synchronous>, transform_indices = @transform_2, window_bounds = array<i64: 256, 128>}, {pipeline_mode = #tpu.pipeline_mode<synchronous>, transform_indices = @transform_3, window_bounds = array<i64: 256, 128>}, {transform_indices = @transform_4, window_bounds = array<i64: 1000, 128>}, {transform_indices = @transform_5, window_bounds = array<i64: 1000, 128>}, {transform_indices = @transform_6, window_bounds = array<i64: 1000, 128>}, {transform_indices = @transform_7, window_bounds = array<i64: 1000, 128>}]} {
    %get3A = arith.constant 0 : index
    %get3A_0 = arith.constant 0 : index
    %get3A_1 = vector.load %arg1[%get3A, %get3A_0] : memref<1000x256xf32, #tpu.memory_space<vmem>>, vector<1000x256xf32>
    %get3A_2 = arith.constant 0 : index
    %get3A_3 = arith.constant 0 : index
    %get3A_4 = vector.load %arg2[%get3A_2, %get3A_3] : memref<256x256xf32, #tpu.memory_space<vmem>>, vector<256x256xf32>
    %dot_general3A = arith.constant dense<0.000000e+00> : vector<1000x256xf32>
    %dot_general3A_5 = tpu.matmul %get3A_1, %get3A_4, %dot_general3A {dimension_numbers = #tpu.dot_dimension_numbers<[1], [0], [0], [1], [0, 0, 1, 1], [], []>, transpose_lhs_hint = false} : vector<1000x256xf32>, vector<256x256xf32>, vector<1000x256xf32> -> vector<1000x256xf32>
    %slice3A = vector.extract_strided_slice %dot_general3A_5 {offsets = [0, 0], sizes = [1000, 128], strides = [1, 1]} : vector<1000x256xf32> to vector<1000x128xf32>
    %swap3A = arith.constant 0 : index
    %swap3A_6 = arith.constant 0 : index
    %swap3A_7 = vector.load %arg5[%swap3A, %swap3A_6] : memref<1000x128xf32, #tpu.memory_space<vmem>>, vector<1000x128xf32>
    tpu.vector_store %arg5[%swap3A, %swap3A_6], %slice3A {strides = array<i32>} : memref<1000x128xf32, #tpu.memory_space<vmem>>, vector<1000x128xf32>,
    %slice3A_8 = vector.extract_strided_slice %dot_general3A_5 {offsets = [0, 128], sizes = [1000, 128], strides = [1, 1]} : vector<1000x256xf32> to vector<1000x128xf32>
    %swap3A_9 = arith.constant 0 : index
    %swap3A_10 = arith.constant 0 : index
    %swap3A_11 = vector.load %arg6[%swap3A_9, %swap3A_10] : memref<1000x128xf32, #tpu.memory_space<vmem>>, vector<1000x128xf32>
    tpu.vector_store %arg6[%swap3A_9, %swap3A_10], %slice3A_8 {strides = array<i32>} : memref<1000x128xf32, #tpu.memory_space<vmem>>, vector<1000x128xf32>,
    %get3A_12 = arith.constant 0 : index
    %get3A_13 = arith.constant 0 : index
    %get3A_14 = vector.load %arg3[%get3A_12, %get3A_13] : memref<256x128xf32, #tpu.memory_space<vmem>>, vector<256x128xf32>
    %dot_general3A_15 = arith.constant dense<0.000000e+00> : vector<1000x128xf32>
    %dot_general3A_16 = tpu.matmul %dot_general3A_5, %get3A_14, %dot_general3A_15 {dimension_numbers = #tpu.dot_dimension_numbers<[1], [0], [0], [1], [0, 0, 1, 1], [], []>, transpose_lhs_hint = false} : vector<1000x256xf32>, vector<256x128xf32>, vector<1000x128xf32> -> vector<1000x128xf32>
    %swap3A_17 = arith.constant 0 : index
    %swap3A_18 = arith.constant 0 : index
    %swap3A_19 = vector.load %arg7[%swap3A_17, %swap3A_18] : memref<1000x128xf32, #tpu.memory_space<vmem>>, vector<1000x128xf32>
    tpu.vector_store %arg7[%swap3A_17, %swap3A_18], %dot_general3A_16 {strides = array<i32>} : memref<1000x128xf32, #tpu.memory_space<vmem>>, vector<1000x128xf32>,
    %get3A_20 = arith.constant 0 : index
    %get3A_21 = arith.constant 0 : index
    %get3A_22 = vector.load %arg4[%get3A_20, %get3A_21] : memref<256x128xf32, #tpu.memory_space<vmem>>, vector<256x128xf32>
    %dot_general3A_23 = arith.constant dense<0.000000e+00> : vector<1000x128xf32>
    %dot_general3A_24 = tpu.matmul %dot_general3A_5, %get3A_22, %dot_general3A_23 {dimension_numbers = #tpu.dot_dimension_numbers<[1], [0], [0], [1], [0, 0, 1, 1], [], []>, transpose_lhs_hint = false} : vector<1000x256xf32>, vector<256x128xf32>, vector<1000x128xf32> -> vector<1000x128xf32>
    %swap3A_25 = arith.constant 0 : index
    %swap3A_26 = arith.constant 0 : index
    %swap3A_27 = vector.load %arg8[%swap3A_25, %swap3A_26] : memref<1000x128xf32, #tpu.memory_space<vmem>>, vector<1000x128xf32>
    tpu.vector_store %arg8[%swap3A_25, %swap3A_26], %dot_general3A_24 {strides = array<i32>} : memref<1000x128xf32, #tpu.memory_space<vmem>>, vector<1000x128xf32>,
    return
  }
  func.func @transform_0(%arg0: i32) -> (i32, i32) {
    %c0_i32 = arith.constant 0 : i32
    %c0_i32_0 = arith.constant 0 : i32
    return %arg0, %c0_i32 : i32, i32
  }
  func.func @transform_1(%arg0: i32) -> (i32, i32) {
    %c0_i32 = arith.constant 0 : i32
    %c0_i32_0 = arith.constant 0 : i32
    %c0_i32_1 = arith.constant 0 : i32
    return %c0_i32, %c0_i32_0 : i32, i32
  }
  func.func @transform_2(%arg0: i32) -> (i32, i32) {
    %c0_i32 = arith.constant 0 : i32
    %c0_i32_0 = arith.constant 0 : i32
    %c0_i32_1 = arith.constant 0 : i32
    return %c0_i32, %c0_i32_0 : i32, i32
  }
  func.func @transform_3(%arg0: i32) -> (i32, i32) {
    %c0_i32 = arith.constant 0 : i32
    %c0_i32_0 = arith.constant 0 : i32
    %c0_i32_1 = arith.constant 0 : i32
    return %c0_i32, %c0_i32_0 : i32, i32
  }
  func.func @transform_4(%arg0: i32) -> (i32, i32) {
    %c0_i32 = arith.constant 0 : i32
    %c0_i32_0 = arith.constant 0 : i32
    return %arg0, %c0_i32 : i32, i32
  }
  func.func @transform_5(%arg0: i32) -> (i32, i32) {
    %c0_i32 = arith.constant 0 : i32
    %c0_i32_0 = arith.constant 0 : i32
    return %arg0, %c0_i32 : i32, i32
  }
  func.func @transform_6(%arg0: i32) -> (i32, i32) {
    %c0_i32 = arith.constant 0 : i32
    %c0_i32_0 = arith.constant 0 : i32
    return %arg0, %c0_i32 : i32, i32
  }
  func.func @transform_7(%arg0: i32) -> (i32, i32) {
    %c0_i32 = arith.constant 0 : i32
    %c0_i32_0 = arith.constant 0 : i32
    return %arg0, %c0_i32 : i32, i32
  }
}

module attributes {stable_mosaic.version = 14 : i64} {
  func.func @_stage3_body(%arg0: i32, %arg1: memref<1000x256xf32, #tpu.memory_space<vmem>>, %arg2: memref<1000x128xf32, #tpu.memory_space<vmem>>, %arg3: memref<1000x128xf32, #tpu.memory_space<vmem>>, %arg4: memref<1000x128xf32, #tpu.memory_space<vmem>>, %arg5: memref<1000x128xf32, #tpu.memory_space<vmem>>, %arg6: memref<1000x128xf32, #tpu.memory_space<vmem>>, %arg7: memref<1000x128xf32, #tpu.memory_space<vmem>>, %arg8: memref<1000x128xf32, #tpu.memory_space<vmem>>, %arg9: memref<1000x128xf32, #tpu.memory_space<vmem>>, %arg10: memref<16x256xf32, #tpu.memory_space<vmem>>, %arg11: memref<256xf32, #tpu.memory_space<vmem>>, %arg12: memref<256xf32, #tpu.memory_space<vmem>>, %arg13: memref<256xf32, #tpu.memory_space<vmem>>, %arg14: memref<1000x256xf32, #tpu.memory_space<vmem>>) attributes {dimension_semantics = [#tpu.dimension_semantics<arbitrary>], iteration_bounds = array<i64: 10>, scalar_prefetch = 0 : i64, scratch_operands = 0 : i64, tpu.core_type = #tpu.core_type<tc>, window_params = [{transform_indices = @transform_0, window_bounds = array<i64: 1000, 256>}, {transform_indices = @transform_1, window_bounds = array<i64: 1000, 128>}, {transform_indices = @transform_2, window_bounds = array<i64: 1000, 128>}, {transform_indices = @transform_3, window_bounds = array<i64: 1000, 128>}, {transform_indices = @transform_4, window_bounds = array<i64: 1000, 128>}, {transform_indices = @transform_5, window_bounds = array<i64: 1000, 128>}, {transform_indices = @transform_6, window_bounds = array<i64: 1000, 128>}, {transform_indices = @transform_7, window_bounds = array<i64: 1000, 128>}, {transform_indices = @transform_8, window_bounds = array<i64: 1000, 128>}, {pipeline_mode = #tpu.pipeline_mode<synchronous>, transform_indices = @transform_9, window_bounds = array<i64: 16, 256>}, {pipeline_mode = #tpu.pipeline_mode<synchronous>, transform_indices = @transform_10, window_bounds = array<i64: 256>}, {pipeline_mode = #tpu.pipeline_mode<synchronous>, transform_indices = @transform_11, window_bounds = array<i64: 256>}, {pipeline_mode = #tpu.pipeline_mode<synchronous>, transform_indices = @transform_12, window_bounds = array<i64: 256>}, {transform_indices = @transform_13, window_bounds = array<i64: 1000, 256>}]} {
    %get3A = arith.constant 0 : index
    %get3A_0 = arith.constant 0 : index
    %get3A_1 = vector.load %arg4[%get3A, %get3A_0] : memref<1000x128xf32, #tpu.memory_space<vmem>>, vector<1000x16xf32>
    %get3A_2 = arith.constant 0 : index
    %get3A_3 = arith.constant 0 : index
    %get3A_4 = vector.load %arg5[%get3A_2, %get3A_3] : memref<1000x128xf32, #tpu.memory_space<vmem>>, vector<1000x16xf32>
    %add3A = arith.addf %get3A_1, %get3A_4 : vector<1000x16xf32>
    %mul3A = arith.constant 2.000000e-01 : f32
    %mul3A_5 = vector.broadcast %mul3A : f32 to vector<1000x16xf32>
    %mul3A_6 = arith.mulf %mul3A_5, %add3A : vector<1000x16xf32>
    %max3A = arith.maximumf %add3A, %mul3A_6 : vector<1000x16xf32>
    %exp3A = math.exp %max3A : vector<1000x16xf32>
    %get3A_7 = arith.constant 0 : index
    %get3A_8 = arith.constant 0 : index
    %get3A_9 = vector.load %arg10[%get3A_7, %get3A_8] : memref<16x256xf32, #tpu.memory_space<vmem>>, vector<16x256xf32>
    %dot_general3A = arith.constant dense<0.000000e+00> : vector<1000x256xf32>
    %dot_general3A_10 = tpu.matmul %exp3A, %get3A_9, %dot_general3A {dimension_numbers = #tpu.dot_dimension_numbers<[1], [0], [0], [1], [0, 0, 1, 1], [], []>, transpose_lhs_hint = false} : vector<1000x16xf32>, vector<16x256xf32>, vector<1000x256xf32> -> vector<1000x256xf32>
    %get3A_11 = arith.constant 0 : index
    %get3A_12 = arith.constant 0 : index
    %get3A_13 = vector.load %arg8[%get3A_11, %get3A_12] : memref<1000x128xf32, #tpu.memory_space<vmem>>, vector<1000x16xf32>
    %get3A_14 = arith.constant 0 : index
    %get3A_15 = arith.constant 0 : index
    %get3A_16 = vector.load %arg9[%get3A_14, %get3A_15] : memref<1000x128xf32, #tpu.memory_space<vmem>>, vector<1000x16xf32>
    %add3A_17 = arith.addf %get3A_13, %get3A_16 : vector<1000x16xf32>
    %add3A_18 = arith.addf %add3A_17, %exp3A : vector<1000x16xf32>
    %dot_general3A_19 = arith.constant dense<0.000000e+00> : vector<1000x256xf32>
    %dot_general3A_20 = tpu.matmul %add3A_18, %get3A_9, %dot_general3A_19 {dimension_numbers = #tpu.dot_dimension_numbers<[1], [0], [0], [1], [0, 0, 1, 1], [], []>, transpose_lhs_hint = false} : vector<1000x16xf32>, vector<16x256xf32>, vector<1000x256xf32> -> vector<1000x256xf32>
    %get3A_21 = arith.constant 0 : index
    %get3A_22 = arith.constant 0 : index
    %get3A_23 = vector.load %arg2[%get3A_21, %get3A_22] : memref<1000x128xf32, #tpu.memory_space<vmem>>, vector<1000x128xf32>
    %get3A_24 = arith.constant 0 : index
    %get3A_25 = arith.constant 0 : index
    %get3A_26 = vector.load %arg3[%get3A_24, %get3A_25] : memref<1000x128xf32, #tpu.memory_space<vmem>>, vector<1000x128xf32>
    %concatenate3A = tpu.concatenate %get3A_23, %get3A_26 in 1 : vector<1000x128xf32>, vector<1000x128xf32> -> vector<1000x256xf32>
    %get3A_27 = arith.constant 0 : index
    %get3A_28 = arith.constant 0 : index
    %get3A_29 = vector.load %arg6[%get3A_27, %get3A_28] : memref<1000x128xf32, #tpu.memory_space<vmem>>, vector<1000x128xf32>
    %get3A_30 = arith.constant 0 : index
    %get3A_31 = arith.constant 0 : index
    %get3A_32 = vector.load %arg7[%get3A_30, %get3A_31] : memref<1000x128xf32, #tpu.memory_space<vmem>>, vector<1000x128xf32>
    %concatenate3A_33 = tpu.concatenate %get3A_29, %get3A_32 in 1 : vector<1000x128xf32>, vector<1000x128xf32> -> vector<1000x256xf32>
    %mul3A_34 = arith.mulf %dot_general3A_10, %concatenate3A : vector<1000x256xf32>
    %add3A_35 = arith.addf %concatenate3A_33, %mul3A_34 : vector<1000x256xf32>
    %add3A_36 = arith.constant 1.000000e-16 : f32
    %add3A_37 = vector.broadcast %add3A_36 : f32 to vector<1000x256xf32>
    %add3A_38 = arith.addf %dot_general3A_20, %add3A_37 : vector<1000x256xf32>
    %div3A = arith.divf %add3A_35, %add3A_38 : vector<1000x256xf32>
    %get3A_39 = arith.constant 0 : index
    %get3A_40 = vector.load %arg11[%get3A_39] : memref<256xf32, #tpu.memory_space<vmem>>, vector<256xf32>
    %broadcast_in_dim3A = vector.shape_cast %get3A_40 : vector<256xf32> to vector<1x256xf32>
    %add3A_41 = vector.broadcast %broadcast_in_dim3A : vector<1x256xf32> to vector<1000x256xf32>
    %add3A_42 = arith.addf %div3A, %add3A_41 : vector<1000x256xf32>
    %get3A_43 = arith.constant 0 : index
    %get3A_44 = arith.constant 0 : index
    %get3A_45 = vector.load %arg1[%get3A_43, %get3A_44] : memref<1000x256xf32, #tpu.memory_space<vmem>>, vector<1000x256xf32>
    %add3A_46 = arith.addf %add3A_42, %get3A_45 : vector<1000x256xf32>
    %reduce_sum3A = arith.constant dense<0.000000e+00> : vector<1000xf32>
    %reduce_sum3A_47 = vector.multi_reduction <add>, %add3A_46, %reduce_sum3A [1] : vector<1000x256xf32> to vector<1000xf32>
    %broadcast_in_dim3A_48 = vector.shape_cast %reduce_sum3A_47 : vector<1000xf32> to vector<1000x1xf32>
    %div3A_49 = arith.constant 2.560000e+02 : f32
    %div3A_50 = vector.broadcast %div3A_49 : f32 to vector<1000x1xf32>
    %div3A_51 = arith.divf %broadcast_in_dim3A_48, %div3A_50 : vector<1000x1xf32>
    %sub3A = vector.broadcast %div3A_51 : vector<1000x1xf32> to vector<1000x256xf32>
    %sub3A_52 = arith.subf %add3A_46, %sub3A : vector<1000x256xf32>
    %integer_pow3A = arith.mulf %sub3A_52, %sub3A_52 : vector<1000x256xf32>
    %reduce_sum3A_53 = arith.constant dense<0.000000e+00> : vector<1000xf32>
    %reduce_sum3A_54 = vector.multi_reduction <add>, %integer_pow3A, %reduce_sum3A_53 [1] : vector<1000x256xf32> to vector<1000xf32>
    %broadcast_in_dim3A_55 = vector.shape_cast %reduce_sum3A_54 : vector<1000xf32> to vector<1000x1xf32>
    %div3A_56 = arith.constant 2.560000e+02 : f32
    %div3A_57 = vector.broadcast %div3A_56 : f32 to vector<1000x1xf32>
    %div3A_58 = arith.divf %broadcast_in_dim3A_55, %div3A_57 : vector<1000x1xf32>
    %sub3A_59 = vector.broadcast %div3A_51 : vector<1000x1xf32> to vector<1000x256xf32>
    %sub3A_60 = arith.subf %add3A_46, %sub3A_59 : vector<1000x256xf32>
    %add3A_61 = arith.constant 9.99999974E-6 : f32
    %add3A_62 = vector.broadcast %add3A_61 : f32 to vector<1000x1xf32>
    %add3A_63 = arith.addf %div3A_58, %add3A_62 : vector<1000x1xf32>
    %rsqrt3A = math.rsqrt %add3A_63 : vector<1000x1xf32>
    %mul3A_64 = vector.broadcast %rsqrt3A : vector<1000x1xf32> to vector<1000x256xf32>
    %mul3A_65 = arith.mulf %sub3A_60, %mul3A_64 : vector<1000x256xf32>
    %get3A_66 = arith.constant 0 : index
    %get3A_67 = vector.load %arg12[%get3A_66] : memref<256xf32, #tpu.memory_space<vmem>>, vector<256xf32>
    %broadcast_in_dim3A_68 = vector.shape_cast %get3A_67 : vector<256xf32> to vector<1x256xf32>
    %mul3A_69 = vector.broadcast %broadcast_in_dim3A_68 : vector<1x256xf32> to vector<1000x256xf32>
    %mul3A_70 = arith.mulf %mul3A_65, %mul3A_69 : vector<1000x256xf32>
    %get3A_71 = arith.constant 0 : index
    %get3A_72 = vector.load %arg13[%get3A_71] : memref<256xf32, #tpu.memory_space<vmem>>, vector<256xf32>
    %broadcast_in_dim3A_73 = vector.shape_cast %get3A_72 : vector<256xf32> to vector<1x256xf32>
    %add3A_74 = vector.broadcast %broadcast_in_dim3A_73 : vector<1x256xf32> to vector<1000x256xf32>
    %add3A_75 = arith.addf %mul3A_70, %add3A_74 : vector<1000x256xf32>
    %swap3A = arith.constant 0 : index
    %swap3A_76 = arith.constant 0 : index
    %swap3A_77 = vector.load %arg14[%swap3A, %swap3A_76] : memref<1000x256xf32, #tpu.memory_space<vmem>>, vector<1000x256xf32>
    tpu.vector_store %arg14[%swap3A, %swap3A_76], %add3A_75 {strides = array<i32>} : memref<1000x256xf32, #tpu.memory_space<vmem>>, vector<1000x256xf32>,
    return
  }
  func.func @transform_0(%arg0: i32) -> (i32, i32) {
    %c0_i32 = arith.constant 0 : i32
    %c0_i32_0 = arith.constant 0 : i32
    return %arg0, %c0_i32 : i32, i32
  }
  func.func @transform_1(%arg0: i32) -> (i32, i32) {
    %c0_i32 = arith.constant 0 : i32
    %c0_i32_0 = arith.constant 0 : i32
    return %arg0, %c0_i32 : i32, i32
  }
  func.func @transform_2(%arg0: i32) -> (i32, i32) {
    %c0_i32 = arith.constant 0 : i32
    %c0_i32_0 = arith.constant 0 : i32
    return %arg0, %c0_i32 : i32, i32
  }
  func.func @transform_3(%arg0: i32) -> (i32, i32) {
    %c0_i32 = arith.constant 0 : i32
    %c0_i32_0 = arith.constant 0 : i32
    return %arg0, %c0_i32 : i32, i32
  }
  func.func @transform_4(%arg0: i32) -> (i32, i32) {
    %c0_i32 = arith.constant 0 : i32
    %c0_i32_0 = arith.constant 0 : i32
    return %arg0, %c0_i32 : i32, i32
  }
  func.func @transform_5(%arg0: i32) -> (i32, i32) {
    %c0_i32 = arith.constant 0 : i32
    %c0_i32_0 = arith.constant 0 : i32
    return %arg0, %c0_i32 : i32, i32
  }
  func.func @transform_6(%arg0: i32) -> (i32, i32) {
    %c0_i32 = arith.constant 0 : i32
    %c0_i32_0 = arith.constant 0 : i32
    return %arg0, %c0_i32 : i32, i32
  }
  func.func @transform_7(%arg0: i32) -> (i32, i32) {
    %c0_i32 = arith.constant 0 : i32
    %c0_i32_0 = arith.constant 0 : i32
    return %arg0, %c0_i32 : i32, i32
  }
  func.func @transform_8(%arg0: i32) -> (i32, i32) {
    %c0_i32 = arith.constant 0 : i32
    %c0_i32_0 = arith.constant 0 : i32
    return %arg0, %c0_i32 : i32, i32
  }
  func.func @transform_9(%arg0: i32) -> (i32, i32) {
    %c0_i32 = arith.constant 0 : i32
    %c0_i32_0 = arith.constant 0 : i32
    %c0_i32_1 = arith.constant 0 : i32
    return %c0_i32, %c0_i32_0 : i32, i32
  }
  func.func @transform_10(%arg0: i32) -> i32 {
    %c0_i32 = arith.constant 0 : i32
    %c0_i32_0 = arith.constant 0 : i32
    return %c0_i32 : i32
  }
  func.func @transform_11(%arg0: i32) -> i32 {
    %c0_i32 = arith.constant 0 : i32
    %c0_i32_0 = arith.constant 0 : i32
    return %c0_i32 : i32
  }
  func.func @transform_12(%arg0: i32) -> i32 {
    %c0_i32 = arith.constant 0 : i32
    %c0_i32_0 = arith.constant 0 : i32
    return %c0_i32 : i32
  }
  func.func @transform_13(%arg0: i32) -> (i32, i32) {
    %c0_i32 = arith.constant 0 : i32
    %c0_i32_0 = arith.constant 0 : i32
    return %arg0, %c0_i32 : i32, i32
  }
}

</mosaic_0001>

<sc_bundles>
// kernel: kernel.6.cloned.1.call-start
scs
__scs_entry_jumppad:
0x0: {  	(pc) =	sbr.rel $0x88, $3  }
0x1: {  	(tag) =	ssettag $0x0;
	lr =	simm.s32 $0x1  }
0x2: {  	[smem:$0x3F99] =	sst lr;
	_ =	strace $0xD0000000  }
0x3: {  	_ = 	snop  }
0x4: {  	_ = 	snop  }
0x5: {  	_ = 	snop  }
0x6: {  	_ = 	snop  }
0x7: {  	_ = 	snop  }
__scs_overlays_trampoline_lowered:
0x8: {  	[smem:$0x3FA8] =	sst s0  }
0x9: {  	[smem:$0x3FA9] =	sst s1  }
0xa: {  	[smem:$0x3FAA] =	sst s2  }
0xb: {  	[smem:$0x3FAB] =	sst s3  }
0xc: {  	[smem:$0x3FAC] =	sst s4  }
0xd: {  	[smem:$0x3FAD] =	sst s5  }
0xe: {  	[smem:$0x3FAE] =	sst s6  }
0xf: {  	[smem:$0x3FAF] =	sst s7  }
0x10: {  	[smem:$0x3FB0] =	sst s8  }
0x11: {  	[smem:$0x3FB1] =	sst s9;
	s0 =	simm.s32 @!p0 $0x0  }
0x12: {  	s1 =	sld [smem:$0x3F97];
	s0 =	simm.s32 @p0 $0x1  }
0x13: {  	[smem:$0x3FB2] =	sst s0;
	s0 =	simm.s32 @!p1 $0x0  }
0x14: {  	s2 =	sld [smem:$0x3F96];
	s0 =	simm.s32 @p1 $0x1  }
0x15: {  	[smem:$0x3FB3] =	sst s0;
	s0 =	simm.s32 @!p2 $0x0  }
0x16: {  	s3 =	sld [smem:$0x3FDB];
	s0 =	simm.s32 @p2 $0x1  }
0x17: {  	s4 =	simm.s32 $0x1BF5;
	[smem:$0x3FB5] =	sst s0  }
0x18: {  	s0 =	sld [smem:$0x3F98];
	_ =	swait.ge [sflag:s4], $0x0  }
0x19: {  	s7 =	sld [smem:$0x3F99]  }
0x1a: {  	s8 =	sadd.s32 $0xFFFFE003, lr  }
0x1b: {  	s9 =	sadd.s32 $0xFFFFFEF7, lr;
	s5 =	simm.s32 $0xFFFFFFFF;
	p2 =	slt.u32 s8, $0xFFFFF086  }
0x1c: {  	p1 =	slt.u32 s9, $0xF7A;
	s5 =	simm.s32 @!p2 $0x0  }
0x1d: {  	s5 =	simm.s32 @p1 $0x1;
	p0 =	seq.s32 s7, s2  }
0x1e: {  	s7 =	smul.u32 @!p0 $0xF7A, s2;
	p2 =	seq.s32 @!p0 s5, $0x0  }
0x1f: {  	s9 =	smul.u32 $0xF7A, s1;
	s8 =	simm.s32 @!p0 $0x1BF5;
	p2 =	por !p2, p0  }
0x20: {  	[sflag:s8] =	ssyncset.s32 @!p0 $0xFFFFF086;
	s6 =	sadd.s32 @!p0 s3, s7;
	s7 =	simm.s32 @!p0 $0x108  }
0x21: {  	s3 =	sadd.s32 s3, s9;
	s6 =	sadd.s32 @!p0 $0x88, s6;
	s7 =	simm.s32 @p2 $0x1082  }
0x22: {  	[simem:s7], [sflag:s8] =	dma.local @!p0 [hbm:s6], $0xF7A  }
0x23: {  	s9 =	sor.u32 $0xD0000000, s2;
	s6 =	simm.s32 $0x108;
	_ =	swait.ge @!p0 [sflag:s8], $0x0  }
0x24: {  	s3 =	sadd.s32 $0x88, s3;
	s6 =	simm.s32 @!p1 $0x1082;
	[sflag:s4] =	ssyncset.s32 $0xFFFFF086  }
0x25: {  	[simem:s6], [sflag:s4] =	dma.local [hbm:s3], $0xF7A  }
0x26: {  	[smem:$0x3F99] =	sst s1;
	(tag) =	ssettag s2;
	_ =	strace s9  }
0x27: {  	s1 =	sld [smem:$0x3FA9]  }
0x28: {  	s2 =	sld [smem:$0x3FAA]  }
0x29: {  	s4 =	sld [smem:$0x3FAC]  }
0x2a: {  	p0 =	seq.s32 s5, $0x0;
	s5 =	sld [smem:$0x3FAD]  }
0x2b: {  	s6 =	sld [smem:$0x3FAE]  }
0x2c: {  	s7 =	sld [smem:$0x3FAF]  }
0x2d: {  	s3 =	simm.s32 $0x108;
	s8 =	sld [smem:$0x3FB0]  }
0x2e: {  	s3 =	simm.s32 @!p0 $0x1082;
	s9 =	sld [smem:$0x3FB1]  }
0x2f: {  	lr =	sadd.s32 s0, s3;
	s0 =	sld [smem:$0x3FA8]  }
0x30: {  	s3 =	sld [smem:$0x3FAB]  }
0x31: {  	[smem:$0x3FB4] =	sst s10  }
0x32: {  	s10 =	sld [smem:$0x3FB2];
	_ =	sdelay $0x3  }
0x33: {  	p0 =	seq.s32 s10, $0x1;
	s10 =	sld [smem:$0x3FB4];
	_ =	sdelay $0x3  }
0x34: {  	[smem:$0x3FB4] =	sst s10  }
0x35: {  	s10 =	sld [smem:$0x3FB3];
	_ =	sdelay $0x3  }
0x36: {  	p1 =	seq.s32 s10, $0x1;
	s10 =	sld [smem:$0x3FB4];
	_ =	sdelay $0x3  }
0x37: {  	[smem:$0x3FB4] =	sst s10  }
0x38: {  	s10 =	sld [smem:$0x3FB5]  }
0x39: {  	_ = 	snop;
	(pc) =	sbr.ind lr, $3  }
0x3a: {  	_ = 	snop  }
0x3b: {  	_ = 	snop  }
0x3c: {  	p2 =	seq.s32 s10, $0x1;
	s10 =	sld [smem:$0x3FB4]  }
0x3d: {  	_ =	shalt  }
0x3e: {  	_ =	shalt  }
0x3f: {  	_ =	shalt  }
0x40: {  	_ =	shalt  }
0x41: {  	_ =	shalt  }
0x42: {  	_ =	shalt  }
0x43: {  	_ =	shalt  }
0x44: {  	_ =	shalt  }
0x45: {  	_ =	shalt  }
0x46: {  	_ =	shalt  }
0x47: {  	_ =	shalt  }
0x48: {  	_ =	shalt  }
0x49: {  	_ =	shalt  }
0x4a: {  	_ =	shalt  }
0x4b: {  	_ =	shalt  }
0x4c: {  	_ =	shalt  }
0x4d: {  	_ =	shalt  }
0x4e: {  	_ =	shalt  }
0x4f: {  	_ =	shalt  }
0x50: {  	_ =	shalt  }
0x51: {  	_ =	shalt  }
0x52: {  	_ =	shalt  }
0x53: {  	_ =	shalt  }
0x54: {  	_ =	shalt  }
0x55: {  	_ =	shalt  }
0x56: {  	_ =	shalt  }
0x57: {  	_ =	shalt  }
0x58: {  	_ =	shalt  }
0x59: {  	_ =	shalt  }
0x5a: {  	_ =	shalt  }
0x5b: {  	_ =	shalt  }
0x5c: {  	_ =	shalt  }
0x5d: {  	_ =	shalt  }
0x5e: {  	_ =	shalt  }
0x5f: {  	_ =	shalt  }
0x60: {  	_ =	shalt  }
0x61: {  	_ =	shalt  }
0x62: {  	_ =	shalt  }
0x63: {  	_ =	shalt  }
0x64: {  	_ =	shalt  }
0x65: {  	_ =	shalt  }
0x66: {  	_ =	shalt  }
0x67: {  	_ =	shalt  }
0x68: {  	_ =	shalt  }
0x69: {  	_ =	shalt  }
0x6a: {  	_ =	shalt  }
0x6b: {  	_ =	shalt  }
0x6c: {  	_ =	shalt  }
0x6d: {  	_ =	shalt  }
0x6e: {  	_ =	shalt  }
0x6f: {  	_ =	shalt  }
0x70: {  	_ =	shalt  }
0x71: {  	_ =	shalt  }
0x72: {  	_ =	shalt  }
0x73: {  	_ =	shalt  }
0x74: {  	_ =	shalt  }
0x75: {  	_ =	shalt  }
0x76: {  	_ =	shalt  }
0x77: {  	_ =	shalt  }
0x78: {  	_ =	shalt  }
0x79: {  	_ =	shalt  }
0x7a: {  	_ =	shalt  }
0x7b: {  	_ =	shalt  }
0x7c: {  	_ =	shalt  }
0x7d: {  	_ =	shalt  }
0x7e: {  	_ =	shalt  }
0x7f: {  	_ =	shalt  }
0x80: {  	_ =	shalt  }
0x81: {  	_ =	shalt  }
0x82: {  	_ =	shalt  }
0x83: {  	_ =	shalt  }
0x84: {  	_ =	shalt  }
0x85: {  	_ =	shalt  }
0x86: {  	_ =	shalt  }
0x87: {  	_ =	shalt  }
.Lfunc_end0:
.L_simem_size_0:
called_computation_lowered:
.L_overlay_start_0:
0x88: {  	s2 =	sld [smem:$0x3FD9]  }
0x89: {  	s3 =	sld [smem:$0x3FFE];
	_ =	sdelay $0x1  }
0x8a: {  	s1 =	srdreg.scid  }
0x8b: {  	s0 =	sand.u32 $0x1, s1  }
0x8c: {  	s16 =	sshll.u32 s0, $0xA;
	s2 =	sadd.s32 s3, s2  }
0x8d: {  	s2 =	sadd.s32 s2, s16  }
0x8e: {  	[smem:$0x3FC0] =	sst s2  }
0x8f: {  	_ = 	snop  }
0x90: {  	(tm) =	ssettm $0x1  }
0x91: {  	s17 =	sld [smem:$0x3FFB];
	_ =	sdelay $0x3  }
0x92: {  	_ =	strace s17  }
0x93: {  	s2 =	sld [smem:$0x3FFC];
	_ =	sdelay $0x3  }
0x94: {  	_ =	strace s2  }
0x95: {  	s2 =	sld [smem:$0x3FFD];
	_ =	sdelay $0x3  }
0x96: {  	_ =	strace s2  }
0x97: {  	_ =	strace $0x8FFFFFFF  }
0x98: {  	s18 =	sld [smem:$0x3FDB];
	_ =	sdelay $0x1  }
0x99: {  	s19 =	simm.s32 $_scs_section_size  }
0x9a: {  	s4 =	simm.s32 $_size__tile_overlayer_lowered;
	s5 =	simm.s32 $_tile_overlayer_lowered  }
0x9b: {  	s22 =	simm.s32 $0x1BFF;
	s21 =	sshll.u32 s5, $0x1;
	s2 =	sadd.s32 s19, s18  }
0x9c: {  	s6 =	simm.s32 $0x0;
	s20 =	sshll.u32 s4, $0x1;
	s4 =	sadd.s32 s21, s2  }
0x9d: {  	[timem:s6], [sflag:s22] =	dma.local [hbm:s4], s20  }
0x9e: {  	_ =	swait.ge [sflag:s22], s20  }
0x9f: {  	s3 =	ssub.s32 $0x0, s20;
	[sflag:s22] =	ssyncset.done $0x0  }
0xa0: {  	[sflag:s22] =	ssyncadd.s32 s3;
	_ =	sdelay $0x1  }
0xa1: {  	s23 =	simm.s32 $0x1B8B  }
0xa2: {  	_ =	swait.ge [sflag:s23], $0x1  }
0xa3: {  	[sflag:s23] =	ssyncset.done $0x0  }
0xa4: {  	s25 =	simm.s32 $0x1B8E;
	s24 =	sld [smem:$0x3FFE];
	[sflag:s23] =	ssyncadd.s32 $0xFFFFFFFF  }
0xa5: {  	s26 =	simm.s32 $execute0_lowered;
	[smem:$0x3FD2] =	sst s25  }
0xa6: {  	s4 =	sshll.u32 s26, $0x1;
	_ =	strace $0x80000046;
	[dreg:$0x1] =	wrdreg $0xFFFFFFFF  }
0xa7: {  	s28 =	simm.s32 $_size_execute0_lowered;
	s2 =	sadd.s32 s2, s4;
	[dreg:$0x0] =	wrdreg $0x0  }
0xa8: {  	s4 =	sshll.u32 s28, $0x1;
	[dreg:$0x2] =	wrdreg s2  }
0xa9: {  	[dreg:$0x3] =	wrdreg s4  }
0xaa: {  	[dreg:$0x4] =	wrdreg $0xC0  }
0xab: {  	_ =	task [dreg:s6], $0x5FFFF  }
0xac: {  	[dreg:$0x1] =	wrdreg $0xFFFFFFFF  }
0xad: {  	[dreg:$0x0] =	wrdreg $0x60  }
0xae: {  	[dreg:$0x2] =	wrdreg s24  }
0xaf: {  	[dreg:$0x3] =	wrdreg $0xA3000  }
0xb0: {  	[dreg:$0x4] =	wrdreg $0x9  }
0xb1: {  	_ =	task.clear_ibuf [dreg:s6], $0x5FFFF;
	_ =	strace $0x90000046  }
0xb2: {  	s29 =	simm.s32 $0x9;
	_ =	strace $0x80000048  }
0xb3: {  	_ =	swait.ge [sflag:s29], $0x1  }
0xb4: {  	[sflag:s29] =	ssyncadd.s32 $0xFFFFFFFF  }
0xb5: {  	_ =	strace $0x90000048  }
0xb6: {  	_ =	sfence  }
0xb7: {  	s30 =	sld [smem:$0x0];
	_ =	sdelay $0x2  }
0xb8: {  	s31 =	sshll.u32 s1, $0xD;
	s1 =	sshrl.u32 s1, $0x2  }
0xb9: {  	s3 =	sand.u32 $0x4000, s31;
	s1 =	sadd.s32 s1, s30  }
0xba: {  	s0 =	sor.u32 s3, s0;
	s1 =	sshll.u32 s1, $0x11  }
0xbb: {  	s0 =	sor.u32 s1, s0  }
0xbc: {  	s0 =	sadd.s32 $0x8F2B, s0  }
0xbd: {  	[sflag:s0] =	ssyncadd.remote.s32 $0x1  }
0xbe: {  	_ =	sfence.sel $0xFFFF  }
0xbf: {  	[dreg:$0x0] =	wrdreg $0xFFFFFFFF;
	(pc) =	sbr.abs _section_cstart, $3  }
0xc0: {  	[dreg:$0x1] =	wrdreg $0xFFFFFFFF  }
0xc1: {  	_ =	task.clear_ibuf [dreg:s6], $0x2FFFF;
	_ =	strace $0x9FFFFFFF  }
0xc2: {  	(tm) =	ssettm $0x7FFFFFFF  }
0xc3: {  	_ =	shalt  }
tec
execute0_lowered:
.L_overlay_start_1:
0x0: {  	(tag) =	ssettag $0x1  }
0x1: {  	s0 =	rddreg [dreg:$0x0]  }
0x2: {  	s1 =	rddreg [dreg:$0x1]  }
0x3: {  	s2 =	simm.s32 $0x0;
	s14 =	stileid.u32;
	s9 =	srdreg.scid  }
0x4: {  	[smem:$0x7FF] =	sst s2;
	s3 =	smul.u32 $0x2700, s14;
	s9 =	sand.u32 $0x1, s9  }
0x5: {  	s10 =	smul.u32 $0x4E000, s14;
	p0 =	seq.s32 s14, $0xF;
	_ =	strace $0x80000047  }
0x6: {  	s11 =	ssub.s32 $0x2, s9;
	s12 =	sshll.u32 s9, $0x4;
	p4 =	seq.s32 s9, $0x1  }
0x7: {  	s9 =	sadd.s32 $0x125C00, s1;
	s13 =	sshrl.u32 s11, $0x1;
	s12 =	sor.u32 s14, s12  }
0x8: {  	s10 =	sshrl.u32 s10, $0x2;
	[smem:$0x7EB] =	sst s9;
	s14 =	sadd.s32 $0x12D400, s1  }
0x9: {  	s11 =	ssub.s32 s11, s13;
	s13 =	sadd.s32 s10, s1;
	[smem:$0x7F0] =	sst s14  }
0xa: {  	s10 =	sadd.s32 $0x1400, s13;
	[dreg:$0x3] =	wrdreg s13  }
0xb: {  	s22 =	sadd.s32 $0x2800, s13;
	[dreg:$0x5] =	wrdreg s10  }
0xc: {  	s24 =	sadd.s32 $0x3C00, s13;
	[dreg:$0x6] =	wrdreg s22  }
0xd: {  	s25 =	sadd.s32 $0x5000, s13;
	[dreg:$0x7] =	wrdreg s24  }
0xe: {  	s17 =	smax.u32 s11, $0x1;
	[dreg:$0x8] =	wrdreg s25  }
0xf: {  	s18 =	sadd.s32 $0x6400, s13;
	[dreg:$0x13] =	wrdreg s17  }
0x10: {  	s19 =	sadd.s32 $0x7800, s13;
	[dreg:$0x14] =	wrdreg s18  }
0x11: {  	s20 =	sadd.s32 $0x8C00, s13;
	[dreg:$0x15] =	wrdreg s19  }
0x12: {  	s21 =	sadd.s32 $0xA000, s13;
	[dreg:$0x16] =	wrdreg s20  }
0x13: {  	s15 =	smul.u32 $0x1388, s12;
	s11 =	sadd.s32 $0x128400, s1;
	[dreg:$0x17] =	wrdreg s21  }
0x14: {  	[smem:$0x7ED] =	sst s11  }
0x15: {  	s23 =	smul.u32 $0x9C400, s12;
	s28 =	sadd.s32 $0x28, s15;
	[dreg:$0x4] =	wrdreg s15  }
0x16: {  	s22 =	sadd.s32 $0xB400, s13;
	[dreg:$0xa] =	wrdreg s28  }
0x17: {  	s10 =	sshrl.u32 s23, $0x3;
	s23 =	sadd.s32 $0xC800, s13;
	[dreg:$0x18] =	wrdreg s22  }
0x18: {  	s24 =	sadd.s32 $0xDC00, s13;
	[dreg:$0x19] =	wrdreg s23  }
0x19: {  	s25 =	sadd.s32 $0xF000, s13;
	[dreg:$0x1a] =	wrdreg s24  }
0x1a: {  	s17 =	sadd.s32 $0x12FC00, s1;
	[dreg:$0x1b] =	wrdreg s25  }
0x1b: {  	s18 =	sadd.s32 $0x12C000, s1;
	[smem:$0x7F2] =	sst s17  }
0x1c: {  	s19 =	sadd.s32 $0x131000, s1;
	[smem:$0x7F3] =	sst s18  }
0x1d: {  	s6 =	sadd.s32 $0x8000, s0;
	s20 =	sadd.s32 $0x132400, s1;
	[smem:$0x7F4] =	sst s19  }
0x1e: {  	s26 =	sshrl.u32 s15, $0x3;
	s21 =	sadd.s32 $0x133800, s1;
	[smem:$0x7F5] =	sst s20  }
0x1f: {  	s7 =	sadd.s32 $0x3000, s0;
	s16 =	sadd.s32 s6, s26;
	[smem:$0x7F6] =	sst s21  }
0x20: {  	s30 =	simm.s32 $0x7B00;
	s12 =	sadd.s32 s7, s26;
	[dreg:$0x9] =	wrdreg s16  }
0x21: {  	s31 =	simm.s32 $0x8;
	s26 =	sadd.s32 $0x10400, s13;
	[dreg:$0xb] =	wrdreg s12  }
0x22: {  	s29 =	sshrl.u32 s28, $0x3;
	s28 =	sadd.s32 $0x11800, s13;
	[dreg:$0x1c] =	wrdreg s26  }
0x23: {  	s4 =	sadd.s32 $0xD000, s0;
	s22 =	sadd.s32 $0x134C00, s1;
	[dreg:$0x1d] =	wrdreg s28  }
0x24: {  	s5 =	sadd.s32 $0x34200, s0;
	s23 =	sadd.s32 $0x136000, s1;
	[smem:$0x7F7] =	sst s22  }
0x25: {  	s8 =	sadd.s32 $0x82600, s0;
	s24 =	sadd.s32 $0x137400, s1;
	[smem:$0x7F8] =	sst s23  }
0x26: {  	s3 =	sadd.s32 s3, s0;
	s25 =	sadd.s32 $0xA0, s15;
	[smem:$0x7F9] =	sst s24  }
0x27: {  	p1 =	por !p4, !p0;
	s16 =	sadd.s32 s6, s29;
	[smem:$0x7FA] =	sst s25  }
0x28: {  	s10 =	sadd.s32 s8, s10;
	s12 =	sadd.s32 s7, s29;
	[dreg:$0xc] =	wrdreg s16  }
0x29: {  	p2 =	por p4, !p0;
	s10 =	sadd.s32 $0x13600, s10;
	[dreg:$0xd] =	wrdreg s12  }
0x2a: {  	p3 =	por !p4, p0;
	s29 =	sadd.s32 $0x124800, s1;
	[dreg:$0xe] =	wrdreg s10  }
0x2b: {  	p4 =	por p4, p0;
	s26 =	sadd.s32 $0xC8, s15;
	[dreg:$0x1e] =	wrdreg s29  }
0x2c: {  	s9 =	simm.s32 $0x280;
	s28 =	sadd.s32 $0x50, s15;
	[smem:$0x7FB] =	sst s26  }
0x2d: {  	s14 =	simm.s32 $0x0;
	s12 =	sadd.s32 $0x2F3600, s3;
	[smem:$0x7FC] =	sst s28  }
0x2e: {  	s11 =	simm.s32 $0x80;
	s3 =	sadd.s32 $0x31A800, s3;
	[dreg:$0xf] =	wrdreg s12  }
0x2f: {  	s17 =	simm.s32 $0x28;
	s16 =	sadd.s32 $0x317F00, s0;
	[dreg:$0x10] =	wrdreg s3  }
0x30: {  	s20 =	simm.s32 $0x2;
	s0 =	sadd.s32 $0x33F100, s0;
	[dreg:$0x11] =	wrdreg s16  }
0x31: {  	s21 =	simm.s32 $0x3;
	s10 =	sadd.s32 $0x127000, s1;
	[dreg:$0x12] =	wrdreg s0  }
0x32: {  	s23 =	simm.s32 $0x200;
	s29 =	sadd.s32 $0x78, s15;
	[smem:$0x7EC] =	sst s10  }
0x33: {  	s24 =	simm.s32 $0x7;
	s3 =	sadd.s32 $0x12C00, s13;
	[smem:$0x7FD] =	sst s29  }
0x34: {  	s25 =	simm.s32 $0x4;
	s12 =	sadd.s32 $0x129800, s1;
	[dreg:$0x1f] =	wrdreg s3  }
0x35: {  	s15 =	simm.s32 $0x1;
	s13 =	sadd.s32 $0x12AC00, s1;
	[smem:$0x7EE] =	sst s12  }
0x36: {  	s16 =	sadd.s32 $0x12E800, s1;
	s0 =	simm.s32 $0x100;
	[smem:$0x7EF] =	sst s13  }
0x37: {  	v0 =	vimm.f32 $0.0e+00;
	s10 =	simm.s32 $0x5;
	[smem:$0x7F1] =	sst s16;
	s16 =	simm.s32 $0x6  }
.LBB2_1:
0x38: {  	s3 =	simm.s32 $0x0;
	s12 =	simm.s32 $0x200  }
.LBB2_2:
0x39: {  	p5 =	sne.s32 s12, $0x4E00;
	[tilespmem:s3+$0x7B70] =	vst v0  }
0x3a: {  	[tilespmem:s3+$0x7B00] =	vst v0  }
0x3b: {  	[tilespmem:s3+$0x7B10] =	vst v0  }
.Ltmp0:
0x3c: {  	[tilespmem:s3+$0x7B20] =	vst v0;
	(pc) =	sbr.rel @p5 .LBB2_2-.Ltmp0, $4  }
0x3d: {  	[tilespmem:s3+$0x7B30] =	vst v0  }
0x3e: {  	[tilespmem:s3+$0x7B40] =	vst v0  }
0x3f: {  	[tilespmem:s3+$0x7B50] =	vst v0  }
0x40: {  	[tilespmem:s3+$0x7B60] =	vst v0;
	s3 =	sshra.s32 s12, $0x2;
	s12 =	sadd.s32 $0x200, s12  }
0x41: {  	[tilespmem:s3+$0x7B70] =	vst v0  }
0x42: {  	[tilespmem:s3+$0x7B00] =	vst v0  }
0x43: {  	[tilespmem:s3+$0x7B10] =	vst v0  }
0x44: {  	[tilespmem:s3+$0x7B20] =	vst v0  }
0x45: {  	[tilespmem:s3+$0x7B30] =	vst v0  }
0x46: {  	[tilespmem:s3+$0x7B40] =	vst v0  }
0x47: {  	[tilespmem:s3+$0x7B50] =	vst v0  }
0x48: {  	[tilespmem:s3+$0x7B60] =	vst v0;
	s3 =	simm.s32 $0x0;
	s12 =	simm.s32 $0x200  }
.LBB2_4:
0x49: {  	p5 =	sne.s32 s12, $0x4E00;
	[tilespmem:s3+$0x8F70] =	vst v0  }
0x4a: {  	[tilespmem:s3+$0x8F00] =	vst v0  }
0x4b: {  	[tilespmem:s3+$0x8F10] =	vst v0  }
.Ltmp1:
0x4c: {  	[tilespmem:s3+$0x8F20] =	vst v0;
	(pc) =	sbr.rel @p5 .LBB2_4-.Ltmp1, $4  }
0x4d: {  	[tilespmem:s3+$0x8F30] =	vst v0  }
0x4e: {  	[tilespmem:s3+$0x8F40] =	vst v0  }
0x4f: {  	[tilespmem:s3+$0x8F50] =	vst v0  }
0x50: {  	[tilespmem:s3+$0x8F60] =	vst v0;
	s3 =	sshra.s32 s12, $0x2;
	s12 =	sadd.s32 $0x200, s12  }
0x51: {  	[tilespmem:s3+$0x8F70] =	vst v0  }
0x52: {  	[tilespmem:s3+$0x8F00] =	vst v0  }
0x53: {  	[tilespmem:s3+$0x8F10] =	vst v0  }
.Ltmp2:
0x54: {  	[tilespmem:s3+$0x8F20] =	vst v0;
	(pc) =	sbr.rel @!p0 .LBB2_6-.Ltmp2, $4  }
0x55: {  	[tilespmem:s3+$0x8F30] =	vst v0  }
0x56: {  	[tilespmem:s3+$0x8F40] =	vst v0  }
0x57: {  	[tilespmem:s3+$0x8F50] =	vst v0  }
0x58: {  	[tilespmem:s3+$0x8F60] =	vst v0;
	[smem:$0x7EA] =	sst s14  }
0x59: {  	s3 =	rddreg [dreg:$0x1e];
	s12 =	simm.s32 $0x9  }
0x5a: {  	[spmem:s3] =	stream.linear.scatter [tilespmem:s30], [sflag:$0x9], $0x1400, $0x38;
	[tilespmem:$0x1DB80] =	vst v63  }
0x5b: {  	_ =	swait.ge [sflag:s12], $0x1400  }
0x5c: {  	s14 =	sld [smem:$0x7EB]  }
0x5d: {  	[sflag:s12] =	ssyncset.done $0x0  }
0x5e: {  	[sflag:s12] =	ssyncadd.s32 $0xFFFFEC00  }
0x5f: {  	[spmem:s14] =	stream.linear.scatter [tilespmem:s30], [sflag:$0x9], $0x1400, $0x38;
	[tilespmem:$0x1DB80] =	vst v63  }
0x60: {  	_ =	swait.ge [sflag:s12], $0x1400  }
0x61: {  	s18 =	sld [smem:$0x7EC]  }
0x62: {  	[sflag:s12] =	ssyncset.done $0x0  }
0x63: {  	[sflag:s12] =	ssyncadd.s32 $0xFFFFEC00  }
0x64: {  	[spmem:s18] =	stream.linear.scatter [tilespmem:s30], [sflag:$0x9], $0x1400, $0x38;
	[tilespmem:$0x1DB80] =	vst v63  }
0x65: {  	_ =	swait.ge [sflag:s12], $0x1400  }
0x66: {  	s19 =	sld [smem:$0x7ED]  }
0x67: {  	[sflag:s12] =	ssyncset.done $0x0  }
0x68: {  	[sflag:s12] =	ssyncadd.s32 $0xFFFFEC00  }
0x69: {  	[spmem:s19] =	stream.linear.scatter [tilespmem:s30], [sflag:$0x9], $0x1400, $0x38;
	[tilespmem:$0x1DB80] =	vst v63  }
0x6a: {  	_ =	swait.ge [sflag:s12], $0x1400  }
0x6b: {  	s22 =	sld [smem:$0x7EE]  }
0x6c: {  	[sflag:s12] =	ssyncset.done $0x0  }
0x6d: {  	[sflag:s12] =	ssyncadd.s32 $0xFFFFEC00  }
0x6e: {  	[spmem:s22] =	stream.linear.scatter [tilespmem:s30], [sflag:$0x9], $0x1400, $0x38;
	[tilespmem:$0x1DB80] =	vst v63  }
0x6f: {  	_ =	swait.ge [sflag:s12], $0x1400  }
0x70: {  	s26 =	sld [smem:$0x7EF]  }
0x71: {  	[sflag:s12] =	ssyncset.done $0x0  }
0x72: {  	[sflag:s12] =	ssyncadd.s32 $0xFFFFEC00  }
0x73: {  	[spmem:s26] =	stream.linear.scatter [tilespmem:s30], [sflag:$0x9], $0x1400, $0x38;
	[tilespmem:$0x1DB80] =	vst v63  }
0x74: {  	_ =	swait.ge [sflag:s12], $0x1400  }
0x75: {  	s28 =	sld [smem:$0x7F3]  }
0x76: {  	[sflag:s12] =	ssyncset.done $0x0  }
0x77: {  	[sflag:s12] =	ssyncadd.s32 $0xFFFFEC00  }
0x78: {  	[spmem:s28] =	stream.linear.scatter [tilespmem:s30], [sflag:$0x9], $0x1400, $0x38;
	[tilespmem:$0x1DB80] =	vst v63  }
0x79: {  	_ =	swait.ge [sflag:s12], $0x1400  }
0x7a: {  	s29 =	sld [smem:$0x7F0]  }
0x7b: {  	[sflag:s12] =	ssyncset.done $0x0  }
0x7c: {  	[sflag:s12] =	ssyncadd.s32 $0xFFFFEC00  }
0x7d: {  	[spmem:s29] =	stream.linear.scatter [tilespmem:s30], [sflag:$0x9], $0x1400, $0x38;
	[tilespmem:$0x1DB80] =	vst v63  }
0x7e: {  	_ =	swait.ge [sflag:s12], $0x1400  }
0x7f: {  	s13 =	sld [smem:$0x7F1]  }
0x80: {  	[sflag:s12] =	ssyncset.done $0x0  }
0x81: {  	[sflag:s12] =	ssyncadd.s32 $0xFFFFEC00  }
0x82: {  	[spmem:s13] =	stream.linear.scatter [tilespmem:s30], [sflag:$0x9], $0x1400, $0x38;
	[tilespmem:$0x1DB80] =	vst v63  }
0x83: {  	_ =	swait.ge [sflag:s12], $0x1400  }
0x84: {  	s14 =	sld [smem:$0x7F2]  }
0x85: {  	[sflag:s12] =	ssyncset.done $0x0  }
0x86: {  	[sflag:s12] =	ssyncadd.s32 $0xFFFFEC00  }
0x87: {  	[spmem:s14] =	stream.linear.scatter [tilespmem:s30], [sflag:$0x9], $0x1400, $0x38;
	[tilespmem:$0x1DB80] =	vst v63  }
0x88: {  	_ =	swait.ge [sflag:s12], $0x1400  }
0x89: {  	s18 =	sld [smem:$0x7F4]  }
0x8a: {  	[sflag:s12] =	ssyncset.done $0x0  }
0x8b: {  	[sflag:s12] =	ssyncadd.s32 $0xFFFFEC00  }
0x8c: {  	[spmem:s18] =	stream.linear.scatter [tilespmem:s30], [sflag:$0x9], $0x1400, $0x38;
	[tilespmem:$0x1DB80] =	vst v63  }
0x8d: {  	_ =	swait.ge [sflag:s12], $0x1400  }
0x8e: {  	s19 =	sld [smem:$0x7F5]  }
0x8f: {  	[sflag:s12] =	ssyncset.done $0x0  }
0x90: {  	[sflag:s12] =	ssyncadd.s32 $0xFFFFEC00  }
0x91: {  	[spmem:s19] =	stream.linear.scatter [tilespmem:s30], [sflag:$0x9], $0x1400, $0x38;
	[tilespmem:$0x1DB80] =	vst v63  }
0x92: {  	_ =	swait.ge [sflag:s12], $0x1400  }
0x93: {  	s22 =	sld [smem:$0x7F6]  }
0x94: {  	[sflag:s12] =	ssyncset.done $0x0  }
0x95: {  	[sflag:s12] =	ssyncadd.s32 $0xFFFFEC00  }
0x96: {  	[spmem:s22] =	stream.linear.scatter [tilespmem:s30], [sflag:$0x9], $0x1400, $0x38;
	[tilespmem:$0x1DB80] =	vst v63  }
0x97: {  	_ =	swait.ge [sflag:s12], $0x1400  }
0x98: {  	s26 =	sld [smem:$0x7F7]  }
0x99: {  	[sflag:s12] =	ssyncset.done $0x0  }
0x9a: {  	[sflag:s12] =	ssyncadd.s32 $0xFFFFEC00  }
0x9b: {  	[spmem:s26] =	stream.linear.scatter [tilespmem:s30], [sflag:$0x9], $0x1400, $0x38;
	[tilespmem:$0x1DB80] =	vst v63  }
0x9c: {  	_ =	swait.ge [sflag:s12], $0x1400  }
0x9d: {  	s28 =	sld [smem:$0x7F8]  }
0x9e: {  	[sflag:s12] =	ssyncset.done $0x0  }
0x9f: {  	[sflag:s12] =	ssyncadd.s32 $0xFFFFEC00  }
0xa0: {  	[spmem:s28] =	stream.linear.scatter [tilespmem:s30], [sflag:$0x9], $0x1400, $0x38;
	[tilespmem:$0x1DB80] =	vst v63  }
0xa1: {  	_ =	swait.ge [sflag:s12], $0x1400  }
0xa2: {  	s29 =	sld [smem:$0x7F9]  }
0xa3: {  	[sflag:s12] =	ssyncset.done $0x0  }
.Ltmp3:
0xa4: {  	[sflag:s12] =	ssyncadd.s32 $0xFFFFEC00;
	(pc) =	sbr.rel .LBB2_8-.Ltmp3, $4  }
0xa5: {  	[spmem:s29] =	stream.linear.scatter [tilespmem:s30], [sflag:$0x9], $0x1400, $0x38;
	[tilespmem:$0x1DB80] =	vst v63  }
0xa6: {  	_ =	swait.ge [sflag:s12], $0x1400  }
0xa7: {  	[sflag:s12] =	ssyncset.done $0x0  }
0xa8: {  	[sflag:s12] =	ssyncadd.s32 $0xFFFFEC00  }
.LBB2_6:
0xa9: {  	s3 =	rddreg [dreg:$0x3];
	s12 =	simm.s32 $0x9  }
0xaa: {  	[spmem:s3] =	stream.linear.scatter [tilespmem:s30], [sflag:$0x9], $0x1400, $0x38;
	[tilespmem:$0x1DB80] =	vst v63  }
0xab: {  	_ =	swait.ge [sflag:s12], $0x1400  }
0xac: {  	[sflag:s12] =	ssyncset.done $0x0  }
0xad: {  	s14 =	rddreg [dreg:$0x5];
	[sflag:s12] =	ssyncadd.s32 $0xFFFFEC00  }
0xae: {  	[spmem:s14] =	stream.linear.scatter [tilespmem:s30], [sflag:$0x9], $0x1400, $0x38;
	[tilespmem:$0x1DB80] =	vst v63  }
0xaf: {  	_ =	swait.ge [sflag:s12], $0x1400  }
0xb0: {  	[sflag:s12] =	ssyncset.done $0x0  }
0xb1: {  	s18 =	rddreg [dreg:$0x6];
	[sflag:s12] =	ssyncadd.s32 $0xFFFFEC00  }
0xb2: {  	[spmem:s18] =	stream.linear.scatter [tilespmem:s30], [sflag:$0x9], $0x1400, $0x38;
	[tilespmem:$0x1DB80] =	vst v63  }
0xb3: {  	_ =	swait.ge [sflag:s12], $0x1400  }
0xb4: {  	[sflag:s12] =	ssyncset.done $0x0  }
0xb5: {  	s19 =	rddreg [dreg:$0x7];
	[sflag:s12] =	ssyncadd.s32 $0xFFFFEC00  }
0xb6: {  	[spmem:s19] =	stream.linear.scatter [tilespmem:s30], [sflag:$0x9], $0x1400, $0x38;
	[tilespmem:$0x1DB80] =	vst v63  }
0xb7: {  	_ =	swait.ge [sflag:s12], $0x1400  }
0xb8: {  	[sflag:s12] =	ssyncset.done $0x0  }
0xb9: {  	s22 =	rddreg [dreg:$0x8];
	[sflag:s12] =	ssyncadd.s32 $0xFFFFEC00  }
0xba: {  	[spmem:s22] =	stream.linear.scatter [tilespmem:s30], [sflag:$0x9], $0x1400, $0x38;
	[tilespmem:$0x1DB80] =	vst v63  }
0xbb: {  	_ =	swait.ge [sflag:s12], $0x1400  }
0xbc: {  	[sflag:s12] =	ssyncset.done $0x0  }
0xbd: {  	s26 =	rddreg [dreg:$0x14];
	[sflag:s12] =	ssyncadd.s32 $0xFFFFEC00  }
0xbe: {  	[spmem:s26] =	stream.linear.scatter [tilespmem:s30], [sflag:$0x9], $0x1400, $0x38;
	[tilespmem:$0x1DB80] =	vst v63  }
0xbf: {  	_ =	swait.ge [sflag:s12], $0x1400  }
0xc0: {  	[sflag:s12] =	ssyncset.done $0x0  }
0xc1: {  	s28 =	rddreg [dreg:$0x15];
	[sflag:s12] =	ssyncadd.s32 $0xFFFFEC00  }
0xc2: {  	[spmem:s28] =	stream.linear.scatter [tilespmem:s30], [sflag:$0x9], $0x1400, $0x38;
	[tilespmem:$0x1DB80] =	vst v63  }
0xc3: {  	_ =	swait.ge [sflag:s12], $0x1400  }
0xc4: {  	[sflag:s12] =	ssyncset.done $0x0  }
0xc5: {  	s29 =	rddreg [dreg:$0x16];
	[sflag:s12] =	ssyncadd.s32 $0xFFFFEC00  }
0xc6: {  	[spmem:s29] =	stream.linear.scatter [tilespmem:s30], [sflag:$0x9], $0x1400, $0x38;
	[tilespmem:$0x1DB80] =	vst v63  }
0xc7: {  	_ =	swait.ge [sflag:s12], $0x1400  }
0xc8: {  	[sflag:s12] =	ssyncset.done $0x0  }
0xc9: {  	s13 =	rddreg [dreg:$0x17];
	[sflag:s12] =	ssyncadd.s32 $0xFFFFEC00  }
0xca: {  	[spmem:s13] =	stream.linear.scatter [tilespmem:s30], [sflag:$0x9], $0x1400, $0x38;
	[tilespmem:$0x1DB80] =	vst v63  }
0xcb: {  	_ =	swait.ge [sflag:s12], $0x1400  }
0xcc: {  	[sflag:s12] =	ssyncset.done $0x0  }
0xcd: {  	s14 =	rddreg [dreg:$0x18];
	[sflag:s12] =	ssyncadd.s32 $0xFFFFEC00  }
0xce: {  	[spmem:s14] =	stream.linear.scatter [tilespmem:s30], [sflag:$0x9], $0x1400, $0x38;
	[tilespmem:$0x1DB80] =	vst v63  }
0xcf: {  	_ =	swait.ge [sflag:s12], $0x1400  }
0xd0: {  	[sflag:s12] =	ssyncset.done $0x0  }
0xd1: {  	s18 =	rddreg [dreg:$0x19];
	[sflag:s12] =	ssyncadd.s32 $0xFFFFEC00  }
0xd2: {  	[spmem:s18] =	stream.linear.scatter [tilespmem:s30], [sflag:$0x9], $0x1400, $0x38;
	[tilespmem:$0x1DB80] =	vst v63  }
0xd3: {  	_ =	swait.ge [sflag:s12], $0x1400  }
0xd4: {  	[sflag:s12] =	ssyncset.done $0x0  }
0xd5: {  	s19 =	rddreg [dreg:$0x1a];
	[sflag:s12] =	ssyncadd.s32 $0xFFFFEC00  }
0xd6: {  	[spmem:s19] =	stream.linear.scatter [tilespmem:s30], [sflag:$0x9], $0x1400, $0x38;
	[tilespmem:$0x1DB80] =	vst v63  }
0xd7: {  	_ =	swait.ge [sflag:s12], $0x1400  }
0xd8: {  	[sflag:s12] =	ssyncset.done $0x0  }
0xd9: {  	s22 =	rddreg [dreg:$0x1b];
	[sflag:s12] =	ssyncadd.s32 $0xFFFFEC00  }
0xda: {  	[spmem:s22] =	stream.linear.scatter [tilespmem:s30], [sflag:$0x9], $0x1400, $0x38;
	[tilespmem:$0x1DB80] =	vst v63  }
0xdb: {  	_ =	swait.ge [sflag:s12], $0x1400  }
0xdc: {  	[sflag:s12] =	ssyncset.done $0x0  }
0xdd: {  	s26 =	rddreg [dreg:$0x1c];
	[sflag:s12] =	ssyncadd.s32 $0xFFFFEC00  }
0xde: {  	[spmem:s26] =	stream.linear.scatter [tilespmem:s30], [sflag:$0x9], $0x1400, $0x38;
	[tilespmem:$0x1DB80] =	vst v63  }
0xdf: {  	_ =	swait.ge [sflag:s12], $0x1400  }
0xe0: {  	[sflag:s12] =	ssyncset.done $0x0  }
0xe1: {  	s28 =	rddreg [dreg:$0x1d];
	[sflag:s12] =	ssyncadd.s32 $0xFFFFEC00  }
0xe2: {  	[spmem:s28] =	stream.linear.scatter [tilespmem:s30], [sflag:$0x9], $0x1400, $0x38;
	[tilespmem:$0x1DB80] =	vst v63  }
0xe3: {  	_ =	swait.ge [sflag:s12], $0x1400  }
0xe4: {  	[sflag:s12] =	ssyncset.done $0x0  }
0xe5: {  	s29 =	rddreg [dreg:$0x1f];
	[sflag:s12] =	ssyncadd.s32 $0xFFFFEC00  }
0xe6: {  	[spmem:s29] =	stream.linear.scatter [tilespmem:s30], [sflag:$0x9], $0xC00, $0x38;
	[tilespmem:$0x1DB80] =	vst v63  }
0xe7: {  	_ =	swait.ge [sflag:s12], $0xC00  }
0xe8: {  	[sflag:s12] =	ssyncset.done $0x0  }
0xe9: {  	[sflag:s12] =	ssyncadd.s32 $0xFFFFF400  }
.LBB2_8:
0xea: {  	[bflag:$0x0] =	sbarrier.arrive $0xFFFF  }
0xeb: {  	s14 =	simm.s32 $0x0;
	s3 =	rddreg [dreg:$0x9]  }
0xec: {  	[tilespmem:s14], [sflag:$0x1] =	stream.linear.gather [hbm4b:s3+s14], $0x28, $0x38;
	[tilespmem:$0x1DB80] =	vst v63  }
0xed: {  	s19 =	rddreg [dreg:$0xb]  }
0xee: {  	[tilespmem:s0], [sflag:$0x1] =	stream.linear.gather [hbm4b:s19+s14], $0x28, $0x38;
	[tilespmem:$0x1DB80] =	vst v63  }
0xef: {  	s22 =	rddreg [dreg:$0xc]  }
0xf0: {  	[tilespmem:s11], [sflag:$0x2] =	stream.linear.gather [hbm4b:s22+s14], $0x28, $0x38;
	[tilespmem:$0x1DB80] =	vst v63  }
0xf1: {  	s12 =	simm.s32 $0x180;
	s26 =	rddreg [dreg:$0xd]  }
0xf2: {  	[tilespmem:s12], [sflag:$0x2] =	stream.linear.gather [hbm4b:s26+s14], $0x28, $0x38;
	[tilespmem:$0x1DB80] =	vst v63  }
0xf3: {  	_ =	swait.ge [sflag:s15], $0x28  }
0xf4: {  	[sflag:s15] =	ssyncset.done $0x0  }
0xf5: {  	[sflag:s15] =	ssyncadd.s32 $0xFFFFFFD8  }
0xf6: {  	_ =	swait.ge [sflag:s15], $0x28  }
0xf7: {  	[sflag:s15] =	ssyncset.done $0x0  }
0xf8: {  	s28 =	simm.s32 $0x300;
	[sflag:s15] =	ssyncadd.s32 $0xFFFFFFD8  }
0xf9: {  	[tilespmem:s28], [sflag:$0x3] =	stream.indirect.gather [hbm4b:s4+s17], $0x80, s14, s17, $0xb8;
	[tilespmem:$0x1DB80] =	vst v63  }
0xfa: {  	s29 =	simm.s32 $0x2B00  }
0xfb: {  	[tilespmem:s29], [sflag:$0x3] =	stream.indirect.gather [hbm4b:s5+s17], $0x80, s0, s17, $0xb8;
	[tilespmem:$0x1DB80] =	vst v63  }
.LBB2_9:
0xfc: {  	_ =	swait.ge [sflag:s20], $0x28  }
0xfd: {  	[sflag:s20] =	ssyncset.done $0x0  }
0xfe: {  	[sflag:s20] =	ssyncadd.s32 $0xFFFFFFD8  }
0xff: {  	p5 =	seq.s32 s14, $0x0;
	_ =	swait.ge [sflag:s20], $0x28  }
0x100: {  	s3 =	simm.s32 @p5 $0x28;
	[sflag:s20] =	ssyncset.done $0x0  }
0x101: {  	s12 =	simm.s32 @p5 $0x80;
	s13 =	simm.s32 @p5 $0x1700;
	[sflag:s20] =	ssyncadd.s32 $0xFFFFFFD8  }
0x102: {  	[tilespmem:s13], [sflag:$0x4] =	stream.indirect.gather @p5 [hbm4b:s4+s3], $0x80, s12, s3, $0xb8;
	[tilespmem:$0x1DB80] =	vst v63  }
0x103: {  	s12 =	simm.s32 @p5 $0x180;
	s13 =	simm.s32 @p5 $0x3F00  }
0x104: {  	[tilespmem:s13], [sflag:$0x4] =	stream.indirect.gather @p5 [hbm4b:s5+s3], $0x80, s12, s3, $0xb8;
	[tilespmem:$0x1DB80] =	vst v63  }
0x105: {  	s3 =	simm.s32 @!p5 $0x8  }
0x106: {  	_ =	swait.ge @!p5 [sflag:s3], $0x1400  }
0x107: {  	s12 =	simm.s32 @!p5 $0x80;
	[sflag:s3] =	ssyncset.done @!p5 $0x0  }
0x108: {  	s13 =	simm.s32 @!p5 $0x1700;
	[sflag:s3] =	ssyncadd.s32 @!p5 $0xFFFFEC00;
	s3 =	simm.s32 @!p5 $0x28  }
0x109: {  	[tilespmem:s13], [sflag:$0x4] =	stream.indirect.gather @!p5 [hbm4b:s4+s3], $0x80, s12, s3, $0xb8;
	[tilespmem:$0x1DB80] =	vst v63  }
0x10a: {  	s12 =	simm.s32 @!p5 $0x180;
	s13 =	simm.s32 @!p5 $0x3F00  }
0x10b: {  	[tilespmem:s13], [sflag:$0x4] =	stream.indirect.gather @!p5 [hbm4b:s5+s3], $0x80, s12, s3, $0xb8;
	[tilespmem:$0x1DB80] =	vst v63  }
0x10c: {  	s3 =	simm.s32 @!p5 $0x3  }
0x10d: {  	_ =	swait.ge @!p5 [sflag:s3], $0x1400  }
0x10e: {  	[sflag:s3] =	ssyncset.done @!p5 $0x0  }
0x10f: {  	[sflag:s3] =	ssyncadd.s32 @!p5 $0xFFFFEC00  }
0x110: {  	_ =	swait.ge [sflag:s21], $0x1400  }
0x111: {  	s3 =	simm.s32 @!p5 $0x5;
	[sflag:s21] =	ssyncset.done $0x0  }
0x112: {  	s3 =	simm.s32 @p5 $0x3;
	[sflag:s21] =	ssyncadd.s32 $0xFFFFEC00  }
0x113: {  	_ =	swait.ge [sflag:s3], $0x1400  }
0x114: {  	[sflag:s3] =	ssyncset.done $0x0  }
0x115: {  	s13 =	simm.s32 $0x380;
	[sflag:s3] =	ssyncadd.s32 $0xFFFFEC00  }
0x116: {  	s18 =	simm.s32 $0x2B80;
	v1 =	vld [tilespmem:s13+$0xFFFFFF80]  }
0x117: {  	v2 =	vld [tilespmem:s18+$0xFFFFFF80];
	_ =	sdelay $0x3  }
0x118: {  	v3 =	vld [tilespmem:s13+$0x0]  }
0x119: {  	s19 =	simm.s32 $0x480;
	v4 =	vld [tilespmem:s18+$0x0];
	v1 =	vadd.f32 v2, v1  }
0x11a: {  	s22 =	simm.s32 $0x2C80;
	v5 =	vld [tilespmem:s19+$0xFFFFFF80]  }
0x11b: {  	v7 =	vld [tilespmem:s22+$0xFFFFFF80];
	v6 =	vmul.f32 $2.000000030e-01, v1  }
0x11c: {  	v8 =	vld [tilespmem:s22+$0x0]  }
0x11d: {  	v2 =	vld [tilespmem:s19+$0x0];
	v1 =	vmax.f32 v1, v6  }
0x11e: {  	v3 =	vadd.f32 v4, v3;
	v1 =	vmul.f32 $1.442695020e+00, v1  }
0x11f: {  	s26 =	simm.s32 $0x580  }
0x120: {  	s28 =	simm.s32 $0x2D80;
	v4 =	vld [tilespmem:s26+$0xFFFFFF80];
	(erf) = vpow2.f32 v1;
	v1 =	vmul.f32 $2.000000030e-01, v3  }
0x121: {  	v5 =	vadd.f32 v7, v5;
	v6 =	vld [tilespmem:s28+$0xFFFFFF80]  }
0x122: {  	v2 =	vadd.f32 v8, v2;
	v1 =	vmax.f32 v3, v1  }
0x123: {  	v9 =	vld [tilespmem:s26+$0x0];
	v3 =	vmul.f32 $2.000000030e-01, v5;
	v1 =	vmul.f32 $1.442695020e+00, v1  }
0x124: {  	v7 =	vld [tilespmem:s28+$0x0];
	v8 =	vmul.f32 $2.000000030e-01, v2  }
0x125: {  	v5 =	vmax.f32 v5, v3;
	(erf) = vpow2.f32 v1  }
0x126: {  	s29 =	simm.s32 $0x680;
	v6 =	vadd.f32 v6, v4;
	v4 =	vmul.f32 $1.442695020e+00, v5;
	v5 =	vmax.f32 v2, v8  }
0x127: {  	v3 =	vld [tilespmem:s29+$0x0];
	v8 =	vmul.f32 $1.442695020e+00, v5  }
0x128: {  	s18 =	simm.s32 $0x2E80;
	v1 =	vld [tilespmem:s29+$0xFFFFFF80];
	(erf) = vpow2.f32 v4  }
0x129: {  	v2 =	vadd.f32 v7, v9;
	v9 =	vmul.f32 $2.000000030e-01, v6;
	v5 =	vld [tilespmem:s18+$0xFFFFFF80];
	(erf) = vpow2.f32 v8  }
0x12a: {  	s12 =	simm.s32 $0x5480;
	s3 =	simm.s32 $0x5380;
	s13 =	simm.s32 $0x7B80;
	v4 =	vld [tilespmem:s18+$0x0]  }
0x12b: {  	s22 =	simm.s32 $0x780;
	s19 =	simm.s32 $0x6;
	s26 =	simm.s32 $0x7B80;
	v7 =	vmul.f32 $2.000000030e-01, v2;
	v8 =	vmax.f32 v6, v9;
	v6 =	vpop (erf)  }
.LBB2_10:
0x12c: {  	s19 =	sadd.s32 $0x2, s19  }
0x12d: {  	v9 =	vld [tilespmem:s22+$0x0];
	s18 =	sadd.s32 $0x100, s18;
	v8 =	vmul.f32 $1.442695020e+00, v8;
	[tilespmem:s3+$0xFFFFFF80] =	vst v6;
	s13 =	sadd.s32 $0x100, s13;
	p6 =	slt.u32 s19, $0x26  }
.Ltmp4:
0x12e: {  	v7 =	vmax.f32 v2, v7;
	v10 =	vadd.f32 v5, v1;
	v1 =	vld [tilespmem:s22+$0xFFFFFF80];
	[tilespmem:s26+$0xFFFFFF80] =	vst v6;
	v6 =	vpop (erf);
	(pc) =	sbr.rel @p6 .LBB2_10-.Ltmp4, $4  }
0x12f: {  	v11 =	vmul.f32 $1.442695020e+00, v7;
	v5 =	vld [tilespmem:s18+$0xFFFFFF80];
	v2 =	vadd.f32 v4, v3;
	(erf) = vpow2.f32 v8;
	[tilespmem:s3+$0x0] =	vst v6;
	s3 =	smov.u32 s12  }
0x130: {  	v4 =	vld [tilespmem:s18+$0x0];
	v8 =	vmul.f32 $2.000000030e-01, v10;
	[tilespmem:s26+$0x0] =	vst v6;
	s26 =	smov.u32 s13  }
0x131: {  	v7 =	vmul.f32 $2.000000030e-01, v2;
	(erf) = vpow2.f32 v11  }
0x132: {  	s22 =	sadd.s32 $0x100, s22;
	s12 =	sadd.s32 $0x100, s12;
	v8 =	vmax.f32 v10, v8;
	v6 =	vpop (erf);
	v3 =	vmov v9  }
0x133: {  	_ = 	snop  }
0x134: {  	v1 =	vadd.f32 v5, v1  }
0x135: {  	v2 =	vmax.f32 v2, v7  }
0x136: {  	v5 =	vmul.f32 $1.442695020e+00, v8;
	v3 =	vadd.f32 v4, v3;
	v4 =	vmul.f32 $2.000000030e-01, v1  }
0x137: {  	v2 =	vmul.f32 $1.442695020e+00, v2  }
0x138: {  	(erf) = vpow2.f32 v5;
	v1 =	vmax.f32 v1, v4  }
0x139: {  	v5 =	vmul.f32 $2.000000030e-01, v3;
	v1 =	vmul.f32 $1.442695020e+00, v1  }
0x13a: {  	[tilespmem:s3+$0xFFFFFF80] =	vst v6;
	(erf) = vpow2.f32 v2  }
0x13b: {  	[tilespmem:s26+$0xFFFFFF80] =	vst v6;
	v2 =	vpop (erf);
	v3 =	vmax.f32 v3, v5  }
0x13c: {  	[tilespmem:s3+$0x0] =	vst v2;
	v3 =	vmul.f32 $1.442695020e+00, v3;
	(erf) = vpow2.f32 v1  }
0x13d: {  	[tilespmem:s26+$0x0] =	vst v2;
	v1 =	vpop (erf)  }
0x13e: {  	s13 =	sadd.s32 $0x100, s13;
	(erf) = vpow2.f32 v3;
	[tilespmem:s12+$0xFFFFFF80] =	vst v1  }
0x13f: {  	v2 =	vpop (erf);
	[tilespmem:s13+$0xFFFFFF80] =	vst v1  }
0x140: {  	[tilespmem:s12+$0x0] =	vst v2  }
0x141: {  	s18 =	sadd.s32 $0x100, s12;
	v1 =	vpop (erf);
	[tilespmem:s13+$0x0] =	vst v2  }
0x142: {  	s3 =	sadd.s32 $0x100, s13;
	[tilespmem:s18+$0xFFFFFF80] =	vst v1  }
0x143: {  	[tilespmem:s3+$0xFFFFFF80] =	vst v1;
	v1 =	vpop (erf)  }
0x144: {  	[tilespmem:s18+$0x0] =	vst v1  }
0x145: {  	s12 =	sadd.s32 $0x100, s18;
	[tilespmem:s3+$0x0] =	vst v1;
	v1 =	vpop (erf)  }
0x146: {  	s3 =	sadd.s32 $0x100, s3;
	[tilespmem:s12+$0xFFFFFF80] =	vst v1  }
0x147: {  	s13 =	smul.u32 $0xA0, s14;
	[tilespmem:s3+$0xFFFFFF80] =	vst v1;
	v1 =	vpop (erf)  }
0x148: {  	s18 =	rddreg [dreg:$0x4];
	[tilespmem:s12+$0x0] =	vst v1  }
0x149: {  	s18 =	sadd.s32 s18, s13;
	[tilespmem:s3+$0x0] =	vst v1  }
0x14a: {  	s19 =	sshll.u32 s18, $0x4;
	s12 =	sld [smem:$0x7FC]  }
0x14b: {  	s26 =	simm.s32 $0x5300;
	s22 =	sadd.s32 s8, s19  }
0x14c: {  	[hbm4b:s22+s2] =	stream.linear.scatter [tilespmem:s26], [sflag:$0x5], $0x1400, $0x38;
	[tilespmem:$0x1DB80] =	vst v63  }
0x14d: {  	s28 =	sadd.s32 s12, s13  }
0x14e: {  	[spmem:s1] =	stream.indirect.scatter.add.f32 [tilespmem:s30], [sflag:$0x7], $0x80, s0, s17, $0xb8;
	[tilespmem:$0x1DB80] =	vst v63  }
0x14f: {  	s3 =	sshrl.u32 s28, $0x3  }
0x150: {  	s18 =	sadd.s32 s6, s3  }
0x151: {  	[tilespmem:s2], [sflag:$0x1] =	stream.linear.gather [hbm4b:s18+s2], $0x28, $0x38;
	[tilespmem:$0x1DB80] =	vst v63  }
0x152: {  	s3 =	sadd.s32 s7, s3  }
0x153: {  	[tilespmem:s23], [sflag:$0x1] =	stream.linear.gather [hbm4b:s3+s2], $0x28, $0x38;
	[tilespmem:$0x1DB80] =	vst v63  }
0x154: {  	_ =	swait.ge [sflag:s15], $0x28  }
0x155: {  	[sflag:s15] =	ssyncset.done $0x0  }
0x156: {  	[sflag:s15] =	ssyncadd.s32 $0xFFFFFFD8  }
0x157: {  	_ =	swait.ge [sflag:s15], $0x28  }
0x158: {  	[sflag:s15] =	ssyncset.done $0x0  }
0x159: {  	[sflag:s15] =	ssyncadd.s32 $0xFFFFFFD8  }
0x15a: {  	_ =	swait.ge [sflag:s24], $0x1400  }
0x15b: {  	[sflag:s24] =	ssyncset.done $0x0  }
0x15c: {  	s19 =	simm.s32 $0x300;
	[sflag:s24] =	ssyncadd.s32 $0xFFFFEC00  }
0x15d: {  	[tilespmem:s19], [sflag:$0x3] =	stream.indirect.gather [hbm4b:s4+s17], $0x80, s2, s17, $0xb8;
	[tilespmem:$0x1DB80] =	vst v63  }
0x15e: {  	s22 =	simm.s32 $0x2B00  }
0x15f: {  	[tilespmem:s22], [sflag:$0x3] =	stream.indirect.gather [hbm4b:s5+s17], $0x80, s23, s17, $0xb8;
	[tilespmem:$0x1DB80] =	vst v63  }
0x160: {  	_ =	swait.ge [sflag:s25], $0x1400  }
0x161: {  	[sflag:s25] =	ssyncset.done $0x0  }
0x162: {  	[sflag:s25] =	ssyncadd.s32 $0xFFFFEC00  }
0x163: {  	_ =	swait.ge [sflag:s25], $0x1400  }
0x164: {  	[sflag:s25] =	ssyncset.done $0x0  }
0x165: {  	s3 =	simm.s32 @!p5 $0x6;
	[sflag:s25] =	ssyncadd.s32 $0xFFFFEC00  }
0x166: {  	_ =	swait.ge @!p5 [sflag:s3], $0x1400  }
0x167: {  	[sflag:s3] =	ssyncset.done @!p5 $0x0  }
0x168: {  	s26 =	simm.s32 $0x1780;
	[sflag:s3] =	ssyncadd.s32 @!p5 $0xFFFFEC00  }
0x169: {  	s30 =	simm.s32 $0x3F80;
	v1 =	vld [tilespmem:s26+$0xFFFFFF80]  }
0x16a: {  	v2 =	vld [tilespmem:s30+$0xFFFFFF80];
	_ =	sdelay $0x3  }
0x16b: {  	v3 =	vld [tilespmem:s26+$0x0]  }
0x16c: {  	s18 =	simm.s32 $0x1880;
	v4 =	vld [tilespmem:s30+$0x0];
	v1 =	vadd.f32 v2, v1  }
0x16d: {  	s19 =	simm.s32 $0x4080;
	v5 =	vld [tilespmem:s18+$0xFFFFFF80]  }
0x16e: {  	v7 =	vld [tilespmem:s19+$0xFFFFFF80];
	v6 =	vmul.f32 $2.000000030e-01, v1  }
0x16f: {  	v8 =	vld [tilespmem:s19+$0x0]  }
0x170: {  	v2 =	vld [tilespmem:s18+$0x0];
	v1 =	vmax.f32 v1, v6  }
0x171: {  	v3 =	vadd.f32 v4, v3;
	v1 =	vmul.f32 $1.442695020e+00, v1  }
0x172: {  	s22 =	simm.s32 $0x1980  }
0x173: {  	s26 =	simm.s32 $0x4180;
	v4 =	vld [tilespmem:s22+$0xFFFFFF80];
	(erf) = vpow2.f32 v1;
	v1 =	vmul.f32 $2.000000030e-01, v3  }
0x174: {  	v5 =	vadd.f32 v7, v5;
	v6 =	vld [tilespmem:s26+$0xFFFFFF80]  }
0x175: {  	v2 =	vadd.f32 v8, v2;
	v1 =	vmax.f32 v3, v1  }
0x176: {  	v9 =	vld [tilespmem:s22+$0x0];
	v3 =	vmul.f32 $2.000000030e-01, v5;
	v1 =	vmul.f32 $1.442695020e+00, v1  }
0x177: {  	v7 =	vld [tilespmem:s26+$0x0];
	v8 =	vmul.f32 $2.000000030e-01, v2  }
0x178: {  	v5 =	vmax.f32 v5, v3;
	(erf) = vpow2.f32 v1  }
0x179: {  	s30 =	simm.s32 $0x1A80;
	v6 =	vadd.f32 v6, v4;
	v4 =	vmul.f32 $1.442695020e+00, v5;
	v5 =	vmax.f32 v2, v8  }
0x17a: {  	v3 =	vld [tilespmem:s30+$0x0];
	v8 =	vmul.f32 $1.442695020e+00, v5  }
0x17b: {  	s18 =	simm.s32 $0x4280;
	v1 =	vld [tilespmem:s30+$0xFFFFFF80];
	(erf) = vpow2.f32 v4  }
0x17c: {  	v2 =	vadd.f32 v7, v9;
	v9 =	vmul.f32 $2.000000030e-01, v6;
	v5 =	vld [tilespmem:s18+$0xFFFFFF80];
	(erf) = vpow2.f32 v8  }
0x17d: {  	s29 =	simm.s32 $0x8F80;
	s12 =	simm.s32 $0x6880;
	s3 =	simm.s32 $0x6780;
	v4 =	vld [tilespmem:s18+$0x0]  }
0x17e: {  	s19 =	simm.s32 $0x6;
	s22 =	simm.s32 $0x1B80;
	s26 =	simm.s32 $0x8F80;
	v7 =	vmul.f32 $2.000000030e-01, v2;
	v8 =	vmax.f32 v6, v9;
	v6 =	vpop (erf)  }
.LBB2_12:
0x17f: {  	s19 =	sadd.s32 $0x2, s19  }
0x180: {  	v9 =	vld [tilespmem:s22+$0x0];
	s18 =	sadd.s32 $0x100, s18;
	v8 =	vmul.f32 $1.442695020e+00, v8;
	[tilespmem:s3+$0xFFFFFF80] =	vst v6;
	s29 =	sadd.s32 $0x100, s29;
	p5 =	slt.u32 s19, $0x26  }
.Ltmp5:
0x181: {  	v7 =	vmax.f32 v2, v7;
	v10 =	vadd.f32 v5, v1;
	v1 =	vld [tilespmem:s22+$0xFFFFFF80];
	[tilespmem:s26+$0xFFFFFF80] =	vst v6;
	v6 =	vpop (erf);
	(pc) =	sbr.rel @p5 .LBB2_12-.Ltmp5, $4  }
0x182: {  	v11 =	vmul.f32 $1.442695020e+00, v7;
	v5 =	vld [tilespmem:s18+$0xFFFFFF80];
	v2 =	vadd.f32 v4, v3;
	(erf) = vpow2.f32 v8;
	[tilespmem:s3+$0x0] =	vst v6;
	s3 =	smov.u32 s12  }
0x183: {  	v4 =	vld [tilespmem:s18+$0x0];
	v8 =	vmul.f32 $2.000000030e-01, v10;
	[tilespmem:s26+$0x0] =	vst v6;
	s26 =	smov.u32 s29  }
0x184: {  	v7 =	vmul.f32 $2.000000030e-01, v2;
	(erf) = vpow2.f32 v11  }
0x185: {  	s22 =	sadd.s32 $0x100, s22;
	s12 =	sadd.s32 $0x100, s12;
	v8 =	vmax.f32 v10, v8;
	v6 =	vpop (erf);
	v3 =	vmov v9  }
0x186: {  	_ = 	snop  }
0x187: {  	v1 =	vadd.f32 v5, v1  }
0x188: {  	v2 =	vmax.f32 v2, v7  }
0x189: {  	v5 =	vmul.f32 $1.442695020e+00, v8;
	v3 =	vadd.f32 v4, v3;
	v4 =	vmul.f32 $2.000000030e-01, v1  }
0x18a: {  	v2 =	vmul.f32 $1.442695020e+00, v2  }
0x18b: {  	(erf) = vpow2.f32 v5;
	v1 =	vmax.f32 v1, v4  }
0x18c: {  	v1 =	vmul.f32 $1.442695020e+00, v1  }
0x18d: {  	[tilespmem:s3+$0xFFFFFF80] =	vst v6;
	(erf) = vpow2.f32 v2  }
0x18e: {  	[tilespmem:s26+$0xFFFFFF80] =	vst v6;
	v5 =	vmul.f32 $2.000000030e-01, v3;
	v2 =	vpop (erf)  }
0x18f: {  	[tilespmem:s3+$0x0] =	vst v2;
	(erf) = vpow2.f32 v1  }
0x190: {  	v3 =	vmax.f32 v3, v5;
	[tilespmem:s26+$0x0] =	vst v2;
	v1 =	vpop (erf)  }
0x191: {  	v3 =	vmul.f32 $1.442695020e+00, v3;
	s26 =	sadd.s32 $0x100, s29;
	[tilespmem:s12+$0xFFFFFF80] =	vst v1  }
0x192: {  	v2 =	vpop (erf);
	[tilespmem:s26+$0xFFFFFF80] =	vst v1  }
0x193: {  	(erf) = vpow2.f32 v3;
	[tilespmem:s12+$0x0] =	vst v2  }
0x194: {  	s18 =	sadd.s32 $0x100, s12;
	v1 =	vpop (erf);
	[tilespmem:s26+$0x0] =	vst v2  }
0x195: {  	s3 =	sadd.s32 $0x100, s26;
	[tilespmem:s18+$0xFFFFFF80] =	vst v1  }
0x196: {  	[tilespmem:s3+$0xFFFFFF80] =	vst v1;
	v1 =	vpop (erf)  }
0x197: {  	[tilespmem:s18+$0x0] =	vst v1  }
0x198: {  	s12 =	sadd.s32 $0x100, s18;
	[tilespmem:s3+$0x0] =	vst v1;
	v1 =	vpop (erf)  }
0x199: {  	s3 =	sadd.s32 $0x100, s3;
	[tilespmem:s12+$0xFFFFFF80] =	vst v1  }
0x19a: {  	[tilespmem:s3+$0xFFFFFF80] =	vst v1  }
0x19b: {  	s18 =	rddreg [dreg:$0xa]  }
0x19c: {  	v1 =	vpop (erf);
	s18 =	sadd.s32 s13, s18  }
0x19d: {  	[tilespmem:s12+$0x0] =	vst v1;
	s19 =	sshll.u32 s18, $0x4  }
0x19e: {  	s26 =	simm.s32 $0x6700;
	[tilespmem:s3+$0x0] =	vst v1;
	s22 =	sadd.s32 s8, s19  }
0x19f: {  	[hbm4b:s22+s2] =	stream.linear.scatter [tilespmem:s26], [sflag:$0x6], $0x1400, $0x38;
	[tilespmem:$0x1DB80] =	vst v63  }
0x1a0: {  	s22 =	sld [smem:$0x7FD]  }
0x1a1: {  	s18 =	simm.s32 $0x180;
	s19 =	simm.s32 $0x8F00  }
0x1a2: {  	[spmem:s1] =	stream.indirect.scatter.add.f32 [tilespmem:s19], [sflag:$0x8], $0x80, s18, s17, $0xb8;
	[tilespmem:$0x1DB80] =	vst v63  }
0x1a3: {  	s29 =	sadd.s32 s22, s13  }
0x1a4: {  	s3 =	sshrl.u32 s29, $0x3  }
0x1a5: {  	s26 =	sadd.s32 s6, s3  }
0x1a6: {  	[tilespmem:s11], [sflag:$0x2] =	stream.linear.gather [hbm4b:s26+s2], $0x28, $0x38;
	[tilespmem:$0x1DB80] =	vst v63  }
0x1a7: {  	s3 =	sadd.s32 s7, s3  }
0x1a8: {  	[tilespmem:s9], [sflag:$0x2] =	stream.linear.gather [hbm4b:s3+s2], $0x28, $0x38;
	[tilespmem:$0x1DB80] =	vst v63  }
0x1a9: {  	_ =	swait.ge [sflag:s20], $0x28  }
0x1aa: {  	[sflag:s20] =	ssyncset.done $0x0  }
0x1ab: {  	[sflag:s20] =	ssyncadd.s32 $0xFFFFFFD8  }
0x1ac: {  	_ =	swait.ge [sflag:s20], $0x28  }
0x1ad: {  	[sflag:s20] =	ssyncset.done $0x0  }
0x1ae: {  	[sflag:s20] =	ssyncadd.s32 $0xFFFFFFD8  }
0x1af: {  	_ =	swait.ge [sflag:s31], $0x1400  }
0x1b0: {  	[sflag:s31] =	ssyncset.done $0x0  }
0x1b1: {  	s18 =	simm.s32 $0x1700;
	[sflag:s31] =	ssyncadd.s32 $0xFFFFEC00  }
0x1b2: {  	[tilespmem:s18], [sflag:$0x4] =	stream.indirect.gather [hbm4b:s4+s17], $0x80, s11, s17, $0xb8;
	[tilespmem:$0x1DB80] =	vst v63  }
0x1b3: {  	s19 =	simm.s32 $0x3F00  }
0x1b4: {  	[tilespmem:s19], [sflag:$0x4] =	stream.indirect.gather [hbm4b:s5+s17], $0x80, s9, s17, $0xb8;
	[tilespmem:$0x1DB80] =	vst v63  }
0x1b5: {  	_ =	swait.ge [sflag:s21], $0x1400  }
0x1b6: {  	[sflag:s21] =	ssyncset.done $0x0  }
0x1b7: {  	[sflag:s21] =	ssyncadd.s32 $0xFFFFEC00  }
0x1b8: {  	_ =	swait.ge [sflag:s21], $0x1400  }
0x1b9: {  	[sflag:s21] =	ssyncset.done $0x0  }
0x1ba: {  	[sflag:s21] =	ssyncadd.s32 $0xFFFFEC00  }
0x1bb: {  	_ =	swait.ge [sflag:s10], $0x1400  }
0x1bc: {  	[sflag:s10] =	ssyncset.done $0x0  }
0x1bd: {  	s22 =	simm.s32 $0x380;
	[sflag:s10] =	ssyncadd.s32 $0xFFFFEC00  }
0x1be: {  	s26 =	simm.s32 $0x2B80;
	v1 =	vld [tilespmem:s22+$0xFFFFFF80]  }
0x1bf: {  	v2 =	vld [tilespmem:s26+$0xFFFFFF80];
	_ =	sdelay $0x3  }
0x1c0: {  	v3 =	vld [tilespmem:s22+$0x0]  }
0x1c1: {  	s12 =	simm.s32 $0x480;
	v4 =	vld [tilespmem:s26+$0x0];
	v1 =	vadd.f32 v2, v1  }
0x1c2: {  	s18 =	simm.s32 $0x2C80;
	v5 =	vld [tilespmem:s12+$0xFFFFFF80]  }
0x1c3: {  	v7 =	vld [tilespmem:s18+$0xFFFFFF80];
	v6 =	vmul.f32 $2.000000030e-01, v1  }
0x1c4: {  	v8 =	vld [tilespmem:s18+$0x0]  }
0x1c5: {  	v2 =	vld [tilespmem:s12+$0x0];
	v1 =	vmax.f32 v1, v6  }
0x1c6: {  	v3 =	vadd.f32 v4, v3;
	v1 =	vmul.f32 $1.442695020e+00, v1  }
0x1c7: {  	s19 =	simm.s32 $0x580  }
0x1c8: {  	s22 =	simm.s32 $0x2D80;
	v4 =	vld [tilespmem:s19+$0xFFFFFF80];
	(erf) = vpow2.f32 v1;
	v1 =	vmul.f32 $2.000000030e-01, v3  }
0x1c9: {  	v5 =	vadd.f32 v7, v5;
	v6 =	vld [tilespmem:s22+$0xFFFFFF80]  }
0x1ca: {  	v2 =	vadd.f32 v8, v2;
	v1 =	vmax.f32 v3, v1  }
0x1cb: {  	v9 =	vld [tilespmem:s19+$0x0];
	v3 =	vmul.f32 $2.000000030e-01, v5;
	v1 =	vmul.f32 $1.442695020e+00, v1  }
0x1cc: {  	v7 =	vld [tilespmem:s22+$0x0];
	v8 =	vmul.f32 $2.000000030e-01, v2  }
0x1cd: {  	v5 =	vmax.f32 v5, v3;
	(erf) = vpow2.f32 v1  }
0x1ce: {  	s26 =	simm.s32 $0x680;
	v6 =	vadd.f32 v6, v4;
	v4 =	vmul.f32 $1.442695020e+00, v5;
	v5 =	vmax.f32 v2, v8  }
0x1cf: {  	v3 =	vld [tilespmem:s26+$0x0];
	v8 =	vmul.f32 $1.442695020e+00, v5  }
0x1d0: {  	s19 =	simm.s32 $0x2E80;
	v1 =	vld [tilespmem:s26+$0xFFFFFF80];
	(erf) = vpow2.f32 v4  }
0x1d1: {  	v2 =	vadd.f32 v7, v9;
	v9 =	vmul.f32 $2.000000030e-01, v6;
	v5 =	vld [tilespmem:s19+$0xFFFFFF80];
	(erf) = vpow2.f32 v8  }
0x1d2: {  	s30 =	simm.s32 $0x780;
	s3 =	simm.s32 $0x5480;
	s18 =	simm.s32 $0x7B80;
	v4 =	vld [tilespmem:s19+$0x0]  }
0x1d3: {  	s12 =	simm.s32 $0x7B80;
	s22 =	simm.s32 $0x6;
	s26 =	simm.s32 $0x5380;
	v7 =	vmul.f32 $2.000000030e-01, v2;
	v8 =	vmax.f32 v6, v9;
	v6 =	vpop (erf)  }
.LBB2_14:
0x1d4: {  	s22 =	sadd.s32 $0x2, s22  }
0x1d5: {  	v9 =	vld [tilespmem:s30+$0x0];
	s19 =	sadd.s32 $0x100, s19;
	v8 =	vmul.f32 $1.442695020e+00, v8;
	[tilespmem:s26+$0xFFFFFF80] =	vst v6;
	s12 =	sadd.s32 $0x100, s12;
	p5 =	slt.u32 s22, $0x26  }
.Ltmp6:
0x1d6: {  	v7 =	vmax.f32 v2, v7;
	v10 =	vadd.f32 v5, v1;
	v1 =	vld [tilespmem:s30+$0xFFFFFF80];
	[tilespmem:s18+$0xFFFFFF80] =	vst v6;
	v6 =	vpop (erf);
	(pc) =	sbr.rel @p5 .LBB2_14-.Ltmp6, $4  }
0x1d7: {  	v11 =	vmul.f32 $1.442695020e+00, v7;
	v5 =	vld [tilespmem:s19+$0xFFFFFF80];
	v2 =	vadd.f32 v4, v3;
	(erf) = vpow2.f32 v8;
	[tilespmem:s26+$0x0] =	vst v6;
	s26 =	smov.u32 s3  }
0x1d8: {  	v4 =	vld [tilespmem:s19+$0x0];
	v8 =	vmul.f32 $2.000000030e-01, v10;
	[tilespmem:s18+$0x0] =	vst v6;
	s18 =	smov.u32 s12  }
0x1d9: {  	v7 =	vmul.f32 $2.000000030e-01, v2;
	(erf) = vpow2.f32 v11  }
0x1da: {  	s30 =	sadd.s32 $0x100, s30;
	s3 =	sadd.s32 $0x100, s3;
	v8 =	vmax.f32 v10, v8;
	v6 =	vpop (erf);
	v3 =	vmov v9  }
0x1db: {  	_ = 	snop  }
0x1dc: {  	v1 =	vadd.f32 v5, v1  }
0x1dd: {  	v2 =	vmax.f32 v2, v7  }
0x1de: {  	v5 =	vmul.f32 $1.442695020e+00, v8;
	v3 =	vadd.f32 v4, v3;
	v4 =	vmul.f32 $2.000000030e-01, v1  }
0x1df: {  	v2 =	vmul.f32 $1.442695020e+00, v2  }
0x1e0: {  	(erf) = vpow2.f32 v5;
	v1 =	vmax.f32 v1, v4  }
0x1e1: {  	v5 =	vmul.f32 $2.000000030e-01, v3;
	v1 =	vmul.f32 $1.442695020e+00, v1  }
0x1e2: {  	[tilespmem:s26+$0xFFFFFF80] =	vst v6;
	(erf) = vpow2.f32 v2  }
0x1e3: {  	[tilespmem:s18+$0xFFFFFF80] =	vst v6;
	v2 =	vpop (erf);
	v3 =	vmax.f32 v3, v5  }
0x1e4: {  	[tilespmem:s26+$0x0] =	vst v2;
	v3 =	vmul.f32 $1.442695020e+00, v3;
	(erf) = vpow2.f32 v1  }
0x1e5: {  	[tilespmem:s18+$0x0] =	vst v2;
	v1 =	vpop (erf)  }
0x1e6: {  	s12 =	sadd.s32 $0x100, s12;
	(erf) = vpow2.f32 v3;
	[tilespmem:s3+$0xFFFFFF80] =	vst v1  }
0x1e7: {  	v2 =	vpop (erf);
	[tilespmem:s12+$0xFFFFFF80] =	vst v1  }
0x1e8: {  	[tilespmem:s3+$0x0] =	vst v2  }
0x1e9: {  	s26 =	sadd.s32 $0x100, s3;
	v1 =	vpop (erf);
	[tilespmem:s12+$0x0] =	vst v2  }
0x1ea: {  	s12 =	sadd.s32 $0x100, s12;
	[tilespmem:s26+$0xFFFFFF80] =	vst v1  }
0x1eb: {  	[tilespmem:s12+$0xFFFFFF80] =	vst v1;
	v1 =	vpop (erf)  }
0x1ec: {  	[tilespmem:s26+$0x0] =	vst v1  }
0x1ed: {  	s3 =	sadd.s32 $0x100, s26;
	[tilespmem:s12+$0x0] =	vst v1;
	v1 =	vpop (erf)  }
0x1ee: {  	s12 =	sadd.s32 $0x100, s12;
	[tilespmem:s3+$0xFFFFFF80] =	vst v1  }
0x1ef: {  	[tilespmem:s12+$0xFFFFFF80] =	vst v1;
	v1 =	vpop (erf)  }
0x1f0: {  	s18 =	sshll.u32 s28, $0x4;
	[tilespmem:s3+$0x0] =	vst v1  }
0x1f1: {  	s19 =	simm.s32 $0x5300;
	s3 =	sadd.s32 s8, s18;
	[tilespmem:s12+$0x0] =	vst v1  }
0x1f2: {  	[hbm4b:s3+s2] =	stream.linear.scatter [tilespmem:s19], [sflag:$0x5], $0x1400, $0x38;
	[tilespmem:$0x1DB80] =	vst v63  }
0x1f3: {  	s22 =	sld [smem:$0x7FA]  }
0x1f4: {  	s30 =	simm.s32 $0x7B00  }
0x1f5: {  	[spmem:s1] =	stream.indirect.scatter.add.f32 [tilespmem:s30], [sflag:$0x7], $0x80, s23, s17, $0xb8;
	[tilespmem:$0x1DB80] =	vst v63  }
0x1f6: {  	s3 =	sadd.s32 s13, s22  }
0x1f7: {  	s3 =	sshrl.u32 s3, $0x3  }
0x1f8: {  	s26 =	sadd.s32 s6, s3  }
0x1f9: {  	[tilespmem:s2], [sflag:$0x1] =	stream.linear.gather [hbm4b:s26+s2], $0x28, $0x38;
	[tilespmem:$0x1DB80] =	vst v63  }
0x1fa: {  	s3 =	sadd.s32 s7, s3  }
0x1fb: {  	[tilespmem:s0], [sflag:$0x1] =	stream.linear.gather [hbm4b:s3+s2], $0x28, $0x38;
	[tilespmem:$0x1DB80] =	vst v63  }
0x1fc: {  	_ =	swait.ge [sflag:s15], $0x28  }
0x1fd: {  	[sflag:s15] =	ssyncset.done $0x0  }
0x1fe: {  	[sflag:s15] =	ssyncadd.s32 $0xFFFFFFD8  }
0x1ff: {  	_ =	swait.ge [sflag:s15], $0x28  }
0x200: {  	[sflag:s15] =	ssyncset.done $0x0  }
0x201: {  	[sflag:s15] =	ssyncadd.s32 $0xFFFFFFD8  }
0x202: {  	_ =	swait.ge [sflag:s24], $0x1400  }
0x203: {  	[sflag:s24] =	ssyncset.done $0x0  }
0x204: {  	s18 =	simm.s32 $0x300;
	[sflag:s24] =	ssyncadd.s32 $0xFFFFEC00  }
0x205: {  	[tilespmem:s18], [sflag:$0x3] =	stream.indirect.gather [hbm4b:s4+s17], $0x80, s2, s17, $0xb8;
	[tilespmem:$0x1DB80] =	vst v63  }
0x206: {  	s19 =	simm.s32 $0x2B00  }
0x207: {  	[tilespmem:s19], [sflag:$0x3] =	stream.indirect.gather [hbm4b:s5+s17], $0x80, s0, s17, $0xb8;
	[tilespmem:$0x1DB80] =	vst v63  }
0x208: {  	_ =	swait.ge [sflag:s25], $0x1400  }
0x209: {  	[sflag:s25] =	ssyncset.done $0x0  }
0x20a: {  	[sflag:s25] =	ssyncadd.s32 $0xFFFFEC00  }
0x20b: {  	_ =	swait.ge [sflag:s25], $0x1400  }
0x20c: {  	[sflag:s25] =	ssyncset.done $0x0  }
0x20d: {  	[sflag:s25] =	ssyncadd.s32 $0xFFFFEC00  }
0x20e: {  	_ =	swait.ge [sflag:s16], $0x1400  }
0x20f: {  	[sflag:s16] =	ssyncset.done $0x0  }
0x210: {  	s22 =	simm.s32 $0x1780;
	[sflag:s16] =	ssyncadd.s32 $0xFFFFEC00  }
0x211: {  	s26 =	simm.s32 $0x3F80;
	v1 =	vld [tilespmem:s22+$0xFFFFFF80]  }
0x212: {  	v2 =	vld [tilespmem:s26+$0xFFFFFF80];
	_ =	sdelay $0x3  }
0x213: {  	v3 =	vld [tilespmem:s22+$0x0]  }
0x214: {  	s12 =	simm.s32 $0x1880;
	v4 =	vld [tilespmem:s26+$0x0];
	v1 =	vadd.f32 v2, v1  }
0x215: {  	s18 =	simm.s32 $0x4080;
	v5 =	vld [tilespmem:s12+$0xFFFFFF80]  }
0x216: {  	v7 =	vld [tilespmem:s18+$0xFFFFFF80];
	v6 =	vmul.f32 $2.000000030e-01, v1  }
0x217: {  	v8 =	vld [tilespmem:s18+$0x0]  }
0x218: {  	v2 =	vld [tilespmem:s12+$0x0];
	v1 =	vmax.f32 v1, v6  }
0x219: {  	v3 =	vadd.f32 v4, v3;
	v1 =	vmul.f32 $1.442695020e+00, v1  }
0x21a: {  	s19 =	simm.s32 $0x1980  }
0x21b: {  	s22 =	simm.s32 $0x4180;
	v4 =	vld [tilespmem:s19+$0xFFFFFF80];
	(erf) = vpow2.f32 v1;
	v1 =	vmul.f32 $2.000000030e-01, v3  }
0x21c: {  	v5 =	vadd.f32 v7, v5;
	v6 =	vld [tilespmem:s22+$0xFFFFFF80]  }
0x21d: {  	v2 =	vadd.f32 v8, v2;
	v1 =	vmax.f32 v3, v1  }
0x21e: {  	v9 =	vld [tilespmem:s19+$0x0];
	v3 =	vmul.f32 $2.000000030e-01, v5;
	v1 =	vmul.f32 $1.442695020e+00, v1  }
0x21f: {  	v7 =	vld [tilespmem:s22+$0x0];
	v8 =	vmul.f32 $2.000000030e-01, v2  }
0x220: {  	v5 =	vmax.f32 v5, v3;
	(erf) = vpow2.f32 v1  }
0x221: {  	s26 =	simm.s32 $0x1A80;
	v6 =	vadd.f32 v6, v4;
	v4 =	vmul.f32 $1.442695020e+00, v5;
	v5 =	vmax.f32 v2, v8  }
0x222: {  	v3 =	vld [tilespmem:s26+$0x0];
	v8 =	vmul.f32 $1.442695020e+00, v5  }
0x223: {  	s19 =	simm.s32 $0x4280;
	v1 =	vld [tilespmem:s26+$0xFFFFFF80];
	(erf) = vpow2.f32 v4  }
0x224: {  	v2 =	vadd.f32 v7, v9;
	v9 =	vmul.f32 $2.000000030e-01, v6;
	v5 =	vld [tilespmem:s19+$0xFFFFFF80];
	(erf) = vpow2.f32 v8  }
0x225: {  	s28 =	simm.s32 $0x1B80;
	s3 =	simm.s32 $0x6880;
	s18 =	simm.s32 $0x8F80;
	v4 =	vld [tilespmem:s19+$0x0]  }
0x226: {  	s12 =	simm.s32 $0x8F80;
	s22 =	simm.s32 $0x6;
	s26 =	simm.s32 $0x6780;
	v7 =	vmul.f32 $2.000000030e-01, v2;
	v8 =	vmax.f32 v6, v9;
	v6 =	vpop (erf)  }
.LBB2_16:
0x227: {  	s22 =	sadd.s32 $0x2, s22  }
0x228: {  	v9 =	vld [tilespmem:s28+$0x0];
	s19 =	sadd.s32 $0x100, s19;
	v8 =	vmul.f32 $1.442695020e+00, v8;
	[tilespmem:s26+$0xFFFFFF80] =	vst v6;
	s12 =	sadd.s32 $0x100, s12;
	p5 =	slt.u32 s22, $0x26  }
.Ltmp7:
0x229: {  	v7 =	vmax.f32 v2, v7;
	v10 =	vadd.f32 v5, v1;
	v1 =	vld [tilespmem:s28+$0xFFFFFF80];
	[tilespmem:s18+$0xFFFFFF80] =	vst v6;
	v6 =	vpop (erf);
	(pc) =	sbr.rel @p5 .LBB2_16-.Ltmp7, $4  }
0x22a: {  	v11 =	vmul.f32 $1.442695020e+00, v7;
	v5 =	vld [tilespmem:s19+$0xFFFFFF80];
	v2 =	vadd.f32 v4, v3;
	(erf) = vpow2.f32 v8;
	[tilespmem:s26+$0x0] =	vst v6;
	s26 =	smov.u32 s3  }
0x22b: {  	v4 =	vld [tilespmem:s19+$0x0];
	v8 =	vmul.f32 $2.000000030e-01, v10;
	[tilespmem:s18+$0x0] =	vst v6;
	s18 =	smov.u32 s12  }
0x22c: {  	v7 =	vmul.f32 $2.000000030e-01, v2;
	(erf) = vpow2.f32 v11  }
0x22d: {  	s28 =	sadd.s32 $0x100, s28;
	s3 =	sadd.s32 $0x100, s3;
	v8 =	vmax.f32 v10, v8;
	v6 =	vpop (erf);
	v3 =	vmov v9  }
0x22e: {  	_ = 	snop  }
0x22f: {  	v1 =	vadd.f32 v5, v1;
	_ =	sdelay $0x1  }
0x230: {  	v61 =	vmul.f32 $1.442695020e+00, v8;
	v2 =	vmax.f32 v2, v7;
	v62 =	vmul.f32 $2.000000030e-01, v1  }
0x231: {  	v2 =	vmul.f32 $1.442695020e+00, v2;
	v3 =	vadd.f32 v4, v3  }
0x232: {  	(erf) = vpow2.f32 v61;
	v1 =	vmax.f32 v1, v62  }
0x233: {  	v63 =	vmul.f32 $2.000000030e-01, v3;
	v1 =	vmul.f32 $1.442695020e+00, v1  }
0x234: {  	[tilespmem:s26+$0xFFFFFF80] =	vst v6;
	(erf) = vpow2.f32 v2  }
0x235: {  	[tilespmem:s18+$0xFFFFFF80] =	vst v6;
	v2 =	vpop (erf);
	v3 =	vmax.f32 v3, v63  }
0x236: {  	[tilespmem:s26+$0x0] =	vst v2;
	v3 =	vmul.f32 $1.442695020e+00, v3;
	(erf) = vpow2.f32 v1  }
0x237: {  	[tilespmem:s18+$0x0] =	vst v2;
	v1 =	vpop (erf)  }
0x238: {  	s12 =	sadd.s32 $0x100, s12;
	(erf) = vpow2.f32 v3;
	[tilespmem:s3+$0xFFFFFF80] =	vst v1  }
0x239: {  	v2 =	vpop (erf);
	[tilespmem:s12+$0xFFFFFF80] =	vst v1  }
0x23a: {  	[tilespmem:s3+$0x0] =	vst v2  }
0x23b: {  	s22 =	sadd.s32 $0x100, s3;
	v1 =	vpop (erf);
	[tilespmem:s12+$0x0] =	vst v2  }
0x23c: {  	s12 =	sadd.s32 $0x100, s12;
	[tilespmem:s22+$0xFFFFFF80] =	vst v1  }
0x23d: {  	[tilespmem:s12+$0xFFFFFF80] =	vst v1;
	v1 =	vpop (erf)  }
0x23e: {  	[tilespmem:s22+$0x0] =	vst v1  }
0x23f: {  	s3 =	sadd.s32 $0x100, s22;
	[tilespmem:s12+$0x0] =	vst v1;
	v1 =	vpop (erf)  }
0x240: {  	s12 =	sadd.s32 $0x100, s12;
	[tilespmem:s3+$0xFFFFFF80] =	vst v1  }
0x241: {  	p5 =	seq.s32 s14, $0x1E;
	[tilespmem:s12+$0xFFFFFF80] =	vst v1;
	v1 =	vpop (erf)  }
.Ltmp8:
0x242: {  	s26 =	sshll.u32 s29, $0x4;
	[tilespmem:s3+$0x0] =	vst v1;
	(pc) =	sbr.rel @p5 .LBB2_19-.Ltmp8, $4  }
0x243: {  	s28 =	simm.s32 $0x6700;
	s3 =	sadd.s32 s8, s26;
	[tilespmem:s12+$0x0] =	vst v1  }
0x244: {  	[hbm4b:s3+s2] =	stream.linear.scatter [tilespmem:s28], [sflag:$0x6], $0x1400, $0x38;
	[tilespmem:$0x1DB80] =	vst v63  }
0x245: {  	s29 =	simm.s32 $0x8F00  }
0x246: {  	[spmem:s1] =	stream.indirect.scatter.add.f32 [tilespmem:s29], [sflag:$0x8], $0x80, s9, s17, $0xb8;
	[tilespmem:$0x1DB80] =	vst v63  }
0x247: {  	s3 =	sld [smem:$0x7FB];
	_ =	sdelay $0x2  }
0x248: {  	s3 =	sadd.s32 s13, s3  }
.Ltmp9:
0x249: {  	s3 =	sshrl.u32 s3, $0x3;
	(pc) =	sbr.rel .LBB2_9-.Ltmp9, $4  }
0x24a: {  	s12 =	sadd.s32 s6, s3  }
0x24b: {  	[tilespmem:s11], [sflag:$0x2] =	stream.linear.gather [hbm4b:s12+s2], $0x28, $0x38;
	[tilespmem:$0x1DB80] =	vst v63  }
0x24c: {  	s29 =	simm.s32 $0x180;
	s14 =	sadd.s32 $0x1, s14;
	s3 =	sadd.s32 s7, s3  }
0x24d: {  	[tilespmem:s29], [sflag:$0x2] =	stream.linear.gather [hbm4b:s3+s2], $0x28, $0x38;
	[tilespmem:$0x1DB80] =	vst v63  }
.LBB2_19:
0x24e: {  	_ =	swait.ge [sflag:s21], $0x1400  }
0x24f: {  	[sflag:s21] =	ssyncset.done $0x0  }
0x250: {  	[sflag:s21] =	ssyncadd.s32 $0xFFFFEC00  }
0x251: {  	_ =	swait.ge [sflag:s21], $0x1400  }
0x252: {  	[sflag:s21] =	ssyncset.done $0x0  }
0x253: {  	[sflag:s21] =	ssyncadd.s32 $0xFFFFEC00  }
0x254: {  	_ =	swait.ge [sflag:s10], $0x1400  }
0x255: {  	[sflag:s10] =	ssyncset.done $0x0  }
0x256: {  	s3 =	simm.s32 $0x380;
	[sflag:s10] =	ssyncadd.s32 $0xFFFFEC00  }
0x257: {  	s12 =	simm.s32 $0x2B80;
	v1 =	vld [tilespmem:s3+$0xFFFFFF80]  }
0x258: {  	v2 =	vld [tilespmem:s12+$0xFFFFFF80];
	_ =	sdelay $0x3  }
0x259: {  	v3 =	vld [tilespmem:s3+$0x0]  }
0x25a: {  	s19 =	simm.s32 $0x480;
	v4 =	vld [tilespmem:s12+$0x0];
	v1 =	vadd.f32 v2, v1  }
0x25b: {  	s22 =	simm.s32 $0x2C80;
	v5 =	vld [tilespmem:s19+$0xFFFFFF80]  }
0x25c: {  	v7 =	vld [tilespmem:s22+$0xFFFFFF80];
	v6 =	vmul.f32 $2.000000030e-01, v1  }
0x25d: {  	v8 =	vld [tilespmem:s22+$0x0]  }
0x25e: {  	v2 =	vld [tilespmem:s19+$0x0];
	v1 =	vmax.f32 v1, v6  }
0x25f: {  	v3 =	vadd.f32 v4, v3;
	v1 =	vmul.f32 $1.442695020e+00, v1  }
0x260: {  	s26 =	simm.s32 $0x580  }
0x261: {  	s28 =	simm.s32 $0x2D80;
	v4 =	vld [tilespmem:s26+$0xFFFFFF80];
	(erf) = vpow2.f32 v1;
	v1 =	vmul.f32 $2.000000030e-01, v3  }
0x262: {  	v5 =	vadd.f32 v7, v5;
	v6 =	vld [tilespmem:s28+$0xFFFFFF80]  }
0x263: {  	v2 =	vadd.f32 v8, v2;
	v1 =	vmax.f32 v3, v1  }
0x264: {  	v9 =	vld [tilespmem:s26+$0x0];
	v3 =	vmul.f32 $2.000000030e-01, v5;
	v1 =	vmul.f32 $1.442695020e+00, v1  }
0x265: {  	v7 =	vld [tilespmem:s28+$0x0];
	v8 =	vmul.f32 $2.000000030e-01, v2  }
0x266: {  	v5 =	vmax.f32 v5, v3;
	(erf) = vpow2.f32 v1  }
0x267: {  	s29 =	simm.s32 $0x680;
	v6 =	vadd.f32 v6, v4;
	v4 =	vmul.f32 $1.442695020e+00, v5;
	v5 =	vmax.f32 v2, v8  }
0x268: {  	v3 =	vld [tilespmem:s29+$0x0];
	v8 =	vmul.f32 $1.442695020e+00, v5  }
0x269: {  	s18 =	simm.s32 $0x2E80;
	v1 =	vld [tilespmem:s29+$0xFFFFFF80];
	(erf) = vpow2.f32 v4  }
0x26a: {  	v2 =	vadd.f32 v7, v9;
	v9 =	vmul.f32 $2.000000030e-01, v6;
	v5 =	vld [tilespmem:s18+$0xFFFFFF80];
	(erf) = vpow2.f32 v8  }
0x26b: {  	s13 =	simm.s32 $0x5380;
	s14 =	simm.s32 $0x7B80;
	s12 =	simm.s32 $0x7B80;
	v4 =	vld [tilespmem:s18+$0x0]  }
0x26c: {  	s22 =	simm.s32 $0x780;
	s3 =	simm.s32 $0x5480;
	s19 =	simm.s32 $0x6;
	v7 =	vmul.f32 $2.000000030e-01, v2;
	v8 =	vmax.f32 v6, v9;
	v6 =	vpop (erf)  }
.LBB2_20:
0x26d: {  	s19 =	sadd.s32 $0x2, s19  }
0x26e: {  	v9 =	vld [tilespmem:s22+$0x0];
	s18 =	sadd.s32 $0x100, s18;
	v8 =	vmul.f32 $1.442695020e+00, v8;
	[tilespmem:s13+$0xFFFFFF80] =	vst v6;
	s12 =	sadd.s32 $0x100, s12;
	p5 =	slt.u32 s19, $0x26  }
.Ltmp10:
0x26f: {  	v7 =	vmax.f32 v2, v7;
	v10 =	vadd.f32 v5, v1;
	v1 =	vld [tilespmem:s22+$0xFFFFFF80];
	[tilespmem:s14+$0xFFFFFF80] =	vst v6;
	v6 =	vpop (erf);
	(pc) =	sbr.rel @p5 .LBB2_20-.Ltmp10, $4  }
0x270: {  	v11 =	vmul.f32 $1.442695020e+00, v7;
	v5 =	vld [tilespmem:s18+$0xFFFFFF80];
	v2 =	vadd.f32 v4, v3;
	(erf) = vpow2.f32 v8;
	[tilespmem:s13+$0x0] =	vst v6;
	s13 =	smov.u32 s3  }
0x271: {  	v4 =	vld [tilespmem:s18+$0x0];
	v8 =	vmul.f32 $2.000000030e-01, v10;
	[tilespmem:s14+$0x0] =	vst v6;
	s14 =	smov.u32 s12  }
0x272: {  	v7 =	vmul.f32 $2.000000030e-01, v2;
	(erf) = vpow2.f32 v11  }
0x273: {  	s22 =	sadd.s32 $0x100, s22;
	s3 =	sadd.s32 $0x100, s3;
	v8 =	vmax.f32 v10, v8;
	v6 =	vpop (erf);
	v3 =	vmov v9  }
0x274: {  	_ = 	snop  }
0x275: {  	v1 =	vadd.f32 v5, v1;
	_ =	sdelay $0x1  }
0x276: {  	v61 =	vmul.f32 $1.442695020e+00, v8;
	v2 =	vmax.f32 v2, v7;
	v62 =	vmul.f32 $2.000000030e-01, v1  }
0x277: {  	v2 =	vmul.f32 $1.442695020e+00, v2;
	v3 =	vadd.f32 v4, v3  }
0x278: {  	(erf) = vpow2.f32 v61;
	v1 =	vmax.f32 v1, v62  }
0x279: {  	v63 =	vmul.f32 $2.000000030e-01, v3;
	v1 =	vmul.f32 $1.442695020e+00, v1  }
0x27a: {  	[tilespmem:s13+$0xFFFFFF80] =	vst v6;
	(erf) = vpow2.f32 v2  }
0x27b: {  	[tilespmem:s14+$0xFFFFFF80] =	vst v6;
	v2 =	vpop (erf);
	v3 =	vmax.f32 v3, v63  }
0x27c: {  	[tilespmem:s13+$0x0] =	vst v2;
	v3 =	vmul.f32 $1.442695020e+00, v3;
	(erf) = vpow2.f32 v1  }
0x27d: {  	[tilespmem:s14+$0x0] =	vst v2;
	v1 =	vpop (erf)  }
0x27e: {  	s12 =	sadd.s32 $0x100, s12;
	(erf) = vpow2.f32 v3;
	[tilespmem:s3+$0xFFFFFF80] =	vst v1  }
0x27f: {  	v2 =	vpop (erf);
	[tilespmem:s12+$0xFFFFFF80] =	vst v1  }
0x280: {  	[tilespmem:s3+$0x0] =	vst v2  }
0x281: {  	s22 =	sadd.s32 $0x100, s3;
	v1 =	vpop (erf);
	[tilespmem:s12+$0x0] =	vst v2  }
0x282: {  	s12 =	sadd.s32 $0x100, s12;
	[tilespmem:s22+$0xFFFFFF80] =	vst v1  }
0x283: {  	[tilespmem:s12+$0xFFFFFF80] =	vst v1;
	v1 =	vpop (erf)  }
0x284: {  	[tilespmem:s22+$0x0] =	vst v1  }
0x285: {  	s3 =	sadd.s32 $0x100, s22;
	[tilespmem:s12+$0x0] =	vst v1;
	v1 =	vpop (erf)  }
0x286: {  	s12 =	sadd.s32 $0x100, s12;
	[tilespmem:s3+$0xFFFFFF80] =	vst v1  }
0x287: {  	[tilespmem:s12+$0xFFFFFF80] =	vst v1;
	v1 =	vpop (erf)  }
0x288: {  	[tilespmem:s3+$0x0] =	vst v1  }
0x289: {  	[tilespmem:s12+$0x0] =	vst v1  }
0x28a: {  	s26 =	simm.s32 $0x5300;
	s3 =	rddreg [dreg:$0xe]  }
0x28b: {  	[hbm4b:s3+s2] =	stream.linear.scatter [tilespmem:s26], [sflag:$0x5], $0x1400, $0x38;
	[tilespmem:$0x1DB80] =	vst v63  }
0x28c: {  	_ = 	snop  }
0x28d: {  	[spmem:s1] =	stream.indirect.scatter.add.f32 [tilespmem:s30], [sflag:$0x7], $0x80, s0, s17, $0xb8;
	[tilespmem:$0x1DB80] =	vst v63  }
0x28e: {  	_ =	swait.ge [sflag:s16], $0x1400  }
0x28f: {  	[sflag:s16] =	ssyncset.done $0x0  }
0x290: {  	[sflag:s16] =	ssyncadd.s32 $0xFFFFEC00  }
0x291: {  	_ =	swait.ge [sflag:s31], $0x1400  }
0x292: {  	[sflag:s31] =	ssyncset.done $0x0  }
0x293: {  	[sflag:s31] =	ssyncadd.s32 $0xFFFFEC00  }
0x294: {  	_ =	swait.ge [sflag:s10], $0x1400  }
0x295: {  	[sflag:s10] =	ssyncset.done $0x0  }
0x296: {  	[sflag:s10] =	ssyncadd.s32 $0xFFFFEC00  }
0x297: {  	_ =	swait.ge [sflag:s24], $0x1400  }
0x298: {  	[sflag:s24] =	ssyncset.done $0x0  }
0x299: {  	[sflag:s24] =	ssyncadd.s32 $0xFFFFEC00  }
0x29a: {  	[bflag:$0x0] =	sbarrier.arrive $0xFFFF  }
0x29b: {  	s14 =	rddreg [dreg:$0x1e]  }
0x29c: {  	s12 =	simm.s32 @!p1 $0x1FC9;
	s13 =	rddreg [dreg:$0x12];
	s3 =	sshrl.u32 @!p1 s14, $0x3  }
0x29d: {  	[hbm:s13], [sflag:s12] =	dma.local @!p1 [spmem:s3], $0x2800  }
0x29e: {  	s3 =	simm.s32 @!p1 $0x9  }
0x29f: {  	_ =	swait.ge @!p1 [sflag:s3], $0x2800  }
0x2a0: {  	s12 =	simm.s32 @!p2 $0x1FC9;
	[sflag:s3] =	ssyncset.done @!p1 $0x0  }
0x2a1: {  	s13 =	rddreg [dreg:$0x11];
	[sflag:s3] =	ssyncadd.s32 @!p1 $0xFFFFD800;
	s3 =	sshrl.u32 @!p2 s14, $0x3  }
0x2a2: {  	[hbm:s13], [sflag:s12] =	dma.local @!p2 [spmem:s3], $0x2800  }
0x2a3: {  	s3 =	simm.s32 @!p2 $0x9  }
0x2a4: {  	_ =	swait.ge @!p2 [sflag:s3], $0x2800  }
0x2a5: {  	s14 =	stileid.u32;
	s18 =	rddreg [dreg:$0x3]  }
0x2a6: {  	s12 =	sshll.u32 @!p3 s14, $0x6;
	[sflag:s3] =	ssyncset.done @!p2 $0x0;
	s13 =	rddreg [dreg:$0x10]  }
0x2a7: {  	[sflag:s3] =	ssyncadd.s32 @!p2 $0xFFFFD800;
	s3 =	sor.u32 @!p3 $0x1C09, s12;
	s12 =	sshrl.u32 @!p3 s18, $0x3  }
0x2a8: {  	[hbm:s13], [sflag:s3] =	dma.local @!p3 [spmem:s12], $0x2700  }
0x2a9: {  	s3 =	simm.s32 @!p3 $0x9  }
0x2aa: {  	_ =	swait.ge @!p3 [sflag:s3], $0x2700  }
0x2ab: {  	s12 =	sshll.u32 @!p4 s14, $0x6;
	[sflag:s3] =	ssyncset.done @!p3 $0x0;
	s14 =	rddreg [dreg:$0xf]  }
0x2ac: {  	[sflag:s3] =	ssyncadd.s32 @!p3 $0xFFFFD900;
	s3 =	sor.u32 @!p4 $0x1C09, s12;
	s12 =	sshrl.u32 @!p4 s18, $0x3  }
0x2ad: {  	[hbm:s14], [sflag:s3] =	dma.local @!p4 [spmem:s12], $0x2700  }
0x2ae: {  	s3 =	simm.s32 @!p4 $0x9  }
0x2af: {  	_ =	swait.ge @!p4 [sflag:s3], $0x2700  }
0x2b0: {  	s28 =	sld [smem:$0x7EA];
	_ =	sdelay $0x2  }
0x2b1: {  	s29 =	rddreg [dreg:$0x13];
	s14 =	sadd.s32 $0x1, s28  }
0x2b2: {  	p5 =	sne.s32 s14, s29  }
.Ltmp11:
0x2b3: {  	_ = 	snop;
	(pc) =	sbr.rel @p5 .LBB2_1-.Ltmp11, $3  }
0x2b4: {  	_ =	sdelay $0x1  }
0x2b5: {  	[sflag:s3] =	ssyncset.done @!p4 $0x0  }
0x2b6: {  	s13 =	stileid.u32;
	[sflag:s3] =	ssyncadd.s32 @!p4 $0xFFFFD900  }
0x2b7: {  	_ =	sfence.sel $0x180000  }
0x2b8: {  	[bflag:$0x0] =	sbarrier.arrive $0xFFFF  }
0x2b9: {  	_ =	strace $0x90000047  }
0x2ba: {  	[bflag:$0x2] =	sbarrier.arrive $0xFFFF  }
0x2bb: {  	p0 =	sne.s32 s13, $0x0;
	s0 =	rddreg [dreg:$0x2]  }
0x2bc: {  	s0 =	sadd.s32 @!p0 $0x100000, s0  }
0x2bd: {  	[sflag:s0] =	ssyncadd.tile.s32 @!p0 $0x1;
	_ =	shalt  }
.Lfunc_end2:
_tile_overlayer_lowered:
.L_overlay_start_2:
0x2be: {  	(tag) =	ssettag $0x2  }
0x2bf: {  	s0 =	rddreg [dreg:$0x0];
	s2 =	stileid.u32  }
0x2c0: {  	s1 =	rddreg [dreg:$0x1];
	p0 =	sne.s32 s2, $0x0  }
0x2c1: {  	s3 =	rddreg [dreg:$0x2];
	[bflag:$0x3] =	sbarrier.arrive $0xFFFF;
	s2 =	simm.s32 @!p0 $0x1C09  }
0x2c2: {  	[timem:s3], [sflag:s2] =	dma.local @!p0 [hbm:s0], s1  }
0x2c3: {  	s0 =	simm.s32 @!p0 $0x9  }
0x2c4: {  	_ =	swait.ge @!p0 [sflag:s0], s1  }
0x2c5: {  	s1 =	ssub.s32 @!p0 $0x0, s1;
	[sflag:s0] =	ssyncset.done @!p0 $0x0  }
0x2c6: {  	[sflag:s0] =	ssyncadd.s32 @!p0 s1  }
0x2c7: {  	[bflag:$0x3] =	sbarrier.arrive $0xFFFF  }
0x2c8: {  	_ =	shalt  }

// kernel: kernel.9.cloned.1.call-start
scs
__scs_entry_jumppad:
0x0: {  	(pc) =	sbr.rel $0x88, $3  }
0x1: {  	(tag) =	ssettag $0x0;
	lr =	simm.s32 $0x1  }
0x2: {  	[smem:$0x3F99] =	sst lr;
	_ =	strace $0xD0000000  }
0x3: {  	_ = 	snop  }
0x4: {  	_ = 	snop  }
0x5: {  	_ = 	snop  }
0x6: {  	_ = 	snop  }
0x7: {  	_ = 	snop  }
__scs_overlays_trampoline_lowered:
0x8: {  	[smem:$0x3FA8] =	sst s0  }
0x9: {  	[smem:$0x3FA9] =	sst s1  }
0xa: {  	[smem:$0x3FAA] =	sst s2  }
0xb: {  	[smem:$0x3FAB] =	sst s3  }
0xc: {  	[smem:$0x3FAC] =	sst s4  }
0xd: {  	[smem:$0x3FAD] =	sst s5  }
0xe: {  	[smem:$0x3FAE] =	sst s6  }
0xf: {  	[smem:$0x3FAF] =	sst s7  }
0x10: {  	[smem:$0x3FB0] =	sst s8  }
0x11: {  	[smem:$0x3FB1] =	sst s9;
	s0 =	simm.s32 @!p0 $0x0  }
0x12: {  	s1 =	sld [smem:$0x3F97];
	s0 =	simm.s32 @p0 $0x1  }
0x13: {  	[smem:$0x3FB2] =	sst s0;
	s0 =	simm.s32 @!p1 $0x0  }
0x14: {  	s2 =	sld [smem:$0x3F96];
	s0 =	simm.s32 @p1 $0x1  }
0x15: {  	[smem:$0x3FB3] =	sst s0;
	s0 =	simm.s32 @!p2 $0x0  }
0x16: {  	s3 =	sld [smem:$0x3FDB];
	s0 =	simm.s32 @p2 $0x1  }
0x17: {  	s4 =	simm.s32 $0x1BF5;
	[smem:$0x3FB5] =	sst s0  }
0x18: {  	s0 =	sld [smem:$0x3F98];
	_ =	swait.ge [sflag:s4], $0x0  }
0x19: {  	s7 =	sld [smem:$0x3F99]  }
0x1a: {  	s8 =	sadd.s32 $0xFFFFE003, lr  }
0x1b: {  	s9 =	sadd.s32 $0xFFFFFEF7, lr;
	s5 =	simm.s32 $0xFFFFFFFF;
	p2 =	slt.u32 s8, $0xFFFFF086  }
0x1c: {  	p1 =	slt.u32 s9, $0xF7A;
	s5 =	simm.s32 @!p2 $0x0  }
0x1d: {  	s5 =	simm.s32 @p1 $0x1;
	p0 =	seq.s32 s7, s2  }
0x1e: {  	s7 =	smul.u32 @!p0 $0xF7A, s2;
	p2 =	seq.s32 @!p0 s5, $0x0  }
0x1f: {  	s9 =	smul.u32 $0xF7A, s1;
	s8 =	simm.s32 @!p0 $0x1BF5;
	p2 =	por !p2, p0  }
0x20: {  	[sflag:s8] =	ssyncset.s32 @!p0 $0xFFFFF086;
	s6 =	sadd.s32 @!p0 s3, s7;
	s7 =	simm.s32 @!p0 $0x108  }
0x21: {  	s3 =	sadd.s32 s3, s9;
	s6 =	sadd.s32 @!p0 $0x88, s6;
	s7 =	simm.s32 @p2 $0x1082  }
0x22: {  	[simem:s7], [sflag:s8] =	dma.local @!p0 [hbm:s6], $0xF7A  }
0x23: {  	s9 =	sor.u32 $0xD0000000, s2;
	s6 =	simm.s32 $0x108;
	_ =	swait.ge @!p0 [sflag:s8], $0x0  }
0x24: {  	s3 =	sadd.s32 $0x88, s3;
	s6 =	simm.s32 @!p1 $0x1082;
	[sflag:s4] =	ssyncset.s32 $0xFFFFF086  }
0x25: {  	[simem:s6], [sflag:s4] =	dma.local [hbm:s3], $0xF7A  }
0x26: {  	[smem:$0x3F99] =	sst s1;
	(tag) =	ssettag s2;
	_ =	strace s9  }
0x27: {  	s1 =	sld [smem:$0x3FA9]  }
0x28: {  	s2 =	sld [smem:$0x3FAA]  }
0x29: {  	s4 =	sld [smem:$0x3FAC]  }
0x2a: {  	p0 =	seq.s32 s5, $0x0;
	s5 =	sld [smem:$0x3FAD]  }
0x2b: {  	s6 =	sld [smem:$0x3FAE]  }
0x2c: {  	s7 =	sld [smem:$0x3FAF]  }
0x2d: {  	s3 =	simm.s32 $0x108;
	s8 =	sld [smem:$0x3FB0]  }
0x2e: {  	s3 =	simm.s32 @!p0 $0x1082;
	s9 =	sld [smem:$0x3FB1]  }
0x2f: {  	lr =	sadd.s32 s0, s3;
	s0 =	sld [smem:$0x3FA8]  }
0x30: {  	s3 =	sld [smem:$0x3FAB]  }
0x31: {  	[smem:$0x3FB4] =	sst s10  }
0x32: {  	s10 =	sld [smem:$0x3FB2];
	_ =	sdelay $0x3  }
0x33: {  	p0 =	seq.s32 s10, $0x1;
	s10 =	sld [smem:$0x3FB4];
	_ =	sdelay $0x3  }
0x34: {  	[smem:$0x3FB4] =	sst s10  }
0x35: {  	s10 =	sld [smem:$0x3FB3];
	_ =	sdelay $0x3  }
0x36: {  	p1 =	seq.s32 s10, $0x1;
	s10 =	sld [smem:$0x3FB4];
	_ =	sdelay $0x3  }
0x37: {  	[smem:$0x3FB4] =	sst s10  }
0x38: {  	s10 =	sld [smem:$0x3FB5]  }
0x39: {  	_ = 	snop;
	(pc) =	sbr.ind lr, $3  }
0x3a: {  	_ = 	snop  }
0x3b: {  	_ = 	snop  }
0x3c: {  	p2 =	seq.s32 s10, $0x1;
	s10 =	sld [smem:$0x3FB4]  }
0x3d: {  	_ =	shalt  }
0x3e: {  	_ =	shalt  }
0x3f: {  	_ =	shalt  }
0x40: {  	_ =	shalt  }
0x41: {  	_ =	shalt  }
0x42: {  	_ =	shalt  }
0x43: {  	_ =	shalt  }
0x44: {  	_ =	shalt  }
0x45: {  	_ =	shalt  }
0x46: {  	_ =	shalt  }
0x47: {  	_ =	shalt  }
0x48: {  	_ =	shalt  }
0x49: {  	_ =	shalt  }
0x4a: {  	_ =	shalt  }
0x4b: {  	_ =	shalt  }
0x4c: {  	_ =	shalt  }
0x4d: {  	_ =	shalt  }
0x4e: {  	_ =	shalt  }
0x4f: {  	_ =	shalt  }
0x50: {  	_ =	shalt  }
0x51: {  	_ =	shalt  }
0x52: {  	_ =	shalt  }
0x53: {  	_ =	shalt  }
0x54: {  	_ =	shalt  }
0x55: {  	_ =	shalt  }
0x56: {  	_ =	shalt  }
0x57: {  	_ =	shalt  }
0x58: {  	_ =	shalt  }
0x59: {  	_ =	shalt  }
0x5a: {  	_ =	shalt  }
0x5b: {  	_ =	shalt  }
0x5c: {  	_ =	shalt  }
0x5d: {  	_ =	shalt  }
0x5e: {  	_ =	shalt  }
0x5f: {  	_ =	shalt  }
0x60: {  	_ =	shalt  }
0x61: {  	_ =	shalt  }
0x62: {  	_ =	shalt  }
0x63: {  	_ =	shalt  }
0x64: {  	_ =	shalt  }
0x65: {  	_ =	shalt  }
0x66: {  	_ =	shalt  }
0x67: {  	_ =	shalt  }
0x68: {  	_ =	shalt  }
0x69: {  	_ =	shalt  }
0x6a: {  	_ =	shalt  }
0x6b: {  	_ =	shalt  }
0x6c: {  	_ =	shalt  }
0x6d: {  	_ =	shalt  }
0x6e: {  	_ =	shalt  }
0x6f: {  	_ =	shalt  }
0x70: {  	_ =	shalt  }
0x71: {  	_ =	shalt  }
0x72: {  	_ =	shalt  }
0x73: {  	_ =	shalt  }
0x74: {  	_ =	shalt  }
0x75: {  	_ =	shalt  }
0x76: {  	_ =	shalt  }
0x77: {  	_ =	shalt  }
0x78: {  	_ =	shalt  }
0x79: {  	_ =	shalt  }
0x7a: {  	_ =	shalt  }
0x7b: {  	_ =	shalt  }
0x7c: {  	_ =	shalt  }
0x7d: {  	_ =	shalt  }
0x7e: {  	_ =	shalt  }
0x7f: {  	_ =	shalt  }
0x80: {  	_ =	shalt  }
0x81: {  	_ =	shalt  }
0x82: {  	_ =	shalt  }
0x83: {  	_ =	shalt  }
0x84: {  	_ =	shalt  }
0x85: {  	_ =	shalt  }
0x86: {  	_ =	shalt  }
0x87: {  	_ =	shalt  }
.Lfunc_end0:
.L_simem_size_0:
called_computation.1_lowered:
.L_overlay_start_0:
0x88: {  	s2 =	sld [smem:$0x3FD9]  }
0x89: {  	s3 =	sld [smem:$0x3FFE];
	_ =	sdelay $0x1  }
0x8a: {  	s1 =	srdreg.scid  }
0x8b: {  	s0 =	sand.u32 $0x1, s1  }
0x8c: {  	s17 =	sshll.u32 s0, $0xA;
	s2 =	sadd.s32 s3, s2  }
0x8d: {  	s2 =	sadd.s32 s2, s17  }
0x8e: {  	[smem:$0x3FC0] =	sst s2  }
0x8f: {  	_ = 	snop  }
0x90: {  	s2 =	sld [smem:$0x3FD0];
	(tm) =	ssettm $0x1  }
0x91: {  	s18 =	sld [smem:$0x3FFB];
	_ =	sdelay $0x3  }
0x92: {  	_ =	strace s18  }
0x93: {  	s3 =	sld [smem:$0x3FFC];
	_ =	sdelay $0x3  }
0x94: {  	_ =	strace s3  }
0x95: {  	s3 =	sld [smem:$0x3FFD];
	_ =	sdelay $0x3  }
0x96: {  	_ =	strace s3  }
0x97: {  	_ =	strace $0x8FFFFFFF  }
0x98: {  	s19 =	sld [smem:$0x3FDB];
	_ =	sdelay $0x1  }
0x99: {  	s4 =	simm.s32 $_scs_section_size  }
0x9a: {  	s5 =	simm.s32 $_size__tile_overlayer_lowered;
	s6 =	simm.s32 $_tile_overlayer_lowered  }
0x9b: {  	s22 =	simm.s32 $0x1BFF;
	s21 =	sshll.u32 s6, $0x1;
	s3 =	sadd.s32 s4, s19  }
0x9c: {  	s7 =	simm.s32 $0x0;
	s20 =	sshll.u32 s5, $0x1;
	s5 =	sadd.s32 s21, s3  }
0x9d: {  	[timem:s7], [sflag:s22] =	dma.local [hbm:s5], s20  }
0x9e: {  	_ =	swait.ge [sflag:s22], s20  }
0x9f: {  	s4 =	ssub.s32 $0x0, s20;
	[sflag:s22] =	ssyncset.done $0x0  }
0xa0: {  	[sflag:s22] =	ssyncadd.s32 s4;
	_ =	sdelay $0x1  }
0xa1: {  	s23 =	simm.s32 $0x1B8B  }
0xa2: {  	_ =	swait.ge [sflag:s23], $0x1  }
0xa3: {  	[sflag:s23] =	ssyncset.done $0x0  }
0xa4: {  	s25 =	simm.s32 $0x1B8E;
	s24 =	sld [smem:$0x3FFE];
	[sflag:s23] =	ssyncadd.s32 $0xFFFFFFFF  }
0xa5: {  	s26 =	simm.s32 $execute0_lowered;
	[smem:$0x3FD2] =	sst s25  }
0xa6: {  	s5 =	sshll.u32 s26, $0x1;
	_ =	strace $0x80000049;
	[dreg:$0x1] =	wrdreg $0xFFFFFFFF  }
0xa7: {  	s28 =	simm.s32 $_size_execute0_lowered;
	s3 =	sadd.s32 s3, s5;
	[dreg:$0x0] =	wrdreg $0x0  }
0xa8: {  	s5 =	sshll.u32 s28, $0x1;
	[dreg:$0x2] =	wrdreg s3  }
0xa9: {  	[dreg:$0x3] =	wrdreg s5  }
0xaa: {  	[dreg:$0x4] =	wrdreg $0xC0  }
0xab: {  	_ =	task [dreg:s7], $0x5FFFF  }
0xac: {  	[dreg:$0x1] =	wrdreg $0xFFFFFFFF  }
0xad: {  	[dreg:$0x0] =	wrdreg $0x60  }
0xae: {  	[dreg:$0x2] =	wrdreg s2  }
0xaf: {  	[dreg:$0x3] =	wrdreg s24  }
0xb0: {  	[dreg:$0x4] =	wrdreg $0xA3000  }
0xb1: {  	[dreg:$0x5] =	wrdreg $0x9  }
0xb2: {  	_ =	task.clear_ibuf [dreg:s7], $0x6FFFF;
	_ =	strace $0x90000049  }
0xb3: {  	s29 =	simm.s32 $0x9;
	_ =	strace $0x8000004B  }
0xb4: {  	_ =	swait.ge [sflag:s29], $0x1  }
0xb5: {  	[sflag:s29] =	ssyncadd.s32 $0xFFFFFFFF  }
0xb6: {  	_ =	strace $0x9000004B  }
0xb7: {  	_ =	sfence  }
0xb8: {  	s30 =	sld [smem:$0x0];
	_ =	sdelay $0x2  }
0xb9: {  	s31 =	sshll.u32 s1, $0xD;
	s1 =	sshrl.u32 s1, $0x2  }
0xba: {  	s3 =	sand.u32 $0x4000, s31;
	s1 =	sadd.s32 s1, s30  }
0xbb: {  	s0 =	sor.u32 s3, s0;
	s1 =	sshll.u32 s1, $0x11  }
0xbc: {  	s0 =	sor.u32 s1, s0  }
0xbd: {  	s0 =	sadd.s32 $0x8F2B, s0  }
0xbe: {  	[sflag:s0] =	ssyncadd.remote.s32 $0x1  }
0xbf: {  	_ =	sfence.sel $0xFFFF  }
0xc0: {  	[dreg:$0x0] =	wrdreg $0xFFFFFFFF;
	(pc) =	sbr.abs _section_cstart, $3  }
0xc1: {  	[dreg:$0x1] =	wrdreg $0xFFFFFFFF  }
0xc2: {  	_ =	task.clear_ibuf [dreg:s7], $0x2FFFF;
	_ =	strace $0x9FFFFFFF  }
0xc3: {  	(tm) =	ssettm $0x7FFFFFFF  }
tec
execute0_lowered:
.L_overlay_start_1:
0x0: {  	(tag) =	ssettag $0x1  }
0x1: {  	s0 =	rddreg [dreg:$0x0]  }
0x2: {  	s2 =	rddreg [dreg:$0x1]  }
0x3: {  	s1 =	rddreg [dreg:$0x2];
	s3 =	simm.s32 $0x0  }
0x4: {  	s14 =	stileid.u32;
	s6 =	srdreg.scid;
	s28 =	simm.s32 $0x300  }
0x5: {  	s29 =	simm.s32 $0x2;
	s30 =	simm.s32 $0x2B00;
	s8 =	smul.u32 $0x2700, s14  }
0x6: {  	[smem:$0x7FF] =	sst s3;
	s4 =	sadd.s32 $0x5B400, s2;
	s11 =	smul.u32 $0x4E000, s14  }
0x7: {  	s5 =	sadd.s32 $0x82600, s2;
	s9 =	sand.u32 $0x1, s6;
	s13 =	smul.u32 $0x2710, s14  }
0x8: {  	s7 =	sadd.s32 $0x3000, s2;
	s21 =	smul.u32 $0x27100, s14;
	s26 =	sadd.s32 $0x38D500, s2  }
0x9: {  	s6 =	sadd.s32 $0x8000, s2;
	s31 =	sadd.s32 $0x124800, s1;
	_ =	strace $0x8000004A  }
0xa: {  	s10 =	ssub.s32 $0x2, s9;
	p0 =	seq.s32 s9, $0x0;
	[dreg:$0xe] =	wrdreg s26  }
0xb: {  	s26 =	sadd.s32 $0x129800, s1;
	[dreg:$0x17] =	wrdreg s31;
	s12 =	sshrl.u32 s10, $0x1  }
0xc: {  	s8 =	sadd.s32 s8, s2;
	s11 =	sshrl.u32 s11, $0x2;
	s20 =	sshrl.u32 s13, $0x3  }
0xd: {  	s22 =	sadd.s32 $0x50, s13;
	s16 =	sadd.s32 $0x190, s13;
	[dreg:$0x1a] =	wrdreg s26  }
0xe: {  	s4 =	smov.u32 @p0 s0;
	s15 =	sadd.s32 s6, s20;
	[dreg:$0xb] =	wrdreg s16  }
0xf: {  	s17 =	sadd.s32 s11, s1;
	s11 =	sadd.s32 s7, s20;
	[dreg:$0x5] =	wrdreg s15  }
0x10: {  	s10 =	ssub.s32 s10, s12;
	s12 =	sadd.s32 s5, s21;
	[dreg:$0x6] =	wrdreg s11  }
0x11: {  	p0 =	seq.s32 s14, $0xF;
	s25 =	sadd.s32 $0x368C00, s8;
	[dreg:$0x7] =	wrdreg s12  }
0x12: {  	s26 =	simm.s32 $0x50;
	s8 =	sadd.s32 $0x341A00, s8;
	[dreg:$0xc] =	wrdreg s25  }
0x13: {  	s0 =	simm.s32 $0x3;
	s23 =	sshrl.u32 s22, $0x3;
	[dreg:$0xd] =	wrdreg s8  }
0x14: {  	p2 =	sne.s32 @p0 s9, $0x0;
	s24 =	sadd.s32 s6, s23;
	[dreg:$0x4] =	wrdreg s17  }
0x15: {  	p4 =	sne.s32 @!p0 s9, $0x0;
	s12 =	sadd.s32 s7, s23;
	[dreg:$0x8] =	wrdreg s24  }
0x16: {  	s11 =	sshll.u32 s22, $0x4;
	s8 =	sadd.s32 $0x366300, s2;
	[dreg:$0x9] =	wrdreg s12  }
0x17: {  	s15 =	sadd.s32 $0x140, s13;
	s10 =	smax.u32 s10, $0x1;
	[dreg:$0xf] =	wrdreg s8  }
0x18: {  	s22 =	sadd.s32 $0xA0, s13;
	s14 =	sadd.s32 $0x2800, s17;
	[dreg:$0x10] =	wrdreg s10  }
0x19: {  	s23 =	sadd.s32 $0xF0, s13;
	s16 =	sadd.s32 $0x5000, s17;
	[dreg:$0x11] =	wrdreg s14  }
0x1a: {  	p1 =	por !p2, !p0;
	s18 =	sadd.s32 $0x7800, s17;
	[dreg:$0x12] =	wrdreg s16  }
0x1b: {  	p2 =	por p2, !p0;
	s19 =	sadd.s32 $0xA000, s17;
	[dreg:$0x13] =	wrdreg s18  }
0x1c: {  	p3 =	por !p4, p0;
	s20 =	sadd.s32 $0xC800, s17;
	[dreg:$0x14] =	wrdreg s19  }
0x1d: {  	p4 =	por p4, p0;
	s21 =	sadd.s32 $0xF000, s17;
	[dreg:$0x15] =	wrdreg s20  }
0x1e: {  	s25 =	sadd.s32 $0x127000, s1;
	s2 =	sadd.s32 $0x12C000, s1;
	[dreg:$0x16] =	wrdreg s21  }
0x1f: {  	s13 =	sadd.s32 $0x136000, s1;
	s11 =	sadd.s32 s5, s11;
	[dreg:$0x19] =	wrdreg s25  }
0x20: {  	s12 =	sshllo.u32 s9, $0x2;
	s24 =	sadd.s32 $0x11800, s17;
	[dreg:$0x1b] =	wrdreg s2  }
0x21: {  	s8 =	sadd.s32 $0x12E800, s1;
	s10 =	sadd.s32 $0x133800, s1;
	[dreg:$0x1f] =	wrdreg s13  }
0x22: {  	s18 =	simm.s32 $0x100;
	s19 =	simm.s32 $0x5300;
	[dreg:$0xa] =	wrdreg s11  }
0x23: {  	s20 =	simm.s32 $0x80;
	s21 =	simm.s32 $0x180;
	[dreg:$0x18] =	wrdreg s24  }
0x24: {  	s25 =	simm.s32 $0x1;
	s13 =	simm.s32 $0x6;
	[dreg:$0x1c] =	wrdreg s8  }
0x25: {  	s11 =	sshll.u32 s9, $0x2;
	s9 =	sadd.s32 $0x131000, s1;
	[dreg:$0x1e] =	wrdreg s10;
	v3 =	vmov s12  }
0x26: {  	s24 =	simm.s32 $0x7B00;
	s14 =	sor.u32 $0x1, s11;
	s16 =	sor.u32 $0x2, s11;
	v0 =	vmov s11;
	v3 =	vbroadcast v3, $0x0  }
0x27: {  	s10 =	simm.s32 $0x5;
	s12 =	simm.s32 $0x280;
	[dreg:$0x1d] =	wrdreg s9;
	v1 =	vmov s14;
	v2 =	vmov s16;
	v0 =	vbroadcast v0, $0x0  }
0x28: {  	v4 =	vimm.f32 $0.0e+00;
	s9 =	simm.s32 $0x200;
	s11 =	simm.s32 $0x4;
	s16 =	simm.s32 $0x0;
	v1 =	vbroadcast v1, $0x0;
	v2 =	vbroadcast v2, $0x0  }
.LBB2_1:
0x29: {  	[smem:$0x7FD] =	sst s16;
	s2 =	simm.s32 $0x0;
	s8 =	simm.s32 $0x200  }
.LBB2_2:
0x2a: {  	p5 =	sne.s32 s8, $0x9E00;
	[tilespmem:s2+$0x370] =	vst v4  }
0x2b: {  	[tilespmem:s2+$0x300] =	vst v4  }
0x2c: {  	[tilespmem:s2+$0x310] =	vst v4  }
.Ltmp0:
0x2d: {  	[tilespmem:s2+$0x320] =	vst v4;
	(pc) =	sbr.rel @p5 .LBB2_2-.Ltmp0, $4  }
0x2e: {  	[tilespmem:s2+$0x330] =	vst v4  }
0x2f: {  	[tilespmem:s2+$0x340] =	vst v4  }
0x30: {  	[tilespmem:s2+$0x350] =	vst v4  }
0x31: {  	[tilespmem:s2+$0x360] =	vst v4;
	s2 =	sshra.s32 s8, $0x2;
	s8 =	sadd.s32 $0x200, s8  }
0x32: {  	[tilespmem:s2+$0x370] =	vst v4  }
0x33: {  	[tilespmem:s2+$0x300] =	vst v4  }
0x34: {  	[tilespmem:s2+$0x310] =	vst v4  }
0x35: {  	[tilespmem:s2+$0x320] =	vst v4  }
0x36: {  	[tilespmem:s2+$0x330] =	vst v4  }
0x37: {  	[tilespmem:s2+$0x340] =	vst v4  }
0x38: {  	[tilespmem:s2+$0x350] =	vst v4  }
0x39: {  	[tilespmem:s2+$0x360] =	vst v4;
	s2 =	simm.s32 @p0 $0x300;
	s8 =	simm.s32 @p0 $0x7  }
0x3a: {  	[spmem:s31] =	stream.linear.scatter @p0 [tilespmem:s2], [sflag:$0x7], $0x2800, $0x38;
	[tilespmem:$0x1DB80] =	vst v63  }
0x3b: {  	_ =	swait.ge @p0 [sflag:s8], $0x2800  }
0x3c: {  	[sflag:s8] =	ssyncset.done @p0 $0x0  }
0x3d: {  	s14 =	rddreg [dreg:$0x19];
	[sflag:s8] =	ssyncadd.s32 @p0 $0xFFFFD800  }
0x3e: {  	[spmem:s14] =	stream.linear.scatter @p0 [tilespmem:s2], [sflag:$0x7], $0x2800, $0x38;
	[tilespmem:$0x1DB80] =	vst v63  }
0x3f: {  	_ =	swait.ge @p0 [sflag:s8], $0x2800  }
0x40: {  	[sflag:s8] =	ssyncset.done @p0 $0x0  }
0x41: {  	s14 =	rddreg [dreg:$0x1a];
	[sflag:s8] =	ssyncadd.s32 @p0 $0xFFFFD800  }
0x42: {  	[spmem:s14] =	stream.linear.scatter @p0 [tilespmem:s2], [sflag:$0x7], $0x2800, $0x38;
	[tilespmem:$0x1DB80] =	vst v63  }
0x43: {  	_ =	swait.ge @p0 [sflag:s8], $0x2800  }
0x44: {  	[sflag:s8] =	ssyncset.done @p0 $0x0  }
0x45: {  	s14 =	rddreg [dreg:$0x1b];
	[sflag:s8] =	ssyncadd.s32 @p0 $0xFFFFD800  }
0x46: {  	[spmem:s14] =	stream.linear.scatter @p0 [tilespmem:s2], [sflag:$0x7], $0x2800, $0x38;
	[tilespmem:$0x1DB80] =	vst v63  }
0x47: {  	_ =	swait.ge @p0 [sflag:s8], $0x2800  }
0x48: {  	[sflag:s8] =	ssyncset.done @p0 $0x0  }
0x49: {  	s14 =	rddreg [dreg:$0x1c];
	[sflag:s8] =	ssyncadd.s32 @p0 $0xFFFFD800  }
0x4a: {  	[spmem:s14] =	stream.linear.scatter @p0 [tilespmem:s2], [sflag:$0x7], $0x2800, $0x38;
	[tilespmem:$0x1DB80] =	vst v63  }
0x4b: {  	_ =	swait.ge @p0 [sflag:s8], $0x2800  }
0x4c: {  	[sflag:s8] =	ssyncset.done @p0 $0x0  }
0x4d: {  	s14 =	rddreg [dreg:$0x1d];
	[sflag:s8] =	ssyncadd.s32 @p0 $0xFFFFD800  }
0x4e: {  	[spmem:s14] =	stream.linear.scatter @p0 [tilespmem:s2], [sflag:$0x7], $0x2800, $0x38;
	[tilespmem:$0x1DB80] =	vst v63  }
0x4f: {  	_ =	swait.ge @p0 [sflag:s8], $0x2800  }
0x50: {  	[sflag:s8] =	ssyncset.done @p0 $0x0  }
0x51: {  	s14 =	rddreg [dreg:$0x1e];
	[sflag:s8] =	ssyncadd.s32 @p0 $0xFFFFD800  }
0x52: {  	[spmem:s14] =	stream.linear.scatter @p0 [tilespmem:s2], [sflag:$0x7], $0x2800, $0x38;
	[tilespmem:$0x1DB80] =	vst v63  }
0x53: {  	_ =	swait.ge @p0 [sflag:s8], $0x2800  }
0x54: {  	[sflag:s8] =	ssyncset.done @p0 $0x0  }
0x55: {  	s14 =	rddreg [dreg:$0x1f];
	[sflag:s8] =	ssyncadd.s32 @p0 $0xFFFFD800  }
0x56: {  	[spmem:s14] =	stream.linear.scatter @p0 [tilespmem:s2], [sflag:$0x7], $0x2800, $0x38;
	[tilespmem:$0x1DB80] =	vst v63  }
0x57: {  	_ =	swait.ge @p0 [sflag:s8], $0x2800  }
0x58: {  	[sflag:s8] =	ssyncset.done @p0 $0x0  }
0x59: {  	s2 =	simm.s32 @!p0 $0x300;
	[sflag:s8] =	ssyncadd.s32 @p0 $0xFFFFD800;
	s8 =	simm.s32 @!p0 $0x7  }
0x5a: {  	[spmem:s17] =	stream.linear.scatter @!p0 [tilespmem:s2], [sflag:$0x7], $0x2800, $0x38;
	[tilespmem:$0x1DB80] =	vst v63  }
0x5b: {  	_ =	swait.ge @!p0 [sflag:s8], $0x2800  }
0x5c: {  	[sflag:s8] =	ssyncset.done @!p0 $0x0  }
0x5d: {  	s14 =	rddreg [dreg:$0x11];
	[sflag:s8] =	ssyncadd.s32 @!p0 $0xFFFFD800  }
0x5e: {  	[spmem:s14] =	stream.linear.scatter @!p0 [tilespmem:s2], [sflag:$0x7], $0x2800, $0x38;
	[tilespmem:$0x1DB80] =	vst v63  }
0x5f: {  	_ =	swait.ge @!p0 [sflag:s8], $0x2800  }
0x60: {  	[sflag:s8] =	ssyncset.done @!p0 $0x0  }
0x61: {  	s14 =	rddreg [dreg:$0x12];
	[sflag:s8] =	ssyncadd.s32 @!p0 $0xFFFFD800  }
0x62: {  	[spmem:s14] =	stream.linear.scatter @!p0 [tilespmem:s2], [sflag:$0x7], $0x2800, $0x38;
	[tilespmem:$0x1DB80] =	vst v63  }
0x63: {  	_ =	swait.ge @!p0 [sflag:s8], $0x2800  }
0x64: {  	[sflag:s8] =	ssyncset.done @!p0 $0x0  }
0x65: {  	s14 =	rddreg [dreg:$0x13];
	[sflag:s8] =	ssyncadd.s32 @!p0 $0xFFFFD800  }
0x66: {  	[spmem:s14] =	stream.linear.scatter @!p0 [tilespmem:s2], [sflag:$0x7], $0x2800, $0x38;
	[tilespmem:$0x1DB80] =	vst v63  }
0x67: {  	_ =	swait.ge @!p0 [sflag:s8], $0x2800  }
0x68: {  	[sflag:s8] =	ssyncset.done @!p0 $0x0  }
0x69: {  	s14 =	rddreg [dreg:$0x14];
	[sflag:s8] =	ssyncadd.s32 @!p0 $0xFFFFD800  }
0x6a: {  	[spmem:s14] =	stream.linear.scatter @!p0 [tilespmem:s2], [sflag:$0x7], $0x2800, $0x38;
	[tilespmem:$0x1DB80] =	vst v63  }
0x6b: {  	_ =	swait.ge @!p0 [sflag:s8], $0x2800  }
0x6c: {  	[sflag:s8] =	ssyncset.done @!p0 $0x0  }
0x6d: {  	s14 =	rddreg [dreg:$0x15];
	[sflag:s8] =	ssyncadd.s32 @!p0 $0xFFFFD800  }
0x6e: {  	[spmem:s14] =	stream.linear.scatter @!p0 [tilespmem:s2], [sflag:$0x7], $0x2800, $0x38;
	[tilespmem:$0x1DB80] =	vst v63  }
0x6f: {  	_ =	swait.ge @!p0 [sflag:s8], $0x2800  }
0x70: {  	[sflag:s8] =	ssyncset.done @!p0 $0x0  }
0x71: {  	s14 =	rddreg [dreg:$0x16];
	[sflag:s8] =	ssyncadd.s32 @!p0 $0xFFFFD800  }
0x72: {  	[spmem:s14] =	stream.linear.scatter @!p0 [tilespmem:s2], [sflag:$0x7], $0x2800, $0x38;
	[tilespmem:$0x1DB80] =	vst v63  }
0x73: {  	_ =	swait.ge @!p0 [sflag:s8], $0x2800  }
0x74: {  	[sflag:s8] =	ssyncset.done @!p0 $0x0  }
0x75: {  	s14 =	rddreg [dreg:$0x18];
	[sflag:s8] =	ssyncadd.s32 @!p0 $0xFFFFD800  }
0x76: {  	[spmem:s14] =	stream.linear.scatter @!p0 [tilespmem:s2], [sflag:$0x7], $0x2000, $0x38;
	[tilespmem:$0x1DB80] =	vst v63  }
0x77: {  	_ =	swait.ge @!p0 [sflag:s8], $0x2000  }
0x78: {  	[sflag:s8] =	ssyncset.done @!p0 $0x0  }
0x79: {  	[sflag:s8] =	ssyncadd.s32 @!p0 $0xFFFFE000  }
0x7a: {  	[bflag:$0x0] =	sbarrier.arrive $0xFFFF  }
0x7b: {  	s17 =	simm.s32 $0x0;
	s16 =	rddreg [dreg:$0x5]  }
0x7c: {  	[tilespmem:s17], [sflag:$0x1] =	stream.linear.gather [hbm4b:s16+s17], $0x50, $0x38;
	[tilespmem:$0x1DB80] =	vst v63  }
0x7d: {  	s31 =	rddreg [dreg:$0x6]  }
0x7e: {  	[tilespmem:s18], [sflag:$0x1] =	stream.linear.gather [hbm4b:s31+s17], $0x50, $0x38;
	[tilespmem:$0x1DB80] =	vst v63  }
0x7f: {  	s8 =	rddreg [dreg:$0x7]  }
0x80: {  	[tilespmem:s19], [sflag:$0x1] =	stream.linear.gather [hbm4b:s8+s17], $0x2800, $0x38;
	[tilespmem:$0x1DB80] =	vst v63  }
0x81: {  	s14 =	rddreg [dreg:$0x8]  }
0x82: {  	[tilespmem:s20], [sflag:$0x2] =	stream.linear.gather [hbm4b:s14+s17], $0x50, $0x38;
	[tilespmem:$0x1DB80] =	vst v63  }
0x83: {  	s16 =	rddreg [dreg:$0x9]  }
0x84: {  	[tilespmem:s21], [sflag:$0x2] =	stream.linear.gather [hbm4b:s16+s17], $0x50, $0x38;
	[tilespmem:$0x1DB80] =	vst v63  }
0x85: {  	s31 =	rddreg [dreg:$0xa]  }
0x86: {  	[tilespmem:s24], [sflag:$0x2] =	stream.linear.gather [hbm4b:s31+s17], $0x2800, $0x38;
	[tilespmem:$0x1DB80] =	vst v63  }
0x87: {  	_ =	swait.ge [sflag:s25], $0x50  }
0x88: {  	[sflag:s25] =	ssyncset.done $0x0  }
0x89: {  	[sflag:s25] =	ssyncadd.s32 $0xFFFFFFB0  }
0x8a: {  	_ =	swait.ge [sflag:s25], $0x50  }
0x8b: {  	[sflag:s25] =	ssyncset.done $0x0  }
0x8c: {  	[sflag:s25] =	ssyncadd.s32 $0xFFFFFFB0  }
0x8d: {  	_ =	swait.ge [sflag:s25], $0x2800  }
0x8e: {  	[sflag:s25] =	ssyncset.done $0x0  }
0x8f: {  	[sflag:s25] =	ssyncadd.s32 $0xFFFFD800  }
0x90: {  	[tilespmem:s28], [sflag:$0x3] =	stream.indirect.gather [hbm4b:s4+s26], $0x80, s17, s26, $0xb8;
	[tilespmem:$0x1DB80] =	vst v63  }
.LBB2_4:
0x91: {  	_ =	swait.ge [sflag:s29], $0x50  }
0x92: {  	[sflag:s29] =	ssyncset.done $0x0  }
0x93: {  	[sflag:s29] =	ssyncadd.s32 $0xFFFFFFB0  }
0x94: {  	_ =	swait.ge [sflag:s29], $0x50  }
0x95: {  	[sflag:s29] =	ssyncset.done $0x0  }
0x96: {  	[sflag:s29] =	ssyncadd.s32 $0xFFFFFFB0  }
0x97: {  	_ =	swait.ge [sflag:s29], $0x2800  }
0x98: {  	p5 =	seq.s32 s17, $0x0;
	[sflag:s29] =	ssyncset.done $0x0  }
0x99: {  	s2 =	simm.s32 @!p5 $0x6;
	[sflag:s29] =	ssyncadd.s32 $0xFFFFD800  }
0x9a: {  	_ =	swait.ge @!p5 [sflag:s2], $0x2800  }
0x9b: {  	[sflag:s2] =	ssyncset.done @!p5 $0x0  }
0x9c: {  	[sflag:s2] =	ssyncadd.s32 @!p5 $0xFFFFD800  }
0x9d: {  	[tilespmem:s30], [sflag:$0x4] =	stream.indirect.gather [hbm4b:s4+s26], $0x80, s20, s26, $0xb8;
	[tilespmem:$0x1DB80] =	vst v63  }
0x9e: {  	_ =	swait.ge [sflag:s0], $0x2800  }
0x9f: {  	[sflag:s0] =	ssyncset.done $0x0  }
0xa0: {  	s8 =	simm.s32 $0x5380;
	[sflag:s0] =	ssyncadd.s32 $0xFFFFD800  }
0xa1: {  	v6 =	vld [tilespmem:s8+$0x0]  }
0xa2: {  	s2 =	simm.s32 $0x380;
	v7 =	vld [tilespmem:s8+$0xFFFFFF80]  }
0xa3: {  	v8 =	vld [tilespmem:s2+$0x70]  }
0xa4: {  	v9 =	vld [tilespmem:s2+$0xFFFFFF80]  }
0xa5: {  	v10 =	vld [tilespmem:s2+$0xFFFFFF90]  }
0xa6: {  	v11 =	vld [tilespmem:s2+$0xFFFFFFA0]  }
0xa7: {  	v12 =	vld [tilespmem:s2+$0xFFFFFFB0];
	v5 =	vperm.xlane v6, v3  }
0xa8: {  	v14 =	vld [tilespmem:s2+$0xFFFFFFC0];
	v13 =	vperm.xlane v7, v0  }
0xa9: {  	v15 =	vld [tilespmem:s2+$0xFFFFFFD0];
	v16 =	vperm.xlane v7, v1;
	v8 =	vmul.f32 v8, v5  }
0xaa: {  	v17 =	vld [tilespmem:s2+$0xFFFFFFE0];
	v9 =	vmul.f32 v9, v13  }
0xab: {  	v18 =	vld [tilespmem:s2+$0x0];
	v11 =	vmul.f32 v11, v16;
	[tilespmem:s2+$0x70] =	vst v8  }
0xac: {  	v8 =	vmul.f32 v10, v13;
	v13 =	vld [tilespmem:s2+$0xFFFFFFF0];
	v10 =	vperm.xlane v7, v2;
	[tilespmem:s2+$0xFFFFFF80] =	vst v9  }
0xad: {  	v9 =	vmul.f32 v12, v16;
	v12 =	vld [tilespmem:s2+$0x10];
	[tilespmem:s2+$0xFFFFFFA0] =	vst v11  }
0xae: {  	v16 =	vperm.xlane v7, v3;
	[tilespmem:s2+$0xFFFFFF90] =	vst v8;
	v14 =	vmul.f32 v14, v10;
	v8 =	vld [tilespmem:s2+$0x20]  }
0xaf: {  	v19 =	vperm.xlane v6, v0;
	v11 =	vmul.f32 v15, v10;
	[tilespmem:s2+$0xFFFFFFB0] =	vst v9;
	v9 =	vld [tilespmem:s2+$0x30]  }
0xb0: {  	v7 =	vperm.xlane v6, v1;
	v17 =	vmul.f32 v17, v16;
	v10 =	vld [tilespmem:s2+$0x40];
	[tilespmem:s2+$0xFFFFFFC0] =	vst v14  }
0xb1: {  	v6 =	vperm.xlane v6, v2;
	[tilespmem:s2+$0xFFFFFFD0] =	vst v11;
	v11 =	vld [tilespmem:s2+$0x50];
	v13 =	vmul.f32 v13, v16  }
0xb2: {  	s14 =	simm.s32 $0x5480;
	s31 =	simm.s32 $0x380;
	s8 =	simm.s32 $0x0;
	v15 =	vmul.f32 v18, v19;
	[tilespmem:s2+$0xFFFFFFE0] =	vst v17;
	v14 =	vmul.f32 v12, v19;
	v12 =	vld [tilespmem:s2+$0x60]  }
.LBB2_5:
0xb3: {  	v16 =	vld [tilespmem:s14+$0x0];
	s8 =	sadd.s32 $0x2, s8;
	[tilespmem:s2+$0xFFFFFFF0] =	vst v13;
	v8 =	vmul.f32 v8, v7  }
0xb4: {  	s2 =	sadd.s32 $0x100, s2;
	v13 =	vld [tilespmem:s14+$0xFFFFFF80];
	p5 =	slt.u32 s8, $0x4E;
	[tilespmem:s31+$0x0] =	vst v15;
	v7 =	vmul.f32 v9, v7  }
0xb5: {  	v9 =	vld [tilespmem:s2+$0x70];
	[tilespmem:s31+$0x10] =	vst v14;
	v10 =	vmul.f32 v10, v6  }
0xb6: {  	v14 =	vld [tilespmem:s2+$0xFFFFFF80];
	[tilespmem:s31+$0x20] =	vst v8;
	v6 =	vmul.f32 v11, v6  }
0xb7: {  	v8 =	vld [tilespmem:s2+$0xFFFFFF90];
	[tilespmem:s31+$0x30] =	vst v7;
	v7 =	vmul.f32 v12, v5  }
0xb8: {  	v11 =	vld [tilespmem:s2+$0xFFFFFFA0];
	v12 =	vperm.xlane v16, v0;
	v5 =	vperm.xlane v16, v3;
	[tilespmem:s31+$0x40] =	vst v10  }
0xb9: {  	v10 =	vperm.xlane v13, v0;
	v15 =	vperm.xlane v13, v1;
	v17 =	vld [tilespmem:s2+$0xFFFFFFB0];
	[tilespmem:s31+$0x50] =	vst v6  }
0xba: {  	v18 =	vperm.xlane v13, v2;
	v19 =	vld [tilespmem:s2+$0xFFFFFFC0];
	v9 =	vmul.f32 v9, v5;
	[tilespmem:s31+$0x60] =	vst v7;
	s31 =	smov.u32 s2  }
0xbb: {  	v13 =	vperm.xlane v13, v3;
	v7 =	vperm.xlane v16, v1;
	v20 =	vld [tilespmem:s2+$0xFFFFFFD0]  }
0xbc: {  	v6 =	vperm.xlane v16, v2;
	v14 =	vmul.f32 v14, v10;
	v21 =	vld [tilespmem:s2+$0xFFFFFFE0];
	[tilespmem:s2+$0x70] =	vst v9  }
0xbd: {  	v8 =	vmul.f32 v8, v10;
	v9 =	vmul.f32 v11, v15;
	v10 =	vld [tilespmem:s2+$0xFFFFFFF0]  }
0xbe: {  	[tilespmem:s2+$0xFFFFFF80] =	vst v14;
	v11 =	vmul.f32 v17, v15;
	v14 =	vld [tilespmem:s2+$0x0]  }
0xbf: {  	[tilespmem:s2+$0xFFFFFF90] =	vst v8;
	v15 =	vmul.f32 v19, v18;
	v16 =	vld [tilespmem:s2+$0x10]  }
.Ltmp1:
0xc0: {  	[tilespmem:s2+$0xFFFFFFA0] =	vst v9;
	v17 =	vmul.f32 v20, v18;
	v8 =	vld [tilespmem:s2+$0x20];
	(pc) =	sbr.rel @p5 .LBB2_5-.Ltmp1, $4  }
0xc1: {  	[tilespmem:s2+$0xFFFFFFB0] =	vst v11;
	v18 =	vmul.f32 v21, v13;
	v9 =	vld [tilespmem:s2+$0x30]  }
0xc2: {  	[tilespmem:s2+$0xFFFFFFC0] =	vst v15;
	v13 =	vmul.f32 v10, v13;
	v10 =	vld [tilespmem:s2+$0x40]  }
0xc3: {  	[tilespmem:s2+$0xFFFFFFD0] =	vst v17;
	v15 =	vmul.f32 v14, v12;
	v11 =	vld [tilespmem:s2+$0x50]  }
0xc4: {  	s14 =	sadd.s32 $0x100, s14;
	[tilespmem:s2+$0xFFFFFFE0] =	vst v18;
	v14 =	vmul.f32 v16, v12;
	v12 =	vld [tilespmem:s2+$0x60]  }
0xc5: {  	[tilespmem:s2+$0xFFFFFFF0] =	vst v13  }
0xc6: {  	v8 =	vmul.f32 v8, v7;
	[tilespmem:s31+$0x0] =	vst v15  }
0xc7: {  	v7 =	vmul.f32 v9, v7;
	[tilespmem:s31+$0x10] =	vst v14  }
0xc8: {  	v9 =	vmul.f32 v10, v6;
	[tilespmem:s31+$0x20] =	vst v8  }
0xc9: {  	s2 =	smul.u32 $0x140, s17;
	v6 =	vmul.f32 v11, v6;
	[tilespmem:s31+$0x30] =	vst v7  }
0xca: {  	v5 =	vmul.f32 v12, v5;
	[tilespmem:s31+$0x40] =	vst v9  }
0xcb: {  	s8 =	sadd.s32 s22, s2;
	[tilespmem:s31+$0x50] =	vst v6  }
0xcc: {  	s14 =	sshrl.u32 s8, $0x3;
	[tilespmem:s31+$0x60] =	vst v5  }
0xcd: {  	[spmem:s1] =	stream.indirect.scatter.add.f32 [tilespmem:s28], [sflag:$0x5], $0x80, s18, s26, $0xb8;
	[tilespmem:$0x1DB80] =	vst v63  }
0xce: {  	s16 =	sadd.s32 s6, s14  }
0xcf: {  	[tilespmem:s3], [sflag:$0x1] =	stream.linear.gather [hbm4b:s16+s3], $0x50, $0x38;
	[tilespmem:$0x1DB80] =	vst v63  }
0xd0: {  	s8 =	sshll.u32 s8, $0x4;
	s14 =	sadd.s32 s7, s14  }
0xd1: {  	[tilespmem:s9], [sflag:$0x1] =	stream.linear.gather [hbm4b:s14+s3], $0x50, $0x38;
	[tilespmem:$0x1DB80] =	vst v63  }
0xd2: {  	s8 =	sadd.s32 s5, s8  }
0xd3: {  	[tilespmem:s19], [sflag:$0x1] =	stream.linear.gather [hbm4b:s8+s3], $0x2800, $0x38;
	[tilespmem:$0x1DB80] =	vst v63  }
0xd4: {  	_ =	swait.ge [sflag:s25], $0x50  }
0xd5: {  	[sflag:s25] =	ssyncset.done $0x0  }
0xd6: {  	[sflag:s25] =	ssyncadd.s32 $0xFFFFFFB0  }
0xd7: {  	_ =	swait.ge [sflag:s25], $0x50  }
0xd8: {  	[sflag:s25] =	ssyncset.done $0x0  }
0xd9: {  	[sflag:s25] =	ssyncadd.s32 $0xFFFFFFB0  }
0xda: {  	_ =	swait.ge [sflag:s25], $0x2800  }
0xdb: {  	[sflag:s25] =	ssyncset.done $0x0  }
0xdc: {  	[sflag:s25] =	ssyncadd.s32 $0xFFFFD800  }
0xdd: {  	_ =	swait.ge [sflag:s10], $0x2800  }
0xde: {  	[sflag:s10] =	ssyncset.done $0x0  }
0xdf: {  	[sflag:s10] =	ssyncadd.s32 $0xFFFFD800  }
0xe0: {  	[tilespmem:s28], [sflag:$0x3] =	stream.indirect.gather [hbm4b:s4+s26], $0x80, s3, s26, $0xb8;
	[tilespmem:$0x1DB80] =	vst v63  }
0xe1: {  	_ =	swait.ge [sflag:s11], $0x2800  }
0xe2: {  	[sflag:s11] =	ssyncset.done $0x0  }
0xe3: {  	s16 =	simm.s32 $0x7B80;
	[sflag:s11] =	ssyncadd.s32 $0xFFFFD800  }
0xe4: {  	v6 =	vld [tilespmem:s16+$0x0]  }
0xe5: {  	s31 =	simm.s32 $0x2B80;
	v7 =	vld [tilespmem:s16+$0xFFFFFF80]  }
0xe6: {  	v8 =	vld [tilespmem:s31+$0x70]  }
0xe7: {  	v9 =	vld [tilespmem:s31+$0xFFFFFF80]  }
0xe8: {  	v10 =	vld [tilespmem:s31+$0xFFFFFF90]  }
0xe9: {  	v11 =	vld [tilespmem:s31+$0xFFFFFFA0]  }
0xea: {  	v12 =	vld [tilespmem:s31+$0xFFFFFFB0];
	v5 =	vperm.xlane v6, v3  }
0xeb: {  	v14 =	vld [tilespmem:s31+$0xFFFFFFC0];
	v13 =	vperm.xlane v7, v0  }
0xec: {  	v15 =	vld [tilespmem:s31+$0xFFFFFFD0];
	v16 =	vperm.xlane v7, v1;
	v8 =	vmul.f32 v8, v5  }
0xed: {  	v17 =	vld [tilespmem:s31+$0xFFFFFFE0];
	v9 =	vmul.f32 v9, v13  }
0xee: {  	v18 =	vld [tilespmem:s31+$0x0];
	v11 =	vmul.f32 v11, v16;
	[tilespmem:s31+$0x70] =	vst v8  }
0xef: {  	v8 =	vmul.f32 v10, v13;
	v13 =	vld [tilespmem:s31+$0xFFFFFFF0];
	v10 =	vperm.xlane v7, v2;
	[tilespmem:s31+$0xFFFFFF80] =	vst v9  }
0xf0: {  	v9 =	vmul.f32 v12, v16;
	v12 =	vld [tilespmem:s31+$0x10];
	[tilespmem:s31+$0xFFFFFFA0] =	vst v11  }
0xf1: {  	v16 =	vperm.xlane v7, v3;
	[tilespmem:s31+$0xFFFFFF90] =	vst v8;
	v14 =	vmul.f32 v14, v10;
	v8 =	vld [tilespmem:s31+$0x20]  }
0xf2: {  	v19 =	vperm.xlane v6, v0;
	v11 =	vmul.f32 v15, v10;
	[tilespmem:s31+$0xFFFFFFB0] =	vst v9;
	v9 =	vld [tilespmem:s31+$0x30]  }
0xf3: {  	v7 =	vperm.xlane v6, v1;
	v17 =	vmul.f32 v17, v16;
	v10 =	vld [tilespmem:s31+$0x40];
	[tilespmem:s31+$0xFFFFFFC0] =	vst v14  }
0xf4: {  	v6 =	vperm.xlane v6, v2;
	[tilespmem:s31+$0xFFFFFFD0] =	vst v11;
	v11 =	vld [tilespmem:s31+$0x50];
	v13 =	vmul.f32 v13, v16  }
0xf5: {  	s14 =	simm.s32 $0x0;
	s8 =	simm.s32 $0x2B80;
	s16 =	simm.s32 $0x7C80;
	v15 =	vmul.f32 v18, v19;
	[tilespmem:s31+$0xFFFFFFE0] =	vst v17;
	v14 =	vmul.f32 v12, v19;
	v12 =	vld [tilespmem:s31+$0x60]  }
.LBB2_7:
0xf6: {  	v16 =	vld [tilespmem:s16+$0x0];
	s14 =	sadd.s32 $0x2, s14;
	[tilespmem:s31+$0xFFFFFFF0] =	vst v13;
	v8 =	vmul.f32 v8, v7  }
0xf7: {  	s31 =	sadd.s32 $0x100, s31;
	v13 =	vld [tilespmem:s16+$0xFFFFFF80];
	p5 =	slt.u32 s14, $0x4E;
	[tilespmem:s8+$0x0] =	vst v15;
	v7 =	vmul.f32 v9, v7  }
0xf8: {  	v9 =	vld [tilespmem:s31+$0x70];
	[tilespmem:s8+$0x10] =	vst v14;
	v10 =	vmul.f32 v10, v6  }
0xf9: {  	v14 =	vld [tilespmem:s31+$0xFFFFFF80];
	[tilespmem:s8+$0x20] =	vst v8;
	v6 =	vmul.f32 v11, v6  }
0xfa: {  	v8 =	vld [tilespmem:s31+$0xFFFFFF90];
	[tilespmem:s8+$0x30] =	vst v7;
	v7 =	vmul.f32 v12, v5  }
0xfb: {  	v11 =	vld [tilespmem:s31+$0xFFFFFFA0];
	v12 =	vperm.xlane v16, v0;
	v5 =	vperm.xlane v16, v3;
	[tilespmem:s8+$0x40] =	vst v10  }
0xfc: {  	v10 =	vperm.xlane v13, v0;
	v15 =	vperm.xlane v13, v1;
	v17 =	vld [tilespmem:s31+$0xFFFFFFB0];
	[tilespmem:s8+$0x50] =	vst v6  }
0xfd: {  	v18 =	vperm.xlane v13, v2;
	v19 =	vld [tilespmem:s31+$0xFFFFFFC0];
	v9 =	vmul.f32 v9, v5;
	[tilespmem:s8+$0x60] =	vst v7;
	s8 =	smov.u32 s31  }
0xfe: {  	v13 =	vperm.xlane v13, v3;
	v7 =	vperm.xlane v16, v1;
	v20 =	vld [tilespmem:s31+$0xFFFFFFD0]  }
0xff: {  	v6 =	vperm.xlane v16, v2;
	v14 =	vmul.f32 v14, v10;
	v21 =	vld [tilespmem:s31+$0xFFFFFFE0];
	[tilespmem:s31+$0x70] =	vst v9  }
0x100: {  	v8 =	vmul.f32 v8, v10;
	v9 =	vmul.f32 v11, v15;
	v10 =	vld [tilespmem:s31+$0xFFFFFFF0]  }
0x101: {  	[tilespmem:s31+$0xFFFFFF80] =	vst v14;
	v11 =	vmul.f32 v17, v15;
	v14 =	vld [tilespmem:s31+$0x0]  }
0x102: {  	[tilespmem:s31+$0xFFFFFF90] =	vst v8;
	v15 =	vmul.f32 v19, v18;
	v16 =	vld [tilespmem:s31+$0x10]  }
.Ltmp2:
0x103: {  	[tilespmem:s31+$0xFFFFFFA0] =	vst v9;
	v17 =	vmul.f32 v20, v18;
	v8 =	vld [tilespmem:s31+$0x20];
	(pc) =	sbr.rel @p5 .LBB2_7-.Ltmp2, $4  }
0x104: {  	[tilespmem:s31+$0xFFFFFFB0] =	vst v11;
	v18 =	vmul.f32 v21, v13;
	v9 =	vld [tilespmem:s31+$0x30]  }
0x105: {  	[tilespmem:s31+$0xFFFFFFC0] =	vst v15;
	v13 =	vmul.f32 v10, v13;
	v10 =	vld [tilespmem:s31+$0x40]  }
0x106: {  	[tilespmem:s31+$0xFFFFFFD0] =	vst v17;
	v15 =	vmul.f32 v14, v12;
	v11 =	vld [tilespmem:s31+$0x50]  }
0x107: {  	s16 =	sadd.s32 $0x100, s16;
	[tilespmem:s31+$0xFFFFFFE0] =	vst v18;
	v14 =	vmul.f32 v16, v12;
	v12 =	vld [tilespmem:s31+$0x60]  }
0x108: {  	[tilespmem:s31+$0xFFFFFFF0] =	vst v13  }
0x109: {  	v8 =	vmul.f32 v8, v7;
	[tilespmem:s8+$0x0] =	vst v15  }
0x10a: {  	v7 =	vmul.f32 v9, v7;
	[tilespmem:s8+$0x10] =	vst v14  }
0x10b: {  	v9 =	vmul.f32 v10, v6;
	[tilespmem:s8+$0x20] =	vst v8  }
0x10c: {  	v6 =	vmul.f32 v11, v6;
	[tilespmem:s8+$0x30] =	vst v7  }
0x10d: {  	v5 =	vmul.f32 v12, v5;
	[tilespmem:s8+$0x40] =	vst v9  }
0x10e: {  	[tilespmem:s8+$0x50] =	vst v6  }
0x10f: {  	[tilespmem:s8+$0x60] =	vst v5;
	s8 =	sadd.s32 s23, s2  }
0x110: {  	[spmem:s1] =	stream.indirect.scatter.add.f32 [tilespmem:s30], [sflag:$0x6], $0x80, s21, s26, $0xb8;
	[tilespmem:$0x1DB80] =	vst v63  }
0x111: {  	s14 =	sshrl.u32 s8, $0x3  }
0x112: {  	s16 =	sadd.s32 s6, s14  }
0x113: {  	[tilespmem:s20], [sflag:$0x2] =	stream.linear.gather [hbm4b:s16+s3], $0x50, $0x38;
	[tilespmem:$0x1DB80] =	vst v63  }
0x114: {  	s8 =	sshll.u32 s8, $0x4;
	s14 =	sadd.s32 s7, s14  }
0x115: {  	[tilespmem:s12], [sflag:$0x2] =	stream.linear.gather [hbm4b:s14+s3], $0x50, $0x38;
	[tilespmem:$0x1DB80] =	vst v63  }
0x116: {  	s8 =	sadd.s32 s5, s8  }
0x117: {  	[tilespmem:s24], [sflag:$0x2] =	stream.linear.gather [hbm4b:s8+s3], $0x2800, $0x38;
	[tilespmem:$0x1DB80] =	vst v63  }
0x118: {  	_ =	swait.ge [sflag:s29], $0x50  }
0x119: {  	[sflag:s29] =	ssyncset.done $0x0  }
0x11a: {  	[sflag:s29] =	ssyncadd.s32 $0xFFFFFFB0  }
0x11b: {  	_ =	swait.ge [sflag:s29], $0x50  }
0x11c: {  	[sflag:s29] =	ssyncset.done $0x0  }
0x11d: {  	[sflag:s29] =	ssyncadd.s32 $0xFFFFFFB0  }
0x11e: {  	_ =	swait.ge [sflag:s29], $0x2800  }
0x11f: {  	[sflag:s29] =	ssyncset.done $0x0  }
0x120: {  	[sflag:s29] =	ssyncadd.s32 $0xFFFFD800  }
0x121: {  	_ =	swait.ge [sflag:s13], $0x2800  }
0x122: {  	[sflag:s13] =	ssyncset.done $0x0  }
0x123: {  	[sflag:s13] =	ssyncadd.s32 $0xFFFFD800  }
0x124: {  	[tilespmem:s30], [sflag:$0x4] =	stream.indirect.gather [hbm4b:s4+s26], $0x80, s20, s26, $0xb8;
	[tilespmem:$0x1DB80] =	vst v63  }
0x125: {  	_ =	swait.ge [sflag:s0], $0x2800  }
0x126: {  	[sflag:s0] =	ssyncset.done $0x0  }
0x127: {  	s16 =	simm.s32 $0x5380;
	[sflag:s0] =	ssyncadd.s32 $0xFFFFD800  }
0x128: {  	v6 =	vld [tilespmem:s16+$0x0]  }
0x129: {  	s31 =	simm.s32 $0x380;
	v7 =	vld [tilespmem:s16+$0xFFFFFF80]  }
0x12a: {  	v8 =	vld [tilespmem:s31+$0x70]  }
0x12b: {  	v9 =	vld [tilespmem:s31+$0xFFFFFF80]  }
0x12c: {  	v10 =	vld [tilespmem:s31+$0xFFFFFF90]  }
0x12d: {  	v11 =	vld [tilespmem:s31+$0xFFFFFFA0]  }
0x12e: {  	v12 =	vld [tilespmem:s31+$0xFFFFFFB0];
	v5 =	vperm.xlane v6, v3  }
0x12f: {  	v14 =	vld [tilespmem:s31+$0xFFFFFFC0];
	v13 =	vperm.xlane v7, v0  }
0x130: {  	v15 =	vld [tilespmem:s31+$0xFFFFFFD0];
	v16 =	vperm.xlane v7, v1;
	v8 =	vmul.f32 v8, v5  }
0x131: {  	v17 =	vld [tilespmem:s31+$0xFFFFFFE0];
	v9 =	vmul.f32 v9, v13  }
0x132: {  	v18 =	vld [tilespmem:s31+$0x0];
	v11 =	vmul.f32 v11, v16;
	[tilespmem:s31+$0x70] =	vst v8  }
0x133: {  	v8 =	vmul.f32 v10, v13;
	v13 =	vld [tilespmem:s31+$0xFFFFFFF0];
	v10 =	vperm.xlane v7, v2;
	[tilespmem:s31+$0xFFFFFF80] =	vst v9  }
0x134: {  	v9 =	vmul.f32 v12, v16;
	v12 =	vld [tilespmem:s31+$0x10];
	[tilespmem:s31+$0xFFFFFFA0] =	vst v11  }
0x135: {  	v16 =	vperm.xlane v7, v3;
	[tilespmem:s31+$0xFFFFFF90] =	vst v8;
	v14 =	vmul.f32 v14, v10;
	v8 =	vld [tilespmem:s31+$0x20]  }
0x136: {  	v19 =	vperm.xlane v6, v0;
	v11 =	vmul.f32 v15, v10;
	[tilespmem:s31+$0xFFFFFFB0] =	vst v9;
	v9 =	vld [tilespmem:s31+$0x30]  }
0x137: {  	v7 =	vperm.xlane v6, v1;
	v17 =	vmul.f32 v17, v16;
	v10 =	vld [tilespmem:s31+$0x40];
	[tilespmem:s31+$0xFFFFFFC0] =	vst v14  }
0x138: {  	v6 =	vperm.xlane v6, v2;
	[tilespmem:s31+$0xFFFFFFD0] =	vst v11;
	v11 =	vld [tilespmem:s31+$0x50];
	v13 =	vmul.f32 v13, v16  }
0x139: {  	s14 =	simm.s32 $0x0;
	s8 =	simm.s32 $0x380;
	s16 =	simm.s32 $0x5480;
	v15 =	vmul.f32 v18, v19;
	[tilespmem:s31+$0xFFFFFFE0] =	vst v17;
	v14 =	vmul.f32 v12, v19;
	v12 =	vld [tilespmem:s31+$0x60]  }
.LBB2_9:
0x13a: {  	v16 =	vld [tilespmem:s16+$0x0];
	s14 =	sadd.s32 $0x2, s14;
	[tilespmem:s31+$0xFFFFFFF0] =	vst v13;
	v8 =	vmul.f32 v8, v7  }
0x13b: {  	s31 =	sadd.s32 $0x100, s31;
	v13 =	vld [tilespmem:s16+$0xFFFFFF80];
	p5 =	slt.u32 s14, $0x4E;
	[tilespmem:s8+$0x0] =	vst v15;
	v7 =	vmul.f32 v9, v7  }
0x13c: {  	v9 =	vld [tilespmem:s31+$0x70];
	[tilespmem:s8+$0x10] =	vst v14;
	v10 =	vmul.f32 v10, v6  }
0x13d: {  	v14 =	vld [tilespmem:s31+$0xFFFFFF80];
	[tilespmem:s8+$0x20] =	vst v8;
	v6 =	vmul.f32 v11, v6  }
0x13e: {  	v8 =	vld [tilespmem:s31+$0xFFFFFF90];
	[tilespmem:s8+$0x30] =	vst v7;
	v7 =	vmul.f32 v12, v5  }
0x13f: {  	v11 =	vld [tilespmem:s31+$0xFFFFFFA0];
	v12 =	vperm.xlane v16, v0;
	v5 =	vperm.xlane v16, v3;
	[tilespmem:s8+$0x40] =	vst v10  }
0x140: {  	v10 =	vperm.xlane v13, v0;
	v15 =	vperm.xlane v13, v1;
	v17 =	vld [tilespmem:s31+$0xFFFFFFB0];
	[tilespmem:s8+$0x50] =	vst v6  }
0x141: {  	v18 =	vperm.xlane v13, v2;
	v19 =	vld [tilespmem:s31+$0xFFFFFFC0];
	v9 =	vmul.f32 v9, v5;
	[tilespmem:s8+$0x60] =	vst v7;
	s8 =	smov.u32 s31  }
0x142: {  	v13 =	vperm.xlane v13, v3;
	v7 =	vperm.xlane v16, v1;
	v20 =	vld [tilespmem:s31+$0xFFFFFFD0]  }
0x143: {  	v6 =	vperm.xlane v16, v2;
	v14 =	vmul.f32 v14, v10;
	v21 =	vld [tilespmem:s31+$0xFFFFFFE0];
	[tilespmem:s31+$0x70] =	vst v9  }
0x144: {  	v8 =	vmul.f32 v8, v10;
	v9 =	vmul.f32 v11, v15;
	v10 =	vld [tilespmem:s31+$0xFFFFFFF0]  }
0x145: {  	[tilespmem:s31+$0xFFFFFF80] =	vst v14;
	v11 =	vmul.f32 v17, v15;
	v14 =	vld [tilespmem:s31+$0x0]  }
0x146: {  	[tilespmem:s31+$0xFFFFFF90] =	vst v8;
	v15 =	vmul.f32 v19, v18;
	v16 =	vld [tilespmem:s31+$0x10]  }
.Ltmp3:
0x147: {  	[tilespmem:s31+$0xFFFFFFA0] =	vst v9;
	v17 =	vmul.f32 v20, v18;
	v8 =	vld [tilespmem:s31+$0x20];
	(pc) =	sbr.rel @p5 .LBB2_9-.Ltmp3, $4  }
0x148: {  	[tilespmem:s31+$0xFFFFFFB0] =	vst v11;
	v18 =	vmul.f32 v21, v13;
	v9 =	vld [tilespmem:s31+$0x30]  }
0x149: {  	[tilespmem:s31+$0xFFFFFFC0] =	vst v15;
	v13 =	vmul.f32 v10, v13;
	v10 =	vld [tilespmem:s31+$0x40]  }
0x14a: {  	[tilespmem:s31+$0xFFFFFFD0] =	vst v17;
	v15 =	vmul.f32 v14, v12;
	v11 =	vld [tilespmem:s31+$0x50]  }
0x14b: {  	s16 =	sadd.s32 $0x100, s16;
	[tilespmem:s31+$0xFFFFFFE0] =	vst v18;
	v14 =	vmul.f32 v16, v12;
	v12 =	vld [tilespmem:s31+$0x60]  }
0x14c: {  	[tilespmem:s31+$0xFFFFFFF0] =	vst v13  }
0x14d: {  	v8 =	vmul.f32 v8, v7;
	[tilespmem:s8+$0x0] =	vst v15  }
0x14e: {  	v7 =	vmul.f32 v9, v7;
	[tilespmem:s8+$0x10] =	vst v14  }
0x14f: {  	v9 =	vmul.f32 v10, v6;
	[tilespmem:s8+$0x20] =	vst v8  }
0x150: {  	v6 =	vmul.f32 v11, v6;
	[tilespmem:s8+$0x30] =	vst v7  }
0x151: {  	v5 =	vmul.f32 v12, v5;
	[tilespmem:s8+$0x40] =	vst v9  }
0x152: {  	[tilespmem:s8+$0x50] =	vst v6  }
0x153: {  	[tilespmem:s8+$0x60] =	vst v5;
	s8 =	sadd.s32 s2, s15  }
0x154: {  	[spmem:s1] =	stream.indirect.scatter.add.f32 [tilespmem:s28], [sflag:$0x5], $0x80, s9, s26, $0xb8;
	[tilespmem:$0x1DB80] =	vst v63  }
0x155: {  	s14 =	sshrl.u32 s8, $0x3  }
0x156: {  	s16 =	sadd.s32 s6, s14  }
0x157: {  	[tilespmem:s3], [sflag:$0x1] =	stream.linear.gather [hbm4b:s16+s3], $0x50, $0x38;
	[tilespmem:$0x1DB80] =	vst v63  }
0x158: {  	s8 =	sshll.u32 s8, $0x4;
	s14 =	sadd.s32 s7, s14  }
0x159: {  	[tilespmem:s18], [sflag:$0x1] =	stream.linear.gather [hbm4b:s14+s3], $0x50, $0x38;
	[tilespmem:$0x1DB80] =	vst v63  }
0x15a: {  	s8 =	sadd.s32 s5, s8  }
0x15b: {  	[tilespmem:s19], [sflag:$0x1] =	stream.linear.gather [hbm4b:s8+s3], $0x2800, $0x38;
	[tilespmem:$0x1DB80] =	vst v63  }
0x15c: {  	_ =	swait.ge [sflag:s25], $0x50  }
0x15d: {  	[sflag:s25] =	ssyncset.done $0x0  }
0x15e: {  	[sflag:s25] =	ssyncadd.s32 $0xFFFFFFB0  }
0x15f: {  	_ =	swait.ge [sflag:s25], $0x50  }
0x160: {  	[sflag:s25] =	ssyncset.done $0x0  }
0x161: {  	[sflag:s25] =	ssyncadd.s32 $0xFFFFFFB0  }
0x162: {  	_ =	swait.ge [sflag:s25], $0x2800  }
0x163: {  	[sflag:s25] =	ssyncset.done $0x0  }
0x164: {  	[sflag:s25] =	ssyncadd.s32 $0xFFFFD800  }
0x165: {  	_ =	swait.ge [sflag:s10], $0x2800  }
0x166: {  	[sflag:s10] =	ssyncset.done $0x0  }
0x167: {  	[sflag:s10] =	ssyncadd.s32 $0xFFFFD800  }
0x168: {  	[tilespmem:s28], [sflag:$0x3] =	stream.indirect.gather [hbm4b:s4+s26], $0x80, s3, s26, $0xb8;
	[tilespmem:$0x1DB80] =	vst v63  }
0x169: {  	_ =	swait.ge [sflag:s11], $0x2800  }
0x16a: {  	[sflag:s11] =	ssyncset.done $0x0  }
0x16b: {  	s16 =	simm.s32 $0x7B80;
	[sflag:s11] =	ssyncadd.s32 $0xFFFFD800  }
0x16c: {  	v6 =	vld [tilespmem:s16+$0x0]  }
0x16d: {  	s31 =	simm.s32 $0x2B80;
	v7 =	vld [tilespmem:s16+$0xFFFFFF80]  }
0x16e: {  	v8 =	vld [tilespmem:s31+$0x70]  }
0x16f: {  	v9 =	vld [tilespmem:s31+$0xFFFFFF80]  }
0x170: {  	v10 =	vld [tilespmem:s31+$0xFFFFFF90]  }
0x171: {  	v11 =	vld [tilespmem:s31+$0xFFFFFFA0]  }
0x172: {  	v12 =	vld [tilespmem:s31+$0xFFFFFFB0];
	v5 =	vperm.xlane v6, v3  }
0x173: {  	v14 =	vld [tilespmem:s31+$0xFFFFFFC0];
	v13 =	vperm.xlane v7, v0  }
0x174: {  	v15 =	vld [tilespmem:s31+$0xFFFFFFD0];
	v16 =	vperm.xlane v7, v1;
	v8 =	vmul.f32 v8, v5  }
0x175: {  	v17 =	vld [tilespmem:s31+$0xFFFFFFE0];
	v9 =	vmul.f32 v9, v13  }
0x176: {  	v18 =	vld [tilespmem:s31+$0x0];
	v11 =	vmul.f32 v11, v16;
	[tilespmem:s31+$0x70] =	vst v8  }
0x177: {  	v8 =	vmul.f32 v10, v13;
	v13 =	vld [tilespmem:s31+$0xFFFFFFF0];
	v10 =	vperm.xlane v7, v2;
	[tilespmem:s31+$0xFFFFFF80] =	vst v9  }
0x178: {  	v9 =	vmul.f32 v12, v16;
	v12 =	vld [tilespmem:s31+$0x10];
	[tilespmem:s31+$0xFFFFFFA0] =	vst v11  }
0x179: {  	v16 =	vperm.xlane v7, v3;
	[tilespmem:s31+$0xFFFFFF90] =	vst v8;
	v14 =	vmul.f32 v14, v10;
	v8 =	vld [tilespmem:s31+$0x20]  }
0x17a: {  	v19 =	vperm.xlane v6, v0;
	v11 =	vmul.f32 v15, v10;
	[tilespmem:s31+$0xFFFFFFB0] =	vst v9;
	v9 =	vld [tilespmem:s31+$0x30]  }
0x17b: {  	v7 =	vperm.xlane v6, v1;
	v17 =	vmul.f32 v17, v16;
	v10 =	vld [tilespmem:s31+$0x40];
	[tilespmem:s31+$0xFFFFFFC0] =	vst v14  }
0x17c: {  	v6 =	vperm.xlane v6, v2;
	[tilespmem:s31+$0xFFFFFFD0] =	vst v11;
	v11 =	vld [tilespmem:s31+$0x50];
	v13 =	vmul.f32 v13, v16  }
0x17d: {  	s14 =	simm.s32 $0x0;
	s8 =	simm.s32 $0x2B80;
	s16 =	simm.s32 $0x7C80;
	v15 =	vmul.f32 v18, v19;
	[tilespmem:s31+$0xFFFFFFE0] =	vst v17;
	v14 =	vmul.f32 v12, v19;
	v12 =	vld [tilespmem:s31+$0x60]  }
.LBB2_11:
0x17e: {  	v16 =	vld [tilespmem:s16+$0x0];
	s14 =	sadd.s32 $0x2, s14;
	[tilespmem:s31+$0xFFFFFFF0] =	vst v13;
	v8 =	vmul.f32 v8, v7  }
0x17f: {  	s31 =	sadd.s32 $0x100, s31;
	v13 =	vld [tilespmem:s16+$0xFFFFFF80];
	p5 =	slt.u32 s14, $0x4E;
	[tilespmem:s8+$0x0] =	vst v15;
	v7 =	vmul.f32 v9, v7  }
0x180: {  	v9 =	vld [tilespmem:s31+$0x70];
	[tilespmem:s8+$0x10] =	vst v14;
	v10 =	vmul.f32 v10, v6  }
0x181: {  	v14 =	vld [tilespmem:s31+$0xFFFFFF80];
	[tilespmem:s8+$0x20] =	vst v8;
	v6 =	vmul.f32 v11, v6  }
0x182: {  	v8 =	vld [tilespmem:s31+$0xFFFFFF90];
	[tilespmem:s8+$0x30] =	vst v7;
	v7 =	vmul.f32 v12, v5  }
0x183: {  	v11 =	vld [tilespmem:s31+$0xFFFFFFA0];
	v12 =	vperm.xlane v16, v0;
	v5 =	vperm.xlane v16, v3;
	[tilespmem:s8+$0x40] =	vst v10  }
0x184: {  	v10 =	vperm.xlane v13, v0;
	v15 =	vperm.xlane v13, v1;
	v17 =	vld [tilespmem:s31+$0xFFFFFFB0];
	[tilespmem:s8+$0x50] =	vst v6  }
0x185: {  	v18 =	vperm.xlane v13, v2;
	v19 =	vld [tilespmem:s31+$0xFFFFFFC0];
	v9 =	vmul.f32 v9, v5;
	[tilespmem:s8+$0x60] =	vst v7;
	s8 =	smov.u32 s31  }
0x186: {  	v13 =	vperm.xlane v13, v3;
	v7 =	vperm.xlane v16, v1;
	v20 =	vld [tilespmem:s31+$0xFFFFFFD0]  }
0x187: {  	v6 =	vperm.xlane v16, v2;
	v14 =	vmul.f32 v14, v10;
	v21 =	vld [tilespmem:s31+$0xFFFFFFE0];
	[tilespmem:s31+$0x70] =	vst v9  }
0x188: {  	v8 =	vmul.f32 v8, v10;
	v9 =	vmul.f32 v11, v15;
	v10 =	vld [tilespmem:s31+$0xFFFFFFF0]  }
0x189: {  	[tilespmem:s31+$0xFFFFFF80] =	vst v14;
	v11 =	vmul.f32 v17, v15;
	v14 =	vld [tilespmem:s31+$0x0]  }
0x18a: {  	[tilespmem:s31+$0xFFFFFF90] =	vst v8;
	v15 =	vmul.f32 v19, v18;
	v16 =	vld [tilespmem:s31+$0x10]  }
.Ltmp4:
0x18b: {  	[tilespmem:s31+$0xFFFFFFA0] =	vst v9;
	v17 =	vmul.f32 v20, v18;
	v8 =	vld [tilespmem:s31+$0x20];
	(pc) =	sbr.rel @p5 .LBB2_11-.Ltmp4, $4  }
0x18c: {  	[tilespmem:s31+$0xFFFFFFB0] =	vst v11;
	v18 =	vmul.f32 v21, v13;
	v9 =	vld [tilespmem:s31+$0x30]  }
0x18d: {  	[tilespmem:s31+$0xFFFFFFC0] =	vst v15;
	v13 =	vmul.f32 v10, v13;
	v10 =	vld [tilespmem:s31+$0x40]  }
0x18e: {  	[tilespmem:s31+$0xFFFFFFD0] =	vst v17;
	v15 =	vmul.f32 v14, v12;
	v11 =	vld [tilespmem:s31+$0x50]  }
0x18f: {  	s16 =	sadd.s32 $0x100, s16;
	[tilespmem:s31+$0xFFFFFFE0] =	vst v18;
	v14 =	vmul.f32 v16, v12;
	v12 =	vld [tilespmem:s31+$0x60]  }
0x190: {  	[tilespmem:s31+$0xFFFFFFF0] =	vst v13  }
0x191: {  	v8 =	vmul.f32 v8, v7;
	[tilespmem:s8+$0x0] =	vst v15  }
0x192: {  	v7 =	vmul.f32 v9, v7;
	[tilespmem:s8+$0x10] =	vst v14  }
0x193: {  	p5 =	seq.s32 s17, $0x1E;
	v63 =	vmul.f32 v10, v6;
	[tilespmem:s8+$0x20] =	vst v8  }
.Ltmp5:
0x194: {  	v6 =	vmul.f32 v11, v6;
	[tilespmem:s8+$0x30] =	vst v7;
	(pc) =	sbr.rel @p5 .LBB2_14-.Ltmp5, $4  }
0x195: {  	v5 =	vmul.f32 v12, v5;
	[tilespmem:s8+$0x40] =	vst v63  }
0x196: {  	[tilespmem:s8+$0x50] =	vst v6  }
0x197: {  	[tilespmem:s8+$0x60] =	vst v5  }
0x198: {  	[spmem:s1] =	stream.indirect.scatter.add.f32 [tilespmem:s30], [sflag:$0x6], $0x80, s12, s26, $0xb8;
	[tilespmem:$0x1DB80] =	vst v63  }
0x199: {  	s8 =	rddreg [dreg:$0xb]  }
0x19a: {  	s2 =	sadd.s32 s2, s8  }
0x19b: {  	s8 =	sshrl.u32 s2, $0x3  }
0x19c: {  	s14 =	sadd.s32 s6, s8  }
0x19d: {  	[tilespmem:s20], [sflag:$0x2] =	stream.linear.gather [hbm4b:s14+s3], $0x50, $0x38;
	[tilespmem:$0x1DB80] =	vst v63  }
.Ltmp6:
0x19e: {  	_ = 	snop;
	(pc) =	sbr.rel .LBB2_4-.Ltmp6, $4  }
0x19f: {  	s2 =	sshll.u32 s2, $0x4;
	s8 =	sadd.s32 s7, s8  }
0x1a0: {  	[tilespmem:s21], [sflag:$0x2] =	stream.linear.gather [hbm4b:s8+s3], $0x50, $0x38;
	[tilespmem:$0x1DB80] =	vst v63  }
0x1a1: {  	s17 =	sadd.s32 $0x1, s17;
	s2 =	sadd.s32 s5, s2  }
0x1a2: {  	[tilespmem:s24], [sflag:$0x2] =	stream.linear.gather [hbm4b:s2+s3], $0x2800, $0x38;
	[tilespmem:$0x1DB80] =	vst v63  }
.LBB2_14:
0x1a3: {  	_ =	swait.ge [sflag:s0], $0x2800  }
0x1a4: {  	[sflag:s0] =	ssyncset.done $0x0  }
0x1a5: {  	s8 =	simm.s32 $0x5380;
	[sflag:s0] =	ssyncadd.s32 $0xFFFFD800  }
0x1a6: {  	v6 =	vld [tilespmem:s8+$0x0]  }
0x1a7: {  	s2 =	simm.s32 $0x380;
	v7 =	vld [tilespmem:s8+$0xFFFFFF80]  }
0x1a8: {  	v8 =	vld [tilespmem:s2+$0x70]  }
0x1a9: {  	v9 =	vld [tilespmem:s2+$0xFFFFFF80]  }
0x1aa: {  	v10 =	vld [tilespmem:s2+$0xFFFFFF90]  }
0x1ab: {  	v11 =	vld [tilespmem:s2+$0xFFFFFFA0]  }
0x1ac: {  	v12 =	vld [tilespmem:s2+$0xFFFFFFB0];
	v5 =	vperm.xlane v6, v3  }
0x1ad: {  	v14 =	vld [tilespmem:s2+$0xFFFFFFC0];
	v13 =	vperm.xlane v7, v0  }
0x1ae: {  	v15 =	vld [tilespmem:s2+$0xFFFFFFD0];
	v16 =	vperm.xlane v7, v1;
	v8 =	vmul.f32 v8, v5  }
0x1af: {  	v17 =	vld [tilespmem:s2+$0xFFFFFFE0];
	v9 =	vmul.f32 v9, v13  }
0x1b0: {  	v18 =	vld [tilespmem:s2+$0x0];
	v11 =	vmul.f32 v11, v16;
	[tilespmem:s2+$0x70] =	vst v8  }
0x1b1: {  	v8 =	vmul.f32 v10, v13;
	v13 =	vld [tilespmem:s2+$0xFFFFFFF0];
	v10 =	vperm.xlane v7, v2;
	[tilespmem:s2+$0xFFFFFF80] =	vst v9  }
0x1b2: {  	v9 =	vmul.f32 v12, v16;
	v12 =	vld [tilespmem:s2+$0x10];
	[tilespmem:s2+$0xFFFFFFA0] =	vst v11  }
0x1b3: {  	v16 =	vperm.xlane v7, v3;
	[tilespmem:s2+$0xFFFFFF90] =	vst v8;
	v14 =	vmul.f32 v14, v10;
	v8 =	vld [tilespmem:s2+$0x20]  }
0x1b4: {  	v19 =	vperm.xlane v6, v0;
	v11 =	vmul.f32 v15, v10;
	[tilespmem:s2+$0xFFFFFFB0] =	vst v9;
	v9 =	vld [tilespmem:s2+$0x30]  }
0x1b5: {  	v7 =	vperm.xlane v6, v1;
	v17 =	vmul.f32 v17, v16;
	v10 =	vld [tilespmem:s2+$0x40];
	[tilespmem:s2+$0xFFFFFFC0] =	vst v14  }
0x1b6: {  	v6 =	vperm.xlane v6, v2;
	[tilespmem:s2+$0xFFFFFFD0] =	vst v11;
	v11 =	vld [tilespmem:s2+$0x50];
	v13 =	vmul.f32 v13, v16  }
0x1b7: {  	s14 =	simm.s32 $0x0;
	s16 =	simm.s32 $0x5480;
	s8 =	simm.s32 $0x380;
	v15 =	vmul.f32 v18, v19;
	[tilespmem:s2+$0xFFFFFFE0] =	vst v17;
	v14 =	vmul.f32 v12, v19;
	v12 =	vld [tilespmem:s2+$0x60]  }
.LBB2_15:
0x1b8: {  	v16 =	vld [tilespmem:s16+$0x0];
	s14 =	sadd.s32 $0x2, s14;
	[tilespmem:s2+$0xFFFFFFF0] =	vst v13;
	v8 =	vmul.f32 v8, v7  }
0x1b9: {  	s2 =	sadd.s32 $0x100, s2;
	v13 =	vld [tilespmem:s16+$0xFFFFFF80];
	p5 =	slt.u32 s14, $0x4E;
	[tilespmem:s8+$0x0] =	vst v15;
	v7 =	vmul.f32 v9, v7  }
0x1ba: {  	v9 =	vld [tilespmem:s2+$0x70];
	[tilespmem:s8+$0x10] =	vst v14;
	v10 =	vmul.f32 v10, v6  }
0x1bb: {  	v14 =	vld [tilespmem:s2+$0xFFFFFF80];
	[tilespmem:s8+$0x20] =	vst v8;
	v6 =	vmul.f32 v11, v6  }
0x1bc: {  	v8 =	vld [tilespmem:s2+$0xFFFFFF90];
	[tilespmem:s8+$0x30] =	vst v7;
	v7 =	vmul.f32 v12, v5  }
0x1bd: {  	v11 =	vld [tilespmem:s2+$0xFFFFFFA0];
	v12 =	vperm.xlane v16, v0;
	v5 =	vperm.xlane v16, v3;
	[tilespmem:s8+$0x40] =	vst v10  }
0x1be: {  	v10 =	vperm.xlane v13, v0;
	v15 =	vperm.xlane v13, v1;
	v17 =	vld [tilespmem:s2+$0xFFFFFFB0];
	[tilespmem:s8+$0x50] =	vst v6  }
0x1bf: {  	v18 =	vperm.xlane v13, v2;
	v19 =	vld [tilespmem:s2+$0xFFFFFFC0];
	v9 =	vmul.f32 v9, v5;
	[tilespmem:s8+$0x60] =	vst v7;
	s8 =	smov.u32 s2  }
0x1c0: {  	v13 =	vperm.xlane v13, v3;
	v7 =	vperm.xlane v16, v1;
	v20 =	vld [tilespmem:s2+$0xFFFFFFD0]  }
0x1c1: {  	v6 =	vperm.xlane v16, v2;
	v14 =	vmul.f32 v14, v10;
	v21 =	vld [tilespmem:s2+$0xFFFFFFE0];
	[tilespmem:s2+$0x70] =	vst v9  }
0x1c2: {  	v8 =	vmul.f32 v8, v10;
	v9 =	vmul.f32 v11, v15;
	v10 =	vld [tilespmem:s2+$0xFFFFFFF0]  }
0x1c3: {  	[tilespmem:s2+$0xFFFFFF80] =	vst v14;
	v11 =	vmul.f32 v17, v15;
	v14 =	vld [tilespmem:s2+$0x0]  }
0x1c4: {  	[tilespmem:s2+$0xFFFFFF90] =	vst v8;
	v15 =	vmul.f32 v19, v18;
	v16 =	vld [tilespmem:s2+$0x10]  }
.Ltmp7:
0x1c5: {  	[tilespmem:s2+$0xFFFFFFA0] =	vst v9;
	v17 =	vmul.f32 v20, v18;
	v8 =	vld [tilespmem:s2+$0x20];
	(pc) =	sbr.rel @p5 .LBB2_15-.Ltmp7, $4  }
0x1c6: {  	[tilespmem:s2+$0xFFFFFFB0] =	vst v11;
	v18 =	vmul.f32 v21, v13;
	v9 =	vld [tilespmem:s2+$0x30]  }
0x1c7: {  	[tilespmem:s2+$0xFFFFFFC0] =	vst v15;
	v13 =	vmul.f32 v10, v13;
	v10 =	vld [tilespmem:s2+$0x40]  }
0x1c8: {  	[tilespmem:s2+$0xFFFFFFD0] =	vst v17;
	v15 =	vmul.f32 v14, v12;
	v11 =	vld [tilespmem:s2+$0x50]  }
0x1c9: {  	s16 =	sadd.s32 $0x100, s16;
	[tilespmem:s2+$0xFFFFFFE0] =	vst v18;
	v14 =	vmul.f32 v16, v12;
	v12 =	vld [tilespmem:s2+$0x60]  }
0x1ca: {  	[tilespmem:s2+$0xFFFFFFF0] =	vst v13  }
0x1cb: {  	v8 =	vmul.f32 v8, v7;
	[tilespmem:s8+$0x0] =	vst v15  }
0x1cc: {  	v7 =	vmul.f32 v9, v7;
	[tilespmem:s8+$0x10] =	vst v14  }
0x1cd: {  	v63 =	vmul.f32 v10, v6;
	[tilespmem:s8+$0x20] =	vst v8  }
0x1ce: {  	v6 =	vmul.f32 v11, v6;
	[tilespmem:s8+$0x30] =	vst v7  }
0x1cf: {  	v5 =	vmul.f32 v12, v5;
	[tilespmem:s8+$0x40] =	vst v63  }
0x1d0: {  	[tilespmem:s8+$0x50] =	vst v6  }
0x1d1: {  	[tilespmem:s8+$0x60] =	vst v5  }
0x1d2: {  	[spmem:s1] =	stream.indirect.scatter.add.f32 [tilespmem:s28], [sflag:$0x5], $0x80, s18, s26, $0xb8;
	[tilespmem:$0x1DB80] =	vst v63  }
0x1d3: {  	_ =	swait.ge [sflag:s13], $0x2800  }
0x1d4: {  	[sflag:s13] =	ssyncset.done $0x0  }
0x1d5: {  	[sflag:s13] =	ssyncadd.s32 $0xFFFFD800  }
0x1d6: {  	_ =	swait.ge [sflag:s10], $0x2800  }
0x1d7: {  	[sflag:s10] =	ssyncset.done $0x0  }
0x1d8: {  	[sflag:s10] =	ssyncadd.s32 $0xFFFFD800  }
0x1d9: {  	[bflag:$0x0] =	sbarrier.arrive $0xFFFF  }
0x1da: {  	s31 =	rddreg [dreg:$0x17]  }
0x1db: {  	s8 =	simm.s32 @!p1 $0x1FC7;
	s14 =	rddreg [dreg:$0xe];
	s2 =	sshrl.u32 @!p1 s31, $0x3  }
0x1dc: {  	[hbm:s14], [sflag:s8] =	dma.local @!p1 [spmem:s2], $0x2800  }
0x1dd: {  	s2 =	simm.s32 @!p1 $0x7  }
0x1de: {  	_ =	swait.ge @!p1 [sflag:s2], $0x2800  }
0x1df: {  	s8 =	simm.s32 @!p2 $0x1FC7;
	[sflag:s2] =	ssyncset.done @!p1 $0x0  }
0x1e0: {  	s14 =	rddreg [dreg:$0xf];
	[sflag:s2] =	ssyncadd.s32 @!p1 $0xFFFFD800;
	s2 =	sshrl.u32 @!p2 s31, $0x3  }
0x1e1: {  	[hbm:s14], [sflag:s8] =	dma.local @!p2 [spmem:s2], $0x2800  }
0x1e2: {  	s2 =	simm.s32 @!p2 $0x7  }
0x1e3: {  	_ =	swait.ge @!p2 [sflag:s2], $0x2800  }
0x1e4: {  	s16 =	stileid.u32;
	s17 =	rddreg [dreg:$0x4]  }
0x1e5: {  	s8 =	sshll.u32 @!p3 s16, $0x6;
	[sflag:s2] =	ssyncset.done @!p2 $0x0;
	s14 =	rddreg [dreg:$0xc]  }
0x1e6: {  	[sflag:s2] =	ssyncadd.s32 @!p2 $0xFFFFD800;
	s2 =	sor.u32 @!p3 $0x1C07, s8;
	s8 =	sshrl.u32 @!p3 s17, $0x3  }
0x1e7: {  	[hbm:s14], [sflag:s2] =	dma.local @!p3 [spmem:s8], $0x2700  }
0x1e8: {  	s2 =	simm.s32 @!p3 $0x7  }
0x1e9: {  	_ =	swait.ge @!p3 [sflag:s2], $0x2700  }
0x1ea: {  	s8 =	sshll.u32 @!p4 s16, $0x6;
	[sflag:s2] =	ssyncset.done @!p3 $0x0;
	s16 =	rddreg [dreg:$0xd]  }
0x1eb: {  	[sflag:s2] =	ssyncadd.s32 @!p3 $0xFFFFD900;
	s2 =	sor.u32 @!p4 $0x1C07, s8;
	s8 =	sshrl.u32 @!p4 s17, $0x3  }
0x1ec: {  	[hbm:s16], [sflag:s2] =	dma.local @!p4 [spmem:s8], $0x2700  }
0x1ed: {  	s2 =	simm.s32 @!p4 $0x7  }
0x1ee: {  	_ =	swait.ge @!p4 [sflag:s2], $0x2700  }
0x1ef: {  	s8 =	sld [smem:$0x7FD];
	_ =	sdelay $0x2  }
0x1f0: {  	s16 =	sadd.s32 $0x1, s8;
	s8 =	rddreg [dreg:$0x10]  }
0x1f1: {  	p5 =	sne.s32 s16, s8  }
.Ltmp8:
0x1f2: {  	_ = 	snop;
	(pc) =	sbr.rel @p5 .LBB2_1-.Ltmp8, $3  }
0x1f3: {  	_ =	sdelay $0x1  }
0x1f4: {  	[sflag:s2] =	ssyncset.done @!p4 $0x0  }
0x1f5: {  	s14 =	stileid.u32;
	[sflag:s2] =	ssyncadd.s32 @!p4 $0xFFFFD900  }
0x1f6: {  	_ =	sfence.sel $0x180000  }
0x1f7: {  	[bflag:$0x0] =	sbarrier.arrive $0xFFFF  }
0x1f8: {  	_ =	strace $0x9000004A  }
0x1f9: {  	[bflag:$0x2] =	sbarrier.arrive $0xFFFF  }
0x1fa: {  	p0 =	sne.s32 s14, $0x0;
	s0 =	rddreg [dreg:$0x3]  }
0x1fb: {  	s0 =	sadd.s32 @!p0 $0x100000, s0  }
0x1fc: {  	[sflag:s0] =	ssyncadd.tile.s32 @!p0 $0x1;
	_ =	shalt  }
.Lfunc_end2:
_tile_overlayer_lowered:
.L_overlay_start_2:
0x1fd: {  	(tag) =	ssettag $0x2  }
0x1fe: {  	s0 =	rddreg [dreg:$0x0];
	s2 =	stileid.u32  }
0x1ff: {  	s1 =	rddreg [dreg:$0x1];
	p0 =	sne.s32 s2, $0x0  }
0x200: {  	s3 =	rddreg [dreg:$0x2];
	[bflag:$0x3] =	sbarrier.arrive $0xFFFF;
	s2 =	simm.s32 @!p0 $0x1C07  }
0x201: {  	[timem:s3], [sflag:s2] =	dma.local @!p0 [hbm:s0], s1  }
0x202: {  	s0 =	simm.s32 @!p0 $0x7  }
0x203: {  	_ =	swait.ge @!p0 [sflag:s0], s1  }
0x204: {  	s1 =	ssub.s32 @!p0 $0x0, s1;
	[sflag:s0] =	ssyncset.done @!p0 $0x0  }
0x205: {  	[sflag:s0] =	ssyncadd.s32 @!p0 s1  }
0x206: {  	[bflag:$0x3] =	sbarrier.arrive $0xFFFF  }
0x207: {  	_ =	shalt  }

</sc_bundles>
